<compile_context>
chip_gen: v7x
topology: tpu7x:2x2x1
jax: 0.10.2.dev20260603
libtpu: 0.0.44.dev20260713+nightly
codegen_flags: <defaults>
</compile_context>

<pallas_src>
import functools

import jax
import jax.numpy as jnp
from jax import lax
from jax.experimental import pallas as pl
from jax.experimental.pallas import tpu as pltpu
from jax.experimental.pallas import tpu_sc as plsc

_N_VN = 10000
_N_CN = 5000
_E = 30000
_B = 1250
_NUM_ITER = 5

_BP = 1280
_NW = 32
_ROWS_PER_TILE = 960
_EP = _NW * _ROWS_PER_TILE
_VNP = 10240
_GCHUNK = 80
_NGCHUNK = _ROWS_PER_TILE // _GCHUNK

_ABLK = 480
_VBLK = 480


def _make_gather(table_rows):
    del table_rows
    mesh = plsc.VectorSubcoreMesh(core_axis_name="c", subcore_axis_name="s")

    @functools.partial(
        pl.kernel,
        mesh=mesh,
        out_type=jax.ShapeDtypeStruct((_EP, _BP), jnp.float32),
        scratch_types=[
            pltpu.VMEM((_GCHUNK,), jnp.int32),
            pltpu.VMEM((_GCHUNK, _BP), jnp.float32),
            pltpu.SemaphoreType.DMA,
        ],
        compiler_params=pltpu.CompilerParams(
            needs_layout_passes=False, use_tc_tiling_on_sc=True),
    )
    def gather(table, idx, out, idx_v, buf, sem):
        wid = lax.axis_index("s") * 2 + lax.axis_index("c")
        tile_base = wid * _ROWS_PER_TILE

        def chunk_body(ci, carry):
            rbase = tile_base + ci * _GCHUNK
            pltpu.sync_copy(idx.at[pl.ds(rbase, _GCHUNK)], idx_v)
            pltpu.async_copy(table.at[idx_v], buf, sem).wait()
            pltpu.sync_copy(buf, out.at[pl.ds(rbase, _GCHUNK)])
            return carry

        lax.fori_loop(0, _NGCHUNK, chunk_body, 0)

    return gather


def _boxplus_tc_kernel(g_ref, w_ref, o_ref):
    _boxplus_body(g_ref[...], w_ref[...], o_ref)


def _boxplus_sub_tc_kernel(g_ref, p_ref, w_ref, o_ref):
    _boxplus_body(g_ref[...] - p_ref[...], w_ref[...], o_ref)


def _boxplus_body(x, w, o_ref):
    t = jnp.tanh(jnp.clip(x, -20.0, 20.0) * 0.5)
    u = t + jnp.where(t < 0.0, jnp.float32(-1e-12), jnp.float32(1e-12))
    u3 = u.reshape(_ABLK // 6, 6, _BP)
    us = [u3[:, k, :] for k in range(6)]
    pre = [us[0]]
    for k in range(1, 5):
        pre.append(pre[-1] * us[k])
    suf = [None] * 6
    suf[5] = us[5]
    for k in range(4, 0, -1):
        suf[k] = suf[k + 1] * us[k]
    exts = []
    for k in range(6):
        if k == 0:
            exts.append(suf[1])
        elif k == 5:
            exts.append(pre[4])
        else:
            exts.append(pre[k - 1] * suf[k + 1])
    ext = jnp.stack(exts, axis=1).reshape(_ABLK, _BP)
    y = jnp.clip(ext, -1.0 + 1e-7, 1.0 - 1e-7)
    o_ref[...] = w * jnp.log((1.0 + y) / (1.0 - y))


def _boxplus_tc(g, w2d, prev=None):
    blk = pl.BlockSpec((_ABLK, _BP), lambda i: (i, 0))
    wblk = pl.BlockSpec((_ABLK, 1), lambda i: (i, 0))
    if prev is None:
        return pl.pallas_call(
            _boxplus_tc_kernel,
            out_shape=jax.ShapeDtypeStruct((_EP, _BP), jnp.float32),
            grid=(_EP // _ABLK,),
            in_specs=[blk, wblk],
            out_specs=blk,
        )(g, w2d)
    return pl.pallas_call(
        _boxplus_sub_tc_kernel,
        out_shape=jax.ShapeDtypeStruct((_EP, _BP), jnp.float32),
        grid=(_EP // _ABLK,),
        in_specs=[blk, blk, wblk],
        out_specs=blk,
    )(g, prev, w2d)


def _vnupd_tc_kernel(h_ref, l_ref, marg_ref, lp_ref):
    i = pl.program_id(0)
    vrows = _VBLK // 3
    h = h_ref[...]
    l = l_ref[...]
    h3 = h.reshape(vrows, 3, _BP)
    marg = l + jnp.sum(h3, axis=1)
    marg_ref[...] = marg
    rows = lax.broadcasted_iota(jnp.int32, (vrows, _BP), 0) + i * vrows
    cols = lax.broadcasted_iota(jnp.int32, (vrows, _BP), 1)
    mask = (rows < _N_VN) & (cols < _B)
    sp = jnp.where(mask, jax.nn.softplus(marg), 0.0)

    @pl.when(i == 0)
    def _():
        lp_ref[...] = jnp.zeros_like(lp_ref)

    lp_ref[...] += jnp.sum(sp, axis=0, keepdims=True)


def _vnupd_tc(h, llr_t):
    vrows = _VBLK // 3
    return pl.pallas_call(
        _vnupd_tc_kernel,
        out_shape=(
            jax.ShapeDtypeStruct((_VNP, _BP), jnp.float32),
            jax.ShapeDtypeStruct((1, _BP), jnp.float32),
        ),
        grid=(_EP // _VBLK,),
        in_specs=[
            pl.BlockSpec((_VBLK, _BP), lambda i: (i, 0)),
            pl.BlockSpec((vrows, _BP), lambda i: (i, 0)),
        ],
        out_specs=(
            pl.BlockSpec((vrows, _BP), lambda i: (i, 0)),
            pl.BlockSpec((1, _BP), lambda i: (0, 0)),
        ),
    )(h, llr_t)


def kernel(llr, weights, vn_idx, cn_idx):
    llr = llr.astype(jnp.float32)
    b = llr.shape[0]

    perm = jnp.argsort(cn_idx).astype(jnp.int32)
    inv = jnp.zeros((_E,), jnp.int32).at[perm].set(jnp.arange(_E, dtype=jnp.int32))
    zpad = jnp.zeros((_EP - _E,), jnp.int32)
    perm3_pad = jnp.concatenate([vn_idx[perm].astype(jnp.int32), zpad])
    inv_pad = jnp.concatenate([inv, zpad])
    w2d = jnp.concatenate([weights[perm].astype(jnp.float32),
                           jnp.ones((_EP - _E,), jnp.float32)])[:, None]

    llr_t = jnp.pad(llr.T, ((0, _VNP - _N_VN), (0, _BP - b)))

    gather_marg = _make_gather(_VNP)
    gather_back = _make_gather(_EP)

    loss_parts = []
    marg = None
    msg_cn = None
    for it in range(_NUM_ITER):
        if it == 0:
            g = gather_marg(llr_t, perm3_pad)
            msg_cn = _boxplus_tc(g, w2d)
        else:
            g = gather_marg(marg, perm3_pad)
            msg_cn = _boxplus_tc(g, w2d, prev=msg_cn)
        h = gather_back(msg_cn, inv_pad)
        marg, lp = _vnupd_tc(h, llr_t)
        loss_parts.append(lp)

    loss = jnp.sum(jnp.stack(loss_parts)) / jnp.float32(_NUM_ITER * b * _N_VN)
    c_hat = marg[:_N_VN, :b].T
    c = jnp.zeros((b, _N_VN), dtype=jnp.float32)
    return (c, c_hat, llr, loss)

# --- scband reference (transcript-rebuilt; emitter-appended) ---
"""Pipeline reference for scband-weighted-bp-53704271069588 (READ-ONLY COPY).

The authoritative reference and input builder live on the scoring server;
editing this copy changes nothing except your own understanding.
"""

import jax, jax.numpy as jnp
import numpy as np

N_VN = 10000      # codeword length n (variable nodes)
N_CN = 5000       # parity checks m (check nodes)
VN_DEG = 3
CN_DEG = 6
N_EDGES = N_VN * VN_DEG  # 30000 edges in Tanner graph
BATCH = 1250
NUM_ITER = 5
CODERATE = 0.5
EBNO_DB = 4.0


def _build_tanner_graph():
    # deterministic (3,6)-regular LDPC parity-check matrix in edge-list (COO) form
    rng = np.random.default_rng(0)
    vn_idx = np.repeat(np.arange(N_VN), VN_DEG)
    cn_idx = rng.permutation(np.repeat(np.arange(N_CN), CN_DEG))
    return jnp.asarray(vn_idx, jnp.int32), jnp.asarray(cn_idx, jnp.int32)


def setup_inputs(seed: int = 0) -> dict:
    key = jax.random.key(seed)
    vn_idx, cn_idx = _build_tanner_graph()
    # ebnodb2no with num_bits_per_symbol=1
    ebno_lin = 10.0 ** (EBNO_DB / 10.0)
    no = 1.0 / (ebno_lin * CODERATE)
    # GaussianPriorSource: fake LLRs as if all-zero codeword sent over bi-AWGN
    sigma_llr = float(np.sqrt(4.0 / no))
    mu_llr = sigma_llr ** 2 / 2.0
    llr = mu_llr + sigma_llr * jax.random.normal(key, (BATCH, N_VN), dtype=jnp.float32)
    llr = -1.0 * llr  # logit convention llr = log(p(b=1)/p(b=0))
    # trainable weighted-BP edge weights (one per Tanner-graph edge), init to 1
    weights = jnp.ones((N_EDGES,), dtype=jnp.float32)
    return {"llr": llr, "weights": weights, "vn_idx": vn_idx, "cn_idx": cn_idx}


def _bp_iteration(llr_T, msg_vn, weights, vn_idx, cn_idx):
    # --- check-node update: boxplus via tanh-product, messages are [E, B] ---
    t = jnp.tanh(jnp.clip(msg_vn, -20.0, 20.0) / 2.0)
    sgn = jnp.where(t < 0, -1.0, 1.0)
    logmag = jnp.log(jnp.abs(t) + 1e-12)
    neg = (t < 0).astype(jnp.int32)
    cn_logsum = jax.ops.segment_sum(logmag, cn_idx, num_segments=N_CN)
    cn_negcnt = jax.ops.segment_sum(neg, cn_idx, num_segments=N_CN)
    cn_sign = 1.0 - 2.0 * jnp.asarray(cn_negcnt % 2, jnp.float32)
    ext_logmag = cn_logsum[cn_idx] - logmag   # exclude self (extrinsic)
    ext_sign = cn_sign[cn_idx] * sgn
    t_ext = jnp.clip(ext_sign * jnp.exp(ext_logmag), -1.0 + 1e-7, 1.0 - 1e-7)
    msg_cn = 2.0 * jnp.arctanh(t_ext)
    msg_cn = weights[:, None] * msg_cn        # trainable weighted BP (Nachmani et al.)
    # --- variable-node update ---
    marg = llr_T + jax.ops.segment_sum(msg_cn, vn_idx, num_segments=N_VN)  # [N_VN, B]
    msg_vn_new = marg[vn_idx] - msg_cn        # extrinsic VN->CN messages
    return marg, msg_vn_new


def reference(llr, weights, vn_idx, cn_idx):
    llr_T = llr.T                              # [N_VN, B]
    c = jnp.zeros((BATCH, N_VN), dtype=jnp.float32)  # all-zero codeword
    msg_vn = llr_T[vn_idx]                     # stateful decoder: msg_vn=None -> init from channel LLRs
    loss = jnp.float32(0.0)
    c_hat = None
    for _ in range(NUM_ITER):
        marg, msg_vn = _bp_iteration(llr_T, msg_vn, weights, vn_idx, cn_idx)
        c_hat = marg.T                         # soft output (hard_out=False)
        # BinaryCrossentropy(from_logits=True) vs all-zero target: softplus(logits)
        loss = loss + jnp.mean(jax.nn.softplus(c_hat))
    loss = loss / NUM_ITER
    return (c, c_hat, llr, loss)

if __name__ == "__main__":
    import jax
    _d = setup_inputs()
    print(jax.jit(kernel)(*tuple(_d.values())))

</pallas_src>

<mosaic_0001>
#map = affine_map<(d0, d1) -> (0, 0)>
#map1 = affine_map<(d0, d1) -> (0)>
module attributes {stable_mosaic.version = 14 : i64} {
  func.func @gather(%arg0: i32, %arg1: i32, %arg2: memref<30720x1280xf32, #tpu.memory_space<hbm>>, %arg3: memref<30720xi32, #tpu.memory_space<hbm>>, %arg4: memref<30720x1280xf32, #tpu.memory_space<hbm>>, %arg5: memref<80xi32, #tpu.memory_space<vmem>>, %arg6: memref<80x1280xf32, #tpu.memory_space<vmem>>, %arg7: memref<!tpu.dma_semaphore, #tpu.memory_space<semaphore_mem>>) attributes {dimension_semantics = [#tpu.dimension_semantics<core_parallel>, #tpu.dimension_semantics<subcore_parallel>], iteration_bounds = array<i64: 2, 16>, scalar_prefetch = 0 : i64, scratch_operands = 3 : i64, tpu.core_type = #tpu.core_type<sc_vector_subcore>, window_params = [{transform_indices = #map}, {transform_indices = #map1}, {transform_indices = #map}]} {
    %mul3A = arith.constant 2 : i32
    %mul3A_0 = arith.muli %arg1, %mul3A : i32
    %add3A = arith.addi %mul3A_0, %arg0 : i32
    %mul3A_1 = arith.constant 960 : i32
    %mul3A_2 = arith.muli %add3A, %mul3A_1 : i32
    %scan3A = arith.constant 0 : i32
    %scan3A_3 = arith.constant 0 : i32
    %scan3A_4 = arith.constant 12 : i32
    %scan3A_5 = arith.addi %scan3A_3, %scan3A_4 : i32
    %scan3A_6 = arith.constant 1 : i32
    scf.for %scan3A_8 = %scan3A_3 to %scan3A_5 step %scan3A_6  : i32 {
      %mul3A_9 = arith.constant 80 : i32
      %mul3A_10 = arith.muli %scan3A_8, %mul3A_9 : i32
      %add3A_11 = arith.addi %mul3A_2, %mul3A_10 : i32
      "tpu.region"() ({
        %run_scoped3A = tpu.sem_alloc : memref<!tpu.dma_semaphore, #tpu.memory_space<semaphore_mem>>
        %dma_start3A_16 = tpu.memref_slice %arg3[%add3A_11] : memref<30720xi32, #tpu.memory_space<hbm>> -> memref<80xi32, #tpu.memory_space<hbm>>
        %dma_start3A_17 = tpu.memref_slice %arg3[%add3A_11] : memref<30720xi32, #tpu.memory_space<hbm>> -> memref<80xi32, #tpu.memory_space<hbm>>
        tpu.enqueue_dma source(%dma_start3A_17 : memref<80xi32, #tpu.memory_space<hbm>>) target(%arg5 : memref<80xi32, #tpu.memory_space<vmem>>) target_semaphore(%run_scoped3A : memref<!tpu.dma_semaphore, #tpu.memory_space<semaphore_mem>>)
        %dma_wait3A_18 = tpu.memref_slice %arg3[%add3A_11] : memref<30720xi32, #tpu.memory_space<hbm>> -> memref<80xi32, #tpu.memory_space<hbm>>
        %dma_wait3A_19 = tpu.memref_slice %arg3[%add3A_11] : memref<30720xi32, #tpu.memory_space<hbm>> -> memref<80xi32, #tpu.memory_space<hbm>>
        tpu.wait_dma2 semaphore(%run_scoped3A : memref<!tpu.dma_semaphore, #tpu.memory_space<semaphore_mem>>) src(%dma_wait3A_19 : memref<80xi32, #tpu.memory_space<hbm>>) dst(%arg5 : memref<80xi32, #tpu.memory_space<vmem>>)
        tpu.yield
      }) : () -> ()
      %dma_start3A = arith.constant 0 : i32
      %dma_start3A_12 = arith.constant 0 : i32
      %dma_start3A_13 = tpu.memref_slice %arg2[%dma_start3A, %dma_start3A_12] : memref<30720x1280xf32, #tpu.memory_space<hbm>> -> memref<30720x1280xf32, #tpu.memory_space<hbm>>
      tpu.enqueue_indirect_dma source(%dma_start3A_13 : memref<30720x1280xf32, #tpu.memory_space<hbm>>) target(%arg6 : memref<80x1280xf32, #tpu.memory_space<vmem>>) offsets(%arg5 : memref<80xi32, #tpu.memory_space<vmem>>) semaphore(%arg7 : memref<!tpu.dma_semaphore, #tpu.memory_space<semaphore_mem>>)
      %dma_wait3A = arith.constant 0 : i32
      %dma_wait3A_14 = arith.constant 0 : i32
      %dma_wait3A_15 = tpu.memref_slice %arg2[%dma_wait3A, %dma_wait3A_14] : memref<30720x1280xf32, #tpu.memory_space<hbm>> -> memref<30720x1280xf32, #tpu.memory_space<hbm>>
      tpu.wait_indirect_dma semaphore(%arg7 : memref<!tpu.dma_semaphore, #tpu.memory_space<semaphore_mem>>) src(%dma_wait3A_15 : memref<30720x1280xf32, #tpu.memory_space<hbm>>) dst(%arg6 : memref<80x1280xf32, #tpu.memory_space<vmem>>)
      "tpu.region"() ({
        %run_scoped3A = tpu.sem_alloc : memref<!tpu.dma_semaphore, #tpu.memory_space<semaphore_mem>>
        %dma_start3A_16 = arith.constant 0 : i32
        %dma_start3A_17 = tpu.memref_slice %arg4[%add3A_11, %dma_start3A_16] : memref<30720x1280xf32, #tpu.memory_space<hbm>> -> memref<80x1280xf32, #tpu.memory_space<hbm>>
        %dma_start3A_18 = arith.constant 0 : i32
        %dma_start3A_19 = tpu.memref_slice %arg4[%add3A_11, %dma_start3A_18] : memref<30720x1280xf32, #tpu.memory_space<hbm>> -> memref<80x1280xf32, #tpu.memory_space<hbm>>
        tpu.enqueue_dma source(%arg6 : memref<80x1280xf32, #tpu.memory_space<vmem>>) target(%dma_start3A_19 : memref<80x1280xf32, #tpu.memory_space<hbm>>) target_semaphore(%run_scoped3A : memref<!tpu.dma_semaphore, #tpu.memory_space<semaphore_mem>>)
        %dma_wait3A_20 = arith.constant 0 : i32
        %dma_wait3A_21 = tpu.memref_slice %arg4[%add3A_11, %dma_wait3A_20] : memref<30720x1280xf32, #tpu.memory_space<hbm>> -> memref<80x1280xf32, #tpu.memory_space<hbm>>
        %dma_wait3A_22 = arith.constant 0 : i32
        %dma_wait3A_23 = tpu.memref_slice %arg4[%add3A_11, %dma_wait3A_22] : memref<30720x1280xf32, #tpu.memory_space<hbm>> -> memref<80x1280xf32, #tpu.memory_space<hbm>>
        tpu.wait_dma2 semaphore(%run_scoped3A : memref<!tpu.dma_semaphore, #tpu.memory_space<semaphore_mem>>) src(%arg6 : memref<80x1280xf32, #tpu.memory_space<vmem>>) dst(%dma_wait3A_23 : memref<80x1280xf32, #tpu.memory_space<hbm>>)
        tpu.yield
      }) : () -> ()
    }
    %scan3A_7 = arith.constant 12 : i32
    return
  }
}

#map = affine_map<(d0, d1) -> (0, 0)>
#map1 = affine_map<(d0, d1) -> (0)>
module attributes {stable_mosaic.version = 14 : i64} {
  func.func @gather(%arg0: i32, %arg1: i32, %arg2: memref<10240x1280xf32, #tpu.memory_space<hbm>>, %arg3: memref<30720xi32, #tpu.memory_space<hbm>>, %arg4: memref<30720x1280xf32, #tpu.memory_space<hbm>>, %arg5: memref<80xi32, #tpu.memory_space<vmem>>, %arg6: memref<80x1280xf32, #tpu.memory_space<vmem>>, %arg7: memref<!tpu.dma_semaphore, #tpu.memory_space<semaphore_mem>>) attributes {dimension_semantics = [#tpu.dimension_semantics<core_parallel>, #tpu.dimension_semantics<subcore_parallel>], iteration_bounds = array<i64: 2, 16>, scalar_prefetch = 0 : i64, scratch_operands = 3 : i64, tpu.core_type = #tpu.core_type<sc_vector_subcore>, window_params = [{transform_indices = #map}, {transform_indices = #map1}, {transform_indices = #map}]} {
    %mul3A = arith.constant 2 : i32
    %mul3A_0 = arith.muli %arg1, %mul3A : i32
    %add3A = arith.addi %mul3A_0, %arg0 : i32
    %mul3A_1 = arith.constant 960 : i32
    %mul3A_2 = arith.muli %add3A, %mul3A_1 : i32
    %scan3A = arith.constant 0 : i32
    %scan3A_3 = arith.constant 0 : i32
    %scan3A_4 = arith.constant 12 : i32
    %scan3A_5 = arith.addi %scan3A_3, %scan3A_4 : i32
    %scan3A_6 = arith.constant 1 : i32
    scf.for %scan3A_8 = %scan3A_3 to %scan3A_5 step %scan3A_6  : i32 {
      %mul3A_9 = arith.constant 80 : i32
      %mul3A_10 = arith.muli %scan3A_8, %mul3A_9 : i32
      %add3A_11 = arith.addi %mul3A_2, %mul3A_10 : i32
      "tpu.region"() ({
        %run_scoped3A = tpu.sem_alloc : memref<!tpu.dma_semaphore, #tpu.memory_space<semaphore_mem>>
        %dma_start3A_16 = tpu.memref_slice %arg3[%add3A_11] : memref<30720xi32, #tpu.memory_space<hbm>> -> memref<80xi32, #tpu.memory_space<hbm>>
        %dma_start3A_17 = tpu.memref_slice %arg3[%add3A_11] : memref<30720xi32, #tpu.memory_space<hbm>> -> memref<80xi32, #tpu.memory_space<hbm>>
        tpu.enqueue_dma source(%dma_start3A_17 : memref<80xi32, #tpu.memory_space<hbm>>) target(%arg5 : memref<80xi32, #tpu.memory_space<vmem>>) target_semaphore(%run_scoped3A : memref<!tpu.dma_semaphore, #tpu.memory_space<semaphore_mem>>)
        %dma_wait3A_18 = tpu.memref_slice %arg3[%add3A_11] : memref<30720xi32, #tpu.memory_space<hbm>> -> memref<80xi32, #tpu.memory_space<hbm>>
        %dma_wait3A_19 = tpu.memref_slice %arg3[%add3A_11] : memref<30720xi32, #tpu.memory_space<hbm>> -> memref<80xi32, #tpu.memory_space<hbm>>
        tpu.wait_dma2 semaphore(%run_scoped3A : memref<!tpu.dma_semaphore, #tpu.memory_space<semaphore_mem>>) src(%dma_wait3A_19 : memref<80xi32, #tpu.memory_space<hbm>>) dst(%arg5 : memref<80xi32, #tpu.memory_space<vmem>>)
        tpu.yield
      }) : () -> ()
      %dma_start3A = arith.constant 0 : i32
      %dma_start3A_12 = arith.constant 0 : i32
      %dma_start3A_13 = tpu.memref_slice %arg2[%dma_start3A, %dma_start3A_12] : memref<10240x1280xf32, #tpu.memory_space<hbm>> -> memref<10240x1280xf32, #tpu.memory_space<hbm>>
      tpu.enqueue_indirect_dma source(%dma_start3A_13 : memref<10240x1280xf32, #tpu.memory_space<hbm>>) target(%arg6 : memref<80x1280xf32, #tpu.memory_space<vmem>>) offsets(%arg5 : memref<80xi32, #tpu.memory_space<vmem>>) semaphore(%arg7 : memref<!tpu.dma_semaphore, #tpu.memory_space<semaphore_mem>>)
      %dma_wait3A = arith.constant 0 : i32
      %dma_wait3A_14 = arith.constant 0 : i32
      %dma_wait3A_15 = tpu.memref_slice %arg2[%dma_wait3A, %dma_wait3A_14] : memref<10240x1280xf32, #tpu.memory_space<hbm>> -> memref<10240x1280xf32, #tpu.memory_space<hbm>>
      tpu.wait_indirect_dma semaphore(%arg7 : memref<!tpu.dma_semaphore, #tpu.memory_space<semaphore_mem>>) src(%dma_wait3A_15 : memref<10240x1280xf32, #tpu.memory_space<hbm>>) dst(%arg6 : memref<80x1280xf32, #tpu.memory_space<vmem>>)
      "tpu.region"() ({
        %run_scoped3A = tpu.sem_alloc : memref<!tpu.dma_semaphore, #tpu.memory_space<semaphore_mem>>
        %dma_start3A_16 = arith.constant 0 : i32
        %dma_start3A_17 = tpu.memref_slice %arg4[%add3A_11, %dma_start3A_16] : memref<30720x1280xf32, #tpu.memory_space<hbm>> -> memref<80x1280xf32, #tpu.memory_space<hbm>>
        %dma_start3A_18 = arith.constant 0 : i32
        %dma_start3A_19 = tpu.memref_slice %arg4[%add3A_11, %dma_start3A_18] : memref<30720x1280xf32, #tpu.memory_space<hbm>> -> memref<80x1280xf32, #tpu.memory_space<hbm>>
        tpu.enqueue_dma source(%arg6 : memref<80x1280xf32, #tpu.memory_space<vmem>>) target(%dma_start3A_19 : memref<80x1280xf32, #tpu.memory_space<hbm>>) target_semaphore(%run_scoped3A : memref<!tpu.dma_semaphore, #tpu.memory_space<semaphore_mem>>)
        %dma_wait3A_20 = arith.constant 0 : i32
        %dma_wait3A_21 = tpu.memref_slice %arg4[%add3A_11, %dma_wait3A_20] : memref<30720x1280xf32, #tpu.memory_space<hbm>> -> memref<80x1280xf32, #tpu.memory_space<hbm>>
        %dma_wait3A_22 = arith.constant 0 : i32
        %dma_wait3A_23 = tpu.memref_slice %arg4[%add3A_11, %dma_wait3A_22] : memref<30720x1280xf32, #tpu.memory_space<hbm>> -> memref<80x1280xf32, #tpu.memory_space<hbm>>
        tpu.wait_dma2 semaphore(%run_scoped3A : memref<!tpu.dma_semaphore, #tpu.memory_space<semaphore_mem>>) src(%arg6 : memref<80x1280xf32, #tpu.memory_space<vmem>>) dst(%dma_wait3A_23 : memref<80x1280xf32, #tpu.memory_space<hbm>>)
        tpu.yield
      }) : () -> ()
    }
    %scan3A_7 = arith.constant 12 : i32
    return
  }
}

#map = affine_map<(d0, d1) -> (0, 0)>
#map1 = affine_map<(d0, d1) -> (0)>
module attributes {stable_mosaic.version = 14 : i64} {
  func.func @gather(%arg0: i32, %arg1: i32, %arg2: memref<30720x1280xf32, #tpu.memory_space<hbm>>, %arg3: memref<30720xi32, #tpu.memory_space<hbm>>, %arg4: memref<30720x1280xf32, #tpu.memory_space<hbm>>, %arg5: memref<80xi32, #tpu.memory_space<vmem>>, %arg6: memref<80x1280xf32, #tpu.memory_space<vmem>>, %arg7: memref<!tpu.dma_semaphore, #tpu.memory_space<semaphore_mem>>) attributes {dimension_semantics = [#tpu.dimension_semantics<core_parallel>, #tpu.dimension_semantics<subcore_parallel>], iteration_bounds = array<i64: 2, 16>, scalar_prefetch = 0 : i64, scratch_operands = 3 : i64, tpu.core_type = #tpu.core_type<sc_vector_subcore>, window_params = [{transform_indices = #map}, {transform_indices = #map1}, {transform_indices = #map}]} {
    %mul3A = arith.constant 2 : i32
    %mul3A_0 = arith.muli %arg1, %mul3A : i32
    %add3A = arith.addi %mul3A_0, %arg0 : i32
    %mul3A_1 = arith.constant 960 : i32
    %mul3A_2 = arith.muli %add3A, %mul3A_1 : i32
    %scan3A = arith.constant 0 : i32
    %scan3A_3 = arith.constant 0 : i32
    %scan3A_4 = arith.constant 12 : i32
    %scan3A_5 = arith.addi %scan3A_3, %scan3A_4 : i32
    %scan3A_6 = arith.constant 1 : i32
    scf.for %scan3A_8 = %scan3A_3 to %scan3A_5 step %scan3A_6  : i32 {
      %mul3A_9 = arith.constant 80 : i32
      %mul3A_10 = arith.muli %scan3A_8, %mul3A_9 : i32
      %add3A_11 = arith.addi %mul3A_2, %mul3A_10 : i32
      "tpu.region"() ({
        %run_scoped3A = tpu.sem_alloc : memref<!tpu.dma_semaphore, #tpu.memory_space<semaphore_mem>>
        %dma_start3A_16 = tpu.memref_slice %arg3[%add3A_11] : memref<30720xi32, #tpu.memory_space<hbm>> -> memref<80xi32, #tpu.memory_space<hbm>>
        %dma_start3A_17 = tpu.memref_slice %arg3[%add3A_11] : memref<30720xi32, #tpu.memory_space<hbm>> -> memref<80xi32, #tpu.memory_space<hbm>>
        tpu.enqueue_dma source(%dma_start3A_17 : memref<80xi32, #tpu.memory_space<hbm>>) target(%arg5 : memref<80xi32, #tpu.memory_space<vmem>>) target_semaphore(%run_scoped3A : memref<!tpu.dma_semaphore, #tpu.memory_space<semaphore_mem>>)
        %dma_wait3A_18 = tpu.memref_slice %arg3[%add3A_11] : memref<30720xi32, #tpu.memory_space<hbm>> -> memref<80xi32, #tpu.memory_space<hbm>>
        %dma_wait3A_19 = tpu.memref_slice %arg3[%add3A_11] : memref<30720xi32, #tpu.memory_space<hbm>> -> memref<80xi32, #tpu.memory_space<hbm>>
        tpu.wait_dma2 semaphore(%run_scoped3A : memref<!tpu.dma_semaphore, #tpu.memory_space<semaphore_mem>>) src(%dma_wait3A_19 : memref<80xi32, #tpu.memory_space<hbm>>) dst(%arg5 : memref<80xi32, #tpu.memory_space<vmem>>)
        tpu.yield
      }) : () -> ()
      %dma_start3A = arith.constant 0 : i32
      %dma_start3A_12 = arith.constant 0 : i32
      %dma_start3A_13 = tpu.memref_slice %arg2[%dma_start3A, %dma_start3A_12] : memref<30720x1280xf32, #tpu.memory_space<hbm>> -> memref<30720x1280xf32, #tpu.memory_space<hbm>>
      tpu.enqueue_indirect_dma source(%dma_start3A_13 : memref<30720x1280xf32, #tpu.memory_space<hbm>>) target(%arg6 : memref<80x1280xf32, #tpu.memory_space<vmem>>) offsets(%arg5 : memref<80xi32, #tpu.memory_space<vmem>>) semaphore(%arg7 : memref<!tpu.dma_semaphore, #tpu.memory_space<semaphore_mem>>)
      %dma_wait3A = arith.constant 0 : i32
      %dma_wait3A_14 = arith.constant 0 : i32
      %dma_wait3A_15 = tpu.memref_slice %arg2[%dma_wait3A, %dma_wait3A_14] : memref<30720x1280xf32, #tpu.memory_space<hbm>> -> memref<30720x1280xf32, #tpu.memory_space<hbm>>
      tpu.wait_indirect_dma semaphore(%arg7 : memref<!tpu.dma_semaphore, #tpu.memory_space<semaphore_mem>>) src(%dma_wait3A_15 : memref<30720x1280xf32, #tpu.memory_space<hbm>>) dst(%arg6 : memref<80x1280xf32, #tpu.memory_space<vmem>>)
      "tpu.region"() ({
        %run_scoped3A = tpu.sem_alloc : memref<!tpu.dma_semaphore, #tpu.memory_space<semaphore_mem>>
        %dma_start3A_16 = arith.constant 0 : i32
        %dma_start3A_17 = tpu.memref_slice %arg4[%add3A_11, %dma_start3A_16] : memref<30720x1280xf32, #tpu.memory_space<hbm>> -> memref<80x1280xf32, #tpu.memory_space<hbm>>
        %dma_start3A_18 = arith.constant 0 : i32
        %dma_start3A_19 = tpu.memref_slice %arg4[%add3A_11, %dma_start3A_18] : memref<30720x1280xf32, #tpu.memory_space<hbm>> -> memref<80x1280xf32, #tpu.memory_space<hbm>>
        tpu.enqueue_dma source(%arg6 : memref<80x1280xf32, #tpu.memory_space<vmem>>) target(%dma_start3A_19 : memref<80x1280xf32, #tpu.memory_space<hbm>>) target_semaphore(%run_scoped3A : memref<!tpu.dma_semaphore, #tpu.memory_space<semaphore_mem>>)
        %dma_wait3A_20 = arith.constant 0 : i32
        %dma_wait3A_21 = tpu.memref_slice %arg4[%add3A_11, %dma_wait3A_20] : memref<30720x1280xf32, #tpu.memory_space<hbm>> -> memref<80x1280xf32, #tpu.memory_space<hbm>>
        %dma_wait3A_22 = arith.constant 0 : i32
        %dma_wait3A_23 = tpu.memref_slice %arg4[%add3A_11, %dma_wait3A_22] : memref<30720x1280xf32, #tpu.memory_space<hbm>> -> memref<80x1280xf32, #tpu.memory_space<hbm>>
        tpu.wait_dma2 semaphore(%run_scoped3A : memref<!tpu.dma_semaphore, #tpu.memory_space<semaphore_mem>>) src(%arg6 : memref<80x1280xf32, #tpu.memory_space<vmem>>) dst(%dma_wait3A_23 : memref<80x1280xf32, #tpu.memory_space<hbm>>)
        tpu.yield
      }) : () -> ()
    }
    %scan3A_7 = arith.constant 12 : i32
    return
  }
}

#map = affine_map<(d0, d1) -> (0, 0)>
#map1 = affine_map<(d0, d1) -> (0)>
module attributes {stable_mosaic.version = 14 : i64} {
  func.func @gather(%arg0: i32, %arg1: i32, %arg2: memref<10240x1280xf32, #tpu.memory_space<hbm>>, %arg3: memref<30720xi32, #tpu.memory_space<hbm>>, %arg4: memref<30720x1280xf32, #tpu.memory_space<hbm>>, %arg5: memref<80xi32, #tpu.memory_space<vmem>>, %arg6: memref<80x1280xf32, #tpu.memory_space<vmem>>, %arg7: memref<!tpu.dma_semaphore, #tpu.memory_space<semaphore_mem>>) attributes {dimension_semantics = [#tpu.dimension_semantics<core_parallel>, #tpu.dimension_semantics<subcore_parallel>], iteration_bounds = array<i64: 2, 16>, scalar_prefetch = 0 : i64, scratch_operands = 3 : i64, tpu.core_type = #tpu.core_type<sc_vector_subcore>, window_params = [{transform_indices = #map}, {transform_indices = #map1}, {transform_indices = #map}]} {
    %mul3A = arith.constant 2 : i32
    %mul3A_0 = arith.muli %arg1, %mul3A : i32
    %add3A = arith.addi %mul3A_0, %arg0 : i32
    %mul3A_1 = arith.constant 960 : i32
    %mul3A_2 = arith.muli %add3A, %mul3A_1 : i32
    %scan3A = arith.constant 0 : i32
    %scan3A_3 = arith.constant 0 : i32
    %scan3A_4 = arith.constant 12 : i32
    %scan3A_5 = arith.addi %scan3A_3, %scan3A_4 : i32
    %scan3A_6 = arith.constant 1 : i32
    scf.for %scan3A_8 = %scan3A_3 to %scan3A_5 step %scan3A_6  : i32 {
      %mul3A_9 = arith.constant 80 : i32
      %mul3A_10 = arith.muli %scan3A_8, %mul3A_9 : i32
      %add3A_11 = arith.addi %mul3A_2, %mul3A_10 : i32
      "tpu.region"() ({
        %run_scoped3A = tpu.sem_alloc : memref<!tpu.dma_semaphore, #tpu.memory_space<semaphore_mem>>
        %dma_start3A_16 = tpu.memref_slice %arg3[%add3A_11] : memref<30720xi32, #tpu.memory_space<hbm>> -> memref<80xi32, #tpu.memory_space<hbm>>
        %dma_start3A_17 = tpu.memref_slice %arg3[%add3A_11] : memref<30720xi32, #tpu.memory_space<hbm>> -> memref<80xi32, #tpu.memory_space<hbm>>
        tpu.enqueue_dma source(%dma_start3A_17 : memref<80xi32, #tpu.memory_space<hbm>>) target(%arg5 : memref<80xi32, #tpu.memory_space<vmem>>) target_semaphore(%run_scoped3A : memref<!tpu.dma_semaphore, #tpu.memory_space<semaphore_mem>>)
        %dma_wait3A_18 = tpu.memref_slice %arg3[%add3A_11] : memref<30720xi32, #tpu.memory_space<hbm>> -> memref<80xi32, #tpu.memory_space<hbm>>
        %dma_wait3A_19 = tpu.memref_slice %arg3[%add3A_11] : memref<30720xi32, #tpu.memory_space<hbm>> -> memref<80xi32, #tpu.memory_space<hbm>>
        tpu.wait_dma2 semaphore(%run_scoped3A : memref<!tpu.dma_semaphore, #tpu.memory_space<semaphore_mem>>) src(%dma_wait3A_19 : memref<80xi32, #tpu.memory_space<hbm>>) dst(%arg5 : memref<80xi32, #tpu.memory_space<vmem>>)
        tpu.yield
      }) : () -> ()
      %dma_start3A = arith.constant 0 : i32
      %dma_start3A_12 = arith.constant 0 : i32
      %dma_start3A_13 = tpu.memref_slice %arg2[%dma_start3A, %dma_start3A_12] : memref<10240x1280xf32, #tpu.memory_space<hbm>> -> memref<10240x1280xf32, #tpu.memory_space<hbm>>
      tpu.enqueue_indirect_dma source(%dma_start3A_13 : memref<10240x1280xf32, #tpu.memory_space<hbm>>) target(%arg6 : memref<80x1280xf32, #tpu.memory_space<vmem>>) offsets(%arg5 : memref<80xi32, #tpu.memory_space<vmem>>) semaphore(%arg7 : memref<!tpu.dma_semaphore, #tpu.memory_space<semaphore_mem>>)
      %dma_wait3A = arith.constant 0 : i32
      %dma_wait3A_14 = arith.constant 0 : i32
      %dma_wait3A_15 = tpu.memref_slice %arg2[%dma_wait3A, %dma_wait3A_14] : memref<10240x1280xf32, #tpu.memory_space<hbm>> -> memref<10240x1280xf32, #tpu.memory_space<hbm>>
      tpu.wait_indirect_dma semaphore(%arg7 : memref<!tpu.dma_semaphore, #tpu.memory_space<semaphore_mem>>) src(%dma_wait3A_15 : memref<10240x1280xf32, #tpu.memory_space<hbm>>) dst(%arg6 : memref<80x1280xf32, #tpu.memory_space<vmem>>)
      "tpu.region"() ({
        %run_scoped3A = tpu.sem_alloc : memref<!tpu.dma_semaphore, #tpu.memory_space<semaphore_mem>>
        %dma_start3A_16 = arith.constant 0 : i32
        %dma_start3A_17 = tpu.memref_slice %arg4[%add3A_11, %dma_start3A_16] : memref<30720x1280xf32, #tpu.memory_space<hbm>> -> memref<80x1280xf32, #tpu.memory_space<hbm>>
        %dma_start3A_18 = arith.constant 0 : i32
        %dma_start3A_19 = tpu.memref_slice %arg4[%add3A_11, %dma_start3A_18] : memref<30720x1280xf32, #tpu.memory_space<hbm>> -> memref<80x1280xf32, #tpu.memory_space<hbm>>
        tpu.enqueue_dma source(%arg6 : memref<80x1280xf32, #tpu.memory_space<vmem>>) target(%dma_start3A_19 : memref<80x1280xf32, #tpu.memory_space<hbm>>) target_semaphore(%run_scoped3A : memref<!tpu.dma_semaphore, #tpu.memory_space<semaphore_mem>>)
        %dma_wait3A_20 = arith.constant 0 : i32
        %dma_wait3A_21 = tpu.memref_slice %arg4[%add3A_11, %dma_wait3A_20] : memref<30720x1280xf32, #tpu.memory_space<hbm>> -> memref<80x1280xf32, #tpu.memory_space<hbm>>
        %dma_wait3A_22 = arith.constant 0 : i32
        %dma_wait3A_23 = tpu.memref_slice %arg4[%add3A_11, %dma_wait3A_22] : memref<30720x1280xf32, #tpu.memory_space<hbm>> -> memref<80x1280xf32, #tpu.memory_space<hbm>>
        tpu.wait_dma2 semaphore(%run_scoped3A : memref<!tpu.dma_semaphore, #tpu.memory_space<semaphore_mem>>) src(%arg6 : memref<80x1280xf32, #tpu.memory_space<vmem>>) dst(%dma_wait3A_23 : memref<80x1280xf32, #tpu.memory_space<hbm>>)
        tpu.yield
      }) : () -> ()
    }
    %scan3A_7 = arith.constant 12 : i32
    return
  }
}

#map = affine_map<(d0, d1) -> (0, 0)>
#map1 = affine_map<(d0, d1) -> (0)>
module attributes {stable_mosaic.version = 14 : i64} {
  func.func @gather(%arg0: i32, %arg1: i32, %arg2: memref<10240x1280xf32, #tpu.memory_space<hbm>>, %arg3: memref<30720xi32, #tpu.memory_space<hbm>>, %arg4: memref<30720x1280xf32, #tpu.memory_space<hbm>>, %arg5: memref<80xi32, #tpu.memory_space<vmem>>, %arg6: memref<80x1280xf32, #tpu.memory_space<vmem>>, %arg7: memref<!tpu.dma_semaphore, #tpu.memory_space<semaphore_mem>>) attributes {dimension_semantics = [#tpu.dimension_semantics<core_parallel>, #tpu.dimension_semantics<subcore_parallel>], iteration_bounds = array<i64: 2, 16>, scalar_prefetch = 0 : i64, scratch_operands = 3 : i64, tpu.core_type = #tpu.core_type<sc_vector_subcore>, window_params = [{transform_indices = #map}, {transform_indices = #map1}, {transform_indices = #map}]} {
    %mul3A = arith.constant 2 : i32
    %mul3A_0 = arith.muli %arg1, %mul3A : i32
    %add3A = arith.addi %mul3A_0, %arg0 : i32
    %mul3A_1 = arith.constant 960 : i32
    %mul3A_2 = arith.muli %add3A, %mul3A_1 : i32
    %scan3A = arith.constant 0 : i32
    %scan3A_3 = arith.constant 0 : i32
    %scan3A_4 = arith.constant 12 : i32
    %scan3A_5 = arith.addi %scan3A_3, %scan3A_4 : i32
    %scan3A_6 = arith.constant 1 : i32
    scf.for %scan3A_8 = %scan3A_3 to %scan3A_5 step %scan3A_6  : i32 {
      %mul3A_9 = arith.constant 80 : i32
      %mul3A_10 = arith.muli %scan3A_8, %mul3A_9 : i32
      %add3A_11 = arith.addi %mul3A_2, %mul3A_10 : i32
      "tpu.region"() ({
        %run_scoped3A = tpu.sem_alloc : memref<!tpu.dma_semaphore, #tpu.memory_space<semaphore_mem>>
        %dma_start3A_16 = tpu.memref_slice %arg3[%add3A_11] : memref<30720xi32, #tpu.memory_space<hbm>> -> memref<80xi32, #tpu.memory_space<hbm>>
        %dma_start3A_17 = tpu.memref_slice %arg3[%add3A_11] : memref<30720xi32, #tpu.memory_space<hbm>> -> memref<80xi32, #tpu.memory_space<hbm>>
        tpu.enqueue_dma source(%dma_start3A_17 : memref<80xi32, #tpu.memory_space<hbm>>) target(%arg5 : memref<80xi32, #tpu.memory_space<vmem>>) target_semaphore(%run_scoped3A : memref<!tpu.dma_semaphore, #tpu.memory_space<semaphore_mem>>)
        %dma_wait3A_18 = tpu.memref_slice %arg3[%add3A_11] : memref<30720xi32, #tpu.memory_space<hbm>> -> memref<80xi32, #tpu.memory_space<hbm>>
        %dma_wait3A_19 = tpu.memref_slice %arg3[%add3A_11] : memref<30720xi32, #tpu.memory_space<hbm>> -> memref<80xi32, #tpu.memory_space<hbm>>
        tpu.wait_dma2 semaphore(%run_scoped3A : memref<!tpu.dma_semaphore, #tpu.memory_space<semaphore_mem>>) src(%dma_wait3A_19 : memref<80xi32, #tpu.memory_space<hbm>>) dst(%arg5 : memref<80xi32, #tpu.memory_space<vmem>>)
        tpu.yield
      }) : () -> ()
      %dma_start3A = arith.constant 0 : i32
      %dma_start3A_12 = arith.constant 0 : i32
      %dma_start3A_13 = tpu.memref_slice %arg2[%dma_start3A, %dma_start3A_12] : memref<10240x1280xf32, #tpu.memory_space<hbm>> -> memref<10240x1280xf32, #tpu.memory_space<hbm>>
      tpu.enqueue_indirect_dma source(%dma_start3A_13 : memref<10240x1280xf32, #tpu.memory_space<hbm>>) target(%arg6 : memref<80x1280xf32, #tpu.memory_space<vmem>>) offsets(%arg5 : memref<80xi32, #tpu.memory_space<vmem>>) semaphore(%arg7 : memref<!tpu.dma_semaphore, #tpu.memory_space<semaphore_mem>>)
      %dma_wait3A = arith.constant 0 : i32
      %dma_wait3A_14 = arith.constant 0 : i32
      %dma_wait3A_15 = tpu.memref_slice %arg2[%dma_wait3A, %dma_wait3A_14] : memref<10240x1280xf32, #tpu.memory_space<hbm>> -> memref<10240x1280xf32, #tpu.memory_space<hbm>>
      tpu.wait_indirect_dma semaphore(%arg7 : memref<!tpu.dma_semaphore, #tpu.memory_space<semaphore_mem>>) src(%dma_wait3A_15 : memref<10240x1280xf32, #tpu.memory_space<hbm>>) dst(%arg6 : memref<80x1280xf32, #tpu.memory_space<vmem>>)
      "tpu.region"() ({
        %run_scoped3A = tpu.sem_alloc : memref<!tpu.dma_semaphore, #tpu.memory_space<semaphore_mem>>
        %dma_start3A_16 = arith.constant 0 : i32
        %dma_start3A_17 = tpu.memref_slice %arg4[%add3A_11, %dma_start3A_16] : memref<30720x1280xf32, #tpu.memory_space<hbm>> -> memref<80x1280xf32, #tpu.memory_space<hbm>>
        %dma_start3A_18 = arith.constant 0 : i32
        %dma_start3A_19 = tpu.memref_slice %arg4[%add3A_11, %dma_start3A_18] : memref<30720x1280xf32, #tpu.memory_space<hbm>> -> memref<80x1280xf32, #tpu.memory_space<hbm>>
        tpu.enqueue_dma source(%arg6 : memref<80x1280xf32, #tpu.memory_space<vmem>>) target(%dma_start3A_19 : memref<80x1280xf32, #tpu.memory_space<hbm>>) target_semaphore(%run_scoped3A : memref<!tpu.dma_semaphore, #tpu.memory_space<semaphore_mem>>)
        %dma_wait3A_20 = arith.constant 0 : i32
        %dma_wait3A_21 = tpu.memref_slice %arg4[%add3A_11, %dma_wait3A_20] : memref<30720x1280xf32, #tpu.memory_space<hbm>> -> memref<80x1280xf32, #tpu.memory_space<hbm>>
        %dma_wait3A_22 = arith.constant 0 : i32
        %dma_wait3A_23 = tpu.memref_slice %arg4[%add3A_11, %dma_wait3A_22] : memref<30720x1280xf32, #tpu.memory_space<hbm>> -> memref<80x1280xf32, #tpu.memory_space<hbm>>
        tpu.wait_dma2 semaphore(%run_scoped3A : memref<!tpu.dma_semaphore, #tpu.memory_space<semaphore_mem>>) src(%arg6 : memref<80x1280xf32, #tpu.memory_space<vmem>>) dst(%dma_wait3A_23 : memref<80x1280xf32, #tpu.memory_space<hbm>>)
        tpu.yield
      }) : () -> ()
    }
    %scan3A_7 = arith.constant 12 : i32
    return
  }
}

#map = affine_map<(d0, d1) -> (0, 0)>
#map1 = affine_map<(d0, d1) -> (0)>
module attributes {stable_mosaic.version = 14 : i64} {
  func.func @gather(%arg0: i32, %arg1: i32, %arg2: memref<30720x1280xf32, #tpu.memory_space<hbm>>, %arg3: memref<30720xi32, #tpu.memory_space<hbm>>, %arg4: memref<30720x1280xf32, #tpu.memory_space<hbm>>, %arg5: memref<80xi32, #tpu.memory_space<vmem>>, %arg6: memref<80x1280xf32, #tpu.memory_space<vmem>>, %arg7: memref<!tpu.dma_semaphore, #tpu.memory_space<semaphore_mem>>) attributes {dimension_semantics = [#tpu.dimension_semantics<core_parallel>, #tpu.dimension_semantics<subcore_parallel>], iteration_bounds = array<i64: 2, 16>, scalar_prefetch = 0 : i64, scratch_operands = 3 : i64, tpu.core_type = #tpu.core_type<sc_vector_subcore>, window_params = [{transform_indices = #map}, {transform_indices = #map1}, {transform_indices = #map}]} {
    %mul3A = arith.constant 2 : i32
    %mul3A_0 = arith.muli %arg1, %mul3A : i32
    %add3A = arith.addi %mul3A_0, %arg0 : i32
    %mul3A_1 = arith.constant 960 : i32
    %mul3A_2 = arith.muli %add3A, %mul3A_1 : i32
    %scan3A = arith.constant 0 : i32
    %scan3A_3 = arith.constant 0 : i32
    %scan3A_4 = arith.constant 12 : i32
    %scan3A_5 = arith.addi %scan3A_3, %scan3A_4 : i32
    %scan3A_6 = arith.constant 1 : i32
    scf.for %scan3A_8 = %scan3A_3 to %scan3A_5 step %scan3A_6  : i32 {
      %mul3A_9 = arith.constant 80 : i32
      %mul3A_10 = arith.muli %scan3A_8, %mul3A_9 : i32
      %add3A_11 = arith.addi %mul3A_2, %mul3A_10 : i32
      "tpu.region"() ({
        %run_scoped3A = tpu.sem_alloc : memref<!tpu.dma_semaphore, #tpu.memory_space<semaphore_mem>>
        %dma_start3A_16 = tpu.memref_slice %arg3[%add3A_11] : memref<30720xi32, #tpu.memory_space<hbm>> -> memref<80xi32, #tpu.memory_space<hbm>>
        %dma_start3A_17 = tpu.memref_slice %arg3[%add3A_11] : memref<30720xi32, #tpu.memory_space<hbm>> -> memref<80xi32, #tpu.memory_space<hbm>>
        tpu.enqueue_dma source(%dma_start3A_17 : memref<80xi32, #tpu.memory_space<hbm>>) target(%arg5 : memref<80xi32, #tpu.memory_space<vmem>>) target_semaphore(%run_scoped3A : memref<!tpu.dma_semaphore, #tpu.memory_space<semaphore_mem>>)
        %dma_wait3A_18 = tpu.memref_slice %arg3[%add3A_11] : memref<30720xi32, #tpu.memory_space<hbm>> -> memref<80xi32, #tpu.memory_space<hbm>>
        %dma_wait3A_19 = tpu.memref_slice %arg3[%add3A_11] : memref<30720xi32, #tpu.memory_space<hbm>> -> memref<80xi32, #tpu.memory_space<hbm>>
        tpu.wait_dma2 semaphore(%run_scoped3A : memref<!tpu.dma_semaphore, #tpu.memory_space<semaphore_mem>>) src(%dma_wait3A_19 : memref<80xi32, #tpu.memory_space<hbm>>) dst(%arg5 : memref<80xi32, #tpu.memory_space<vmem>>)
        tpu.yield
      }) : () -> ()
      %dma_start3A = arith.constant 0 : i32
      %dma_start3A_12 = arith.constant 0 : i32
      %dma_start3A_13 = tpu.memref_slice %arg2[%dma_start3A, %dma_start3A_12] : memref<30720x1280xf32, #tpu.memory_space<hbm>> -> memref<30720x1280xf32, #tpu.memory_space<hbm>>
      tpu.enqueue_indirect_dma source(%dma_start3A_13 : memref<30720x1280xf32, #tpu.memory_space<hbm>>) target(%arg6 : memref<80x1280xf32, #tpu.memory_space<vmem>>) offsets(%arg5 : memref<80xi32, #tpu.memory_space<vmem>>) semaphore(%arg7 : memref<!tpu.dma_semaphore, #tpu.memory_space<semaphore_mem>>)
      %dma_wait3A = arith.constant 0 : i32
      %dma_wait3A_14 = arith.constant 0 : i32
      %dma_wait3A_15 = tpu.memref_slice %arg2[%dma_wait3A, %dma_wait3A_14] : memref<30720x1280xf32, #tpu.memory_space<hbm>> -> memref<30720x1280xf32, #tpu.memory_space<hbm>>
      tpu.wait_indirect_dma semaphore(%arg7 : memref<!tpu.dma_semaphore, #tpu.memory_space<semaphore_mem>>) src(%dma_wait3A_15 : memref<30720x1280xf32, #tpu.memory_space<hbm>>) dst(%arg6 : memref<80x1280xf32, #tpu.memory_space<vmem>>)
      "tpu.region"() ({
        %run_scoped3A = tpu.sem_alloc : memref<!tpu.dma_semaphore, #tpu.memory_space<semaphore_mem>>
        %dma_start3A_16 = arith.constant 0 : i32
        %dma_start3A_17 = tpu.memref_slice %arg4[%add3A_11, %dma_start3A_16] : memref<30720x1280xf32, #tpu.memory_space<hbm>> -> memref<80x1280xf32, #tpu.memory_space<hbm>>
        %dma_start3A_18 = arith.constant 0 : i32
        %dma_start3A_19 = tpu.memref_slice %arg4[%add3A_11, %dma_start3A_18] : memref<30720x1280xf32, #tpu.memory_space<hbm>> -> memref<80x1280xf32, #tpu.memory_space<hbm>>
        tpu.enqueue_dma source(%arg6 : memref<80x1280xf32, #tpu.memory_space<vmem>>) target(%dma_start3A_19 : memref<80x1280xf32, #tpu.memory_space<hbm>>) target_semaphore(%run_scoped3A : memref<!tpu.dma_semaphore, #tpu.memory_space<semaphore_mem>>)
        %dma_wait3A_20 = arith.constant 0 : i32
        %dma_wait3A_21 = tpu.memref_slice %arg4[%add3A_11, %dma_wait3A_20] : memref<30720x1280xf32, #tpu.memory_space<hbm>> -> memref<80x1280xf32, #tpu.memory_space<hbm>>
        %dma_wait3A_22 = arith.constant 0 : i32
        %dma_wait3A_23 = tpu.memref_slice %arg4[%add3A_11, %dma_wait3A_22] : memref<30720x1280xf32, #tpu.memory_space<hbm>> -> memref<80x1280xf32, #tpu.memory_space<hbm>>
        tpu.wait_dma2 semaphore(%run_scoped3A : memref<!tpu.dma_semaphore, #tpu.memory_space<semaphore_mem>>) src(%arg6 : memref<80x1280xf32, #tpu.memory_space<vmem>>) dst(%dma_wait3A_23 : memref<80x1280xf32, #tpu.memory_space<hbm>>)
        tpu.yield
      }) : () -> ()
    }
    %scan3A_7 = arith.constant 12 : i32
    return
  }
}

#map = affine_map<(d0, d1) -> (0, 0)>
#map1 = affine_map<(d0, d1) -> (0)>
module attributes {stable_mosaic.version = 14 : i64} {
  func.func @gather(%arg0: i32, %arg1: i32, %arg2: memref<10240x1280xf32, #tpu.memory_space<hbm>>, %arg3: memref<30720xi32, #tpu.memory_space<hbm>>, %arg4: memref<30720x1280xf32, #tpu.memory_space<hbm>>, %arg5: memref<80xi32, #tpu.memory_space<vmem>>, %arg6: memref<80x1280xf32, #tpu.memory_space<vmem>>, %arg7: memref<!tpu.dma_semaphore, #tpu.memory_space<semaphore_mem>>) attributes {dimension_semantics = [#tpu.dimension_semantics<core_parallel>, #tpu.dimension_semantics<subcore_parallel>], iteration_bounds = array<i64: 2, 16>, scalar_prefetch = 0 : i64, scratch_operands = 3 : i64, tpu.core_type = #tpu.core_type<sc_vector_subcore>, window_params = [{transform_indices = #map}, {transform_indices = #map1}, {transform_indices = #map}]} {
    %mul3A = arith.constant 2 : i32
    %mul3A_0 = arith.muli %arg1, %mul3A : i32
    %add3A = arith.addi %mul3A_0, %arg0 : i32
    %mul3A_1 = arith.constant 960 : i32
    %mul3A_2 = arith.muli %add3A, %mul3A_1 : i32
    %scan3A = arith.constant 0 : i32
    %scan3A_3 = arith.constant 0 : i32
    %scan3A_4 = arith.constant 12 : i32
    %scan3A_5 = arith.addi %scan3A_3, %scan3A_4 : i32
    %scan3A_6 = arith.constant 1 : i32
    scf.for %scan3A_8 = %scan3A_3 to %scan3A_5 step %scan3A_6  : i32 {
      %mul3A_9 = arith.constant 80 : i32
      %mul3A_10 = arith.muli %scan3A_8, %mul3A_9 : i32
      %add3A_11 = arith.addi %mul3A_2, %mul3A_10 : i32
      "tpu.region"() ({
        %run_scoped3A = tpu.sem_alloc : memref<!tpu.dma_semaphore, #tpu.memory_space<semaphore_mem>>
        %dma_start3A_16 = tpu.memref_slice %arg3[%add3A_11] : memref<30720xi32, #tpu.memory_space<hbm>> -> memref<80xi32, #tpu.memory_space<hbm>>
        %dma_start3A_17 = tpu.memref_slice %arg3[%add3A_11] : memref<30720xi32, #tpu.memory_space<hbm>> -> memref<80xi32, #tpu.memory_space<hbm>>
        tpu.enqueue_dma source(%dma_start3A_17 : memref<80xi32, #tpu.memory_space<hbm>>) target(%arg5 : memref<80xi32, #tpu.memory_space<vmem>>) target_semaphore(%run_scoped3A : memref<!tpu.dma_semaphore, #tpu.memory_space<semaphore_mem>>)
        %dma_wait3A_18 = tpu.memref_slice %arg3[%add3A_11] : memref<30720xi32, #tpu.memory_space<hbm>> -> memref<80xi32, #tpu.memory_space<hbm>>
        %dma_wait3A_19 = tpu.memref_slice %arg3[%add3A_11] : memref<30720xi32, #tpu.memory_space<hbm>> -> memref<80xi32, #tpu.memory_space<hbm>>
        tpu.wait_dma2 semaphore(%run_scoped3A : memref<!tpu.dma_semaphore, #tpu.memory_space<semaphore_mem>>) src(%dma_wait3A_19 : memref<80xi32, #tpu.memory_space<hbm>>) dst(%arg5 : memref<80xi32, #tpu.memory_space<vmem>>)
        tpu.yield
      }) : () -> ()
      %dma_start3A = arith.constant 0 : i32
      %dma_start3A_12 = arith.constant 0 : i32
      %dma_start3A_13 = tpu.memref_slice %arg2[%dma_start3A, %dma_start3A_12] : memref<10240x1280xf32, #tpu.memory_space<hbm>> -> memref<10240x1280xf32, #tpu.memory_space<hbm>>
      tpu.enqueue_indirect_dma source(%dma_start3A_13 : memref<10240x1280xf32, #tpu.memory_space<hbm>>) target(%arg6 : memref<80x1280xf32, #tpu.memory_space<vmem>>) offsets(%arg5 : memref<80xi32, #tpu.memory_space<vmem>>) semaphore(%arg7 : memref<!tpu.dma_semaphore, #tpu.memory_space<semaphore_mem>>)
      %dma_wait3A = arith.constant 0 : i32
      %dma_wait3A_14 = arith.constant 0 : i32
      %dma_wait3A_15 = tpu.memref_slice %arg2[%dma_wait3A, %dma_wait3A_14] : memref<10240x1280xf32, #tpu.memory_space<hbm>> -> memref<10240x1280xf32, #tpu.memory_space<hbm>>
      tpu.wait_indirect_dma semaphore(%arg7 : memref<!tpu.dma_semaphore, #tpu.memory_space<semaphore_mem>>) src(%dma_wait3A_15 : memref<10240x1280xf32, #tpu.memory_space<hbm>>) dst(%arg6 : memref<80x1280xf32, #tpu.memory_space<vmem>>)
      "tpu.region"() ({
        %run_scoped3A = tpu.sem_alloc : memref<!tpu.dma_semaphore, #tpu.memory_space<semaphore_mem>>
        %dma_start3A_16 = arith.constant 0 : i32
        %dma_start3A_17 = tpu.memref_slice %arg4[%add3A_11, %dma_start3A_16] : memref<30720x1280xf32, #tpu.memory_space<hbm>> -> memref<80x1280xf32, #tpu.memory_space<hbm>>
        %dma_start3A_18 = arith.constant 0 : i32
        %dma_start3A_19 = tpu.memref_slice %arg4[%add3A_11, %dma_start3A_18] : memref<30720x1280xf32, #tpu.memory_space<hbm>> -> memref<80x1280xf32, #tpu.memory_space<hbm>>
        tpu.enqueue_dma source(%arg6 : memref<80x1280xf32, #tpu.memory_space<vmem>>) target(%dma_start3A_19 : memref<80x1280xf32, #tpu.memory_space<hbm>>) target_semaphore(%run_scoped3A : memref<!tpu.dma_semaphore, #tpu.memory_space<semaphore_mem>>)
        %dma_wait3A_20 = arith.constant 0 : i32
        %dma_wait3A_21 = tpu.memref_slice %arg4[%add3A_11, %dma_wait3A_20] : memref<30720x1280xf32, #tpu.memory_space<hbm>> -> memref<80x1280xf32, #tpu.memory_space<hbm>>
        %dma_wait3A_22 = arith.constant 0 : i32
        %dma_wait3A_23 = tpu.memref_slice %arg4[%add3A_11, %dma_wait3A_22] : memref<30720x1280xf32, #tpu.memory_space<hbm>> -> memref<80x1280xf32, #tpu.memory_space<hbm>>
        tpu.wait_dma2 semaphore(%run_scoped3A : memref<!tpu.dma_semaphore, #tpu.memory_space<semaphore_mem>>) src(%arg6 : memref<80x1280xf32, #tpu.memory_space<vmem>>) dst(%dma_wait3A_23 : memref<80x1280xf32, #tpu.memory_space<hbm>>)
        tpu.yield
      }) : () -> ()
    }
    %scan3A_7 = arith.constant 12 : i32
    return
  }
}

#map = affine_map<(d0, d1) -> (0, 0)>
#map1 = affine_map<(d0, d1) -> (0)>
module attributes {stable_mosaic.version = 14 : i64} {
  func.func @gather(%arg0: i32, %arg1: i32, %arg2: memref<30720x1280xf32, #tpu.memory_space<hbm>>, %arg3: memref<30720xi32, #tpu.memory_space<hbm>>, %arg4: memref<30720x1280xf32, #tpu.memory_space<hbm>>, %arg5: memref<80xi32, #tpu.memory_space<vmem>>, %arg6: memref<80x1280xf32, #tpu.memory_space<vmem>>, %arg7: memref<!tpu.dma_semaphore, #tpu.memory_space<semaphore_mem>>) attributes {dimension_semantics = [#tpu.dimension_semantics<core_parallel>, #tpu.dimension_semantics<subcore_parallel>], iteration_bounds = array<i64: 2, 16>, scalar_prefetch = 0 : i64, scratch_operands = 3 : i64, tpu.core_type = #tpu.core_type<sc_vector_subcore>, window_params = [{transform_indices = #map}, {transform_indices = #map1}, {transform_indices = #map}]} {
    %mul3A = arith.constant 2 : i32
    %mul3A_0 = arith.muli %arg1, %mul3A : i32
    %add3A = arith.addi %mul3A_0, %arg0 : i32
    %mul3A_1 = arith.constant 960 : i32
    %mul3A_2 = arith.muli %add3A, %mul3A_1 : i32
    %scan3A = arith.constant 0 : i32
    %scan3A_3 = arith.constant 0 : i32
    %scan3A_4 = arith.constant 12 : i32
    %scan3A_5 = arith.addi %scan3A_3, %scan3A_4 : i32
    %scan3A_6 = arith.constant 1 : i32
    scf.for %scan3A_8 = %scan3A_3 to %scan3A_5 step %scan3A_6  : i32 {
      %mul3A_9 = arith.constant 80 : i32
      %mul3A_10 = arith.muli %scan3A_8, %mul3A_9 : i32
      %add3A_11 = arith.addi %mul3A_2, %mul3A_10 : i32
      "tpu.region"() ({
        %run_scoped3A = tpu.sem_alloc : memref<!tpu.dma_semaphore, #tpu.memory_space<semaphore_mem>>
        %dma_start3A_16 = tpu.memref_slice %arg3[%add3A_11] : memref<30720xi32, #tpu.memory_space<hbm>> -> memref<80xi32, #tpu.memory_space<hbm>>
        %dma_start3A_17 = tpu.memref_slice %arg3[%add3A_11] : memref<30720xi32, #tpu.memory_space<hbm>> -> memref<80xi32, #tpu.memory_space<hbm>>
        tpu.enqueue_dma source(%dma_start3A_17 : memref<80xi32, #tpu.memory_space<hbm>>) target(%arg5 : memref<80xi32, #tpu.memory_space<vmem>>) target_semaphore(%run_scoped3A : memref<!tpu.dma_semaphore, #tpu.memory_space<semaphore_mem>>)
        %dma_wait3A_18 = tpu.memref_slice %arg3[%add3A_11] : memref<30720xi32, #tpu.memory_space<hbm>> -> memref<80xi32, #tpu.memory_space<hbm>>
        %dma_wait3A_19 = tpu.memref_slice %arg3[%add3A_11] : memref<30720xi32, #tpu.memory_space<hbm>> -> memref<80xi32, #tpu.memory_space<hbm>>
        tpu.wait_dma2 semaphore(%run_scoped3A : memref<!tpu.dma_semaphore, #tpu.memory_space<semaphore_mem>>) src(%dma_wait3A_19 : memref<80xi32, #tpu.memory_space<hbm>>) dst(%arg5 : memref<80xi32, #tpu.memory_space<vmem>>)
        tpu.yield
      }) : () -> ()
      %dma_start3A = arith.constant 0 : i32
      %dma_start3A_12 = arith.constant 0 : i32
      %dma_start3A_13 = tpu.memref_slice %arg2[%dma_start3A, %dma_start3A_12] : memref<30720x1280xf32, #tpu.memory_space<hbm>> -> memref<30720x1280xf32, #tpu.memory_space<hbm>>
      tpu.enqueue_indirect_dma source(%dma_start3A_13 : memref<30720x1280xf32, #tpu.memory_space<hbm>>) target(%arg6 : memref<80x1280xf32, #tpu.memory_space<vmem>>) offsets(%arg5 : memref<80xi32, #tpu.memory_space<vmem>>) semaphore(%arg7 : memref<!tpu.dma_semaphore, #tpu.memory_space<semaphore_mem>>)
      %dma_wait3A = arith.constant 0 : i32
      %dma_wait3A_14 = arith.constant 0 : i32
      %dma_wait3A_15 = tpu.memref_slice %arg2[%dma_wait3A, %dma_wait3A_14] : memref<30720x1280xf32, #tpu.memory_space<hbm>> -> memref<30720x1280xf32, #tpu.memory_space<hbm>>
      tpu.wait_indirect_dma semaphore(%arg7 : memref<!tpu.dma_semaphore, #tpu.memory_space<semaphore_mem>>) src(%dma_wait3A_15 : memref<30720x1280xf32, #tpu.memory_space<hbm>>) dst(%arg6 : memref<80x1280xf32, #tpu.memory_space<vmem>>)
      "tpu.region"() ({
        %run_scoped3A = tpu.sem_alloc : memref<!tpu.dma_semaphore, #tpu.memory_space<semaphore_mem>>
        %dma_start3A_16 = arith.constant 0 : i32
        %dma_start3A_17 = tpu.memref_slice %arg4[%add3A_11, %dma_start3A_16] : memref<30720x1280xf32, #tpu.memory_space<hbm>> -> memref<80x1280xf32, #tpu.memory_space<hbm>>
        %dma_start3A_18 = arith.constant 0 : i32
        %dma_start3A_19 = tpu.memref_slice %arg4[%add3A_11, %dma_start3A_18] : memref<30720x1280xf32, #tpu.memory_space<hbm>> -> memref<80x1280xf32, #tpu.memory_space<hbm>>
        tpu.enqueue_dma source(%arg6 : memref<80x1280xf32, #tpu.memory_space<vmem>>) target(%dma_start3A_19 : memref<80x1280xf32, #tpu.memory_space<hbm>>) target_semaphore(%run_scoped3A : memref<!tpu.dma_semaphore, #tpu.memory_space<semaphore_mem>>)
        %dma_wait3A_20 = arith.constant 0 : i32
        %dma_wait3A_21 = tpu.memref_slice %arg4[%add3A_11, %dma_wait3A_20] : memref<30720x1280xf32, #tpu.memory_space<hbm>> -> memref<80x1280xf32, #tpu.memory_space<hbm>>
        %dma_wait3A_22 = arith.constant 0 : i32
        %dma_wait3A_23 = tpu.memref_slice %arg4[%add3A_11, %dma_wait3A_22] : memref<30720x1280xf32, #tpu.memory_space<hbm>> -> memref<80x1280xf32, #tpu.memory_space<hbm>>
        tpu.wait_dma2 semaphore(%run_scoped3A : memref<!tpu.dma_semaphore, #tpu.memory_space<semaphore_mem>>) src(%arg6 : memref<80x1280xf32, #tpu.memory_space<vmem>>) dst(%dma_wait3A_23 : memref<80x1280xf32, #tpu.memory_space<hbm>>)
        tpu.yield
      }) : () -> ()
    }
    %scan3A_7 = arith.constant 12 : i32
    return
  }
}

#map = affine_map<(d0, d1) -> (0, 0)>
#map1 = affine_map<(d0, d1) -> (0)>
module attributes {stable_mosaic.version = 14 : i64} {
  func.func @gather(%arg0: i32, %arg1: i32, %arg2: memref<10240x1280xf32, #tpu.memory_space<hbm>>, %arg3: memref<30720xi32, #tpu.memory_space<hbm>>, %arg4: memref<30720x1280xf32, #tpu.memory_space<hbm>>, %arg5: memref<80xi32, #tpu.memory_space<vmem>>, %arg6: memref<80x1280xf32, #tpu.memory_space<vmem>>, %arg7: memref<!tpu.dma_semaphore, #tpu.memory_space<semaphore_mem>>) attributes {dimension_semantics = [#tpu.dimension_semantics<core_parallel>, #tpu.dimension_semantics<subcore_parallel>], iteration_bounds = array<i64: 2, 16>, scalar_prefetch = 0 : i64, scratch_operands = 3 : i64, tpu.core_type = #tpu.core_type<sc_vector_subcore>, window_params = [{transform_indices = #map}, {transform_indices = #map1}, {transform_indices = #map}]} {
    %mul3A = arith.constant 2 : i32
    %mul3A_0 = arith.muli %arg1, %mul3A : i32
    %add3A = arith.addi %mul3A_0, %arg0 : i32
    %mul3A_1 = arith.constant 960 : i32
    %mul3A_2 = arith.muli %add3A, %mul3A_1 : i32
    %scan3A = arith.constant 0 : i32
    %scan3A_3 = arith.constant 0 : i32
    %scan3A_4 = arith.constant 12 : i32
    %scan3A_5 = arith.addi %scan3A_3, %scan3A_4 : i32
    %scan3A_6 = arith.constant 1 : i32
    scf.for %scan3A_8 = %scan3A_3 to %scan3A_5 step %scan3A_6  : i32 {
      %mul3A_9 = arith.constant 80 : i32
      %mul3A_10 = arith.muli %scan3A_8, %mul3A_9 : i32
      %add3A_11 = arith.addi %mul3A_2, %mul3A_10 : i32
      "tpu.region"() ({
        %run_scoped3A = tpu.sem_alloc : memref<!tpu.dma_semaphore, #tpu.memory_space<semaphore_mem>>
        %dma_start3A_16 = tpu.memref_slice %arg3[%add3A_11] : memref<30720xi32, #tpu.memory_space<hbm>> -> memref<80xi32, #tpu.memory_space<hbm>>
        %dma_start3A_17 = tpu.memref_slice %arg3[%add3A_11] : memref<30720xi32, #tpu.memory_space<hbm>> -> memref<80xi32, #tpu.memory_space<hbm>>
        tpu.enqueue_dma source(%dma_start3A_17 : memref<80xi32, #tpu.memory_space<hbm>>) target(%arg5 : memref<80xi32, #tpu.memory_space<vmem>>) target_semaphore(%run_scoped3A : memref<!tpu.dma_semaphore, #tpu.memory_space<semaphore_mem>>)
        %dma_wait3A_18 = tpu.memref_slice %arg3[%add3A_11] : memref<30720xi32, #tpu.memory_space<hbm>> -> memref<80xi32, #tpu.memory_space<hbm>>
        %dma_wait3A_19 = tpu.memref_slice %arg3[%add3A_11] : memref<30720xi32, #tpu.memory_space<hbm>> -> memref<80xi32, #tpu.memory_space<hbm>>
        tpu.wait_dma2 semaphore(%run_scoped3A : memref<!tpu.dma_semaphore, #tpu.memory_space<semaphore_mem>>) src(%dma_wait3A_19 : memref<80xi32, #tpu.memory_space<hbm>>) dst(%arg5 : memref<80xi32, #tpu.memory_space<vmem>>)
        tpu.yield
      }) : () -> ()
      %dma_start3A = arith.constant 0 : i32
      %dma_start3A_12 = arith.constant 0 : i32
      %dma_start3A_13 = tpu.memref_slice %arg2[%dma_start3A, %dma_start3A_12] : memref<10240x1280xf32, #tpu.memory_space<hbm>> -> memref<10240x1280xf32, #tpu.memory_space<hbm>>
      tpu.enqueue_indirect_dma source(%dma_start3A_13 : memref<10240x1280xf32, #tpu.memory_space<hbm>>) target(%arg6 : memref<80x1280xf32, #tpu.memory_space<vmem>>) offsets(%arg5 : memref<80xi32, #tpu.memory_space<vmem>>) semaphore(%arg7 : memref<!tpu.dma_semaphore, #tpu.memory_space<semaphore_mem>>)
      %dma_wait3A = arith.constant 0 : i32
      %dma_wait3A_14 = arith.constant 0 : i32
      %dma_wait3A_15 = tpu.memref_slice %arg2[%dma_wait3A, %dma_wait3A_14] : memref<10240x1280xf32, #tpu.memory_space<hbm>> -> memref<10240x1280xf32, #tpu.memory_space<hbm>>
      tpu.wait_indirect_dma semaphore(%arg7 : memref<!tpu.dma_semaphore, #tpu.memory_space<semaphore_mem>>) src(%dma_wait3A_15 : memref<10240x1280xf32, #tpu.memory_space<hbm>>) dst(%arg6 : memref<80x1280xf32, #tpu.memory_space<vmem>>)
      "tpu.region"() ({
        %run_scoped3A = tpu.sem_alloc : memref<!tpu.dma_semaphore, #tpu.memory_space<semaphore_mem>>
        %dma_start3A_16 = arith.constant 0 : i32
        %dma_start3A_17 = tpu.memref_slice %arg4[%add3A_11, %dma_start3A_16] : memref<30720x1280xf32, #tpu.memory_space<hbm>> -> memref<80x1280xf32, #tpu.memory_space<hbm>>
        %dma_start3A_18 = arith.constant 0 : i32
        %dma_start3A_19 = tpu.memref_slice %arg4[%add3A_11, %dma_start3A_18] : memref<30720x1280xf32, #tpu.memory_space<hbm>> -> memref<80x1280xf32, #tpu.memory_space<hbm>>
        tpu.enqueue_dma source(%arg6 : memref<80x1280xf32, #tpu.memory_space<vmem>>) target(%dma_start3A_19 : memref<80x1280xf32, #tpu.memory_space<hbm>>) target_semaphore(%run_scoped3A : memref<!tpu.dma_semaphore, #tpu.memory_space<semaphore_mem>>)
        %dma_wait3A_20 = arith.constant 0 : i32
        %dma_wait3A_21 = tpu.memref_slice %arg4[%add3A_11, %dma_wait3A_20] : memref<30720x1280xf32, #tpu.memory_space<hbm>> -> memref<80x1280xf32, #tpu.memory_space<hbm>>
        %dma_wait3A_22 = arith.constant 0 : i32
        %dma_wait3A_23 = tpu.memref_slice %arg4[%add3A_11, %dma_wait3A_22] : memref<30720x1280xf32, #tpu.memory_space<hbm>> -> memref<80x1280xf32, #tpu.memory_space<hbm>>
        tpu.wait_dma2 semaphore(%run_scoped3A : memref<!tpu.dma_semaphore, #tpu.memory_space<semaphore_mem>>) src(%arg6 : memref<80x1280xf32, #tpu.memory_space<vmem>>) dst(%dma_wait3A_23 : memref<80x1280xf32, #tpu.memory_space<hbm>>)
        tpu.yield
      }) : () -> ()
    }
    %scan3A_7 = arith.constant 12 : i32
    return
  }
}

#map = affine_map<(d0, d1) -> (0, 0)>
#map1 = affine_map<(d0, d1) -> (0)>
module attributes {stable_mosaic.version = 14 : i64} {
  func.func @gather(%arg0: i32, %arg1: i32, %arg2: memref<30720x1280xf32, #tpu.memory_space<hbm>>, %arg3: memref<30720xi32, #tpu.memory_space<hbm>>, %arg4: memref<30720x1280xf32, #tpu.memory_space<hbm>>, %arg5: memref<80xi32, #tpu.memory_space<vmem>>, %arg6: memref<80x1280xf32, #tpu.memory_space<vmem>>, %arg7: memref<!tpu.dma_semaphore, #tpu.memory_space<semaphore_mem>>) attributes {dimension_semantics = [#tpu.dimension_semantics<core_parallel>, #tpu.dimension_semantics<subcore_parallel>], iteration_bounds = array<i64: 2, 16>, scalar_prefetch = 0 : i64, scratch_operands = 3 : i64, tpu.core_type = #tpu.core_type<sc_vector_subcore>, window_params = [{transform_indices = #map}, {transform_indices = #map1}, {transform_indices = #map}]} {
    %mul3A = arith.constant 2 : i32
    %mul3A_0 = arith.muli %arg1, %mul3A : i32
    %add3A = arith.addi %mul3A_0, %arg0 : i32
    %mul3A_1 = arith.constant 960 : i32
    %mul3A_2 = arith.muli %add3A, %mul3A_1 : i32
    %scan3A = arith.constant 0 : i32
    %scan3A_3 = arith.constant 0 : i32
    %scan3A_4 = arith.constant 12 : i32
    %scan3A_5 = arith.addi %scan3A_3, %scan3A_4 : i32
    %scan3A_6 = arith.constant 1 : i32
    scf.for %scan3A_8 = %scan3A_3 to %scan3A_5 step %scan3A_6  : i32 {
      %mul3A_9 = arith.constant 80 : i32
      %mul3A_10 = arith.muli %scan3A_8, %mul3A_9 : i32
      %add3A_11 = arith.addi %mul3A_2, %mul3A_10 : i32
      "tpu.region"() ({
        %run_scoped3A = tpu.sem_alloc : memref<!tpu.dma_semaphore, #tpu.memory_space<semaphore_mem>>
        %dma_start3A_16 = tpu.memref_slice %arg3[%add3A_11] : memref<30720xi32, #tpu.memory_space<hbm>> -> memref<80xi32, #tpu.memory_space<hbm>>
        %dma_start3A_17 = tpu.memref_slice %arg3[%add3A_11] : memref<30720xi32, #tpu.memory_space<hbm>> -> memref<80xi32, #tpu.memory_space<hbm>>
        tpu.enqueue_dma source(%dma_start3A_17 : memref<80xi32, #tpu.memory_space<hbm>>) target(%arg5 : memref<80xi32, #tpu.memory_space<vmem>>) target_semaphore(%run_scoped3A : memref<!tpu.dma_semaphore, #tpu.memory_space<semaphore_mem>>)
        %dma_wait3A_18 = tpu.memref_slice %arg3[%add3A_11] : memref<30720xi32, #tpu.memory_space<hbm>> -> memref<80xi32, #tpu.memory_space<hbm>>
        %dma_wait3A_19 = tpu.memref_slice %arg3[%add3A_11] : memref<30720xi32, #tpu.memory_space<hbm>> -> memref<80xi32, #tpu.memory_space<hbm>>
        tpu.wait_dma2 semaphore(%run_scoped3A : memref<!tpu.dma_semaphore, #tpu.memory_space<semaphore_mem>>) src(%dma_wait3A_19 : memref<80xi32, #tpu.memory_space<hbm>>) dst(%arg5 : memref<80xi32, #tpu.memory_space<vmem>>)
        tpu.yield
      }) : () -> ()
      %dma_start3A = arith.constant 0 : i32
      %dma_start3A_12 = arith.constant 0 : i32
      %dma_start3A_13 = tpu.memref_slice %arg2[%dma_start3A, %dma_start3A_12] : memref<30720x1280xf32, #tpu.memory_space<hbm>> -> memref<30720x1280xf32, #tpu.memory_space<hbm>>
      tpu.enqueue_indirect_dma source(%dma_start3A_13 : memref<30720x1280xf32, #tpu.memory_space<hbm>>) target(%arg6 : memref<80x1280xf32, #tpu.memory_space<vmem>>) offsets(%arg5 : memref<80xi32, #tpu.memory_space<vmem>>) semaphore(%arg7 : memref<!tpu.dma_semaphore, #tpu.memory_space<semaphore_mem>>)
      %dma_wait3A = arith.constant 0 : i32
      %dma_wait3A_14 = arith.constant 0 : i32
      %dma_wait3A_15 = tpu.memref_slice %arg2[%dma_wait3A, %dma_wait3A_14] : memref<30720x1280xf32, #tpu.memory_space<hbm>> -> memref<30720x1280xf32, #tpu.memory_space<hbm>>
      tpu.wait_indirect_dma semaphore(%arg7 : memref<!tpu.dma_semaphore, #tpu.memory_space<semaphore_mem>>) src(%dma_wait3A_15 : memref<30720x1280xf32, #tpu.memory_space<hbm>>) dst(%arg6 : memref<80x1280xf32, #tpu.memory_space<vmem>>)
      "tpu.region"() ({
        %run_scoped3A = tpu.sem_alloc : memref<!tpu.dma_semaphore, #tpu.memory_space<semaphore_mem>>
        %dma_start3A_16 = arith.constant 0 : i32
        %dma_start3A_17 = tpu.memref_slice %arg4[%add3A_11, %dma_start3A_16] : memref<30720x1280xf32, #tpu.memory_space<hbm>> -> memref<80x1280xf32, #tpu.memory_space<hbm>>
        %dma_start3A_18 = arith.constant 0 : i32
        %dma_start3A_19 = tpu.memref_slice %arg4[%add3A_11, %dma_start3A_18] : memref<30720x1280xf32, #tpu.memory_space<hbm>> -> memref<80x1280xf32, #tpu.memory_space<hbm>>
        tpu.enqueue_dma source(%arg6 : memref<80x1280xf32, #tpu.memory_space<vmem>>) target(%dma_start3A_19 : memref<80x1280xf32, #tpu.memory_space<hbm>>) target_semaphore(%run_scoped3A : memref<!tpu.dma_semaphore, #tpu.memory_space<semaphore_mem>>)
        %dma_wait3A_20 = arith.constant 0 : i32
        %dma_wait3A_21 = tpu.memref_slice %arg4[%add3A_11, %dma_wait3A_20] : memref<30720x1280xf32, #tpu.memory_space<hbm>> -> memref<80x1280xf32, #tpu.memory_space<hbm>>
        %dma_wait3A_22 = arith.constant 0 : i32
        %dma_wait3A_23 = tpu.memref_slice %arg4[%add3A_11, %dma_wait3A_22] : memref<30720x1280xf32, #tpu.memory_space<hbm>> -> memref<80x1280xf32, #tpu.memory_space<hbm>>
        tpu.wait_dma2 semaphore(%run_scoped3A : memref<!tpu.dma_semaphore, #tpu.memory_space<semaphore_mem>>) src(%arg6 : memref<80x1280xf32, #tpu.memory_space<vmem>>) dst(%dma_wait3A_23 : memref<80x1280xf32, #tpu.memory_space<hbm>>)
        tpu.yield
      }) : () -> ()
    }
    %scan3A_7 = arith.constant 12 : i32
    return
  }
}

module attributes {stable_mosaic.version = 14 : i64} {
  func.func @_vnupd_tc_kernel(%arg0: i32, %arg1: memref<480x1280xf32, #tpu.memory_space<vmem>>, %arg2: memref<160x1280xf32, #tpu.memory_space<vmem>>, %arg3: memref<160x1280xf32, #tpu.memory_space<vmem>>, %arg4: memref<1x1280xf32, #tpu.memory_space<vmem>>) attributes {dimension_semantics = [#tpu.dimension_semantics<arbitrary>], iteration_bounds = array<i64: 64>, scalar_prefetch = 0 : i64, scratch_operands = 0 : i64, tpu.core_type = #tpu.core_type<tc>, window_params = [{transform_indices = @transform_0, window_bounds = array<i64: 480, 1280>}, {transform_indices = @transform_1, window_bounds = array<i64: 160, 1280>}, {transform_indices = @transform_2, window_bounds = array<i64: 160, 1280>}, {pipeline_mode = #tpu.pipeline_mode<synchronous>, transform_indices = @transform_3, window_bounds = array<i64: 1, 1280>}]} {
    %get3A = arith.constant 0 : index
    %get3A_0 = arith.constant 0 : index
    %get3A_1 = vector.load %arg1[%get3A, %get3A_0] : memref<480x1280xf32, #tpu.memory_space<vmem>>, vector<480x1280xf32>
    %get3A_2 = arith.constant 0 : index
    %get3A_3 = arith.constant 0 : index
    %get3A_4 = vector.load %arg2[%get3A_2, %get3A_3] : memref<160x1280xf32, #tpu.memory_space<vmem>>, vector<160x1280xf32>
    %reshape3A = vector.shape_cast %get3A_1 : vector<480x1280xf32> to vector<160x3x1280xf32>
    %reduce_sum3A = arith.constant dense<0.000000e+00> : vector<160x1280xf32>
    %reduce_sum3A_5 = vector.multi_reduction <add>, %reshape3A, %reduce_sum3A [1] : vector<160x3x1280xf32> to vector<160x1280xf32>
    %add3A = arith.addf %get3A_4, %reduce_sum3A_5 : vector<160x1280xf32>
    %swap3A = arith.constant 0 : index
    %swap3A_6 = arith.constant 0 : index
    %swap3A_7 = vector.load %arg3[%swap3A, %swap3A_6] : memref<160x1280xf32, #tpu.memory_space<vmem>>, vector<160x1280xf32>
    tpu.vector_store %arg3[%swap3A, %swap3A_6], %add3A {strides = array<i32>} : memref<160x1280xf32, #tpu.memory_space<vmem>>, vector<160x1280xf32>,
    %iota3A = tpu.iota {dimensions = array<i32: 0>} : vector<160x1280xi32>
    %mul3A = arith.constant 160 : i32
    %mul3A_8 = arith.muli %arg0, %mul3A : i32
    %add3A_9 = vector.broadcast %mul3A_8 : i32 to vector<160x1280xi32>
    %add3A_10 = arith.addi %iota3A, %add3A_9 : vector<160x1280xi32>
    %iota3A_11 = tpu.iota {dimensions = array<i32: 1>} : vector<160x1280xi32>
    %lt3A = arith.constant 10000 : i32
    %lt3A_12 = vector.broadcast %lt3A : i32 to vector<160x1280xi32>
    %lt3A_13 = arith.cmpi slt, %add3A_10, %lt3A_12 : vector<160x1280xi32>
    %lt3A_14 = arith.constant 1250 : i32
    %lt3A_15 = vector.broadcast %lt3A_14 : i32 to vector<160x1280xi32>
    %lt3A_16 = arith.cmpi slt, %iota3A_11, %lt3A_15 : vector<160x1280xi32>
    %and3A = arith.andi %lt3A_13, %lt3A_16 : vector<160x1280xi1>
    %custom_jvp_call3A = arith.constant 0.000000e+00 : f32
    %max3A = vector.broadcast %custom_jvp_call3A : f32 to vector<160x1280xf32>
    %max3A_17 = arith.maximumf %add3A, %max3A : vector<160x1280xf32>
    %sub3A = vector.broadcast %custom_jvp_call3A : f32 to vector<160x1280xf32>
    %sub3A_18 = arith.subf %add3A, %sub3A : vector<160x1280xf32>
    %ne3A = arith.cmpf one, %sub3A_18, %sub3A_18 : vector<160x1280xf32>
    %add3A_19 = vector.broadcast %custom_jvp_call3A : f32 to vector<160x1280xf32>
    %add3A_20 = arith.addf %add3A, %add3A_19 : vector<160x1280xf32>
    %abs3A = math.absf %sub3A_18 : vector<160x1280xf32>
    %neg3A = arith.constant 0.000000e+00 : f32
    %neg3A_21 = vector.broadcast %neg3A : f32 to vector<160x1280xf32>
    %neg3A_22 = arith.subf %neg3A_21, %abs3A : vector<160x1280xf32>
    %exp3A = math.exp %neg3A_22 : vector<160x1280xf32>
    %log1p3A = math.log1p %exp3A : vector<160x1280xf32>
    %add3A_23 = arith.addf %max3A_17, %log1p3A : vector<160x1280xf32>
    %select_n3A = arith.select %ne3A, %add3A_20, %add3A_23 : vector<160x1280xi1>, vector<160x1280xf32>
    %jit3A = arith.constant 0.000000e+00 : f32
    %broadcast_in_dim3A = vector.broadcast %jit3A : f32 to vector<160x1280xf32>
    %select_n3A_24 = arith.select %and3A, %select_n3A, %broadcast_in_dim3A : vector<160x1280xi1>, vector<160x1280xf32>
    %eq3A = arith.constant 0 : i32
    %eq3A_25 = arith.cmpi eq, %arg0, %eq3A : i32
    %convert_element_type3A = arith.extui %eq3A_25 : i1 to i32
    %cond3A = arith.constant 0 : i32
    %cond3A_26 = arith.cmpi ne, %convert_element_type3A, %cond3A : i32
    scf.if %cond3A_26 {
      %broadcast_in_dim3A_37 = arith.constant 0.000000e+00 : f32
      %broadcast_in_dim3A_38 = vector.broadcast %broadcast_in_dim3A_37 : f32 to vector<1x1280xf32>
      %swap3A_39 = arith.constant 0 : index
      %swap3A_40 = arith.constant 0 : index
      %swap3A_41 = vector.load %arg4[%swap3A_39, %swap3A_40] : memref<1x1280xf32, #tpu.memory_space<vmem>>, vector<1x1280xf32>
      tpu.vector_store %arg4[%swap3A_39, %swap3A_40], %broadcast_in_dim3A_38 {strides = array<i32>} : memref<1x1280xf32, #tpu.memory_space<vmem>>, vector<1x1280xf32>,
    } else {
    }
    %get3A_27 = arith.constant 0 : index
    %get3A_28 = arith.constant 0 : index
    %get3A_29 = vector.load %arg4[%get3A_27, %get3A_28] : memref<1x1280xf32, #tpu.memory_space<vmem>>, vector<1x1280xf32>
    %reduce_sum3A_30 = arith.constant dense<0.000000e+00> : vector<1280xf32>
    %reduce_sum3A_31 = vector.multi_reduction <add>, %select_n3A_24, %reduce_sum3A_30 [0] : vector<160x1280xf32> to vector<1280xf32>
    %broadcast_in_dim3A_32 = vector.shape_cast %reduce_sum3A_31 : vector<1280xf32> to vector<1x1280xf32>
    %add3A_33 = arith.addf %get3A_29, %broadcast_in_dim3A_32 : vector<1x1280xf32>
    %swap3A_34 = arith.constant 0 : index
    %swap3A_35 = arith.constant 0 : index
    %swap3A_36 = vector.load %arg4[%swap3A_34, %swap3A_35] : memref<1x1280xf32, #tpu.memory_space<vmem>>, vector<1x1280xf32>
    tpu.vector_store %arg4[%swap3A_34, %swap3A_35], %add3A_33 {strides = array<i32>} : memref<1x1280xf32, #tpu.memory_space<vmem>>, vector<1x1280xf32>,
    return
  }
  func.func @transform_0(%arg0: i32) -> (i32, i32) {
    %c0_i32 = arith.constant 0 : i32
    %c0_i32_0 = arith.constant 0 : i32
    return %arg0, %c0_i32 : i32, i32
  }
  func.func @transform_1(%arg0: i32) -> (i32, i32) {
    %c0_i32 = arith.constant 0 : i32
    %c0_i32_0 = arith.constant 0 : i32
    return %arg0, %c0_i32 : i32, i32
  }
  func.func @transform_2(%arg0: i32) -> (i32, i32) {
    %c0_i32 = arith.constant 0 : i32
    %c0_i32_0 = arith.constant 0 : i32
    return %arg0, %c0_i32 : i32, i32
  }
  func.func @transform_3(%arg0: i32) -> (i32, i32) {
    %c0_i32 = arith.constant 0 : i32
    %c0_i32_0 = arith.constant 0 : i32
    %c0_i32_1 = arith.constant 0 : i32
    return %c0_i32, %c0_i32_0 : i32, i32
  }
}

module attributes {stable_mosaic.version = 14 : i64} {
  func.func @_boxplus_tc_kernel(%arg0: i32, %arg1: memref<480x1280xf32, #tpu.memory_space<vmem>>, %arg2: memref<480x1xf32, #tpu.memory_space<vmem>>, %arg3: memref<480x1280xf32, #tpu.memory_space<vmem>>) attributes {dimension_semantics = [#tpu.dimension_semantics<arbitrary>], iteration_bounds = array<i64: 64>, scalar_prefetch = 0 : i64, scratch_operands = 0 : i64, tpu.core_type = #tpu.core_type<tc>, window_params = [{transform_indices = @transform_0, window_bounds = array<i64: 480, 1280>}, {transform_indices = @transform_1, window_bounds = array<i64: 480, 1>}, {transform_indices = @transform_2, window_bounds = array<i64: 480, 1280>}]} {
    %get3A = arith.constant 0 : index
    %get3A_0 = arith.constant 0 : index
    %get3A_1 = vector.load %arg1[%get3A, %get3A_0] : memref<480x1280xf32, #tpu.memory_space<vmem>>, vector<480x1280xf32>
    %get3A_2 = arith.constant 0 : index
    %get3A_3 = arith.constant 0 : index
    %get3A_4 = vector.load %arg2[%get3A_2, %get3A_3] : memref<480x1xf32, #tpu.memory_space<vmem>>, vector<480x1xf32>
    %jit3A = arith.constant -2.000000e+01 : f32
    %jit3A_5 = arith.constant 2.000000e+01 : f32
    %max3A = vector.broadcast %jit3A : f32 to vector<480x1280xf32>
    %max3A_6 = arith.maximumf %max3A, %get3A_1 : vector<480x1280xf32>
    %min3A = vector.broadcast %jit3A_5 : f32 to vector<480x1280xf32>
    %min3A_7 = arith.minimumf %min3A, %max3A_6 : vector<480x1280xf32>
    %mul3A = arith.constant 5.000000e-01 : f32
    %mul3A_8 = vector.broadcast %mul3A : f32 to vector<480x1280xf32>
    %mul3A_9 = arith.mulf %min3A_7, %mul3A_8 : vector<480x1280xf32>
    %tanh3A = math.tanh %mul3A_9 : vector<480x1280xf32>
    %lt3A = arith.constant 0.000000e+00 : f32
    %lt3A_10 = vector.broadcast %lt3A : f32 to vector<480x1280xf32>
    %lt3A_11 = arith.cmpf olt, %tanh3A, %lt3A_10 : vector<480x1280xf32>
    %jit3A_12 = arith.constant -9.99999996E-13 : f32
    %jit3A_13 = arith.constant 9.99999996E-13 : f32
    %broadcast_in_dim3A = vector.broadcast %jit3A_12 : f32 to vector<480x1280xf32>
    %broadcast_in_dim3A_14 = vector.broadcast %jit3A_13 : f32 to vector<480x1280xf32>
    %select_n3A = arith.select %lt3A_11, %broadcast_in_dim3A, %broadcast_in_dim3A_14 : vector<480x1280xi1>, vector<480x1280xf32>
    %add3A = arith.addf %tanh3A, %select_n3A : vector<480x1280xf32>
    %reshape3A = vector.shape_cast %add3A : vector<480x1280xf32> to vector<80x6x1280xf32>
    %slice3A = vector.extract_strided_slice %reshape3A {offsets = [0, 0, 0], sizes = [80, 1, 1280], strides = [1, 1, 1]} : vector<80x6x1280xf32> to vector<80x1x1280xf32>
    %squeeze3A = vector.shape_cast %slice3A : vector<80x1x1280xf32> to vector<80x1280xf32>
    %slice3A_15 = vector.extract_strided_slice %reshape3A {offsets = [0, 1, 0], sizes = [80, 1, 1280], strides = [1, 1, 1]} : vector<80x6x1280xf32> to vector<80x1x1280xf32>
    %squeeze3A_16 = vector.shape_cast %slice3A_15 : vector<80x1x1280xf32> to vector<80x1280xf32>
    %slice3A_17 = vector.extract_strided_slice %reshape3A {offsets = [0, 2, 0], sizes = [80, 1, 1280], strides = [1, 1, 1]} : vector<80x6x1280xf32> to vector<80x1x1280xf32>
    %squeeze3A_18 = vector.shape_cast %slice3A_17 : vector<80x1x1280xf32> to vector<80x1280xf32>
    %slice3A_19 = vector.extract_strided_slice %reshape3A {offsets = [0, 3, 0], sizes = [80, 1, 1280], strides = [1, 1, 1]} : vector<80x6x1280xf32> to vector<80x1x1280xf32>
    %squeeze3A_20 = vector.shape_cast %slice3A_19 : vector<80x1x1280xf32> to vector<80x1280xf32>
    %slice3A_21 = vector.extract_strided_slice %reshape3A {offsets = [0, 4, 0], sizes = [80, 1, 1280], strides = [1, 1, 1]} : vector<80x6x1280xf32> to vector<80x1x1280xf32>
    %squeeze3A_22 = vector.shape_cast %slice3A_21 : vector<80x1x1280xf32> to vector<80x1280xf32>
    %slice3A_23 = vector.extract_strided_slice %reshape3A {offsets = [0, 5, 0], sizes = [80, 1, 1280], strides = [1, 1, 1]} : vector<80x6x1280xf32> to vector<80x1x1280xf32>
    %squeeze3A_24 = vector.shape_cast %slice3A_23 : vector<80x1x1280xf32> to vector<80x1280xf32>
    %mul3A_25 = arith.mulf %squeeze3A, %squeeze3A_16 : vector<80x1280xf32>
    %mul3A_26 = arith.mulf %mul3A_25, %squeeze3A_18 : vector<80x1280xf32>
    %mul3A_27 = arith.mulf %mul3A_26, %squeeze3A_20 : vector<80x1280xf32>
    %mul3A_28 = arith.mulf %mul3A_27, %squeeze3A_22 : vector<80x1280xf32>
    %mul3A_29 = arith.mulf %squeeze3A_24, %squeeze3A_22 : vector<80x1280xf32>
    %mul3A_30 = arith.mulf %mul3A_29, %squeeze3A_20 : vector<80x1280xf32>
    %mul3A_31 = arith.mulf %mul3A_30, %squeeze3A_18 : vector<80x1280xf32>
    %mul3A_32 = arith.mulf %mul3A_31, %squeeze3A_16 : vector<80x1280xf32>
    %mul3A_33 = arith.mulf %squeeze3A, %mul3A_31 : vector<80x1280xf32>
    %mul3A_34 = arith.mulf %mul3A_25, %mul3A_30 : vector<80x1280xf32>
    %mul3A_35 = arith.mulf %mul3A_26, %mul3A_29 : vector<80x1280xf32>
    %mul3A_36 = arith.mulf %mul3A_27, %squeeze3A_24 : vector<80x1280xf32>
    %stack3A = vector.shape_cast %mul3A_32 : vector<80x1280xf32> to vector<80x1x1280xf32>
    %stack3A_37 = vector.shape_cast %mul3A_33 : vector<80x1280xf32> to vector<80x1x1280xf32>
    %stack3A_38 = vector.shape_cast %mul3A_34 : vector<80x1280xf32> to vector<80x1x1280xf32>
    %stack3A_39 = vector.shape_cast %mul3A_35 : vector<80x1280xf32> to vector<80x1x1280xf32>
    %stack3A_40 = vector.shape_cast %mul3A_36 : vector<80x1280xf32> to vector<80x1x1280xf32>
    %stack3A_41 = vector.shape_cast %mul3A_28 : vector<80x1280xf32> to vector<80x1x1280xf32>
    %stack3A_42 = tpu.concatenate %stack3A, %stack3A_37, %stack3A_38, %stack3A_39, %stack3A_40, %stack3A_41 in 1 : vector<80x1x1280xf32>, vector<80x1x1280xf32>, vector<80x1x1280xf32>, vector<80x1x1280xf32>, vector<80x1x1280xf32>, vector<80x1x1280xf32> -> vector<80x6x1280xf32>
    %reshape3A_43 = vector.shape_cast %stack3A_42 : vector<80x6x1280xf32> to vector<480x1280xf32>
    %jit3A_44 = arith.constant -0.99999988 : f32
    %jit3A_45 = arith.constant 0.99999988 : f32
    %max3A_46 = vector.broadcast %jit3A_44 : f32 to vector<480x1280xf32>
    %max3A_47 = arith.maximumf %max3A_46, %reshape3A_43 : vector<480x1280xf32>
    %min3A_48 = vector.broadcast %jit3A_45 : f32 to vector<480x1280xf32>
    %min3A_49 = arith.minimumf %min3A_48, %max3A_47 : vector<480x1280xf32>
    %add3A_50 = arith.constant 1.000000e+00 : f32
    %add3A_51 = vector.broadcast %add3A_50 : f32 to vector<480x1280xf32>
    %add3A_52 = arith.addf %add3A_51, %min3A_49 : vector<480x1280xf32>
    %sub3A = arith.constant 1.000000e+00 : f32
    %sub3A_53 = vector.broadcast %sub3A : f32 to vector<480x1280xf32>
    %sub3A_54 = arith.subf %sub3A_53, %min3A_49 : vector<480x1280xf32>
    %div3A = arith.divf %add3A_52, %sub3A_54 : vector<480x1280xf32>
    %log3A = math.log %div3A : vector<480x1280xf32>
    %mul3A_55 = vector.broadcast %get3A_4 : vector<480x1xf32> to vector<480x1280xf32>
    %mul3A_56 = arith.mulf %mul3A_55, %log3A : vector<480x1280xf32>
    %swap3A = arith.constant 0 : index
    %swap3A_57 = arith.constant 0 : index
    %swap3A_58 = vector.load %arg3[%swap3A, %swap3A_57] : memref<480x1280xf32, #tpu.memory_space<vmem>>, vector<480x1280xf32>
    tpu.vector_store %arg3[%swap3A, %swap3A_57], %mul3A_56 {strides = array<i32>} : memref<480x1280xf32, #tpu.memory_space<vmem>>, vector<480x1280xf32>,
    return
  }
  func.func @transform_0(%arg0: i32) -> (i32, i32) {
    %c0_i32 = arith.constant 0 : i32
    %c0_i32_0 = arith.constant 0 : i32
    return %arg0, %c0_i32 : i32, i32
  }
  func.func @transform_1(%arg0: i32) -> (i32, i32) {
    %c0_i32 = arith.constant 0 : i32
    %c0_i32_0 = arith.constant 0 : i32
    return %arg0, %c0_i32 : i32, i32
  }
  func.func @transform_2(%arg0: i32) -> (i32, i32) {
    %c0_i32 = arith.constant 0 : i32
    %c0_i32_0 = arith.constant 0 : i32
    return %arg0, %c0_i32 : i32, i32
  }
}

module attributes {stable_mosaic.version = 14 : i64} {
  func.func @_boxplus_sub_tc_kernel(%arg0: i32, %arg1: memref<480x1280xf32, #tpu.memory_space<vmem>>, %arg2: memref<480x1280xf32, #tpu.memory_space<vmem>>, %arg3: memref<480x1xf32, #tpu.memory_space<vmem>>, %arg4: memref<480x1280xf32, #tpu.memory_space<vmem>>) attributes {dimension_semantics = [#tpu.dimension_semantics<arbitrary>], iteration_bounds = array<i64: 64>, scalar_prefetch = 0 : i64, scratch_operands = 0 : i64, tpu.core_type = #tpu.core_type<tc>, window_params = [{transform_indices = @transform_0, window_bounds = array<i64: 480, 1280>}, {transform_indices = @transform_1, window_bounds = array<i64: 480, 1280>}, {transform_indices = @transform_2, window_bounds = array<i64: 480, 1>}, {transform_indices = @transform_3, window_bounds = array<i64: 480, 1280>}]} {
    %get3A = arith.constant 0 : index
    %get3A_0 = arith.constant 0 : index
    %get3A_1 = vector.load %arg1[%get3A, %get3A_0] : memref<480x1280xf32, #tpu.memory_space<vmem>>, vector<480x1280xf32>
    %get3A_2 = arith.constant 0 : index
    %get3A_3 = arith.constant 0 : index
    %get3A_4 = vector.load %arg2[%get3A_2, %get3A_3] : memref<480x1280xf32, #tpu.memory_space<vmem>>, vector<480x1280xf32>
    %sub3A = arith.subf %get3A_1, %get3A_4 : vector<480x1280xf32>
    %get3A_5 = arith.constant 0 : index
    %get3A_6 = arith.constant 0 : index
    %get3A_7 = vector.load %arg3[%get3A_5, %get3A_6] : memref<480x1xf32, #tpu.memory_space<vmem>>, vector<480x1xf32>
    %jit3A = arith.constant -2.000000e+01 : f32
    %jit3A_8 = arith.constant 2.000000e+01 : f32
    %max3A = vector.broadcast %jit3A : f32 to vector<480x1280xf32>
    %max3A_9 = arith.maximumf %max3A, %sub3A : vector<480x1280xf32>
    %min3A = vector.broadcast %jit3A_8 : f32 to vector<480x1280xf32>
    %min3A_10 = arith.minimumf %min3A, %max3A_9 : vector<480x1280xf32>
    %mul3A = arith.constant 5.000000e-01 : f32
    %mul3A_11 = vector.broadcast %mul3A : f32 to vector<480x1280xf32>
    %mul3A_12 = arith.mulf %min3A_10, %mul3A_11 : vector<480x1280xf32>
    %tanh3A = math.tanh %mul3A_12 : vector<480x1280xf32>
    %lt3A = arith.constant 0.000000e+00 : f32
    %lt3A_13 = vector.broadcast %lt3A : f32 to vector<480x1280xf32>
    %lt3A_14 = arith.cmpf olt, %tanh3A, %lt3A_13 : vector<480x1280xf32>
    %jit3A_15 = arith.constant -9.99999996E-13 : f32
    %jit3A_16 = arith.constant 9.99999996E-13 : f32
    %broadcast_in_dim3A = vector.broadcast %jit3A_15 : f32 to vector<480x1280xf32>
    %broadcast_in_dim3A_17 = vector.broadcast %jit3A_16 : f32 to vector<480x1280xf32>
    %select_n3A = arith.select %lt3A_14, %broadcast_in_dim3A, %broadcast_in_dim3A_17 : vector<480x1280xi1>, vector<480x1280xf32>
    %add3A = arith.addf %tanh3A, %select_n3A : vector<480x1280xf32>
    %reshape3A = vector.shape_cast %add3A : vector<480x1280xf32> to vector<80x6x1280xf32>
    %slice3A = vector.extract_strided_slice %reshape3A {offsets = [0, 0, 0], sizes = [80, 1, 1280], strides = [1, 1, 1]} : vector<80x6x1280xf32> to vector<80x1x1280xf32>
    %squeeze3A = vector.shape_cast %slice3A : vector<80x1x1280xf32> to vector<80x1280xf32>
    %slice3A_18 = vector.extract_strided_slice %reshape3A {offsets = [0, 1, 0], sizes = [80, 1, 1280], strides = [1, 1, 1]} : vector<80x6x1280xf32> to vector<80x1x1280xf32>
    %squeeze3A_19 = vector.shape_cast %slice3A_18 : vector<80x1x1280xf32> to vector<80x1280xf32>
    %slice3A_20 = vector.extract_strided_slice %reshape3A {offsets = [0, 2, 0], sizes = [80, 1, 1280], strides = [1, 1, 1]} : vector<80x6x1280xf32> to vector<80x1x1280xf32>
    %squeeze3A_21 = vector.shape_cast %slice3A_20 : vector<80x1x1280xf32> to vector<80x1280xf32>
    %slice3A_22 = vector.extract_strided_slice %reshape3A {offsets = [0, 3, 0], sizes = [80, 1, 1280], strides = [1, 1, 1]} : vector<80x6x1280xf32> to vector<80x1x1280xf32>
    %squeeze3A_23 = vector.shape_cast %slice3A_22 : vector<80x1x1280xf32> to vector<80x1280xf32>
    %slice3A_24 = vector.extract_strided_slice %reshape3A {offsets = [0, 4, 0], sizes = [80, 1, 1280], strides = [1, 1, 1]} : vector<80x6x1280xf32> to vector<80x1x1280xf32>
    %squeeze3A_25 = vector.shape_cast %slice3A_24 : vector<80x1x1280xf32> to vector<80x1280xf32>
    %slice3A_26 = vector.extract_strided_slice %reshape3A {offsets = [0, 5, 0], sizes = [80, 1, 1280], strides = [1, 1, 1]} : vector<80x6x1280xf32> to vector<80x1x1280xf32>
    %squeeze3A_27 = vector.shape_cast %slice3A_26 : vector<80x1x1280xf32> to vector<80x1280xf32>
    %mul3A_28 = arith.mulf %squeeze3A, %squeeze3A_19 : vector<80x1280xf32>
    %mul3A_29 = arith.mulf %mul3A_28, %squeeze3A_21 : vector<80x1280xf32>
    %mul3A_30 = arith.mulf %mul3A_29, %squeeze3A_23 : vector<80x1280xf32>
    %mul3A_31 = arith.mulf %mul3A_30, %squeeze3A_25 : vector<80x1280xf32>
    %mul3A_32 = arith.mulf %squeeze3A_27, %squeeze3A_25 : vector<80x1280xf32>
    %mul3A_33 = arith.mulf %mul3A_32, %squeeze3A_23 : vector<80x1280xf32>
    %mul3A_34 = arith.mulf %mul3A_33, %squeeze3A_21 : vector<80x1280xf32>
    %mul3A_35 = arith.mulf %mul3A_34, %squeeze3A_19 : vector<80x1280xf32>
    %mul3A_36 = arith.mulf %squeeze3A, %mul3A_34 : vector<80x1280xf32>
    %mul3A_37 = arith.mulf %mul3A_28, %mul3A_33 : vector<80x1280xf32>
    %mul3A_38 = arith.mulf %mul3A_29, %mul3A_32 : vector<80x1280xf32>
    %mul3A_39 = arith.mulf %mul3A_30, %squeeze3A_27 : vector<80x1280xf32>
    %stack3A = vector.shape_cast %mul3A_35 : vector<80x1280xf32> to vector<80x1x1280xf32>
    %stack3A_40 = vector.shape_cast %mul3A_36 : vector<80x1280xf32> to vector<80x1x1280xf32>
    %stack3A_41 = vector.shape_cast %mul3A_37 : vector<80x1280xf32> to vector<80x1x1280xf32>
    %stack3A_42 = vector.shape_cast %mul3A_38 : vector<80x1280xf32> to vector<80x1x1280xf32>
    %stack3A_43 = vector.shape_cast %mul3A_39 : vector<80x1280xf32> to vector<80x1x1280xf32>
    %stack3A_44 = vector.shape_cast %mul3A_31 : vector<80x1280xf32> to vector<80x1x1280xf32>
    %stack3A_45 = tpu.concatenate %stack3A, %stack3A_40, %stack3A_41, %stack3A_42, %stack3A_43, %stack3A_44 in 1 : vector<80x1x1280xf32>, vector<80x1x1280xf32>, vector<80x1x1280xf32>, vector<80x1x1280xf32>, vector<80x1x1280xf32>, vector<80x1x1280xf32> -> vector<80x6x1280xf32>
    %reshape3A_46 = vector.shape_cast %stack3A_45 : vector<80x6x1280xf32> to vector<480x1280xf32>
    %jit3A_47 = arith.constant -0.99999988 : f32
    %jit3A_48 = arith.constant 0.99999988 : f32
    %max3A_49 = vector.broadcast %jit3A_47 : f32 to vector<480x1280xf32>
    %max3A_50 = arith.maximumf %max3A_49, %reshape3A_46 : vector<480x1280xf32>
    %min3A_51 = vector.broadcast %jit3A_48 : f32 to vector<480x1280xf32>
    %min3A_52 = arith.minimumf %min3A_51, %max3A_50 : vector<480x1280xf32>
    %add3A_53 = arith.constant 1.000000e+00 : f32
    %add3A_54 = vector.broadcast %add3A_53 : f32 to vector<480x1280xf32>
    %add3A_55 = arith.addf %add3A_54, %min3A_52 : vector<480x1280xf32>
    %sub3A_56 = arith.constant 1.000000e+00 : f32
    %sub3A_57 = vector.broadcast %sub3A_56 : f32 to vector<480x1280xf32>
    %sub3A_58 = arith.subf %sub3A_57, %min3A_52 : vector<480x1280xf32>
    %div3A = arith.divf %add3A_55, %sub3A_58 : vector<480x1280xf32>
    %log3A = math.log %div3A : vector<480x1280xf32>
    %mul3A_59 = vector.broadcast %get3A_7 : vector<480x1xf32> to vector<480x1280xf32>
    %mul3A_60 = arith.mulf %mul3A_59, %log3A : vector<480x1280xf32>
    %swap3A = arith.constant 0 : index
    %swap3A_61 = arith.constant 0 : index
    %swap3A_62 = vector.load %arg4[%swap3A, %swap3A_61] : memref<480x1280xf32, #tpu.memory_space<vmem>>, vector<480x1280xf32>
    tpu.vector_store %arg4[%swap3A, %swap3A_61], %mul3A_60 {strides = array<i32>} : memref<480x1280xf32, #tpu.memory_space<vmem>>, vector<480x1280xf32>,
    return
  }
  func.func @transform_0(%arg0: i32) -> (i32, i32) {
    %c0_i32 = arith.constant 0 : i32
    %c0_i32_0 = arith.constant 0 : i32
    return %arg0, %c0_i32 : i32, i32
  }
  func.func @transform_1(%arg0: i32) -> (i32, i32) {
    %c0_i32 = arith.constant 0 : i32
    %c0_i32_0 = arith.constant 0 : i32
    return %arg0, %c0_i32 : i32, i32
  }
  func.func @transform_2(%arg0: i32) -> (i32, i32) {
    %c0_i32 = arith.constant 0 : i32
    %c0_i32_0 = arith.constant 0 : i32
    return %arg0, %c0_i32 : i32, i32
  }
  func.func @transform_3(%arg0: i32) -> (i32, i32) {
    %c0_i32 = arith.constant 0 : i32
    %c0_i32_0 = arith.constant 0 : i32
    return %arg0, %c0_i32 : i32, i32
  }
}

</mosaic_0001>

<sc_bundles>
// kernel: gather_offload_async_start.1
scs
__scs_entry_jumppad:
0x0: {  	(pc) =	sbr.rel $0x88, $3  }
0x1: {  	(tag) =	ssettag $0x0;
	lr =	simm.s32 $0x1  }
0x2: {  	[smem:$0x3F9D] =	sst lr;
	_ =	strace $0xD0000000  }
0x3: {  	_ = 	snop  }
0x4: {  	_ = 	snop  }
0x5: {  	_ = 	snop  }
0x6: {  	_ = 	snop  }
0x7: {  	_ = 	snop  }
__scs_overlays_trampoline_lowered:
0x8: {  	[smem:$0x3FAC] =	sst s0  }
0x9: {  	[smem:$0x3FAD] =	sst s1  }
0xa: {  	[smem:$0x3FAE] =	sst s2  }
0xb: {  	[smem:$0x3FAF] =	sst s3  }
0xc: {  	[smem:$0x3FB0] =	sst s4  }
0xd: {  	[smem:$0x3FB1] =	sst s5  }
0xe: {  	[smem:$0x3FB2] =	sst s6  }
0xf: {  	[smem:$0x3FB3] =	sst s7  }
0x10: {  	[smem:$0x3FB4] =	sst s8  }
0x11: {  	[smem:$0x3FB5] =	sst s9;
	s0 =	simm.s32 @!p0 $0x0  }
0x12: {  	s1 =	sld [smem:$0x3F9B];
	s0 =	simm.s32 @p0 $0x1  }
0x13: {  	[smem:$0x3FB6] =	sst s0;
	s0 =	simm.s32 @!p1 $0x0  }
0x14: {  	s2 =	sld [smem:$0x3F9A];
	s0 =	simm.s32 @p1 $0x1  }
0x15: {  	[smem:$0x3FB7] =	sst s0;
	s0 =	simm.s32 @!p2 $0x0  }
0x16: {  	s3 =	sld [smem:$0x3FDB];
	s0 =	simm.s32 @p2 $0x1  }
0x17: {  	s4 =	simm.s32 $0x1BF5;
	[smem:$0x3FB9] =	sst s0  }
0x18: {  	s0 =	sld [smem:$0x3F9C];
	_ =	swait.ge [sflag:s4], $0x0  }
0x19: {  	s7 =	sld [smem:$0x3F9D]  }
0x1a: {  	s8 =	sadd.s32 $0xFFFFE003, lr  }
0x1b: {  	s9 =	sadd.s32 $0xFFFFFEF7, lr;
	s5 =	simm.s32 $0xFFFFFFFF;
	p2 =	slt.u32 s8, $0xFFFFF086  }
0x1c: {  	p1 =	slt.u32 s9, $0xF7A;
	s5 =	simm.s32 @!p2 $0x0  }
0x1d: {  	s5 =	simm.s32 @p1 $0x1;
	p0 =	seq.s32 s7, s2  }
0x1e: {  	s7 =	smul.u32 @!p0 $0xF7A, s2;
	p2 =	seq.s32 @!p0 s5, $0x0  }
0x1f: {  	s9 =	smul.u32 $0xF7A, s1;
	s8 =	simm.s32 @!p0 $0x1BF5;
	p2 =	por !p2, p0  }
0x20: {  	[sflag:s8] =	ssyncset.s32 @!p0 $0xFFFFF086;
	s6 =	sadd.s32 @!p0 s3, s7;
	s7 =	simm.s32 @!p0 $0x108  }
0x21: {  	s3 =	sadd.s32 s3, s9;
	s6 =	sadd.s32 @!p0 $0x88, s6;
	s7 =	simm.s32 @p2 $0x1082  }
0x22: {  	[simem:s7], [sflag:s8] =	dma.local @!p0 [hbm:s6], $0xF7A  }
0x23: {  	s9 =	sor.u32 $0xD0000000, s2;
	s6 =	simm.s32 $0x108;
	_ =	swait.ge @!p0 [sflag:s8], $0x0  }
0x24: {  	s3 =	sadd.s32 $0x88, s3;
	s6 =	simm.s32 @!p1 $0x1082;
	[sflag:s4] =	ssyncset.s32 $0xFFFFF086  }
0x25: {  	[simem:s6], [sflag:s4] =	dma.local [hbm:s3], $0xF7A  }
0x26: {  	[smem:$0x3F9D] =	sst s1;
	(tag) =	ssettag s2;
	_ =	strace s9  }
0x27: {  	s1 =	sld [smem:$0x3FAD]  }
0x28: {  	s2 =	sld [smem:$0x3FAE]  }
0x29: {  	s4 =	sld [smem:$0x3FB0]  }
0x2a: {  	p0 =	seq.s32 s5, $0x0;
	s5 =	sld [smem:$0x3FB1]  }
0x2b: {  	s6 =	sld [smem:$0x3FB2]  }
0x2c: {  	s7 =	sld [smem:$0x3FB3]  }
0x2d: {  	s3 =	simm.s32 $0x108;
	s8 =	sld [smem:$0x3FB4]  }
0x2e: {  	s3 =	simm.s32 @!p0 $0x1082;
	s9 =	sld [smem:$0x3FB5]  }
0x2f: {  	lr =	sadd.s32 s0, s3;
	s0 =	sld [smem:$0x3FAC]  }
0x30: {  	s3 =	sld [smem:$0x3FAF]  }
0x31: {  	[smem:$0x3FB8] =	sst s10  }
0x32: {  	s10 =	sld [smem:$0x3FB6];
	_ =	sdelay $0x3  }
0x33: {  	p0 =	seq.s32 s10, $0x1;
	s10 =	sld [smem:$0x3FB8];
	_ =	sdelay $0x3  }
0x34: {  	[smem:$0x3FB8] =	sst s10  }
0x35: {  	s10 =	sld [smem:$0x3FB7];
	_ =	sdelay $0x3  }
0x36: {  	p1 =	seq.s32 s10, $0x1;
	s10 =	sld [smem:$0x3FB8];
	_ =	sdelay $0x3  }
0x37: {  	[smem:$0x3FB8] =	sst s10  }
0x38: {  	s10 =	sld [smem:$0x3FB9]  }
0x39: {  	_ = 	snop;
	(pc) =	sbr.ind lr, $3  }
0x3a: {  	_ = 	snop  }
0x3b: {  	_ = 	snop  }
0x3c: {  	p2 =	seq.s32 s10, $0x1;
	s10 =	sld [smem:$0x3FB8]  }
0x3d: {  	_ =	shalt  }
0x3e: {  	_ =	shalt  }
0x3f: {  	_ =	shalt  }
0x40: {  	_ =	shalt  }
0x41: {  	_ =	shalt  }
0x42: {  	_ =	shalt  }
0x43: {  	_ =	shalt  }
0x44: {  	_ =	shalt  }
0x45: {  	_ =	shalt  }
0x46: {  	_ =	shalt  }
0x47: {  	_ =	shalt  }
0x48: {  	_ =	shalt  }
0x49: {  	_ =	shalt  }
0x4a: {  	_ =	shalt  }
0x4b: {  	_ =	shalt  }
0x4c: {  	_ =	shalt  }
0x4d: {  	_ =	shalt  }
0x4e: {  	_ =	shalt  }
0x4f: {  	_ =	shalt  }
0x50: {  	_ =	shalt  }
0x51: {  	_ =	shalt  }
0x52: {  	_ =	shalt  }
0x53: {  	_ =	shalt  }
0x54: {  	_ =	shalt  }
0x55: {  	_ =	shalt  }
0x56: {  	_ =	shalt  }
0x57: {  	_ =	shalt  }
0x58: {  	_ =	shalt  }
0x59: {  	_ =	shalt  }
0x5a: {  	_ =	shalt  }
0x5b: {  	_ =	shalt  }
0x5c: {  	_ =	shalt  }
0x5d: {  	_ =	shalt  }
0x5e: {  	_ =	shalt  }
0x5f: {  	_ =	shalt  }
0x60: {  	_ =	shalt  }
0x61: {  	_ =	shalt  }
0x62: {  	_ =	shalt  }
0x63: {  	_ =	shalt  }
0x64: {  	_ =	shalt  }
0x65: {  	_ =	shalt  }
0x66: {  	_ =	shalt  }
0x67: {  	_ =	shalt  }
0x68: {  	_ =	shalt  }
0x69: {  	_ =	shalt  }
0x6a: {  	_ =	shalt  }
0x6b: {  	_ =	shalt  }
0x6c: {  	_ =	shalt  }
0x6d: {  	_ =	shalt  }
0x6e: {  	_ =	shalt  }
0x6f: {  	_ =	shalt  }
0x70: {  	_ =	shalt  }
0x71: {  	_ =	shalt  }
0x72: {  	_ =	shalt  }
0x73: {  	_ =	shalt  }
0x74: {  	_ =	shalt  }
0x75: {  	_ =	shalt  }
0x76: {  	_ =	shalt  }
0x77: {  	_ =	shalt  }
0x78: {  	_ =	shalt  }
0x79: {  	_ =	shalt  }
0x7a: {  	_ =	shalt  }
0x7b: {  	_ =	shalt  }
0x7c: {  	_ =	shalt  }
0x7d: {  	_ =	shalt  }
0x7e: {  	_ =	shalt  }
0x7f: {  	_ =	shalt  }
0x80: {  	_ =	shalt  }
0x81: {  	_ =	shalt  }
0x82: {  	_ =	shalt  }
0x83: {  	_ =	shalt  }
0x84: {  	_ =	shalt  }
0x85: {  	_ =	shalt  }
0x86: {  	_ =	shalt  }
0x87: {  	_ =	shalt  }
.Lfunc_end0:
.L_simem_size_0:
called_computation.2_lowered:
.L_overlay_start_0:
0x88: {  	s0 =	sld [smem:$0x3FD9]  }
0x89: {  	s1 =	sld [smem:$0x3FFE];
	_ =	sdelay $0x3  }
0x8a: {  	s0 =	sadd.s32 s1, s0  }
0x8b: {  	[smem:$0x3FC4] =	sst s0  }
0x8c: {  	_ = 	snop  }
0x8d: {  	s0 =	sld [smem:$0x3FD0];
	_ =	sdelay $0x2  }
0x8e: {  	s2 =	simm.s32 $0xB;
	s3 =	simm.s32 $0x10;
	s13 =	sld [smem:$0x3FC8]  }
0x8f: {  	[smem:s3], [sflag:s2] =	dma.local [hbm:s0], $0x1  }
0x90: {  	_ =	swait.eq [sflag:s2], $0x1  }
0x91: {  	[sflag:s2] =	ssyncset.done $0x0  }
0x92: {  	[sflag:s2] =	ssyncadd.s32 $0xFFFFFFFF  }
0x93: {  	s14 =	sld [smem:$0x11];
	(tm) =	ssettm $0x1  }
0x94: {  	s15 =	sld [smem:$0x3FFB];
	_ =	sdelay $0x3  }
0x95: {  	_ =	strace s15  }
0x96: {  	s2 =	sld [smem:$0x3FFC];
	_ =	sdelay $0x3  }
0x97: {  	_ =	strace s2  }
0x98: {  	s2 =	sld [smem:$0x3FFD];
	_ =	sdelay $0x3  }
0x99: {  	_ =	strace s2  }
0x9a: {  	_ =	strace $0x8FFFFFFF  }
0x9b: {  	s16 =	sld [smem:$0x3FDB];
	_ =	sdelay $0x1  }
0x9c: {  	s17 =	simm.s32 $_scs_section_size  }
0x9d: {  	s4 =	simm.s32 $_size__tile_overlayer_lowered;
	s5 =	simm.s32 $_tile_overlayer_lowered  }
0x9e: {  	s20 =	simm.s32 $0x1BFF;
	s19 =	sshll.u32 s5, $0x1;
	s2 =	sadd.s32 s17, s16  }
0x9f: {  	s6 =	simm.s32 $0x0;
	s18 =	sshll.u32 s4, $0x1;
	s4 =	sadd.s32 s19, s2  }
0xa0: {  	[timem:s6], [sflag:s20] =	dma.local [hbm:s4], s18  }
0xa1: {  	_ =	swait.ge [sflag:s20], s18  }
0xa2: {  	s3 =	ssub.s32 $0x0, s18;
	[sflag:s20] =	ssyncset.done $0x0  }
0xa3: {  	[sflag:s20] =	ssyncadd.s32 s3;
	_ =	sdelay $0x1  }
0xa4: {  	s21 =	simm.s32 $0x1B8B  }
0xa5: {  	_ =	swait.ge [sflag:s21], $0x1  }
0xa6: {  	[sflag:s21] =	ssyncset.done $0x0  }
0xa7: {  	s23 =	simm.s32 $0x1B8E;
	s22 =	sld [smem:$0x3FFE];
	[sflag:s21] =	ssyncadd.s32 $0xFFFFFFFF  }
0xa8: {  	s24 =	simm.s32 $execute0_lowered;
	[smem:$0x3FD2] =	sst s23  }
0xa9: {  	s4 =	sshll.u32 s24, $0x1;
	_ =	strace $0x80000049;
	[dreg:$0x1] =	wrdreg $0xFFFFFFFF  }
0xaa: {  	s25 =	simm.s32 $_size_execute0_lowered;
	s2 =	sadd.s32 s2, s4;
	[dreg:$0x0] =	wrdreg $0x0  }
0xab: {  	s4 =	sshll.u32 s25, $0x1;
	[dreg:$0x2] =	wrdreg s2  }
0xac: {  	[dreg:$0x3] =	wrdreg s4  }
0xad: {  	[dreg:$0x4] =	wrdreg $0xC0  }
0xae: {  	_ =	task [dreg:s6], $0x5FFFF  }
0xaf: {  	[dreg:$0x1] =	wrdreg $0xFFFFFFFF  }
0xb0: {  	[dreg:$0x0] =	wrdreg $0x60  }
0xb1: {  	[dreg:$0x2] =	wrdreg s13  }
0xb2: {  	[dreg:$0x3] =	wrdreg s14  }
0xb3: {  	[dreg:$0x4] =	wrdreg s22  }
0xb4: {  	[dreg:$0x5] =	wrdreg $0x9  }
0xb5: {  	_ =	task.clear_ibuf [dreg:s6], $0x6FFFF;
	_ =	strace $0x90000049  }
0xb6: {  	s26 =	simm.s32 $0x9;
	_ =	strace $0x8000004B  }
0xb7: {  	_ =	swait.ge [sflag:s26], $0x1  }
0xb8: {  	[sflag:s26] =	ssyncadd.s32 $0xFFFFFFFF  }
0xb9: {  	_ =	strace $0x9000004B  }
0xba: {  	_ =	sfence  }
0xbb: {  	s28 =	sld [smem:$0x0];
	_ =	sdelay $0x1  }
0xbc: {  	s29 =	srdreg.scid  }
0xbd: {  	s30 =	sshll.u32 s29, $0xD;
	s31 =	sshrl.u32 s29, $0x2  }
0xbe: {  	s1 =	sand.u32 $0x1, s29;
	s2 =	sand.u32 $0x4000, s30;
	s0 =	sadd.s32 s31, s28  }
0xbf: {  	s1 =	sor.u32 s2, s1;
	s0 =	sshll.u32 s0, $0x11  }
0xc0: {  	s0 =	sor.u32 s0, s1  }
0xc1: {  	s0 =	sadd.s32 $0x8F2B, s0  }
0xc2: {  	[sflag:s0] =	ssyncadd.remote.s32 $0x1  }
0xc3: {  	_ =	sfence.sel $0xFFFF  }
0xc4: {  	[dreg:$0x0] =	wrdreg $0xFFFFFFFF;
	(pc) =	sbr.abs _section_cstart, $3  }
0xc5: {  	[dreg:$0x1] =	wrdreg $0xFFFFFFFF  }
0xc6: {  	_ =	task.clear_ibuf [dreg:s6], $0x2FFFF;
	_ =	strace $0x9FFFFFFF  }
0xc7: {  	(tm) =	ssettm $0x7FFFFFFF  }
tec
execute0_lowered:
.L_overlay_start_1:
0x0: {  	(tag) =	ssettag $0x1  }
0x1: {  	s2 =	rddreg [dreg:$0x0]  }
0x2: {  	s3 =	rddreg [dreg:$0x1]  }
0x3: {  	s8 =	rddreg [dreg:$0x2]  }
0x4: {  	s0 =	rddreg [dreg:$0x3];
	s1 =	stileid.u32;
	_ =	strace $0x8000004A  }
0x5: {  	s5 =	simm.s32 $0x1;
	s6 =	simm.s32 $0x4B00;
	s9 =	simm.s32 $0x1  }
0x6: {  	s10 =	simm.s32 $0x3;
	s13 =	simm.s32 $0x0;
	s4 =	smul.u32 $0x4B0, s1  }
0x7: {  	s12 =	simm.s32 $0x0;
	p0 =	slt.u32 s1, $0xA;
	[sflag:s5] =	ssyncpa.u1 $0x0  }
.Ltmp0:
0x8: {  	s6 =	simm.s32 @!p0 $0x0;
	s7 =	ssub.s32 $0x7530, s4;
	(pc) =	sbr.rel .LBB2_1-.Ltmp0, $4  }
0x9: {  	s9 =	simm.s32 @!p0 $0x0;
	p0 =	sne.s32 s7, s6;
	s7 =	simm.s32 $0x1  }
0xa: {  	s8 =	sadd.s32 $0x3A00, s8;
	s6 =	simm.s32 $0x2;
	s7 =	simm.s32 @!p0 $0x0  }
0xb: {  	s11 =	smov.u32 s4;
	[sflag:s6] =	ssyncpa.u1 $0x0;
	s7 =	sadd.s32 s9, s7  }
0xc: {  	vm0 =	vmmov $0xffff;
	[sflag:s10] =	ssyncpa.u1 $0x0;
	s10 =	simm.s32 $0x0;
	s9 =	sadd.s32 $0x1, s7  }
.LBB2_4:
0xd: {  	v2 =	vnsel vm1, $0x0, v2  }
0xe: {  	vm1 =	vgt.s32 v0, $0x0;
	v2 =	vmin.u32 v2, $0x752F  }
0xf: {  	v0 =	vnsel vm1, $0x0, v0  }
0x10: {  	v0 =	vmin.u32 v0, $0x752F  }
0x11: {  	[tilespmem:s18], [sflag:$0x1] =	stream.indirect_vreg.gather [hbm4b:s2+s10], $0x1, v1, vm0, $0x4038;
	[tilespmem:$0x12C0] =	vst v63  }
0x12: {  	(ifvalue) =	ssetifvalue $0x7FFFFFFF  }
0x13: {  	[tilespmem:s15], [sflag:$0x1] =	stream.indirect_vreg.gather [hbm4b:s2+s10], $0x1, v2, vm0, $0x4038;
	[tilespmem:$0x12C0] =	vst v63  }
0x14: {  	s29 =	sadd.s32 $0x10, s15;
	(ifvalue) =	ssetifvalue $0x7FFFFFFF  }
0x15: {  	[tilespmem:s29], [sflag:$0x1] =	stream.indirect_vreg.gather [hbm4b:s2+s10], $0x1, v0, vm0, $0x4038;
	[tilespmem:$0x12C0] =	vst v63  }
0x16: {  	_ =	swait.ge [sflag:s5], $0x4B0  }
0x17: {  	s30 =	sshrl.u32 s13, $0x3;
	[sflag:s5] =	ssyncset.done $0x0  }
0x18: {  	s31 =	sand.u32 $0x7, s13;
	s15 =	sadd.s32 s8, s30;
	[sflag:s5] =	ssyncadd.s32 $0xFFFFFB50  }
0x19: {  	[hbm4b:s15+s31] =	stream.linear.scatter [tilespmem:s14], [sflag:$0x3], $0x4B0, $0x38;
	[tilespmem:$0x12C0] =	vst v63  }
.LBB2_5:
0x1a: {  	s15 =	sadd.s32 $0x4B00, s11  }
0x1b: {  	p1 =	sgt.s32 s15, $0x752F  }
0x1c: {  	s15 =	smov.u32 @p1 s4;
	p1 =	sne.s32 s12, s9  }
.Ltmp1:
0x1d: {  	p0 =	slt.u32 s12, $0x2;
	(pc) =	sbr.rel @!p1 .LBB2_6-.Ltmp1, $4  }
0x1e: {  	s14 =	simm.s32 @!p0 $0x3  }
0x1f: {  	_ =	swait.ge @!p0 [sflag:s14], $0x4B0  }
0x20: {  	s16 =	sadd.s32 $0x1, s12;
	s13 =	smov.u32 s11;
	[sflag:s14] =	ssyncset.done @!p0 $0x0  }
0x21: {  	s12 =	smov.u32 s16;
	s11 =	smov.u32 s15;
	[sflag:s14] =	ssyncadd.s32 @!p0 $0xFFFFFB50  }
.LBB2_1:
0x22: {  	p0 =	sge.u32 s12, s7  }
0x23: {  	s14 =	sxor.u32 @!p0 $0x1, s12  }
0x24: {  	s14 =	smul.u32 @!p0 $0x12C0, s14  }
0x25: {  	s31 =	sadd.s32 $0xFFFFFFFF, s12;
	s15 =	sshrl.u32 @!p0 s11, $0x3  }
0x26: {  	s16 =	sand.u32 @!p0 $0x7, s11;
	s15 =	sadd.s32 @!p0 s3, s15;
	s14 =	sshra.s32 @!p0 s14, $0x2  }
0x27: {  	[tilespmem:s14], [sflag:$0x2] =	stream.linear.gather @!p0 [hbm4b:s15+s16], $0x4B0, $0x38;
	[tilespmem:$0x12C0] =	vst v63  }
0x28: {  	p0 =	sge.u32 s31, s7  }
.Ltmp2:
0x29: {  	_ = 	snop;
	(pc) =	sbr.rel @p0 .LBB2_5-.Ltmp2, $1  }
0x2a: {  	_ =	sdelay $0x3  }
0x2b: {  	s14 =	sand.u32 $0x1, s12  }
0x2c: {  	_ =	swait.ge [sflag:s6], $0x4B0;
	p0 =	seq.s32 s14, $0x1;
	s14 =	simm.s32 $0x4B0  }
0x2d: {  	[sflag:s6] =	ssyncset.done $0x0;
	s14 =	simm.s32 @!p0 $0x0  }
0x2e: {  	[sflag:s6] =	ssyncadd.s32 $0xFFFFFB50;
	(ifvalue) =	ssetifvalue $0x7FFFFFFF;
	v0 =	vld.msk [tilespmem:s14+$0x0 ss:$0x1], $0xffff;
	_ =	sdelay $0x4  }
0x2f: {  	s15 =	sadd.s32 $0x10, s14;
	vm1 =	vgt.s32 v0, $0x0  }
0x30: {  	v2 =	vld.msk [tilespmem:s15+$0x0 ss:$0x1], $0xffff;
	v1 =	vnsel vm1, $0x0, v0  }
0x31: {  	v1 =	vmin.u32 v1, $0x752F;
	_ =	sdelay $0x2  }
0x32: {  	s17 =	simm.s32 $0x20;
	s14 =	sadd.s32 $0x960, s14;
	s16 =	sadd.s32 $0x10, s15  }
0x33: {  	s15 =	sadd.s32 $0x10, s14;
	s18 =	smov.u32 s14;
	v0 =	vld.msk [tilespmem:s16+$0x0 ss:$0x1], $0xffff;
	vm1 =	vgt.s32 v2, $0x0;
	(ifvalue) =	ssetifvalue $0x7FFFFFFF  }
.LBB2_3:
0x34: {  	[tilespmem:s18], [sflag:$0x1] =	stream.indirect_vreg.gather [hbm4b:s2+s10], $0x1, v1, vm0, $0x4038;
	[tilespmem:$0x12C0] =	vst v63  }
0x35: {  	s17 =	sadd.s32 $0x10, s17  }
0x36: {  	v2 =	vnsel vm1, $0x0, v2;
	p0 =	slt.u32 s17, $0x4A0  }
.Ltmp3:
0x37: {  	s18 =	smov.u32 s15;
	v1 =	vmin.u32 v2, $0x752F;
	(pc) =	sbr.rel @p0 .LBB2_3-.Ltmp3, $3  }
0x38: {  	_ =	sdelay $0x1  }
0x39: {  	s16 =	sadd.s32 $0x10, s16  }
0x3a: {  	vm1 =	vgt.s32 v0, $0x0;
	s15 =	sadd.s32 $0x10, s15;
	v2 =	vmov v0;
	(ifvalue) =	ssetifvalue $0x7FFFFFFF;
	v0 =	vld.msk [tilespmem:s16+$0x0 ss:$0x1], $0xffff  }
.Ltmp4:
0x3b: {  	_ = 	snop;
	(pc) =	sbr.rel .LBB2_4-.Ltmp4, $1  }
0x3c: {  	_ =	sdelay $0x3  }
.LBB2_6:
0x3d: {  	_ =	sfence.sel $0x180000  }
0x3e: {  	s2 =	simm.s32 $0x2;
	[bflag:$0x0] =	sbarrier.arrive $0xFFFF  }
0x3f: {  	s30 =	simm.s32 $0x3;
	[sflag:s2] =	ssyncpa.u1 $0x1  }
0x40: {  	s31 =	simm.s32 $0x1;
	[sflag:s30] =	ssyncpa.u1 $0x1  }
0x41: {  	[sflag:s31] =	ssyncpa.u1 $0x1  }
0x42: {  	p0 =	sne.s32 s1, $0x0;
	_ =	strace $0x9000004A  }
0x43: {  	s0 =	sadd.s32 @!p0 $0x100000, s0;
	[bflag:$0x2] =	sbarrier.arrive $0xFFFF  }
0x44: {  	[sflag:s0] =	ssyncadd.tile.s32 @!p0 $0x1;
	_ =	shalt  }
.Lfunc_end2:
_tile_overlayer_lowered:
.L_overlay_start_2:
0x45: {  	(tag) =	ssettag $0x2  }
0x46: {  	s0 =	rddreg [dreg:$0x0];
	s2 =	stileid.u32  }
0x47: {  	s1 =	rddreg [dreg:$0x1];
	p0 =	sne.s32 s2, $0x0  }
0x48: {  	s3 =	rddreg [dreg:$0x2];
	[bflag:$0x3] =	sbarrier.arrive $0xFFFF;
	s2 =	simm.s32 @!p0 $0x1C01  }
0x49: {  	[timem:s3], [sflag:s2] =	dma.local @!p0 [hbm:s0], s1  }
0x4a: {  	s0 =	simm.s32 @!p0 $0x1  }
0x4b: {  	_ =	swait.ge @!p0 [sflag:s0], s1  }
0x4c: {  	s1 =	ssub.s32 @!p0 $0x0, s1;
	[sflag:s0] =	ssyncset.done @!p0 $0x0  }
0x4d: {  	[sflag:s0] =	ssyncadd.s32 @!p0 s1  }
0x4e: {  	[bflag:$0x3] =	sbarrier.arrive $0xFFFF  }
0x4f: {  	_ =	shalt  }

// kernel: gather_offload_async_start
scs
__scs_entry_jumppad:
0x0: {  	(pc) =	sbr.rel $0x88, $3  }
0x1: {  	(tag) =	ssettag $0x0;
	lr =	simm.s32 $0x1  }
0x2: {  	[smem:$0x3F9D] =	sst lr;
	_ =	strace $0xD0000000  }
0x3: {  	_ = 	snop  }
0x4: {  	_ = 	snop  }
0x5: {  	_ = 	snop  }
0x6: {  	_ = 	snop  }
0x7: {  	_ = 	snop  }
__scs_overlays_trampoline_lowered:
0x8: {  	[smem:$0x3FAC] =	sst s0  }
0x9: {  	[smem:$0x3FAD] =	sst s1  }
0xa: {  	[smem:$0x3FAE] =	sst s2  }
0xb: {  	[smem:$0x3FAF] =	sst s3  }
0xc: {  	[smem:$0x3FB0] =	sst s4  }
0xd: {  	[smem:$0x3FB1] =	sst s5  }
0xe: {  	[smem:$0x3FB2] =	sst s6  }
0xf: {  	[smem:$0x3FB3] =	sst s7  }
0x10: {  	[smem:$0x3FB4] =	sst s8  }
0x11: {  	[smem:$0x3FB5] =	sst s9;
	s0 =	simm.s32 @!p0 $0x0  }
0x12: {  	s1 =	sld [smem:$0x3F9B];
	s0 =	simm.s32 @p0 $0x1  }
0x13: {  	[smem:$0x3FB6] =	sst s0;
	s0 =	simm.s32 @!p1 $0x0  }
0x14: {  	s2 =	sld [smem:$0x3F9A];
	s0 =	simm.s32 @p1 $0x1  }
0x15: {  	[smem:$0x3FB7] =	sst s0;
	s0 =	simm.s32 @!p2 $0x0  }
0x16: {  	s3 =	sld [smem:$0x3FDB];
	s0 =	simm.s32 @p2 $0x1  }
0x17: {  	s4 =	simm.s32 $0x1BF5;
	[smem:$0x3FB9] =	sst s0  }
0x18: {  	s0 =	sld [smem:$0x3F9C];
	_ =	swait.ge [sflag:s4], $0x0  }
0x19: {  	s7 =	sld [smem:$0x3F9D]  }
0x1a: {  	s8 =	sadd.s32 $0xFFFFE003, lr  }
0x1b: {  	s9 =	sadd.s32 $0xFFFFFEF7, lr;
	s5 =	simm.s32 $0xFFFFFFFF;
	p2 =	slt.u32 s8, $0xFFFFF086  }
0x1c: {  	p1 =	slt.u32 s9, $0xF7A;
	s5 =	simm.s32 @!p2 $0x0  }
0x1d: {  	s5 =	simm.s32 @p1 $0x1;
	p0 =	seq.s32 s7, s2  }
0x1e: {  	s7 =	smul.u32 @!p0 $0xF7A, s2;
	p2 =	seq.s32 @!p0 s5, $0x0  }
0x1f: {  	s9 =	smul.u32 $0xF7A, s1;
	s8 =	simm.s32 @!p0 $0x1BF5;
	p2 =	por !p2, p0  }
0x20: {  	[sflag:s8] =	ssyncset.s32 @!p0 $0xFFFFF086;
	s6 =	sadd.s32 @!p0 s3, s7;
	s7 =	simm.s32 @!p0 $0x108  }
0x21: {  	s3 =	sadd.s32 s3, s9;
	s6 =	sadd.s32 @!p0 $0x88, s6;
	s7 =	simm.s32 @p2 $0x1082  }
0x22: {  	[simem:s7], [sflag:s8] =	dma.local @!p0 [hbm:s6], $0xF7A  }
0x23: {  	s9 =	sor.u32 $0xD0000000, s2;
	s6 =	simm.s32 $0x108;
	_ =	swait.ge @!p0 [sflag:s8], $0x0  }
0x24: {  	s3 =	sadd.s32 $0x88, s3;
	s6 =	simm.s32 @!p1 $0x1082;
	[sflag:s4] =	ssyncset.s32 $0xFFFFF086  }
0x25: {  	[simem:s6], [sflag:s4] =	dma.local [hbm:s3], $0xF7A  }
0x26: {  	[smem:$0x3F9D] =	sst s1;
	(tag) =	ssettag s2;
	_ =	strace s9  }
0x27: {  	s1 =	sld [smem:$0x3FAD]  }
0x28: {  	s2 =	sld [smem:$0x3FAE]  }
0x29: {  	s4 =	sld [smem:$0x3FB0]  }
0x2a: {  	p0 =	seq.s32 s5, $0x0;
	s5 =	sld [smem:$0x3FB1]  }
0x2b: {  	s6 =	sld [smem:$0x3FB2]  }
0x2c: {  	s7 =	sld [smem:$0x3FB3]  }
0x2d: {  	s3 =	simm.s32 $0x108;
	s8 =	sld [smem:$0x3FB4]  }
0x2e: {  	s3 =	simm.s32 @!p0 $0x1082;
	s9 =	sld [smem:$0x3FB5]  }
0x2f: {  	lr =	sadd.s32 s0, s3;
	s0 =	sld [smem:$0x3FAC]  }
0x30: {  	s3 =	sld [smem:$0x3FAF]  }
0x31: {  	[smem:$0x3FB8] =	sst s10  }
0x32: {  	s10 =	sld [smem:$0x3FB6];
	_ =	sdelay $0x3  }
0x33: {  	p0 =	seq.s32 s10, $0x1;
	s10 =	sld [smem:$0x3FB8];
	_ =	sdelay $0x3  }
0x34: {  	[smem:$0x3FB8] =	sst s10  }
0x35: {  	s10 =	sld [smem:$0x3FB7];
	_ =	sdelay $0x3  }
0x36: {  	p1 =	seq.s32 s10, $0x1;
	s10 =	sld [smem:$0x3FB8];
	_ =	sdelay $0x3  }
0x37: {  	[smem:$0x3FB8] =	sst s10  }
0x38: {  	s10 =	sld [smem:$0x3FB9]  }
0x39: {  	_ = 	snop;
	(pc) =	sbr.ind lr, $3  }
0x3a: {  	_ = 	snop  }
0x3b: {  	_ = 	snop  }
0x3c: {  	p2 =	seq.s32 s10, $0x1;
	s10 =	sld [smem:$0x3FB8]  }
0x3d: {  	_ =	shalt  }
0x3e: {  	_ =	shalt  }
0x3f: {  	_ =	shalt  }
0x40: {  	_ =	shalt  }
0x41: {  	_ =	shalt  }
0x42: {  	_ =	shalt  }
0x43: {  	_ =	shalt  }
0x44: {  	_ =	shalt  }
0x45: {  	_ =	shalt  }
0x46: {  	_ =	shalt  }
0x47: {  	_ =	shalt  }
0x48: {  	_ =	shalt  }
0x49: {  	_ =	shalt  }
0x4a: {  	_ =	shalt  }
0x4b: {  	_ =	shalt  }
0x4c: {  	_ =	shalt  }
0x4d: {  	_ =	shalt  }
0x4e: {  	_ =	shalt  }
0x4f: {  	_ =	shalt  }
0x50: {  	_ =	shalt  }
0x51: {  	_ =	shalt  }
0x52: {  	_ =	shalt  }
0x53: {  	_ =	shalt  }
0x54: {  	_ =	shalt  }
0x55: {  	_ =	shalt  }
0x56: {  	_ =	shalt  }
0x57: {  	_ =	shalt  }
0x58: {  	_ =	shalt  }
0x59: {  	_ =	shalt  }
0x5a: {  	_ =	shalt  }
0x5b: {  	_ =	shalt  }
0x5c: {  	_ =	shalt  }
0x5d: {  	_ =	shalt  }
0x5e: {  	_ =	shalt  }
0x5f: {  	_ =	shalt  }
0x60: {  	_ =	shalt  }
0x61: {  	_ =	shalt  }
0x62: {  	_ =	shalt  }
0x63: {  	_ =	shalt  }
0x64: {  	_ =	shalt  }
0x65: {  	_ =	shalt  }
0x66: {  	_ =	shalt  }
0x67: {  	_ =	shalt  }
0x68: {  	_ =	shalt  }
0x69: {  	_ =	shalt  }
0x6a: {  	_ =	shalt  }
0x6b: {  	_ =	shalt  }
0x6c: {  	_ =	shalt  }
0x6d: {  	_ =	shalt  }
0x6e: {  	_ =	shalt  }
0x6f: {  	_ =	shalt  }
0x70: {  	_ =	shalt  }
0x71: {  	_ =	shalt  }
0x72: {  	_ =	shalt  }
0x73: {  	_ =	shalt  }
0x74: {  	_ =	shalt  }
0x75: {  	_ =	shalt  }
0x76: {  	_ =	shalt  }
0x77: {  	_ =	shalt  }
0x78: {  	_ =	shalt  }
0x79: {  	_ =	shalt  }
0x7a: {  	_ =	shalt  }
0x7b: {  	_ =	shalt  }
0x7c: {  	_ =	shalt  }
0x7d: {  	_ =	shalt  }
0x7e: {  	_ =	shalt  }
0x7f: {  	_ =	shalt  }
0x80: {  	_ =	shalt  }
0x81: {  	_ =	shalt  }
0x82: {  	_ =	shalt  }
0x83: {  	_ =	shalt  }
0x84: {  	_ =	shalt  }
0x85: {  	_ =	shalt  }
0x86: {  	_ =	shalt  }
0x87: {  	_ =	shalt  }
.Lfunc_end0:
.L_simem_size_0:
called_computation.1_lowered:
.L_overlay_start_0:
0x88: {  	s0 =	sld [smem:$0x3FD9]  }
0x89: {  	s1 =	sld [smem:$0x3FFE];
	_ =	sdelay $0x3  }
0x8a: {  	s0 =	sadd.s32 s1, s0  }
0x8b: {  	[smem:$0x3FC4] =	sst s0  }
0x8c: {  	_ = 	snop  }
0x8d: {  	s0 =	sld [smem:$0x3FD0];
	_ =	sdelay $0x2  }
0x8e: {  	s2 =	simm.s32 $0xB;
	s3 =	simm.s32 $0x10;
	s13 =	sld [smem:$0x3FC7]  }
0x8f: {  	[smem:s3], [sflag:s2] =	dma.local [hbm:s0], $0x1  }
0x90: {  	_ =	swait.eq [sflag:s2], $0x1  }
0x91: {  	[sflag:s2] =	ssyncset.done $0x0  }
0x92: {  	[sflag:s2] =	ssyncadd.s32 $0xFFFFFFFF  }
0x93: {  	s14 =	sld [smem:$0x11];
	(tm) =	ssettm $0x1  }
0x94: {  	s15 =	sld [smem:$0x3FFB];
	_ =	sdelay $0x3  }
0x95: {  	_ =	strace s15  }
0x96: {  	s2 =	sld [smem:$0x3FFC];
	_ =	sdelay $0x3  }
0x97: {  	_ =	strace s2  }
0x98: {  	s2 =	sld [smem:$0x3FFD];
	_ =	sdelay $0x3  }
0x99: {  	_ =	strace s2  }
0x9a: {  	_ =	strace $0x8FFFFFFF  }
0x9b: {  	s16 =	sld [smem:$0x3FDB];
	_ =	sdelay $0x1  }
0x9c: {  	s17 =	simm.s32 $_scs_section_size  }
0x9d: {  	s4 =	simm.s32 $_size__tile_overlayer_lowered;
	s5 =	simm.s32 $_tile_overlayer_lowered  }
0x9e: {  	s20 =	simm.s32 $0x1BFF;
	s19 =	sshll.u32 s5, $0x1;
	s2 =	sadd.s32 s17, s16  }
0x9f: {  	s6 =	simm.s32 $0x0;
	s18 =	sshll.u32 s4, $0x1;
	s4 =	sadd.s32 s19, s2  }
0xa0: {  	[timem:s6], [sflag:s20] =	dma.local [hbm:s4], s18  }
0xa1: {  	_ =	swait.ge [sflag:s20], s18  }
0xa2: {  	s3 =	ssub.s32 $0x0, s18;
	[sflag:s20] =	ssyncset.done $0x0  }
0xa3: {  	[sflag:s20] =	ssyncadd.s32 s3;
	_ =	sdelay $0x1  }
0xa4: {  	s21 =	simm.s32 $0x1B8B  }
0xa5: {  	_ =	swait.ge [sflag:s21], $0x1  }
0xa6: {  	[sflag:s21] =	ssyncset.done $0x0  }
0xa7: {  	s23 =	simm.s32 $0x1B8E;
	s22 =	sld [smem:$0x3FFE];
	[sflag:s21] =	ssyncadd.s32 $0xFFFFFFFF  }
0xa8: {  	s24 =	simm.s32 $execute0_lowered;
	[smem:$0x3FD2] =	sst s23  }
0xa9: {  	s4 =	sshll.u32 s24, $0x1;
	_ =	strace $0x80000046;
	[dreg:$0x1] =	wrdreg $0xFFFFFFFF  }
0xaa: {  	s25 =	simm.s32 $_size_execute0_lowered;
	s2 =	sadd.s32 s2, s4;
	[dreg:$0x0] =	wrdreg $0x0  }
0xab: {  	s4 =	sshll.u32 s25, $0x1;
	[dreg:$0x2] =	wrdreg s2  }
0xac: {  	[dreg:$0x3] =	wrdreg s4  }
0xad: {  	[dreg:$0x4] =	wrdreg $0xC0  }
0xae: {  	_ =	task [dreg:s6], $0x5FFFF  }
0xaf: {  	[dreg:$0x1] =	wrdreg $0xFFFFFFFF  }
0xb0: {  	[dreg:$0x0] =	wrdreg $0x60  }
0xb1: {  	[dreg:$0x2] =	wrdreg s13  }
0xb2: {  	[dreg:$0x3] =	wrdreg s14  }
0xb3: {  	[dreg:$0x4] =	wrdreg s22  }
0xb4: {  	[dreg:$0x5] =	wrdreg $0xA  }
0xb5: {  	_ =	task.clear_ibuf [dreg:s6], $0x6FFFF;
	_ =	strace $0x90000046  }
0xb6: {  	s26 =	simm.s32 $0xA;
	_ =	strace $0x80000048  }
0xb7: {  	_ =	swait.ge [sflag:s26], $0x1  }
0xb8: {  	[sflag:s26] =	ssyncadd.s32 $0xFFFFFFFF  }
0xb9: {  	_ =	strace $0x90000048  }
0xba: {  	_ =	sfence  }
0xbb: {  	s28 =	sld [smem:$0x0];
	_ =	sdelay $0x1  }
0xbc: {  	s29 =	srdreg.scid  }
0xbd: {  	s30 =	sshll.u32 s29, $0xD;
	s31 =	sshrl.u32 s29, $0x2  }
0xbe: {  	s1 =	sand.u32 $0x1, s29;
	s2 =	sand.u32 $0x4000, s30;
	s0 =	sadd.s32 s31, s28  }
0xbf: {  	s1 =	sor.u32 s2, s1;
	s0 =	sshll.u32 s0, $0x11  }
0xc0: {  	s0 =	sor.u32 s0, s1  }
0xc1: {  	s0 =	sadd.s32 $0x8F2B, s0  }
0xc2: {  	[sflag:s0] =	ssyncadd.remote.s32 $0x1  }
0xc3: {  	_ =	sfence.sel $0xFFFF  }
0xc4: {  	[dreg:$0x0] =	wrdreg $0xFFFFFFFF;
	(pc) =	sbr.abs _section_cstart, $3  }
0xc5: {  	[dreg:$0x1] =	wrdreg $0xFFFFFFFF  }
0xc6: {  	_ =	task.clear_ibuf [dreg:s6], $0x2FFFF;
	_ =	strace $0x9FFFFFFF  }
0xc7: {  	(tm) =	ssettm $0x7FFFFFFF  }
tec
execute0_lowered:
.L_overlay_start_1:
0x0: {  	(tag) =	ssettag $0x1  }
0x1: {  	s2 =	rddreg [dreg:$0x0]  }
0x2: {  	s3 =	rddreg [dreg:$0x1]  }
0x3: {  	s8 =	rddreg [dreg:$0x2]  }
0x4: {  	s0 =	rddreg [dreg:$0x3];
	s1 =	stileid.u32;
	_ =	strace $0x80000047  }
0x5: {  	s5 =	simm.s32 $0x1;
	s6 =	simm.s32 $0x4B00;
	s9 =	simm.s32 $0x1  }
0x6: {  	s10 =	simm.s32 $0x3;
	s13 =	simm.s32 $0x0;
	s4 =	smul.u32 $0x4B0, s1  }
0x7: {  	s12 =	simm.s32 $0x0;
	p0 =	slt.u32 s1, $0xA;
	[sflag:s5] =	ssyncpa.u1 $0x0  }
.Ltmp0:
0x8: {  	s6 =	simm.s32 @!p0 $0x0;
	s7 =	ssub.s32 $0x7530, s4;
	(pc) =	sbr.rel .LBB2_1-.Ltmp0, $4  }
0x9: {  	s9 =	simm.s32 @!p0 $0x0;
	p0 =	sne.s32 s7, s6;
	s7 =	simm.s32 $0x1  }
0xa: {  	s8 =	sadd.s32 $0x2A00, s8;
	s6 =	simm.s32 $0x2;
	s7 =	simm.s32 @!p0 $0x0  }
0xb: {  	s11 =	smov.u32 s4;
	[sflag:s6] =	ssyncpa.u1 $0x0;
	s7 =	sadd.s32 s9, s7  }
0xc: {  	vm0 =	vmmov $0xffff;
	[sflag:s10] =	ssyncpa.u1 $0x0;
	s10 =	simm.s32 $0x0;
	s9 =	sadd.s32 $0x1, s7  }
.LBB2_4:
0xd: {  	v2 =	vnsel vm1, $0x0, v2  }
0xe: {  	vm1 =	vgt.s32 v0, $0x0;
	v2 =	vmin.u32 v2, $0x752F  }
0xf: {  	v0 =	vnsel vm1, $0x0, v0  }
0x10: {  	v0 =	vmin.u32 v0, $0x752F  }
0x11: {  	[tilespmem:s18], [sflag:$0x1] =	stream.indirect_vreg.gather [hbm4b:s2+s10], $0x1, v1, vm0, $0x4038;
	[tilespmem:$0x12C0] =	vst v63  }
0x12: {  	(ifvalue) =	ssetifvalue $0x7FFFFFFF  }
0x13: {  	[tilespmem:s15], [sflag:$0x1] =	stream.indirect_vreg.gather [hbm4b:s2+s10], $0x1, v2, vm0, $0x4038;
	[tilespmem:$0x12C0] =	vst v63  }
0x14: {  	s29 =	sadd.s32 $0x10, s15;
	(ifvalue) =	ssetifvalue $0x7FFFFFFF  }
0x15: {  	[tilespmem:s29], [sflag:$0x1] =	stream.indirect_vreg.gather [hbm4b:s2+s10], $0x1, v0, vm0, $0x4038;
	[tilespmem:$0x12C0] =	vst v63  }
0x16: {  	_ =	swait.ge [sflag:s5], $0x4B0  }
0x17: {  	s30 =	sshrl.u32 s13, $0x3;
	[sflag:s5] =	ssyncset.done $0x0  }
0x18: {  	s31 =	sand.u32 $0x7, s13;
	s15 =	sadd.s32 s8, s30;
	[sflag:s5] =	ssyncadd.s32 $0xFFFFFB50  }
0x19: {  	[hbm4b:s15+s31] =	stream.linear.scatter [tilespmem:s14], [sflag:$0x3], $0x4B0, $0x38;
	[tilespmem:$0x12C0] =	vst v63  }
.LBB2_5:
0x1a: {  	s15 =	sadd.s32 $0x4B00, s11  }
0x1b: {  	p1 =	sgt.s32 s15, $0x752F  }
0x1c: {  	s15 =	smov.u32 @p1 s4;
	p1 =	sne.s32 s12, s9  }
.Ltmp1:
0x1d: {  	p0 =	slt.u32 s12, $0x2;
	(pc) =	sbr.rel @!p1 .LBB2_6-.Ltmp1, $4  }
0x1e: {  	s14 =	simm.s32 @!p0 $0x3  }
0x1f: {  	_ =	swait.ge @!p0 [sflag:s14], $0x4B0  }
0x20: {  	s16 =	sadd.s32 $0x1, s12;
	s13 =	smov.u32 s11;
	[sflag:s14] =	ssyncset.done @!p0 $0x0  }
0x21: {  	s12 =	smov.u32 s16;
	s11 =	smov.u32 s15;
	[sflag:s14] =	ssyncadd.s32 @!p0 $0xFFFFFB50  }
.LBB2_1:
0x22: {  	p0 =	sge.u32 s12, s7  }
0x23: {  	s14 =	sxor.u32 @!p0 $0x1, s12  }
0x24: {  	s14 =	smul.u32 @!p0 $0x12C0, s14  }
0x25: {  	s31 =	sadd.s32 $0xFFFFFFFF, s12;
	s15 =	sshrl.u32 @!p0 s11, $0x3  }
0x26: {  	s16 =	sand.u32 @!p0 $0x7, s11;
	s15 =	sadd.s32 @!p0 s3, s15;
	s14 =	sshra.s32 @!p0 s14, $0x2  }
0x27: {  	[tilespmem:s14], [sflag:$0x2] =	stream.linear.gather @!p0 [hbm4b:s15+s16], $0x4B0, $0x38;
	[tilespmem:$0x12C0] =	vst v63  }
0x28: {  	p0 =	sge.u32 s31, s7  }
.Ltmp2:
0x29: {  	_ = 	snop;
	(pc) =	sbr.rel @p0 .LBB2_5-.Ltmp2, $1  }
0x2a: {  	_ =	sdelay $0x3  }
0x2b: {  	s14 =	sand.u32 $0x1, s12  }
0x2c: {  	_ =	swait.ge [sflag:s6], $0x4B0;
	p0 =	seq.s32 s14, $0x1;
	s14 =	simm.s32 $0x4B0  }
0x2d: {  	[sflag:s6] =	ssyncset.done $0x0;
	s14 =	simm.s32 @!p0 $0x0  }
0x2e: {  	[sflag:s6] =	ssyncadd.s32 $0xFFFFFB50;
	(ifvalue) =	ssetifvalue $0x7FFFFFFF;
	v0 =	vld.msk [tilespmem:s14+$0x0 ss:$0x1], $0xffff;
	_ =	sdelay $0x4  }
0x2f: {  	s15 =	sadd.s32 $0x10, s14;
	vm1 =	vgt.s32 v0, $0x0  }
0x30: {  	v2 =	vld.msk [tilespmem:s15+$0x0 ss:$0x1], $0xffff;
	v1 =	vnsel vm1, $0x0, v0  }
0x31: {  	v1 =	vmin.u32 v1, $0x752F;
	_ =	sdelay $0x2  }
0x32: {  	s17 =	simm.s32 $0x20;
	s14 =	sadd.s32 $0x960, s14;
	s16 =	sadd.s32 $0x10, s15  }
0x33: {  	s15 =	sadd.s32 $0x10, s14;
	s18 =	smov.u32 s14;
	v0 =	vld.msk [tilespmem:s16+$0x0 ss:$0x1], $0xffff;
	vm1 =	vgt.s32 v2, $0x0;
	(ifvalue) =	ssetifvalue $0x7FFFFFFF  }
.LBB2_3:
0x34: {  	[tilespmem:s18], [sflag:$0x1] =	stream.indirect_vreg.gather [hbm4b:s2+s10], $0x1, v1, vm0, $0x4038;
	[tilespmem:$0x12C0] =	vst v63  }
0x35: {  	s17 =	sadd.s32 $0x10, s17  }
0x36: {  	v2 =	vnsel vm1, $0x0, v2;
	p0 =	slt.u32 s17, $0x4A0  }
.Ltmp3:
0x37: {  	s18 =	smov.u32 s15;
	v1 =	vmin.u32 v2, $0x752F;
	(pc) =	sbr.rel @p0 .LBB2_3-.Ltmp3, $3  }
0x38: {  	_ =	sdelay $0x1  }
0x39: {  	s16 =	sadd.s32 $0x10, s16  }
0x3a: {  	vm1 =	vgt.s32 v0, $0x0;
	s15 =	sadd.s32 $0x10, s15;
	v2 =	vmov v0;
	(ifvalue) =	ssetifvalue $0x7FFFFFFF;
	v0 =	vld.msk [tilespmem:s16+$0x0 ss:$0x1], $0xffff  }
.Ltmp4:
0x3b: {  	_ = 	snop;
	(pc) =	sbr.rel .LBB2_4-.Ltmp4, $1  }
0x3c: {  	_ =	sdelay $0x3  }
.LBB2_6:
0x3d: {  	_ =	sfence.sel $0x180000  }
0x3e: {  	s2 =	simm.s32 $0x2;
	[bflag:$0x0] =	sbarrier.arrive $0xFFFF  }
0x3f: {  	s30 =	simm.s32 $0x3;
	[sflag:s2] =	ssyncpa.u1 $0x1  }
0x40: {  	s31 =	simm.s32 $0x1;
	[sflag:s30] =	ssyncpa.u1 $0x1  }
0x41: {  	[sflag:s31] =	ssyncpa.u1 $0x1  }
0x42: {  	p0 =	sne.s32 s1, $0x0;
	_ =	strace $0x90000047  }
0x43: {  	s0 =	sadd.s32 @!p0 $0x100000, s0;
	[bflag:$0x2] =	sbarrier.arrive $0xFFFF  }
0x44: {  	[sflag:s0] =	ssyncadd.tile.s32 @!p0 $0x1;
	_ =	shalt  }
.Lfunc_end2:
_tile_overlayer_lowered:
.L_overlay_start_2:
0x45: {  	(tag) =	ssettag $0x2  }
0x46: {  	s0 =	rddreg [dreg:$0x0];
	s2 =	stileid.u32  }
0x47: {  	s1 =	rddreg [dreg:$0x1];
	p0 =	sne.s32 s2, $0x0  }
0x48: {  	s3 =	rddreg [dreg:$0x2];
	[bflag:$0x3] =	sbarrier.arrive $0xFFFF;
	s2 =	simm.s32 @!p0 $0x1C01  }
0x49: {  	[timem:s3], [sflag:s2] =	dma.local @!p0 [hbm:s0], s1  }
0x4a: {  	s0 =	simm.s32 @!p0 $0x1  }
0x4b: {  	_ =	swait.ge @!p0 [sflag:s0], s1  }
0x4c: {  	s1 =	ssub.s32 @!p0 $0x0, s1;
	[sflag:s0] =	ssyncset.done @!p0 $0x0  }
0x4d: {  	[sflag:s0] =	ssyncadd.s32 @!p0 s1  }
0x4e: {  	[bflag:$0x3] =	sbarrier.arrive $0xFFFF  }
0x4f: {  	_ =	shalt  }

// kernel: kernel.22.cloned.1.call-start
scs
__scs_entry_jumppad:
0x0: {  	(pc) =	sbr.rel $0x88, $3  }
0x1: {  	(tag) =	ssettag $0x0;
	lr =	simm.s32 $0x1  }
0x2: {  	[smem:$0x3F9D] =	sst lr;
	_ =	strace $0xD0000000  }
0x3: {  	_ = 	snop  }
0x4: {  	_ = 	snop  }
0x5: {  	_ = 	snop  }
0x6: {  	_ = 	snop  }
0x7: {  	_ = 	snop  }
__scs_overlays_trampoline_lowered:
0x8: {  	[smem:$0x3FAC] =	sst s0  }
0x9: {  	[smem:$0x3FAD] =	sst s1  }
0xa: {  	[smem:$0x3FAE] =	sst s2  }
0xb: {  	[smem:$0x3FAF] =	sst s3  }
0xc: {  	[smem:$0x3FB0] =	sst s4  }
0xd: {  	[smem:$0x3FB1] =	sst s5  }
0xe: {  	[smem:$0x3FB2] =	sst s6  }
0xf: {  	[smem:$0x3FB3] =	sst s7  }
0x10: {  	[smem:$0x3FB4] =	sst s8  }
0x11: {  	[smem:$0x3FB5] =	sst s9;
	s0 =	simm.s32 @!p0 $0x0  }
0x12: {  	s1 =	sld [smem:$0x3F9B];
	s0 =	simm.s32 @p0 $0x1  }
0x13: {  	[smem:$0x3FB6] =	sst s0;
	s0 =	simm.s32 @!p1 $0x0  }
0x14: {  	s2 =	sld [smem:$0x3F9A];
	s0 =	simm.s32 @p1 $0x1  }
0x15: {  	[smem:$0x3FB7] =	sst s0;
	s0 =	simm.s32 @!p2 $0x0  }
0x16: {  	s3 =	sld [smem:$0x3FDB];
	s0 =	simm.s32 @p2 $0x1  }
0x17: {  	s4 =	simm.s32 $0x1BF5;
	[smem:$0x3FB9] =	sst s0  }
0x18: {  	s0 =	sld [smem:$0x3F9C];
	_ =	swait.ge [sflag:s4], $0x0  }
0x19: {  	s7 =	sld [smem:$0x3F9D]  }
0x1a: {  	s8 =	sadd.s32 $0xFFFFE003, lr  }
0x1b: {  	s9 =	sadd.s32 $0xFFFFFEF7, lr;
	s5 =	simm.s32 $0xFFFFFFFF;
	p2 =	slt.u32 s8, $0xFFFFF086  }
0x1c: {  	p1 =	slt.u32 s9, $0xF7A;
	s5 =	simm.s32 @!p2 $0x0  }
0x1d: {  	s5 =	simm.s32 @p1 $0x1;
	p0 =	seq.s32 s7, s2  }
0x1e: {  	s7 =	smul.u32 @!p0 $0xF7A, s2;
	p2 =	seq.s32 @!p0 s5, $0x0  }
0x1f: {  	s9 =	smul.u32 $0xF7A, s1;
	s8 =	simm.s32 @!p0 $0x1BF5;
	p2 =	por !p2, p0  }
0x20: {  	[sflag:s8] =	ssyncset.s32 @!p0 $0xFFFFF086;
	s6 =	sadd.s32 @!p0 s3, s7;
	s7 =	simm.s32 @!p0 $0x108  }
0x21: {  	s3 =	sadd.s32 s3, s9;
	s6 =	sadd.s32 @!p0 $0x88, s6;
	s7 =	simm.s32 @p2 $0x1082  }
0x22: {  	[simem:s7], [sflag:s8] =	dma.local @!p0 [hbm:s6], $0xF7A  }
0x23: {  	s9 =	sor.u32 $0xD0000000, s2;
	s6 =	simm.s32 $0x108;
	_ =	swait.ge @!p0 [sflag:s8], $0x0  }
0x24: {  	s3 =	sadd.s32 $0x88, s3;
	s6 =	simm.s32 @!p1 $0x1082;
	[sflag:s4] =	ssyncset.s32 $0xFFFFF086  }
0x25: {  	[simem:s6], [sflag:s4] =	dma.local [hbm:s3], $0xF7A  }
0x26: {  	[smem:$0x3F9D] =	sst s1;
	(tag) =	ssettag s2;
	_ =	strace s9  }
0x27: {  	s1 =	sld [smem:$0x3FAD]  }
0x28: {  	s2 =	sld [smem:$0x3FAE]  }
0x29: {  	s4 =	sld [smem:$0x3FB0]  }
0x2a: {  	p0 =	seq.s32 s5, $0x0;
	s5 =	sld [smem:$0x3FB1]  }
0x2b: {  	s6 =	sld [smem:$0x3FB2]  }
0x2c: {  	s7 =	sld [smem:$0x3FB3]  }
0x2d: {  	s3 =	simm.s32 $0x108;
	s8 =	sld [smem:$0x3FB4]  }
0x2e: {  	s3 =	simm.s32 @!p0 $0x1082;
	s9 =	sld [smem:$0x3FB5]  }
0x2f: {  	lr =	sadd.s32 s0, s3;
	s0 =	sld [smem:$0x3FAC]  }
0x30: {  	s3 =	sld [smem:$0x3FAF]  }
0x31: {  	[smem:$0x3FB8] =	sst s10  }
0x32: {  	s10 =	sld [smem:$0x3FB6];
	_ =	sdelay $0x3  }
0x33: {  	p0 =	seq.s32 s10, $0x1;
	s10 =	sld [smem:$0x3FB8];
	_ =	sdelay $0x3  }
0x34: {  	[smem:$0x3FB8] =	sst s10  }
0x35: {  	s10 =	sld [smem:$0x3FB7];
	_ =	sdelay $0x3  }
0x36: {  	p1 =	seq.s32 s10, $0x1;
	s10 =	sld [smem:$0x3FB8];
	_ =	sdelay $0x3  }
0x37: {  	[smem:$0x3FB8] =	sst s10  }
0x38: {  	s10 =	sld [smem:$0x3FB9]  }
0x39: {  	_ = 	snop;
	(pc) =	sbr.ind lr, $3  }
0x3a: {  	_ = 	snop  }
0x3b: {  	_ = 	snop  }
0x3c: {  	p2 =	seq.s32 s10, $0x1;
	s10 =	sld [smem:$0x3FB8]  }
0x3d: {  	_ =	shalt  }
0x3e: {  	_ =	shalt  }
0x3f: {  	_ =	shalt  }
0x40: {  	_ =	shalt  }
0x41: {  	_ =	shalt  }
0x42: {  	_ =	shalt  }
0x43: {  	_ =	shalt  }
0x44: {  	_ =	shalt  }
0x45: {  	_ =	shalt  }
0x46: {  	_ =	shalt  }
0x47: {  	_ =	shalt  }
0x48: {  	_ =	shalt  }
0x49: {  	_ =	shalt  }
0x4a: {  	_ =	shalt  }
0x4b: {  	_ =	shalt  }
0x4c: {  	_ =	shalt  }
0x4d: {  	_ =	shalt  }
0x4e: {  	_ =	shalt  }
0x4f: {  	_ =	shalt  }
0x50: {  	_ =	shalt  }
0x51: {  	_ =	shalt  }
0x52: {  	_ =	shalt  }
0x53: {  	_ =	shalt  }
0x54: {  	_ =	shalt  }
0x55: {  	_ =	shalt  }
0x56: {  	_ =	shalt  }
0x57: {  	_ =	shalt  }
0x58: {  	_ =	shalt  }
0x59: {  	_ =	shalt  }
0x5a: {  	_ =	shalt  }
0x5b: {  	_ =	shalt  }
0x5c: {  	_ =	shalt  }
0x5d: {  	_ =	shalt  }
0x5e: {  	_ =	shalt  }
0x5f: {  	_ =	shalt  }
0x60: {  	_ =	shalt  }
0x61: {  	_ =	shalt  }
0x62: {  	_ =	shalt  }
0x63: {  	_ =	shalt  }
0x64: {  	_ =	shalt  }
0x65: {  	_ =	shalt  }
0x66: {  	_ =	shalt  }
0x67: {  	_ =	shalt  }
0x68: {  	_ =	shalt  }
0x69: {  	_ =	shalt  }
0x6a: {  	_ =	shalt  }
0x6b: {  	_ =	shalt  }
0x6c: {  	_ =	shalt  }
0x6d: {  	_ =	shalt  }
0x6e: {  	_ =	shalt  }
0x6f: {  	_ =	shalt  }
0x70: {  	_ =	shalt  }
0x71: {  	_ =	shalt  }
0x72: {  	_ =	shalt  }
0x73: {  	_ =	shalt  }
0x74: {  	_ =	shalt  }
0x75: {  	_ =	shalt  }
0x76: {  	_ =	shalt  }
0x77: {  	_ =	shalt  }
0x78: {  	_ =	shalt  }
0x79: {  	_ =	shalt  }
0x7a: {  	_ =	shalt  }
0x7b: {  	_ =	shalt  }
0x7c: {  	_ =	shalt  }
0x7d: {  	_ =	shalt  }
0x7e: {  	_ =	shalt  }
0x7f: {  	_ =	shalt  }
0x80: {  	_ =	shalt  }
0x81: {  	_ =	shalt  }
0x82: {  	_ =	shalt  }
0x83: {  	_ =	shalt  }
0x84: {  	_ =	shalt  }
0x85: {  	_ =	shalt  }
0x86: {  	_ =	shalt  }
0x87: {  	_ =	shalt  }
.Lfunc_end0:
.L_simem_size_0:
called_computation.3_lowered:
.L_overlay_start_0:
0x88: {  	s2 =	sld [smem:$0x3FD9]  }
0x89: {  	s3 =	sld [smem:$0x3FFE];
	_ =	sdelay $0x1  }
0x8a: {  	s1 =	srdreg.scid  }
0x8b: {  	s0 =	sand.u32 $0x1, s1  }
0x8c: {  	s15 =	sshll.u32 s0, $0xA;
	s2 =	sadd.s32 s3, s2  }
0x8d: {  	s2 =	sadd.s32 s2, s15  }
0x8e: {  	[smem:$0x3FC4] =	sst s2  }
0x8f: {  	_ = 	snop  }
0x90: {  	s2 =	sld [smem:$0x3FD0];
	_ =	sdelay $0x2  }
0x91: {  	s16 =	simm.s32 $0xB;
	s4 =	simm.s32 $0x10  }
0x92: {  	[smem:s4], [sflag:s16] =	dma.local [hbm:s2], $0x1  }
0x93: {  	_ =	swait.eq [sflag:s16], $0x1  }
0x94: {  	[sflag:s16] =	ssyncset.done $0x0  }
0x95: {  	[sflag:s16] =	ssyncadd.s32 $0xFFFFFFFF  }
0x96: {  	s17 =	sld [smem:$0x12];
	(tm) =	ssettm $0x1  }
0x97: {  	s18 =	sld [smem:$0x3FFB];
	_ =	sdelay $0x3  }
0x98: {  	_ =	strace s18  }
0x99: {  	s2 =	sld [smem:$0x3FFC];
	_ =	sdelay $0x3  }
0x9a: {  	_ =	strace s2  }
0x9b: {  	s2 =	sld [smem:$0x3FFD];
	_ =	sdelay $0x3  }
0x9c: {  	_ =	strace s2  }
0x9d: {  	_ =	strace $0x8FFFFFFF  }
0x9e: {  	s19 =	sld [smem:$0x3FDB];
	_ =	sdelay $0x1  }
0x9f: {  	s20 =	simm.s32 $_scs_section_size  }
0xa0: {  	s5 =	simm.s32 $_size__tile_overlayer_lowered;
	s6 =	simm.s32 $_tile_overlayer_lowered  }
0xa1: {  	s7 =	simm.s32 $0x1BFF;
	s21 =	sshll.u32 s6, $0x1;
	s4 =	sadd.s32 s20, s19  }
0xa2: {  	s22 =	simm.s32 $0x0;
	s5 =	sshll.u32 s5, $0x1;
	s6 =	sadd.s32 s21, s4  }
0xa3: {  	[timem:s22], [sflag:s7] =	dma.local [hbm:s6], s5  }
0xa4: {  	_ =	swait.ge [sflag:s7], s5  }
0xa5: {  	s5 =	ssub.s32 $0x0, s5;
	[sflag:s7] =	ssyncset.done $0x0  }
0xa6: {  	[sflag:s7] =	ssyncadd.s32 s5;
	_ =	sdelay $0x1  }
0xa7: {  	s23 =	simm.s32 $0x1B8B  }
0xa8: {  	_ =	swait.ge [sflag:s23], $0x1  }
0xa9: {  	[sflag:s23] =	ssyncset.done $0x0  }
0xaa: {  	[sflag:s23] =	ssyncadd.s32 $0xFFFFFFFF  }
0xab: {  	s5 =	sld [smem:$0x0]  }
0xac: {  	s6 =	sand.u32 $0xFFFFFFFE, s1  }
0xad: {  	p0 =	sne.s32 s1, s6  }
0xae: {  	s6 =	sshll.u32 @p0 s6, $0xE  }
0xaf: {  	s6 =	sadd.s32 @p0 $0x11B8D, s6;
	s7 =	sshll.u32 @p0 s5, $0x11  }
0xb0: {  	s6 =	sor.u32 @p0 s7, s6  }
0xb1: {  	[sflag:s6] =	ssyncadd.remote.s32 @p0 $0x1;
	_ =	sdelay $0x1  }
0xb2: {  	s6 =	simm.s32 @p0 $0x1B8D  }
0xb3: {  	_ =	swait.eq @p0 [sflag:s6], $0x1  }
0xb4: {  	[sflag:s6] =	ssyncadd.s32 @p0 $0xFFFFFFFF  }
0xb5: {  	s7 =	sshll.u32 @!p0 s1, $0xE  }
0xb6: {  	s7 =	sor.u32 @!p0 $0x4000, s7;
	s6 =	simm.s32 @!p0 $0x1B8D  }
0xb7: {  	s5 =	sshll.u32 @!p0 s5, $0x11;
	s7 =	sadd.s32 @!p0 $0x11B8D, s7;
	_ =	swait.eq @!p0 [sflag:s6], $0x1  }
0xb8: {  	s5 =	sor.u32 @!p0 s5, s7;
	[sflag:s6] =	ssyncadd.s32 @!p0 $0xFFFFFFFF  }
0xb9: {  	s25 =	simm.s32 $0x1B8E;
	s24 =	sld [smem:$0x3FFE];
	[sflag:s5] =	ssyncadd.remote.s32 @!p0 $0x1  }
0xba: {  	s26 =	simm.s32 $execute0_lowered;
	[smem:$0x3FD2] =	sst s25  }
0xbb: {  	s6 =	sshll.u32 s26, $0x1;
	_ =	strace $0x8000004C;
	[dreg:$0x1] =	wrdreg $0xFFFFFFFF  }
0xbc: {  	s28 =	simm.s32 $_size_execute0_lowered;
	s4 =	sadd.s32 s4, s6;
	[dreg:$0x0] =	wrdreg $0x0  }
0xbd: {  	s6 =	sshll.u32 s28, $0x1;
	[dreg:$0x2] =	wrdreg s4  }
0xbe: {  	[dreg:$0x3] =	wrdreg s6  }
0xbf: {  	[dreg:$0x4] =	wrdreg $0xC0  }
0xc0: {  	_ =	task [dreg:s22], $0x5FFFF  }
0xc1: {  	[dreg:$0x1] =	wrdreg $0xFFFFFFFF  }
0xc2: {  	[dreg:$0x0] =	wrdreg $0x60  }
0xc3: {  	[dreg:$0x2] =	wrdreg s24  }
0xc4: {  	[dreg:$0x3] =	wrdreg s17  }
0xc5: {  	[dreg:$0x4] =	wrdreg $0xA  }
0xc6: {  	_ =	task.clear_ibuf [dreg:s22], $0x5FFFF;
	_ =	strace $0x9000004C  }
0xc7: {  	s29 =	simm.s32 $0xA;
	_ =	strace $0x8000004E  }
0xc8: {  	_ =	swait.ge [sflag:s29], $0x1  }
0xc9: {  	[sflag:s29] =	ssyncadd.s32 $0xFFFFFFFF  }
0xca: {  	_ =	strace $0x9000004E  }
0xcb: {  	_ =	sfence  }
0xcc: {  	s30 =	sld [smem:$0x0];
	_ =	sdelay $0x2  }
0xcd: {  	s31 =	sshll.u32 s1, $0xD;
	s1 =	sshrl.u32 s1, $0x2  }
0xce: {  	s4 =	sand.u32 $0x4000, s31;
	s1 =	sadd.s32 s1, s30  }
0xcf: {  	s0 =	sor.u32 s4, s0;
	s1 =	sshll.u32 s1, $0x11  }
0xd0: {  	s0 =	sor.u32 s1, s0  }
0xd1: {  	s0 =	sadd.s32 $0x8F2B, s0  }
0xd2: {  	[sflag:s0] =	ssyncadd.remote.s32 $0x1  }
0xd3: {  	_ =	sfence.sel $0xFFFF  }
0xd4: {  	[dreg:$0x0] =	wrdreg $0xFFFFFFFF;
	(pc) =	sbr.abs _section_cstart, $3  }
0xd5: {  	[dreg:$0x1] =	wrdreg $0xFFFFFFFF  }
0xd6: {  	_ =	task.clear_ibuf [dreg:s22], $0x2FFFF;
	_ =	strace $0x9FFFFFFF  }
0xd7: {  	(tm) =	ssettm $0x7FFFFFFF  }
tec
execute0_lowered:
.L_overlay_start_1:
0x0: {  	(tag) =	ssettag $0x1  }
0x1: {  	s0 =	srdreg.scid  }
0x2: {  	s2 =	stileid.u32;
	s5 =	rddreg [dreg:$0x1];
	s1 =	sand.u32 $0x1, s0  }
0x3: {  	s3 =	smul.u32 $0x780, s2;
	s0 =	rddreg [dreg:$0x0];
	s2 =	simm.s32 $0x0  }
0x4: {  	s17 =	simm.s32 $0x880;
	[smem:$0x7FF] =	sst s2  }
0x5: {  	s18 =	simm.s32 $0x1080;
	_ =	strace $0x8000004D;
	[dreg:$0x4] =	wrdreg s17  }
0x6: {  	s19 =	simm.s32 $0x1880;
	[dreg:$0x5] =	wrdreg s18  }
0x7: {  	s20 =	simm.s32 $0x2080;
	[dreg:$0x6] =	wrdreg s19  }
0x8: {  	s21 =	simm.s32 $0x2880;
	[dreg:$0x7] =	wrdreg s20  }
0x9: {  	s22 =	simm.s32 $0x3080;
	[dreg:$0x8] =	wrdreg s21  }
0xa: {  	s23 =	simm.s32 $0x3880;
	[dreg:$0x9] =	wrdreg s22  }
0xb: {  	s24 =	simm.s32 $0x4080;
	[dreg:$0xa] =	wrdreg s23  }
0xc: {  	s25 =	simm.s32 $0x4880;
	[dreg:$0xb] =	wrdreg s24  }
0xd: {  	s26 =	simm.s32 $0x5080;
	[dreg:$0xc] =	wrdreg s25  }
0xe: {  	s6 =	simm.s32 $0x6080;
	[dreg:$0xd] =	wrdreg s26  }
0xf: {  	s7 =	simm.s32 $0x6880;
	[dreg:$0xf] =	wrdreg s6  }
0x10: {  	s8 =	simm.s32 $0x7080;
	[dreg:$0x10] =	wrdreg s7  }
0x11: {  	s9 =	simm.s32 $0x7880;
	[dreg:$0x11] =	wrdreg s8  }
0x12: {  	s10 =	simm.s32 $0x8080;
	[dreg:$0x12] =	wrdreg s9  }
0x13: {  	s11 =	simm.s32 $0x8880;
	s12 =	simm.s32 $0x9080;
	[dreg:$0x13] =	wrdreg s10  }
0x14: {  	s13 =	simm.s32 $0x9880;
	s15 =	simm.s32 $0xA080;
	[dreg:$0x14] =	wrdreg s11  }
0x15: {  	s28 =	simm.s32 $0x18080;
	s29 =	simm.s32 $0x18880;
	[dreg:$0x15] =	wrdreg s12  }
0x16: {  	s30 =	simm.s32 $0x1;
	s31 =	simm.s32 $0x0;
	[dreg:$0x16] =	wrdreg s13  }
0x17: {  	s4 =	smul.u32 $0x3C0, s1;
	[dreg:$0x17] =	wrdreg s15;
	s17 =	simm.s32 $0xB080  }
0x18: {  	s1 =	ssub.s32 $0x2, s1;
	s18 =	simm.s32 $0xB880;
	[dreg:$0x19] =	wrdreg s17  }
0x19: {  	s19 =	sshrl.u32 s1, $0x1;
	s20 =	simm.s32 $0xC080;
	[dreg:$0x1a] =	wrdreg s18  }
0x1a: {  	s21 =	simm.s32 $0xC880;
	s6 =	simm.s32 $0xD080;
	[dreg:$0x1b] =	wrdreg s20  }
0x1b: {  	s7 =	simm.s32 $0xD880;
	s8 =	simm.s32 $0xE080;
	[dreg:$0x1c] =	wrdreg s21  }
0x1c: {  	s22 =	simm.s32 $0xE880;
	s23 =	simm.s32 $0xF080;
	[dreg:$0x1d] =	wrdreg s6  }
0x1d: {  	s25 =	simm.s32 $0xF880;
	s10 =	simm.s32 $0x2;
	[dreg:$0x1e] =	wrdreg s7  }
0x1e: {  	s26 =	simm.s32 $0x10080;
	s11 =	simm.s32 $0x80;
	[dreg:$0x1f] =	wrdreg s8  }
0x1f: {  	s12 =	simm.s32 $0x10880;
	s13 =	simm.s32 $0x11080;
	[smem:$0x7F9] =	sst s22  }
0x20: {  	s3 =	sadd.s32 s4, s3;
	s4 =	sadd.s32 $0x189500, s0;
	[smem:$0x7FB] =	sst s23  }
0x21: {  	s15 =	simm.s32 $0x12080;
	s6 =	sadd.s32 $0x189700, s0;
	[smem:$0x7FC] =	sst s25  }
0x22: {  	s1 =	ssub.s32 s1, s19;
	s7 =	sadd.s32 $0x189800, s0;
	[smem:$0x7FD] =	sst s26  }
0x23: {  	s17 =	simm.s32 $0x13080;
	s18 =	simm.s32 $0x13880;
	s19 =	simm.s32 $0x14080  }
0x24: {  	s20 =	simm.s32 $0x14880;
	s21 =	simm.s32 $0x15080;
	s22 =	simm.s32 $0x15880  }
0x25: {  	s23 =	simm.s32 $0x16080;
	s3 =	sshrl.u32 s3, $0x3;
	s1 =	smax.u32 s1, $0x1  }
0x26: {  	s25 =	simm.s32 $0x17080;
	s16 =	sadd.s32 s3, s5;
	[smem:$0x7F8] =	sst s1  }
0x27: {  	s5 =	simm.s32 $0x5880;
	s14 =	smul.u32 $0x500, s3;
	[dreg:$0x3] =	wrdreg s16  }
0x28: {  	s26 =	simm.s32 $0x17880;
	s3 =	sadd.s32 $0x189400, s0;
	[dreg:$0xe] =	wrdreg s5  }
0x29: {  	v2 =	vlaneseq.u32;
	s16 =	simm.s32 $0xA880;
	s5 =	sadd.s32 $0x189600, s0;
	s9 =	sadd.s32 s14, s0  }
0x2a: {  	vm0 =	vmmov $0xffff;
	v1 =	vshrl.u32 v2, $0x3;
	[dreg:$0x18] =	wrdreg s16;
	s14 =	simm.s32 $0x11880;
	s24 =	sadd.s32 $0x319400, s9  }
0x2b: {  	v0 =	vand.u32 $0x7, v2;
	v2 =	vor.u32 $0x8, v2;
	v1 =	vmul.u32 $0x8, v1;
	s16 =	simm.s32 $0x12880;
	[smem:$0x7FA] =	sst s24;
	s24 =	simm.s32 $0x16880  }
.LBB2_1:
0x2c: {  	s9 =	sld [smem:$0x7FA];
	s0 =	simm.s32 $0x0  }
.LBB2_2:
0x2d: {  	s8 =	rddreg [dreg:$0x3]  }
0x2e: {  	s8 =	sadd.s32 s0, s8  }
0x2f: {  	[tilespmem:s2], [sflag:$0x2] =	stream.linear.gather [hbm4b:s8+s2], $0x50, $0x38;
	[tilespmem:$0x19080] =	vst v63  }
0x30: {  	_ =	swait.ge [sflag:s10], $0x50  }
0x31: {  	[sflag:s10] =	ssyncset.done $0x0  }
0x32: {  	[sflag:s10] =	ssyncadd.s32 $0xFFFFFFB0  }
0x33: {  	v3 =	vld [tilespmem:$0x0];
	_ =	sdelay $0x4  }
0x34: {  	v4 =	vshrl.u32 v3, $0x3  }
0x35: {  	v4 =	vmul.u32 $0x50, v4  }
0x36: {  	v3 =	vand.u32 $0x7, v3  }
0x37: {  	v3 =	vor.u32 v3, v4  }
0x38: {  	v4 =	vperm.xlane v3, v0;
	_ =	sdelay $0x1  }
0x39: {  	v4 =	vadd.s32 v1, v4;
	_ =	sdelay $0x4  }
0x3a: {  	[tilespmem:s11], [sflag:$0x1] =	stream.indirect_vreg.gather [hbm4b:s3+s2], $0x80, v4, vm0, $0xb8;
	[tilespmem:$0x19080] =	vst v63  }
0x3b: {  	s8 =	rddreg [dreg:$0x4]  }
0x3c: {  	[tilespmem:s8], [sflag:$0x1] =	stream.indirect_vreg.gather [hbm4b:s4+s2], $0x80, v4, vm0, $0xb8;
	[tilespmem:$0x19080] =	vst v63  }
0x3d: {  	s1 =	rddreg [dreg:$0x5];
	v3 =	vperm.xlane v3, v2  }
0x3e: {  	[tilespmem:s1], [sflag:$0x1] =	stream.indirect_vreg.gather [hbm4b:s5+s2], $0x80, v4, vm0, $0xb8;
	[tilespmem:$0x19080] =	vst v63  }
0x3f: {  	v3 =	vadd.s32 v1, v3;
	s8 =	rddreg [dreg:$0x6]  }
0x40: {  	[tilespmem:s8], [sflag:$0x1] =	stream.indirect_vreg.gather [hbm4b:s6+s2], $0x80, v4, vm0, $0xb8;
	[tilespmem:$0x19080] =	vst v63  }
0x41: {  	s1 =	rddreg [dreg:$0x7]  }
0x42: {  	[tilespmem:s1], [sflag:$0x1] =	stream.indirect_vreg.gather [hbm4b:s7+s2], $0x80, v4, vm0, $0xb8;
	[tilespmem:$0x19080] =	vst v63  }
0x43: {  	s8 =	rddreg [dreg:$0x8]  }
0x44: {  	[tilespmem:s8], [sflag:$0x1] =	stream.indirect_vreg.gather [hbm4b:s3+s2], $0x80, v3, vm0, $0xb8;
	[tilespmem:$0x19080] =	vst v63  }
0x45: {  	s1 =	rddreg [dreg:$0x9]  }
0x46: {  	[tilespmem:s1], [sflag:$0x1] =	stream.indirect_vreg.gather [hbm4b:s4+s2], $0x80, v3, vm0, $0xb8;
	[tilespmem:$0x19080] =	vst v63  }
0x47: {  	s8 =	rddreg [dreg:$0xa]  }
0x48: {  	[tilespmem:s8], [sflag:$0x1] =	stream.indirect_vreg.gather [hbm4b:s5+s2], $0x80, v3, vm0, $0xb8;
	[tilespmem:$0x19080] =	vst v63  }
0x49: {  	s1 =	rddreg [dreg:$0xb]  }
0x4a: {  	[tilespmem:s1], [sflag:$0x1] =	stream.indirect_vreg.gather [hbm4b:s6+s2], $0x80, v3, vm0, $0xb8;
	[tilespmem:$0x19080] =	vst v63  }
0x4b: {  	s8 =	rddreg [dreg:$0xc]  }
0x4c: {  	[tilespmem:s8], [sflag:$0x1] =	stream.indirect_vreg.gather [hbm4b:s7+s2], $0x80, v3, vm0, $0xb8;
	[tilespmem:$0x19080] =	vst v63  }
0x4d: {  	v3 =	vld [tilespmem:$0x10];
	_ =	sdelay $0x4  }
0x4e: {  	v60 =	vshrl.u32 v3, $0x3  }
0x4f: {  	v4 =	vmul.u32 $0x50, v60  }
0x50: {  	v3 =	vand.u32 $0x7, v3  }
0x51: {  	v3 =	vor.u32 v3, v4  }
0x52: {  	v4 =	vperm.xlane v3, v0;
	_ =	sdelay $0x1  }
0x53: {  	v4 =	vadd.s32 v1, v4;
	_ =	sdelay $0x3  }
0x54: {  	s1 =	rddreg [dreg:$0xd]  }
0x55: {  	[tilespmem:s1], [sflag:$0x1] =	stream.indirect_vreg.gather [hbm4b:s3+s2], $0x80, v4, vm0, $0xb8;
	[tilespmem:$0x19080] =	vst v63  }
0x56: {  	s8 =	rddreg [dreg:$0xe]  }
0x57: {  	[tilespmem:s8], [sflag:$0x1] =	stream.indirect_vreg.gather [hbm4b:s4+s2], $0x80, v4, vm0, $0xb8;
	[tilespmem:$0x19080] =	vst v63  }
0x58: {  	v3 =	vperm.xlane v3, v2;
	s1 =	rddreg [dreg:$0xf]  }
0x59: {  	[tilespmem:s1], [sflag:$0x1] =	stream.indirect_vreg.gather [hbm4b:s5+s2], $0x80, v4, vm0, $0xb8;
	[tilespmem:$0x19080] =	vst v63  }
0x5a: {  	v3 =	vadd.s32 v1, v3;
	s8 =	rddreg [dreg:$0x10]  }
0x5b: {  	[tilespmem:s8], [sflag:$0x1] =	stream.indirect_vreg.gather [hbm4b:s6+s2], $0x80, v4, vm0, $0xb8;
	[tilespmem:$0x19080] =	vst v63  }
0x5c: {  	s1 =	rddreg [dreg:$0x11]  }
0x5d: {  	[tilespmem:s1], [sflag:$0x1] =	stream.indirect_vreg.gather [hbm4b:s7+s2], $0x80, v4, vm0, $0xb8;
	[tilespmem:$0x19080] =	vst v63  }
0x5e: {  	s8 =	rddreg [dreg:$0x12]  }
0x5f: {  	[tilespmem:s8], [sflag:$0x1] =	stream.indirect_vreg.gather [hbm4b:s3+s2], $0x80, v3, vm0, $0xb8;
	[tilespmem:$0x19080] =	vst v63  }
0x60: {  	s1 =	rddreg [dreg:$0x13]  }
0x61: {  	[tilespmem:s1], [sflag:$0x1] =	stream.indirect_vreg.gather [hbm4b:s4+s2], $0x80, v3, vm0, $0xb8;
	[tilespmem:$0x19080] =	vst v63  }
0x62: {  	s8 =	rddreg [dreg:$0x14]  }
0x63: {  	[tilespmem:s8], [sflag:$0x1] =	stream.indirect_vreg.gather [hbm4b:s5+s2], $0x80, v3, vm0, $0xb8;
	[tilespmem:$0x19080] =	vst v63  }
0x64: {  	s1 =	rddreg [dreg:$0x15]  }
0x65: {  	[tilespmem:s1], [sflag:$0x1] =	stream.indirect_vreg.gather [hbm4b:s6+s2], $0x80, v3, vm0, $0xb8;
	[tilespmem:$0x19080] =	vst v63  }
0x66: {  	s8 =	rddreg [dreg:$0x16]  }
0x67: {  	[tilespmem:s8], [sflag:$0x1] =	stream.indirect_vreg.gather [hbm4b:s7+s2], $0x80, v3, vm0, $0xb8;
	[tilespmem:$0x19080] =	vst v63  }
0x68: {  	v3 =	vld [tilespmem:$0x20];
	_ =	sdelay $0x4  }
0x69: {  	v61 =	vshrl.u32 v3, $0x3  }
0x6a: {  	v4 =	vmul.u32 $0x50, v61  }
0x6b: {  	v3 =	vand.u32 $0x7, v3  }
0x6c: {  	v3 =	vor.u32 v3, v4  }
0x6d: {  	v4 =	vperm.xlane v3, v0;
	_ =	sdelay $0x1  }
0x6e: {  	v4 =	vadd.s32 v1, v4;
	_ =	sdelay $0x2  }
0x6f: {  	s1 =	rddreg [dreg:$0x17]  }
0x70: {  	s8 =	rddreg [dreg:$0x18]  }
0x71: {  	[tilespmem:s1], [sflag:$0x1] =	stream.indirect_vreg.gather [hbm4b:s3+s2], $0x80, v4, vm0, $0xb8;
	[tilespmem:$0x19080] =	vst v63  }
0x72: {  	s1 =	rddreg [dreg:$0x19]  }
0x73: {  	[tilespmem:s8], [sflag:$0x1] =	stream.indirect_vreg.gather [hbm4b:s4+s2], $0x80, v4, vm0, $0xb8;
	[tilespmem:$0x19080] =	vst v63  }
0x74: {  	v3 =	vperm.xlane v3, v2;
	s8 =	rddreg [dreg:$0x1a]  }
0x75: {  	[tilespmem:s1], [sflag:$0x1] =	stream.indirect_vreg.gather [hbm4b:s5+s2], $0x80, v4, vm0, $0xb8;
	[tilespmem:$0x19080] =	vst v63  }
0x76: {  	v3 =	vadd.s32 v1, v3;
	s1 =	rddreg [dreg:$0x1b]  }
0x77: {  	[tilespmem:s8], [sflag:$0x1] =	stream.indirect_vreg.gather [hbm4b:s6+s2], $0x80, v4, vm0, $0xb8;
	[tilespmem:$0x19080] =	vst v63  }
0x78: {  	s8 =	rddreg [dreg:$0x1c]  }
0x79: {  	[tilespmem:s1], [sflag:$0x1] =	stream.indirect_vreg.gather [hbm4b:s7+s2], $0x80, v4, vm0, $0xb8;
	[tilespmem:$0x19080] =	vst v63  }
0x7a: {  	s1 =	rddreg [dreg:$0x1d]  }
0x7b: {  	[tilespmem:s8], [sflag:$0x1] =	stream.indirect_vreg.gather [hbm4b:s3+s2], $0x80, v3, vm0, $0xb8;
	[tilespmem:$0x19080] =	vst v63  }
0x7c: {  	s8 =	rddreg [dreg:$0x1e]  }
0x7d: {  	[tilespmem:s1], [sflag:$0x1] =	stream.indirect_vreg.gather [hbm4b:s4+s2], $0x80, v3, vm0, $0xb8;
	[tilespmem:$0x19080] =	vst v63  }
0x7e: {  	s1 =	rddreg [dreg:$0x1f]  }
0x7f: {  	[tilespmem:s8], [sflag:$0x1] =	stream.indirect_vreg.gather [hbm4b:s5+s2], $0x80, v3, vm0, $0xb8;
	[tilespmem:$0x19080] =	vst v63  }
0x80: {  	s8 =	sld [smem:$0x7F9]  }
0x81: {  	[tilespmem:s1], [sflag:$0x1] =	stream.indirect_vreg.gather [hbm4b:s6+s2], $0x80, v3, vm0, $0xb8;
	[tilespmem:$0x19080] =	vst v63  }
0x82: {  	_ = 	snop  }
0x83: {  	[tilespmem:s8], [sflag:$0x1] =	stream.indirect_vreg.gather [hbm4b:s7+s2], $0x80, v3, vm0, $0xb8;
	[tilespmem:$0x19080] =	vst v63  }
0x84: {  	v3 =	vld [tilespmem:$0x30];
	_ =	sdelay $0x4  }
0x85: {  	v62 =	vshrl.u32 v3, $0x3  }
0x86: {  	v4 =	vmul.u32 $0x50, v62  }
0x87: {  	v3 =	vand.u32 $0x7, v3  }
0x88: {  	v3 =	vor.u32 v3, v4  }
0x89: {  	v4 =	vperm.xlane v3, v0;
	_ =	sdelay $0x1  }
0x8a: {  	v4 =	vadd.s32 v1, v4;
	_ =	sdelay $0x1  }
0x8b: {  	s1 =	sld [smem:$0x7FB];
	_ =	sdelay $0x1  }
0x8c: {  	s8 =	sld [smem:$0x7FC]  }
0x8d: {  	[tilespmem:s1], [sflag:$0x1] =	stream.indirect_vreg.gather [hbm4b:s3+s2], $0x80, v4, vm0, $0xb8;
	[tilespmem:$0x19080] =	vst v63  }
0x8e: {  	s1 =	sld [smem:$0x7FD]  }
0x8f: {  	[tilespmem:s8], [sflag:$0x1] =	stream.indirect_vreg.gather [hbm4b:s4+s2], $0x80, v4, vm0, $0xb8;
	[tilespmem:$0x19080] =	vst v63  }
0x90: {  	v3 =	vperm.xlane v3, v2  }
0x91: {  	[tilespmem:s1], [sflag:$0x1] =	stream.indirect_vreg.gather [hbm4b:s5+s2], $0x80, v4, vm0, $0xb8;
	[tilespmem:$0x19080] =	vst v63  }
0x92: {  	v3 =	vadd.s32 v1, v3  }
0x93: {  	[tilespmem:s12], [sflag:$0x1] =	stream.indirect_vreg.gather [hbm4b:s6+s2], $0x80, v4, vm0, $0xb8;
	[tilespmem:$0x19080] =	vst v63  }
0x94: {  	_ = 	snop  }
0x95: {  	[tilespmem:s13], [sflag:$0x1] =	stream.indirect_vreg.gather [hbm4b:s7+s2], $0x80, v4, vm0, $0xb8;
	[tilespmem:$0x19080] =	vst v63  }
0x96: {  	_ = 	snop  }
0x97: {  	[tilespmem:s14], [sflag:$0x1] =	stream.indirect_vreg.gather [hbm4b:s3+s2], $0x80, v3, vm0, $0xb8;
	[tilespmem:$0x19080] =	vst v63  }
0x98: {  	_ = 	snop  }
0x99: {  	[tilespmem:s15], [sflag:$0x1] =	stream.indirect_vreg.gather [hbm4b:s4+s2], $0x80, v3, vm0, $0xb8;
	[tilespmem:$0x19080] =	vst v63  }
0x9a: {  	_ = 	snop  }
0x9b: {  	[tilespmem:s16], [sflag:$0x1] =	stream.indirect_vreg.gather [hbm4b:s5+s2], $0x80, v3, vm0, $0xb8;
	[tilespmem:$0x19080] =	vst v63  }
0x9c: {  	_ = 	snop  }
0x9d: {  	[tilespmem:s17], [sflag:$0x1] =	stream.indirect_vreg.gather [hbm4b:s6+s2], $0x80, v3, vm0, $0xb8;
	[tilespmem:$0x19080] =	vst v63  }
0x9e: {  	_ = 	snop  }
0x9f: {  	[tilespmem:s18], [sflag:$0x1] =	stream.indirect_vreg.gather [hbm4b:s7+s2], $0x80, v3, vm0, $0xb8;
	[tilespmem:$0x19080] =	vst v63  }
0xa0: {  	v3 =	vld [tilespmem:$0x40];
	_ =	sdelay $0x4  }
0xa1: {  	v63 =	vshrl.u32 v3, $0x3  }
0xa2: {  	v4 =	vmul.u32 $0x50, v63  }
0xa3: {  	v3 =	vand.u32 $0x7, v3  }
0xa4: {  	v3 =	vor.u32 v3, v4  }
0xa5: {  	v4 =	vperm.xlane v3, v0;
	_ =	sdelay $0x1  }
0xa6: {  	v4 =	vadd.s32 v1, v4;
	_ =	sdelay $0x4  }
0xa7: {  	[tilespmem:s19], [sflag:$0x1] =	stream.indirect_vreg.gather [hbm4b:s3+s2], $0x80, v4, vm0, $0xb8;
	[tilespmem:$0x19080] =	vst v63  }
0xa8: {  	_ = 	snop  }
0xa9: {  	[tilespmem:s20], [sflag:$0x1] =	stream.indirect_vreg.gather [hbm4b:s4+s2], $0x80, v4, vm0, $0xb8;
	[tilespmem:$0x19080] =	vst v63  }
0xaa: {  	v3 =	vperm.xlane v3, v2  }
0xab: {  	[tilespmem:s21], [sflag:$0x1] =	stream.indirect_vreg.gather [hbm4b:s5+s2], $0x80, v4, vm0, $0xb8;
	[tilespmem:$0x19080] =	vst v63  }
0xac: {  	v3 =	vadd.s32 v1, v3  }
0xad: {  	[tilespmem:s22], [sflag:$0x1] =	stream.indirect_vreg.gather [hbm4b:s6+s2], $0x80, v4, vm0, $0xb8;
	[tilespmem:$0x19080] =	vst v63  }
0xae: {  	_ = 	snop  }
0xaf: {  	[tilespmem:s23], [sflag:$0x1] =	stream.indirect_vreg.gather [hbm4b:s7+s2], $0x80, v4, vm0, $0xb8;
	[tilespmem:$0x19080] =	vst v63  }
0xb0: {  	_ = 	snop  }
0xb1: {  	[tilespmem:s24], [sflag:$0x1] =	stream.indirect_vreg.gather [hbm4b:s3+s2], $0x80, v3, vm0, $0xb8;
	[tilespmem:$0x19080] =	vst v63  }
0xb2: {  	_ = 	snop  }
0xb3: {  	[tilespmem:s25], [sflag:$0x1] =	stream.indirect_vreg.gather [hbm4b:s4+s2], $0x80, v3, vm0, $0xb8;
	[tilespmem:$0x19080] =	vst v63  }
0xb4: {  	_ = 	snop  }
0xb5: {  	[tilespmem:s26], [sflag:$0x1] =	stream.indirect_vreg.gather [hbm4b:s5+s2], $0x80, v3, vm0, $0xb8;
	[tilespmem:$0x19080] =	vst v63  }
0xb6: {  	_ = 	snop  }
0xb7: {  	[tilespmem:s28], [sflag:$0x1] =	stream.indirect_vreg.gather [hbm4b:s6+s2], $0x80, v3, vm0, $0xb8;
	[tilespmem:$0x19080] =	vst v63  }
0xb8: {  	_ = 	snop  }
0xb9: {  	[tilespmem:s29], [sflag:$0x1] =	stream.indirect_vreg.gather [hbm4b:s7+s2], $0x80, v3, vm0, $0xb8;
	[tilespmem:$0x19080] =	vst v63  }
0xba: {  	_ =	swait.ge [sflag:s30], $0x19000  }
0xbb: {  	p0 =	sne.s32 s0, $0x6E;
	[sflag:s30] =	ssyncset.done $0x0  }
.Ltmp0:
0xbc: {  	[sflag:s30] =	ssyncadd.s32 $0xFFFE7000;
	(pc) =	sbr.rel @p0 .LBB2_2-.Ltmp0, $4  }
0xbd: {  	[hbm4b:s9+s2] =	stream.linear.scatter [tilespmem:s11], [sflag:$0x2], $0x19000, $0x38;
	[tilespmem:$0x19080] =	vst v63  }
0xbe: {  	_ =	swait.ge [sflag:s10], $0x19000  }
0xbf: {  	[sflag:s10] =	ssyncset.done $0x0  }
0xc0: {  	s0 =	sadd.s32 $0xA, s0;
	s9 =	sadd.s32 $0x3200, s9;
	[sflag:s10] =	ssyncadd.s32 $0xFFFE7000  }
0xc1: {  	s0 =	sld [smem:$0x7F8];
	_ =	sdelay $0x1  }
0xc2: {  	s31 =	sadd.s32 $0x1, s31  }
0xc3: {  	p0 =	sne.s32 s31, s0  }
.Ltmp1:
0xc4: {  	_ = 	snop;
	(pc) =	sbr.rel @p0 .LBB2_1-.Ltmp1, $1  }
0xc5: {  	_ =	sdelay $0x3  }
0xc6: {  	_ =	sfence.sel $0x180000  }
0xc7: {  	[bflag:$0x0] =	sbarrier.arrive $0xFFFF  }
0xc8: {  	_ =	strace $0x9000004D  }
0xc9: {  	s0 =	stileid.u32;
	[bflag:$0x2] =	sbarrier.arrive $0xFFFF  }
0xca: {  	p0 =	sne.s32 s0, $0x0;
	s0 =	rddreg [dreg:$0x2]  }
0xcb: {  	s0 =	sadd.s32 @!p0 $0x100000, s0  }
0xcc: {  	[sflag:s0] =	ssyncadd.tile.s32 @!p0 $0x1;
	_ =	shalt  }
.Lfunc_end2:
_tile_overlayer_lowered:
.L_overlay_start_2:
0xcd: {  	(tag) =	ssettag $0x2  }
0xce: {  	s0 =	rddreg [dreg:$0x0];
	s2 =	stileid.u32  }
0xcf: {  	s1 =	rddreg [dreg:$0x1];
	p0 =	sne.s32 s2, $0x0  }
0xd0: {  	s3 =	rddreg [dreg:$0x2];
	[bflag:$0x3] =	sbarrier.arrive $0xFFFF;
	s2 =	simm.s32 @!p0 $0x1C02  }
0xd1: {  	[timem:s3], [sflag:s2] =	dma.local @!p0 [hbm:s0], s1  }
0xd2: {  	s0 =	simm.s32 @!p0 $0x2  }
0xd3: {  	_ =	swait.ge @!p0 [sflag:s0], s1  }
0xd4: {  	s1 =	ssub.s32 @!p0 $0x0, s1;
	[sflag:s0] =	ssyncset.done @!p0 $0x0  }
0xd5: {  	[sflag:s0] =	ssyncadd.s32 @!p0 s1  }
0xd6: {  	[bflag:$0x3] =	sbarrier.arrive $0xFFFF  }
0xd7: {  	_ =	shalt  }

// kernel: kernel.25.cloned.1.call-start
scs
__scs_entry_jumppad:
0x0: {  	(pc) =	sbr.rel $0x88, $3  }
0x1: {  	(tag) =	ssettag $0x0;
	lr =	simm.s32 $0x1  }
0x2: {  	[smem:$0x3F9D] =	sst lr;
	_ =	strace $0xD0000000  }
0x3: {  	_ = 	snop  }
0x4: {  	_ = 	snop  }
0x5: {  	_ = 	snop  }
0x6: {  	_ = 	snop  }
0x7: {  	_ = 	snop  }
__scs_overlays_trampoline_lowered:
0x8: {  	[smem:$0x3FAC] =	sst s0  }
0x9: {  	[smem:$0x3FAD] =	sst s1  }
0xa: {  	[smem:$0x3FAE] =	sst s2  }
0xb: {  	[smem:$0x3FAF] =	sst s3  }
0xc: {  	[smem:$0x3FB0] =	sst s4  }
0xd: {  	[smem:$0x3FB1] =	sst s5  }
0xe: {  	[smem:$0x3FB2] =	sst s6  }
0xf: {  	[smem:$0x3FB3] =	sst s7  }
0x10: {  	[smem:$0x3FB4] =	sst s8  }
0x11: {  	[smem:$0x3FB5] =	sst s9;
	s0 =	simm.s32 @!p0 $0x0  }
0x12: {  	s1 =	sld [smem:$0x3F9B];
	s0 =	simm.s32 @p0 $0x1  }
0x13: {  	[smem:$0x3FB6] =	sst s0;
	s0 =	simm.s32 @!p1 $0x0  }
0x14: {  	s2 =	sld [smem:$0x3F9A];
	s0 =	simm.s32 @p1 $0x1  }
0x15: {  	[smem:$0x3FB7] =	sst s0;
	s0 =	simm.s32 @!p2 $0x0  }
0x16: {  	s3 =	sld [smem:$0x3FDB];
	s0 =	simm.s32 @p2 $0x1  }
0x17: {  	s4 =	simm.s32 $0x1BF5;
	[smem:$0x3FB9] =	sst s0  }
0x18: {  	s0 =	sld [smem:$0x3F9C];
	_ =	swait.ge [sflag:s4], $0x0  }
0x19: {  	s7 =	sld [smem:$0x3F9D]  }
0x1a: {  	s8 =	sadd.s32 $0xFFFFE003, lr  }
0x1b: {  	s9 =	sadd.s32 $0xFFFFFEF7, lr;
	s5 =	simm.s32 $0xFFFFFFFF;
	p2 =	slt.u32 s8, $0xFFFFF086  }
0x1c: {  	p1 =	slt.u32 s9, $0xF7A;
	s5 =	simm.s32 @!p2 $0x0  }
0x1d: {  	s5 =	simm.s32 @p1 $0x1;
	p0 =	seq.s32 s7, s2  }
0x1e: {  	s7 =	smul.u32 @!p0 $0xF7A, s2;
	p2 =	seq.s32 @!p0 s5, $0x0  }
0x1f: {  	s9 =	smul.u32 $0xF7A, s1;
	s8 =	simm.s32 @!p0 $0x1BF5;
	p2 =	por !p2, p0  }
0x20: {  	[sflag:s8] =	ssyncset.s32 @!p0 $0xFFFFF086;
	s6 =	sadd.s32 @!p0 s3, s7;
	s7 =	simm.s32 @!p0 $0x108  }
0x21: {  	s3 =	sadd.s32 s3, s9;
	s6 =	sadd.s32 @!p0 $0x88, s6;
	s7 =	simm.s32 @p2 $0x1082  }
0x22: {  	[simem:s7], [sflag:s8] =	dma.local @!p0 [hbm:s6], $0xF7A  }
0x23: {  	s9 =	sor.u32 $0xD0000000, s2;
	s6 =	simm.s32 $0x108;
	_ =	swait.ge @!p0 [sflag:s8], $0x0  }
0x24: {  	s3 =	sadd.s32 $0x88, s3;
	s6 =	simm.s32 @!p1 $0x1082;
	[sflag:s4] =	ssyncset.s32 $0xFFFFF086  }
0x25: {  	[simem:s6], [sflag:s4] =	dma.local [hbm:s3], $0xF7A  }
0x26: {  	[smem:$0x3F9D] =	sst s1;
	(tag) =	ssettag s2;
	_ =	strace s9  }
0x27: {  	s1 =	sld [smem:$0x3FAD]  }
0x28: {  	s2 =	sld [smem:$0x3FAE]  }
0x29: {  	s4 =	sld [smem:$0x3FB0]  }
0x2a: {  	p0 =	seq.s32 s5, $0x0;
	s5 =	sld [smem:$0x3FB1]  }
0x2b: {  	s6 =	sld [smem:$0x3FB2]  }
0x2c: {  	s7 =	sld [smem:$0x3FB3]  }
0x2d: {  	s3 =	simm.s32 $0x108;
	s8 =	sld [smem:$0x3FB4]  }
0x2e: {  	s3 =	simm.s32 @!p0 $0x1082;
	s9 =	sld [smem:$0x3FB5]  }
0x2f: {  	lr =	sadd.s32 s0, s3;
	s0 =	sld [smem:$0x3FAC]  }
0x30: {  	s3 =	sld [smem:$0x3FAF]  }
0x31: {  	[smem:$0x3FB8] =	sst s10  }
0x32: {  	s10 =	sld [smem:$0x3FB6];
	_ =	sdelay $0x3  }
0x33: {  	p0 =	seq.s32 s10, $0x1;
	s10 =	sld [smem:$0x3FB8];
	_ =	sdelay $0x3  }
0x34: {  	[smem:$0x3FB8] =	sst s10  }
0x35: {  	s10 =	sld [smem:$0x3FB7];
	_ =	sdelay $0x3  }
0x36: {  	p1 =	seq.s32 s10, $0x1;
	s10 =	sld [smem:$0x3FB8];
	_ =	sdelay $0x3  }
0x37: {  	[smem:$0x3FB8] =	sst s10  }
0x38: {  	s10 =	sld [smem:$0x3FB9]  }
0x39: {  	_ = 	snop;
	(pc) =	sbr.ind lr, $3  }
0x3a: {  	_ = 	snop  }
0x3b: {  	_ = 	snop  }
0x3c: {  	p2 =	seq.s32 s10, $0x1;
	s10 =	sld [smem:$0x3FB8]  }
0x3d: {  	_ =	shalt  }
0x3e: {  	_ =	shalt  }
0x3f: {  	_ =	shalt  }
0x40: {  	_ =	shalt  }
0x41: {  	_ =	shalt  }
0x42: {  	_ =	shalt  }
0x43: {  	_ =	shalt  }
0x44: {  	_ =	shalt  }
0x45: {  	_ =	shalt  }
0x46: {  	_ =	shalt  }
0x47: {  	_ =	shalt  }
0x48: {  	_ =	shalt  }
0x49: {  	_ =	shalt  }
0x4a: {  	_ =	shalt  }
0x4b: {  	_ =	shalt  }
0x4c: {  	_ =	shalt  }
0x4d: {  	_ =	shalt  }
0x4e: {  	_ =	shalt  }
0x4f: {  	_ =	shalt  }
0x50: {  	_ =	shalt  }
0x51: {  	_ =	shalt  }
0x52: {  	_ =	shalt  }
0x53: {  	_ =	shalt  }
0x54: {  	_ =	shalt  }
0x55: {  	_ =	shalt  }
0x56: {  	_ =	shalt  }
0x57: {  	_ =	shalt  }
0x58: {  	_ =	shalt  }
0x59: {  	_ =	shalt  }
0x5a: {  	_ =	shalt  }
0x5b: {  	_ =	shalt  }
0x5c: {  	_ =	shalt  }
0x5d: {  	_ =	shalt  }
0x5e: {  	_ =	shalt  }
0x5f: {  	_ =	shalt  }
0x60: {  	_ =	shalt  }
0x61: {  	_ =	shalt  }
0x62: {  	_ =	shalt  }
0x63: {  	_ =	shalt  }
0x64: {  	_ =	shalt  }
0x65: {  	_ =	shalt  }
0x66: {  	_ =	shalt  }
0x67: {  	_ =	shalt  }
0x68: {  	_ =	shalt  }
0x69: {  	_ =	shalt  }
0x6a: {  	_ =	shalt  }
0x6b: {  	_ =	shalt  }
0x6c: {  	_ =	shalt  }
0x6d: {  	_ =	shalt  }
0x6e: {  	_ =	shalt  }
0x6f: {  	_ =	shalt  }
0x70: {  	_ =	shalt  }
0x71: {  	_ =	shalt  }
0x72: {  	_ =	shalt  }
0x73: {  	_ =	shalt  }
0x74: {  	_ =	shalt  }
0x75: {  	_ =	shalt  }
0x76: {  	_ =	shalt  }
0x77: {  	_ =	shalt  }
0x78: {  	_ =	shalt  }
0x79: {  	_ =	shalt  }
0x7a: {  	_ =	shalt  }
0x7b: {  	_ =	shalt  }
0x7c: {  	_ =	shalt  }
0x7d: {  	_ =	shalt  }
0x7e: {  	_ =	shalt  }
0x7f: {  	_ =	shalt  }
0x80: {  	_ =	shalt  }
0x81: {  	_ =	shalt  }
0x82: {  	_ =	shalt  }
0x83: {  	_ =	shalt  }
0x84: {  	_ =	shalt  }
0x85: {  	_ =	shalt  }
0x86: {  	_ =	shalt  }
0x87: {  	_ =	shalt  }
.Lfunc_end0:
.L_simem_size_0:
called_computation.4_lowered:
.L_overlay_start_0:
0x88: {  	s2 =	sld [smem:$0x3FD9]  }
0x89: {  	s3 =	sld [smem:$0x3FFE];
	_ =	sdelay $0x1  }
0x8a: {  	s1 =	srdreg.scid  }
0x8b: {  	s0 =	sand.u32 $0x1, s1  }
0x8c: {  	s14 =	sshll.u32 s0, $0xA;
	s2 =	sadd.s32 s3, s2  }
0x8d: {  	s2 =	sadd.s32 s2, s14  }
0x8e: {  	[smem:$0x3FC4] =	sst s2  }
0x8f: {  	_ = 	snop  }
0x90: {  	s2 =	sld [smem:$0x3FD0];
	_ =	sdelay $0x2  }
0x91: {  	s15 =	simm.s32 $0xB;
	s4 =	simm.s32 $0x10  }
0x92: {  	[smem:s4], [sflag:s15] =	dma.local [hbm:s2], $0x1  }
0x93: {  	_ =	swait.eq [sflag:s15], $0x1  }
0x94: {  	[sflag:s15] =	ssyncset.done $0x0  }
0x95: {  	[sflag:s15] =	ssyncadd.s32 $0xFFFFFFFF  }
0x96: {  	s16 =	sld [smem:$0x10];
	(tm) =	ssettm $0x1  }
0x97: {  	s17 =	sld [smem:$0x3FFB];
	_ =	sdelay $0x3  }
0x98: {  	_ =	strace s17  }
0x99: {  	s3 =	sld [smem:$0x3FFC];
	_ =	sdelay $0x3  }
0x9a: {  	_ =	strace s3  }
0x9b: {  	s3 =	sld [smem:$0x3FFD];
	_ =	sdelay $0x3  }
0x9c: {  	_ =	strace s3  }
0x9d: {  	_ =	strace $0x8FFFFFFF  }
0x9e: {  	s18 =	sld [smem:$0x3FDB];
	_ =	sdelay $0x1  }
0x9f: {  	s19 =	simm.s32 $_scs_section_size  }
0xa0: {  	s5 =	simm.s32 $_size__tile_overlayer_lowered;
	s6 =	simm.s32 $_tile_overlayer_lowered  }
0xa1: {  	s22 =	simm.s32 $0x1BFF;
	s21 =	sshll.u32 s6, $0x1;
	s3 =	sadd.s32 s19, s18  }
0xa2: {  	s7 =	simm.s32 $0x0;
	s20 =	sshll.u32 s5, $0x1;
	s5 =	sadd.s32 s21, s3  }
0xa3: {  	[timem:s7], [sflag:s22] =	dma.local [hbm:s5], s20  }
0xa4: {  	_ =	swait.ge [sflag:s22], s20  }
0xa5: {  	s4 =	ssub.s32 $0x0, s20;
	[sflag:s22] =	ssyncset.done $0x0  }
0xa6: {  	[sflag:s22] =	ssyncadd.s32 s4;
	_ =	sdelay $0x1  }
0xa7: {  	s23 =	simm.s32 $0x1B8B  }
0xa8: {  	_ =	swait.ge [sflag:s23], $0x1  }
0xa9: {  	[sflag:s23] =	ssyncset.done $0x0  }
0xaa: {  	s25 =	simm.s32 $0x1B8E;
	s24 =	sld [smem:$0x3FFE];
	[sflag:s23] =	ssyncadd.s32 $0xFFFFFFFF  }
0xab: {  	s26 =	simm.s32 $execute0_lowered;
	[smem:$0x3FD2] =	sst s25  }
0xac: {  	s5 =	sshll.u32 s26, $0x1;
	_ =	strace $0x8000004F;
	[dreg:$0x1] =	wrdreg $0xFFFFFFFF  }
0xad: {  	s28 =	simm.s32 $_size_execute0_lowered;
	s3 =	sadd.s32 s3, s5;
	[dreg:$0x0] =	wrdreg $0x0  }
0xae: {  	s5 =	sshll.u32 s28, $0x1;
	[dreg:$0x2] =	wrdreg s3  }
0xaf: {  	[dreg:$0x3] =	wrdreg s5  }
0xb0: {  	[dreg:$0x4] =	wrdreg $0xC0  }
0xb1: {  	_ =	task [dreg:s7], $0x5FFFF  }
0xb2: {  	[dreg:$0x1] =	wrdreg $0xFFFFFFFF  }
0xb3: {  	[dreg:$0x0] =	wrdreg $0x60  }
0xb4: {  	[dreg:$0x2] =	wrdreg s24  }
0xb5: {  	[dreg:$0x3] =	wrdreg s16  }
0xb6: {  	[dreg:$0x4] =	wrdreg $0x9  }
0xb7: {  	_ =	task.clear_ibuf [dreg:s7], $0x5FFFF;
	_ =	strace $0x9000004F  }
0xb8: {  	s29 =	simm.s32 $0x9;
	_ =	strace $0x80000051  }
0xb9: {  	_ =	swait.ge [sflag:s29], $0x1  }
0xba: {  	[sflag:s29] =	ssyncadd.s32 $0xFFFFFFFF  }
0xbb: {  	_ =	strace $0x90000051  }
0xbc: {  	_ =	sfence  }
0xbd: {  	s30 =	sld [smem:$0x0];
	_ =	sdelay $0x2  }
0xbe: {  	s31 =	sshll.u32 s1, $0xD;
	s1 =	sshrl.u32 s1, $0x2  }
0xbf: {  	s3 =	sand.u32 $0x4000, s31;
	s1 =	sadd.s32 s1, s30  }
0xc0: {  	s0 =	sor.u32 s3, s0;
	s1 =	sshll.u32 s1, $0x11  }
0xc1: {  	s0 =	sor.u32 s1, s0  }
0xc2: {  	s0 =	sadd.s32 $0x8F2B, s0  }
0xc3: {  	[sflag:s0] =	ssyncadd.remote.s32 $0x1  }
0xc4: {  	_ =	sfence.sel $0xFFFF  }
0xc5: {  	[dreg:$0x0] =	wrdreg $0xFFFFFFFF;
	(pc) =	sbr.abs _section_cstart, $3  }
0xc6: {  	[dreg:$0x1] =	wrdreg $0xFFFFFFFF  }
0xc7: {  	_ =	task.clear_ibuf [dreg:s7], $0x2FFFF;
	_ =	strace $0x9FFFFFFF  }
0xc8: {  	(tm) =	ssettm $0x7FFFFFFF  }
0xc9: {  	_ =	shalt  }
tec
execute0_lowered:
.L_overlay_start_1:
0x0: {  	(tag) =	ssettag $0x1  }
0x1: {  	s0 =	srdreg.scid  }
0x2: {  	s2 =	stileid.u32;
	s5 =	rddreg [dreg:$0x1];
	s1 =	sand.u32 $0x1, s0  }
0x3: {  	s3 =	smul.u32 $0x780, s2;
	s0 =	rddreg [dreg:$0x0];
	s2 =	simm.s32 $0x0  }
0x4: {  	s17 =	simm.s32 $0x880;
	[smem:$0x7FF] =	sst s2  }
0x5: {  	s18 =	simm.s32 $0x1080;
	_ =	strace $0x80000050;
	[dreg:$0x4] =	wrdreg s17  }
0x6: {  	s19 =	simm.s32 $0x1880;
	[dreg:$0x5] =	wrdreg s18  }
0x7: {  	s20 =	simm.s32 $0x2080;
	[dreg:$0x6] =	wrdreg s19  }
0x8: {  	s21 =	simm.s32 $0x2880;
	[dreg:$0x7] =	wrdreg s20  }
0x9: {  	s22 =	simm.s32 $0x3080;
	[dreg:$0x8] =	wrdreg s21  }
0xa: {  	s23 =	simm.s32 $0x3880;
	[dreg:$0x9] =	wrdreg s22  }
0xb: {  	s24 =	simm.s32 $0x4080;
	[dreg:$0xa] =	wrdreg s23  }
0xc: {  	s25 =	simm.s32 $0x4880;
	[dreg:$0xb] =	wrdreg s24  }
0xd: {  	s26 =	simm.s32 $0x5080;
	[dreg:$0xc] =	wrdreg s25  }
0xe: {  	s6 =	simm.s32 $0x6080;
	[dreg:$0xd] =	wrdreg s26  }
0xf: {  	s7 =	simm.s32 $0x6880;
	[dreg:$0xf] =	wrdreg s6  }
0x10: {  	s8 =	simm.s32 $0x7080;
	[dreg:$0x10] =	wrdreg s7  }
0x11: {  	s9 =	simm.s32 $0x7880;
	[dreg:$0x11] =	wrdreg s8  }
0x12: {  	s10 =	simm.s32 $0x8080;
	[dreg:$0x12] =	wrdreg s9  }
0x13: {  	s11 =	simm.s32 $0x8880;
	s12 =	simm.s32 $0x9080;
	[dreg:$0x13] =	wrdreg s10  }
0x14: {  	s13 =	simm.s32 $0x9880;
	s15 =	simm.s32 $0xA080;
	[dreg:$0x14] =	wrdreg s11  }
0x15: {  	s28 =	simm.s32 $0x18080;
	s29 =	simm.s32 $0x18880;
	[dreg:$0x15] =	wrdreg s12  }
0x16: {  	s30 =	simm.s32 $0x1;
	s31 =	simm.s32 $0x0;
	[dreg:$0x16] =	wrdreg s13  }
0x17: {  	s4 =	smul.u32 $0x3C0, s1;
	[dreg:$0x17] =	wrdreg s15;
	s17 =	simm.s32 $0xB080  }
0x18: {  	s1 =	ssub.s32 $0x2, s1;
	s18 =	simm.s32 $0xB880;
	[dreg:$0x19] =	wrdreg s17  }
0x19: {  	s19 =	sshrl.u32 s1, $0x1;
	s20 =	simm.s32 $0xC080;
	[dreg:$0x1a] =	wrdreg s18  }
0x1a: {  	s21 =	simm.s32 $0xC880;
	s6 =	simm.s32 $0xD080;
	[dreg:$0x1b] =	wrdreg s20  }
0x1b: {  	s7 =	simm.s32 $0xD880;
	s8 =	simm.s32 $0xE080;
	[dreg:$0x1c] =	wrdreg s21  }
0x1c: {  	s22 =	simm.s32 $0xE880;
	s23 =	simm.s32 $0xF080;
	[dreg:$0x1d] =	wrdreg s6  }
0x1d: {  	s25 =	simm.s32 $0xF880;
	s10 =	simm.s32 $0x2;
	[dreg:$0x1e] =	wrdreg s7  }
0x1e: {  	s26 =	simm.s32 $0x10080;
	s11 =	simm.s32 $0x80;
	[dreg:$0x1f] =	wrdreg s8  }
0x1f: {  	s12 =	simm.s32 $0x10880;
	s13 =	simm.s32 $0x11080;
	[smem:$0x7F9] =	sst s22  }
0x20: {  	s3 =	sadd.s32 s4, s3;
	s4 =	sadd.s32 $0x7C9500, s0;
	[smem:$0x7FB] =	sst s23  }
0x21: {  	s15 =	simm.s32 $0x12080;
	s6 =	sadd.s32 $0x7C9700, s0;
	[smem:$0x7FC] =	sst s25  }
0x22: {  	s1 =	ssub.s32 s1, s19;
	s7 =	sadd.s32 $0x7C9800, s0;
	[smem:$0x7FD] =	sst s26  }
0x23: {  	s17 =	simm.s32 $0x13080;
	s18 =	simm.s32 $0x13880;
	s19 =	simm.s32 $0x14080  }
0x24: {  	s20 =	simm.s32 $0x14880;
	s21 =	simm.s32 $0x15080;
	s22 =	simm.s32 $0x15880  }
0x25: {  	s23 =	simm.s32 $0x16080;
	s3 =	sshrl.u32 s3, $0x3;
	s1 =	smax.u32 s1, $0x1  }
0x26: {  	s25 =	simm.s32 $0x17080;
	s16 =	sadd.s32 s3, s5;
	[smem:$0x7F8] =	sst s1  }
0x27: {  	s5 =	simm.s32 $0x5880;
	s14 =	smul.u32 $0x500, s3;
	[dreg:$0x3] =	wrdreg s16  }
0x28: {  	s26 =	simm.s32 $0x17880;
	s3 =	sadd.s32 $0x7C9400, s0;
	[dreg:$0xe] =	wrdreg s5  }
0x29: {  	v2 =	vlaneseq.u32;
	s16 =	simm.s32 $0xA880;
	s5 =	sadd.s32 $0x7C9600, s0;
	s9 =	sadd.s32 s14, s0  }
0x2a: {  	vm0 =	vmmov $0xffff;
	v1 =	vshrl.u32 v2, $0x3;
	[dreg:$0x18] =	wrdreg s16;
	s14 =	simm.s32 $0x11880;
	s24 =	sadd.s32 $0x319400, s9  }
0x2b: {  	v0 =	vand.u32 $0x7, v2;
	v2 =	vor.u32 $0x8, v2;
	v1 =	vmul.u32 $0x8, v1;
	s16 =	simm.s32 $0x12880;
	[smem:$0x7FA] =	sst s24;
	s24 =	simm.s32 $0x16880  }
.LBB2_1:
0x2c: {  	s9 =	sld [smem:$0x7FA];
	s0 =	simm.s32 $0x0  }
.LBB2_2:
0x2d: {  	s8 =	rddreg [dreg:$0x3]  }
0x2e: {  	s8 =	sadd.s32 s0, s8  }
0x2f: {  	[tilespmem:s2], [sflag:$0x2] =	stream.linear.gather [hbm4b:s8+s2], $0x50, $0x38;
	[tilespmem:$0x19080] =	vst v63  }
0x30: {  	_ =	swait.ge [sflag:s10], $0x50  }
0x31: {  	[sflag:s10] =	ssyncset.done $0x0  }
0x32: {  	[sflag:s10] =	ssyncadd.s32 $0xFFFFFFB0  }
0x33: {  	v3 =	vld [tilespmem:$0x0];
	_ =	sdelay $0x4  }
0x34: {  	v4 =	vshrl.u32 v3, $0x3  }
0x35: {  	v4 =	vmul.u32 $0x50, v4  }
0x36: {  	v3 =	vand.u32 $0x7, v3  }
0x37: {  	v3 =	vor.u32 v3, v4  }
0x38: {  	v4 =	vperm.xlane v3, v0;
	_ =	sdelay $0x1  }
0x39: {  	v4 =	vadd.s32 v1, v4;
	_ =	sdelay $0x4  }
0x3a: {  	[tilespmem:s11], [sflag:$0x1] =	stream.indirect_vreg.gather [hbm4b:s3+s2], $0x80, v4, vm0, $0xb8;
	[tilespmem:$0x19080] =	vst v63  }
0x3b: {  	s8 =	rddreg [dreg:$0x4]  }
0x3c: {  	[tilespmem:s8], [sflag:$0x1] =	stream.indirect_vreg.gather [hbm4b:s4+s2], $0x80, v4, vm0, $0xb8;
	[tilespmem:$0x19080] =	vst v63  }
0x3d: {  	s1 =	rddreg [dreg:$0x5];
	v3 =	vperm.xlane v3, v2  }
0x3e: {  	[tilespmem:s1], [sflag:$0x1] =	stream.indirect_vreg.gather [hbm4b:s5+s2], $0x80, v4, vm0, $0xb8;
	[tilespmem:$0x19080] =	vst v63  }
0x3f: {  	v3 =	vadd.s32 v1, v3;
	s8 =	rddreg [dreg:$0x6]  }
0x40: {  	[tilespmem:s8], [sflag:$0x1] =	stream.indirect_vreg.gather [hbm4b:s6+s2], $0x80, v4, vm0, $0xb8;
	[tilespmem:$0x19080] =	vst v63  }
0x41: {  	s1 =	rddreg [dreg:$0x7]  }
0x42: {  	[tilespmem:s1], [sflag:$0x1] =	stream.indirect_vreg.gather [hbm4b:s7+s2], $0x80, v4, vm0, $0xb8;
	[tilespmem:$0x19080] =	vst v63  }
0x43: {  	s8 =	rddreg [dreg:$0x8]  }
0x44: {  	[tilespmem:s8], [sflag:$0x1] =	stream.indirect_vreg.gather [hbm4b:s3+s2], $0x80, v3, vm0, $0xb8;
	[tilespmem:$0x19080] =	vst v63  }
0x45: {  	s1 =	rddreg [dreg:$0x9]  }
0x46: {  	[tilespmem:s1], [sflag:$0x1] =	stream.indirect_vreg.gather [hbm4b:s4+s2], $0x80, v3, vm0, $0xb8;
	[tilespmem:$0x19080] =	vst v63  }
0x47: {  	s8 =	rddreg [dreg:$0xa]  }
0x48: {  	[tilespmem:s8], [sflag:$0x1] =	stream.indirect_vreg.gather [hbm4b:s5+s2], $0x80, v3, vm0, $0xb8;
	[tilespmem:$0x19080] =	vst v63  }
0x49: {  	s1 =	rddreg [dreg:$0xb]  }
0x4a: {  	[tilespmem:s1], [sflag:$0x1] =	stream.indirect_vreg.gather [hbm4b:s6+s2], $0x80, v3, vm0, $0xb8;
	[tilespmem:$0x19080] =	vst v63  }
0x4b: {  	s8 =	rddreg [dreg:$0xc]  }
0x4c: {  	[tilespmem:s8], [sflag:$0x1] =	stream.indirect_vreg.gather [hbm4b:s7+s2], $0x80, v3, vm0, $0xb8;
	[tilespmem:$0x19080] =	vst v63  }
0x4d: {  	v3 =	vld [tilespmem:$0x10];
	_ =	sdelay $0x4  }
0x4e: {  	v60 =	vshrl.u32 v3, $0x3  }
0x4f: {  	v4 =	vmul.u32 $0x50, v60  }
0x50: {  	v3 =	vand.u32 $0x7, v3  }
0x51: {  	v3 =	vor.u32 v3, v4  }
0x52: {  	v4 =	vperm.xlane v3, v0;
	_ =	sdelay $0x1  }
0x53: {  	v4 =	vadd.s32 v1, v4;
	_ =	sdelay $0x3  }
0x54: {  	s1 =	rddreg [dreg:$0xd]  }
0x55: {  	[tilespmem:s1], [sflag:$0x1] =	stream.indirect_vreg.gather [hbm4b:s3+s2], $0x80, v4, vm0, $0xb8;
	[tilespmem:$0x19080] =	vst v63  }
0x56: {  	s8 =	rddreg [dreg:$0xe]  }
0x57: {  	[tilespmem:s8], [sflag:$0x1] =	stream.indirect_vreg.gather [hbm4b:s4+s2], $0x80, v4, vm0, $0xb8;
	[tilespmem:$0x19080] =	vst v63  }
0x58: {  	v3 =	vperm.xlane v3, v2;
	s1 =	rddreg [dreg:$0xf]  }
0x59: {  	[tilespmem:s1], [sflag:$0x1] =	stream.indirect_vreg.gather [hbm4b:s5+s2], $0x80, v4, vm0, $0xb8;
	[tilespmem:$0x19080] =	vst v63  }
0x5a: {  	v3 =	vadd.s32 v1, v3;
	s8 =	rddreg [dreg:$0x10]  }
0x5b: {  	[tilespmem:s8], [sflag:$0x1] =	stream.indirect_vreg.gather [hbm4b:s6+s2], $0x80, v4, vm0, $0xb8;
	[tilespmem:$0x19080] =	vst v63  }
0x5c: {  	s1 =	rddreg [dreg:$0x11]  }
0x5d: {  	[tilespmem:s1], [sflag:$0x1] =	stream.indirect_vreg.gather [hbm4b:s7+s2], $0x80, v4, vm0, $0xb8;
	[tilespmem:$0x19080] =	vst v63  }
0x5e: {  	s8 =	rddreg [dreg:$0x12]  }
0x5f: {  	[tilespmem:s8], [sflag:$0x1] =	stream.indirect_vreg.gather [hbm4b:s3+s2], $0x80, v3, vm0, $0xb8;
	[tilespmem:$0x19080] =	vst v63  }
0x60: {  	s1 =	rddreg [dreg:$0x13]  }
0x61: {  	[tilespmem:s1], [sflag:$0x1] =	stream.indirect_vreg.gather [hbm4b:s4+s2], $0x80, v3, vm0, $0xb8;
	[tilespmem:$0x19080] =	vst v63  }
0x62: {  	s8 =	rddreg [dreg:$0x14]  }
0x63: {  	[tilespmem:s8], [sflag:$0x1] =	stream.indirect_vreg.gather [hbm4b:s5+s2], $0x80, v3, vm0, $0xb8;
	[tilespmem:$0x19080] =	vst v63  }
0x64: {  	s1 =	rddreg [dreg:$0x15]  }
0x65: {  	[tilespmem:s1], [sflag:$0x1] =	stream.indirect_vreg.gather [hbm4b:s6+s2], $0x80, v3, vm0, $0xb8;
	[tilespmem:$0x19080] =	vst v63  }
0x66: {  	s8 =	rddreg [dreg:$0x16]  }
0x67: {  	[tilespmem:s8], [sflag:$0x1] =	stream.indirect_vreg.gather [hbm4b:s7+s2], $0x80, v3, vm0, $0xb8;
	[tilespmem:$0x19080] =	vst v63  }
0x68: {  	v3 =	vld [tilespmem:$0x20];
	_ =	sdelay $0x4  }
0x69: {  	v61 =	vshrl.u32 v3, $0x3  }
0x6a: {  	v4 =	vmul.u32 $0x50, v61  }
0x6b: {  	v3 =	vand.u32 $0x7, v3  }
0x6c: {  	v3 =	vor.u32 v3, v4  }
0x6d: {  	v4 =	vperm.xlane v3, v0;
	_ =	sdelay $0x1  }
0x6e: {  	v4 =	vadd.s32 v1, v4;
	_ =	sdelay $0x2  }
0x6f: {  	s1 =	rddreg [dreg:$0x17]  }
0x70: {  	s8 =	rddreg [dreg:$0x18]  }
0x71: {  	[tilespmem:s1], [sflag:$0x1] =	stream.indirect_vreg.gather [hbm4b:s3+s2], $0x80, v4, vm0, $0xb8;
	[tilespmem:$0x19080] =	vst v63  }
0x72: {  	s1 =	rddreg [dreg:$0x19]  }
0x73: {  	[tilespmem:s8], [sflag:$0x1] =	stream.indirect_vreg.gather [hbm4b:s4+s2], $0x80, v4, vm0, $0xb8;
	[tilespmem:$0x19080] =	vst v63  }
0x74: {  	v3 =	vperm.xlane v3, v2;
	s8 =	rddreg [dreg:$0x1a]  }
0x75: {  	[tilespmem:s1], [sflag:$0x1] =	stream.indirect_vreg.gather [hbm4b:s5+s2], $0x80, v4, vm0, $0xb8;
	[tilespmem:$0x19080] =	vst v63  }
0x76: {  	v3 =	vadd.s32 v1, v3;
	s1 =	rddreg [dreg:$0x1b]  }
0x77: {  	[tilespmem:s8], [sflag:$0x1] =	stream.indirect_vreg.gather [hbm4b:s6+s2], $0x80, v4, vm0, $0xb8;
	[tilespmem:$0x19080] =	vst v63  }
0x78: {  	s8 =	rddreg [dreg:$0x1c]  }
0x79: {  	[tilespmem:s1], [sflag:$0x1] =	stream.indirect_vreg.gather [hbm4b:s7+s2], $0x80, v4, vm0, $0xb8;
	[tilespmem:$0x19080] =	vst v63  }
0x7a: {  	s1 =	rddreg [dreg:$0x1d]  }
0x7b: {  	[tilespmem:s8], [sflag:$0x1] =	stream.indirect_vreg.gather [hbm4b:s3+s2], $0x80, v3, vm0, $0xb8;
	[tilespmem:$0x19080] =	vst v63  }
0x7c: {  	s8 =	rddreg [dreg:$0x1e]  }
0x7d: {  	[tilespmem:s1], [sflag:$0x1] =	stream.indirect_vreg.gather [hbm4b:s4+s2], $0x80, v3, vm0, $0xb8;
	[tilespmem:$0x19080] =	vst v63  }
0x7e: {  	s1 =	rddreg [dreg:$0x1f]  }
0x7f: {  	[tilespmem:s8], [sflag:$0x1] =	stream.indirect_vreg.gather [hbm4b:s5+s2], $0x80, v3, vm0, $0xb8;
	[tilespmem:$0x19080] =	vst v63  }
0x80: {  	s8 =	sld [smem:$0x7F9]  }
0x81: {  	[tilespmem:s1], [sflag:$0x1] =	stream.indirect_vreg.gather [hbm4b:s6+s2], $0x80, v3, vm0, $0xb8;
	[tilespmem:$0x19080] =	vst v63  }
0x82: {  	_ = 	snop  }
0x83: {  	[tilespmem:s8], [sflag:$0x1] =	stream.indirect_vreg.gather [hbm4b:s7+s2], $0x80, v3, vm0, $0xb8;
	[tilespmem:$0x19080] =	vst v63  }
0x84: {  	v3 =	vld [tilespmem:$0x30];
	_ =	sdelay $0x4  }
0x85: {  	v62 =	vshrl.u32 v3, $0x3  }
0x86: {  	v4 =	vmul.u32 $0x50, v62  }
0x87: {  	v3 =	vand.u32 $0x7, v3  }
0x88: {  	v3 =	vor.u32 v3, v4  }
0x89: {  	v4 =	vperm.xlane v3, v0;
	_ =	sdelay $0x1  }
0x8a: {  	v4 =	vadd.s32 v1, v4;
	_ =	sdelay $0x1  }
0x8b: {  	s1 =	sld [smem:$0x7FB];
	_ =	sdelay $0x1  }
0x8c: {  	s8 =	sld [smem:$0x7FC]  }
0x8d: {  	[tilespmem:s1], [sflag:$0x1] =	stream.indirect_vreg.gather [hbm4b:s3+s2], $0x80, v4, vm0, $0xb8;
	[tilespmem:$0x19080] =	vst v63  }
0x8e: {  	s1 =	sld [smem:$0x7FD]  }
0x8f: {  	[tilespmem:s8], [sflag:$0x1] =	stream.indirect_vreg.gather [hbm4b:s4+s2], $0x80, v4, vm0, $0xb8;
	[tilespmem:$0x19080] =	vst v63  }
0x90: {  	v3 =	vperm.xlane v3, v2  }
0x91: {  	[tilespmem:s1], [sflag:$0x1] =	stream.indirect_vreg.gather [hbm4b:s5+s2], $0x80, v4, vm0, $0xb8;
	[tilespmem:$0x19080] =	vst v63  }
0x92: {  	v3 =	vadd.s32 v1, v3  }
0x93: {  	[tilespmem:s12], [sflag:$0x1] =	stream.indirect_vreg.gather [hbm4b:s6+s2], $0x80, v4, vm0, $0xb8;
	[tilespmem:$0x19080] =	vst v63  }
0x94: {  	_ = 	snop  }
0x95: {  	[tilespmem:s13], [sflag:$0x1] =	stream.indirect_vreg.gather [hbm4b:s7+s2], $0x80, v4, vm0, $0xb8;
	[tilespmem:$0x19080] =	vst v63  }
0x96: {  	_ = 	snop  }
0x97: {  	[tilespmem:s14], [sflag:$0x1] =	stream.indirect_vreg.gather [hbm4b:s3+s2], $0x80, v3, vm0, $0xb8;
	[tilespmem:$0x19080] =	vst v63  }
0x98: {  	_ = 	snop  }
0x99: {  	[tilespmem:s15], [sflag:$0x1] =	stream.indirect_vreg.gather [hbm4b:s4+s2], $0x80, v3, vm0, $0xb8;
	[tilespmem:$0x19080] =	vst v63  }
0x9a: {  	_ = 	snop  }
0x9b: {  	[tilespmem:s16], [sflag:$0x1] =	stream.indirect_vreg.gather [hbm4b:s5+s2], $0x80, v3, vm0, $0xb8;
	[tilespmem:$0x19080] =	vst v63  }
0x9c: {  	_ = 	snop  }
0x9d: {  	[tilespmem:s17], [sflag:$0x1] =	stream.indirect_vreg.gather [hbm4b:s6+s2], $0x80, v3, vm0, $0xb8;
	[tilespmem:$0x19080] =	vst v63  }
0x9e: {  	_ = 	snop  }
0x9f: {  	[tilespmem:s18], [sflag:$0x1] =	stream.indirect_vreg.gather [hbm4b:s7+s2], $0x80, v3, vm0, $0xb8;
	[tilespmem:$0x19080] =	vst v63  }
0xa0: {  	v3 =	vld [tilespmem:$0x40];
	_ =	sdelay $0x4  }
0xa1: {  	v63 =	vshrl.u32 v3, $0x3  }
0xa2: {  	v4 =	vmul.u32 $0x50, v63  }
0xa3: {  	v3 =	vand.u32 $0x7, v3  }
0xa4: {  	v3 =	vor.u32 v3, v4  }
0xa5: {  	v4 =	vperm.xlane v3, v0;
	_ =	sdelay $0x1  }
0xa6: {  	v4 =	vadd.s32 v1, v4;
	_ =	sdelay $0x4  }
0xa7: {  	[tilespmem:s19], [sflag:$0x1] =	stream.indirect_vreg.gather [hbm4b:s3+s2], $0x80, v4, vm0, $0xb8;
	[tilespmem:$0x19080] =	vst v63  }
0xa8: {  	_ = 	snop  }
0xa9: {  	[tilespmem:s20], [sflag:$0x1] =	stream.indirect_vreg.gather [hbm4b:s4+s2], $0x80, v4, vm0, $0xb8;
	[tilespmem:$0x19080] =	vst v63  }
0xaa: {  	v3 =	vperm.xlane v3, v2  }
0xab: {  	[tilespmem:s21], [sflag:$0x1] =	stream.indirect_vreg.gather [hbm4b:s5+s2], $0x80, v4, vm0, $0xb8;
	[tilespmem:$0x19080] =	vst v63  }
0xac: {  	v3 =	vadd.s32 v1, v3  }
0xad: {  	[tilespmem:s22], [sflag:$0x1] =	stream.indirect_vreg.gather [hbm4b:s6+s2], $0x80, v4, vm0, $0xb8;
	[tilespmem:$0x19080] =	vst v63  }
0xae: {  	_ = 	snop  }
0xaf: {  	[tilespmem:s23], [sflag:$0x1] =	stream.indirect_vreg.gather [hbm4b:s7+s2], $0x80, v4, vm0, $0xb8;
	[tilespmem:$0x19080] =	vst v63  }
0xb0: {  	_ = 	snop  }
0xb1: {  	[tilespmem:s24], [sflag:$0x1] =	stream.indirect_vreg.gather [hbm4b:s3+s2], $0x80, v3, vm0, $0xb8;
	[tilespmem:$0x19080] =	vst v63  }
0xb2: {  	_ = 	snop  }
0xb3: {  	[tilespmem:s25], [sflag:$0x1] =	stream.indirect_vreg.gather [hbm4b:s4+s2], $0x80, v3, vm0, $0xb8;
	[tilespmem:$0x19080] =	vst v63  }
0xb4: {  	_ = 	snop  }
0xb5: {  	[tilespmem:s26], [sflag:$0x1] =	stream.indirect_vreg.gather [hbm4b:s5+s2], $0x80, v3, vm0, $0xb8;
	[tilespmem:$0x19080] =	vst v63  }
0xb6: {  	_ = 	snop  }
0xb7: {  	[tilespmem:s28], [sflag:$0x1] =	stream.indirect_vreg.gather [hbm4b:s6+s2], $0x80, v3, vm0, $0xb8;
	[tilespmem:$0x19080] =	vst v63  }
0xb8: {  	_ = 	snop  }
0xb9: {  	[tilespmem:s29], [sflag:$0x1] =	stream.indirect_vreg.gather [hbm4b:s7+s2], $0x80, v3, vm0, $0xb8;
	[tilespmem:$0x19080] =	vst v63  }
0xba: {  	_ =	swait.ge [sflag:s30], $0x19000  }
0xbb: {  	p0 =	sne.s32 s0, $0x6E;
	[sflag:s30] =	ssyncset.done $0x0  }
.Ltmp0:
0xbc: {  	[sflag:s30] =	ssyncadd.s32 $0xFFFE7000;
	(pc) =	sbr.rel @p0 .LBB2_2-.Ltmp0, $4  }
0xbd: {  	[hbm4b:s9+s2] =	stream.linear.scatter [tilespmem:s11], [sflag:$0x2], $0x19000, $0x38;
	[tilespmem:$0x19080] =	vst v63  }
0xbe: {  	_ =	swait.ge [sflag:s10], $0x19000  }
0xbf: {  	[sflag:s10] =	ssyncset.done $0x0  }
0xc0: {  	s0 =	sadd.s32 $0xA, s0;
	s9 =	sadd.s32 $0x3200, s9;
	[sflag:s10] =	ssyncadd.s32 $0xFFFE7000  }
0xc1: {  	s0 =	sld [smem:$0x7F8];
	_ =	sdelay $0x1  }
0xc2: {  	s31 =	sadd.s32 $0x1, s31  }
0xc3: {  	p0 =	sne.s32 s31, s0  }
.Ltmp1:
0xc4: {  	_ = 	snop;
	(pc) =	sbr.rel @p0 .LBB2_1-.Ltmp1, $1  }
0xc5: {  	_ =	sdelay $0x3  }
0xc6: {  	_ =	sfence.sel $0x180000  }
0xc7: {  	[bflag:$0x0] =	sbarrier.arrive $0xFFFF  }
0xc8: {  	_ =	strace $0x90000050  }
0xc9: {  	s0 =	stileid.u32;
	[bflag:$0x2] =	sbarrier.arrive $0xFFFF  }
0xca: {  	p0 =	sne.s32 s0, $0x0;
	s0 =	rddreg [dreg:$0x2]  }
0xcb: {  	s0 =	sadd.s32 @!p0 $0x100000, s0  }
0xcc: {  	[sflag:s0] =	ssyncadd.tile.s32 @!p0 $0x1;
	_ =	shalt  }
.Lfunc_end2:
_tile_overlayer_lowered:
.L_overlay_start_2:
0xcd: {  	(tag) =	ssettag $0x2  }
0xce: {  	s0 =	rddreg [dreg:$0x0];
	s2 =	stileid.u32  }
0xcf: {  	s1 =	rddreg [dreg:$0x1];
	p0 =	sne.s32 s2, $0x0  }
0xd0: {  	s3 =	rddreg [dreg:$0x2];
	[bflag:$0x3] =	sbarrier.arrive $0xFFFF;
	s2 =	simm.s32 @!p0 $0x1C02  }
0xd1: {  	[timem:s3], [sflag:s2] =	dma.local @!p0 [hbm:s0], s1  }
0xd2: {  	s0 =	simm.s32 @!p0 $0x2  }
0xd3: {  	_ =	swait.ge @!p0 [sflag:s0], s1  }
0xd4: {  	s1 =	ssub.s32 @!p0 $0x0, s1;
	[sflag:s0] =	ssyncset.done @!p0 $0x0  }
0xd5: {  	[sflag:s0] =	ssyncadd.s32 @!p0 s1  }
0xd6: {  	[bflag:$0x3] =	sbarrier.arrive $0xFFFF  }
0xd7: {  	_ =	shalt  }

// kernel: kernel.28.cloned.1.call-start
scs
__scs_entry_jumppad:
0x0: {  	(pc) =	sbr.rel $0x88, $3  }
0x1: {  	(tag) =	ssettag $0x0;
	lr =	simm.s32 $0x1  }
0x2: {  	[smem:$0x3F9D] =	sst lr;
	_ =	strace $0xD0000000  }
0x3: {  	_ = 	snop  }
0x4: {  	_ = 	snop  }
0x5: {  	_ = 	snop  }
0x6: {  	_ = 	snop  }
0x7: {  	_ = 	snop  }
__scs_overlays_trampoline_lowered:
0x8: {  	[smem:$0x3FAC] =	sst s0  }
0x9: {  	[smem:$0x3FAD] =	sst s1  }
0xa: {  	[smem:$0x3FAE] =	sst s2  }
0xb: {  	[smem:$0x3FAF] =	sst s3  }
0xc: {  	[smem:$0x3FB0] =	sst s4  }
0xd: {  	[smem:$0x3FB1] =	sst s5  }
0xe: {  	[smem:$0x3FB2] =	sst s6  }
0xf: {  	[smem:$0x3FB3] =	sst s7  }
0x10: {  	[smem:$0x3FB4] =	sst s8  }
0x11: {  	[smem:$0x3FB5] =	sst s9;
	s0 =	simm.s32 @!p0 $0x0  }
0x12: {  	s1 =	sld [smem:$0x3F9B];
	s0 =	simm.s32 @p0 $0x1  }
0x13: {  	[smem:$0x3FB6] =	sst s0;
	s0 =	simm.s32 @!p1 $0x0  }
0x14: {  	s2 =	sld [smem:$0x3F9A];
	s0 =	simm.s32 @p1 $0x1  }
0x15: {  	[smem:$0x3FB7] =	sst s0;
	s0 =	simm.s32 @!p2 $0x0  }
0x16: {  	s3 =	sld [smem:$0x3FDB];
	s0 =	simm.s32 @p2 $0x1  }
0x17: {  	s4 =	simm.s32 $0x1BF5;
	[smem:$0x3FB9] =	sst s0  }
0x18: {  	s0 =	sld [smem:$0x3F9C];
	_ =	swait.ge [sflag:s4], $0x0  }
0x19: {  	s7 =	sld [smem:$0x3F9D]  }
0x1a: {  	s8 =	sadd.s32 $0xFFFFE003, lr  }
0x1b: {  	s9 =	sadd.s32 $0xFFFFFEF7, lr;
	s5 =	simm.s32 $0xFFFFFFFF;
	p2 =	slt.u32 s8, $0xFFFFF086  }
0x1c: {  	p1 =	slt.u32 s9, $0xF7A;
	s5 =	simm.s32 @!p2 $0x0  }
0x1d: {  	s5 =	simm.s32 @p1 $0x1;
	p0 =	seq.s32 s7, s2  }
0x1e: {  	s7 =	smul.u32 @!p0 $0xF7A, s2;
	p2 =	seq.s32 @!p0 s5, $0x0  }
0x1f: {  	s9 =	smul.u32 $0xF7A, s1;
	s8 =	simm.s32 @!p0 $0x1BF5;
	p2 =	por !p2, p0  }
0x20: {  	[sflag:s8] =	ssyncset.s32 @!p0 $0xFFFFF086;
	s6 =	sadd.s32 @!p0 s3, s7;
	s7 =	simm.s32 @!p0 $0x108  }
0x21: {  	s3 =	sadd.s32 s3, s9;
	s6 =	sadd.s32 @!p0 $0x88, s6;
	s7 =	simm.s32 @p2 $0x1082  }
0x22: {  	[simem:s7], [sflag:s8] =	dma.local @!p0 [hbm:s6], $0xF7A  }
0x23: {  	s9 =	sor.u32 $0xD0000000, s2;
	s6 =	simm.s32 $0x108;
	_ =	swait.ge @!p0 [sflag:s8], $0x0  }
0x24: {  	s3 =	sadd.s32 $0x88, s3;
	s6 =	simm.s32 @!p1 $0x1082;
	[sflag:s4] =	ssyncset.s32 $0xFFFFF086  }
0x25: {  	[simem:s6], [sflag:s4] =	dma.local [hbm:s3], $0xF7A  }
0x26: {  	[smem:$0x3F9D] =	sst s1;
	(tag) =	ssettag s2;
	_ =	strace s9  }
0x27: {  	s1 =	sld [smem:$0x3FAD]  }
0x28: {  	s2 =	sld [smem:$0x3FAE]  }
0x29: {  	s4 =	sld [smem:$0x3FB0]  }
0x2a: {  	p0 =	seq.s32 s5, $0x0;
	s5 =	sld [smem:$0x3FB1]  }
0x2b: {  	s6 =	sld [smem:$0x3FB2]  }
0x2c: {  	s7 =	sld [smem:$0x3FB3]  }
0x2d: {  	s3 =	simm.s32 $0x108;
	s8 =	sld [smem:$0x3FB4]  }
0x2e: {  	s3 =	simm.s32 @!p0 $0x1082;
	s9 =	sld [smem:$0x3FB5]  }
0x2f: {  	lr =	sadd.s32 s0, s3;
	s0 =	sld [smem:$0x3FAC]  }
0x30: {  	s3 =	sld [smem:$0x3FAF]  }
0x31: {  	[smem:$0x3FB8] =	sst s10  }
0x32: {  	s10 =	sld [smem:$0x3FB6];
	_ =	sdelay $0x3  }
0x33: {  	p0 =	seq.s32 s10, $0x1;
	s10 =	sld [smem:$0x3FB8];
	_ =	sdelay $0x3  }
0x34: {  	[smem:$0x3FB8] =	sst s10  }
0x35: {  	s10 =	sld [smem:$0x3FB7];
	_ =	sdelay $0x3  }
0x36: {  	p1 =	seq.s32 s10, $0x1;
	s10 =	sld [smem:$0x3FB8];
	_ =	sdelay $0x3  }
0x37: {  	[smem:$0x3FB8] =	sst s10  }
0x38: {  	s10 =	sld [smem:$0x3FB9]  }
0x39: {  	_ = 	snop;
	(pc) =	sbr.ind lr, $3  }
0x3a: {  	_ = 	snop  }
0x3b: {  	_ = 	snop  }
0x3c: {  	p2 =	seq.s32 s10, $0x1;
	s10 =	sld [smem:$0x3FB8]  }
0x3d: {  	_ =	shalt  }
0x3e: {  	_ =	shalt  }
0x3f: {  	_ =	shalt  }
0x40: {  	_ =	shalt  }
0x41: {  	_ =	shalt  }
0x42: {  	_ =	shalt  }
0x43: {  	_ =	shalt  }
0x44: {  	_ =	shalt  }
0x45: {  	_ =	shalt  }
0x46: {  	_ =	shalt  }
0x47: {  	_ =	shalt  }
0x48: {  	_ =	shalt  }
0x49: {  	_ =	shalt  }
0x4a: {  	_ =	shalt  }
0x4b: {  	_ =	shalt  }
0x4c: {  	_ =	shalt  }
0x4d: {  	_ =	shalt  }
0x4e: {  	_ =	shalt  }
0x4f: {  	_ =	shalt  }
0x50: {  	_ =	shalt  }
0x51: {  	_ =	shalt  }
0x52: {  	_ =	shalt  }
0x53: {  	_ =	shalt  }
0x54: {  	_ =	shalt  }
0x55: {  	_ =	shalt  }
0x56: {  	_ =	shalt  }
0x57: {  	_ =	shalt  }
0x58: {  	_ =	shalt  }
0x59: {  	_ =	shalt  }
0x5a: {  	_ =	shalt  }
0x5b: {  	_ =	shalt  }
0x5c: {  	_ =	shalt  }
0x5d: {  	_ =	shalt  }
0x5e: {  	_ =	shalt  }
0x5f: {  	_ =	shalt  }
0x60: {  	_ =	shalt  }
0x61: {  	_ =	shalt  }
0x62: {  	_ =	shalt  }
0x63: {  	_ =	shalt  }
0x64: {  	_ =	shalt  }
0x65: {  	_ =	shalt  }
0x66: {  	_ =	shalt  }
0x67: {  	_ =	shalt  }
0x68: {  	_ =	shalt  }
0x69: {  	_ =	shalt  }
0x6a: {  	_ =	shalt  }
0x6b: {  	_ =	shalt  }
0x6c: {  	_ =	shalt  }
0x6d: {  	_ =	shalt  }
0x6e: {  	_ =	shalt  }
0x6f: {  	_ =	shalt  }
0x70: {  	_ =	shalt  }
0x71: {  	_ =	shalt  }
0x72: {  	_ =	shalt  }
0x73: {  	_ =	shalt  }
0x74: {  	_ =	shalt  }
0x75: {  	_ =	shalt  }
0x76: {  	_ =	shalt  }
0x77: {  	_ =	shalt  }
0x78: {  	_ =	shalt  }
0x79: {  	_ =	shalt  }
0x7a: {  	_ =	shalt  }
0x7b: {  	_ =	shalt  }
0x7c: {  	_ =	shalt  }
0x7d: {  	_ =	shalt  }
0x7e: {  	_ =	shalt  }
0x7f: {  	_ =	shalt  }
0x80: {  	_ =	shalt  }
0x81: {  	_ =	shalt  }
0x82: {  	_ =	shalt  }
0x83: {  	_ =	shalt  }
0x84: {  	_ =	shalt  }
0x85: {  	_ =	shalt  }
0x86: {  	_ =	shalt  }
0x87: {  	_ =	shalt  }
.Lfunc_end0:
.L_simem_size_0:
called_computation.5_lowered:
.L_overlay_start_0:
0x88: {  	s2 =	sld [smem:$0x3FD9]  }
0x89: {  	s3 =	sld [smem:$0x3FFE];
	_ =	sdelay $0x1  }
0x8a: {  	s1 =	srdreg.scid  }
0x8b: {  	s0 =	sand.u32 $0x1, s1  }
0x8c: {  	s14 =	sshll.u32 s0, $0xA;
	s2 =	sadd.s32 s3, s2  }
0x8d: {  	s2 =	sadd.s32 s2, s14  }
0x8e: {  	[smem:$0x3FC4] =	sst s2  }
0x8f: {  	_ = 	snop  }
0x90: {  	s2 =	sld [smem:$0x3FD0];
	_ =	sdelay $0x2  }
0x91: {  	s15 =	simm.s32 $0xB;
	s4 =	simm.s32 $0x10  }
0x92: {  	[smem:s4], [sflag:s15] =	dma.local [hbm:s2], $0x1  }
0x93: {  	_ =	swait.eq [sflag:s15], $0x1  }
0x94: {  	[sflag:s15] =	ssyncset.done $0x0  }
0x95: {  	[sflag:s15] =	ssyncadd.s32 $0xFFFFFFFF  }
0x96: {  	s16 =	sld [smem:$0x12];
	(tm) =	ssettm $0x1  }
0x97: {  	s17 =	sld [smem:$0x3FFB];
	_ =	sdelay $0x3  }
0x98: {  	_ =	strace s17  }
0x99: {  	s3 =	sld [smem:$0x3FFC];
	_ =	sdelay $0x3  }
0x9a: {  	_ =	strace s3  }
0x9b: {  	s3 =	sld [smem:$0x3FFD];
	_ =	sdelay $0x3  }
0x9c: {  	_ =	strace s3  }
0x9d: {  	_ =	strace $0x8FFFFFFF  }
0x9e: {  	s18 =	sld [smem:$0x3FDB];
	_ =	sdelay $0x1  }
0x9f: {  	s19 =	simm.s32 $_scs_section_size  }
0xa0: {  	s5 =	simm.s32 $_size__tile_overlayer_lowered;
	s6 =	simm.s32 $_tile_overlayer_lowered  }
0xa1: {  	s22 =	simm.s32 $0x1BFF;
	s21 =	sshll.u32 s6, $0x1;
	s3 =	sadd.s32 s19, s18  }
0xa2: {  	s7 =	simm.s32 $0x0;
	s20 =	sshll.u32 s5, $0x1;
	s5 =	sadd.s32 s21, s3  }
0xa3: {  	[timem:s7], [sflag:s22] =	dma.local [hbm:s5], s20  }
0xa4: {  	_ =	swait.ge [sflag:s22], s20  }
0xa5: {  	s4 =	ssub.s32 $0x0, s20;
	[sflag:s22] =	ssyncset.done $0x0  }
0xa6: {  	[sflag:s22] =	ssyncadd.s32 s4;
	_ =	sdelay $0x1  }
0xa7: {  	s23 =	simm.s32 $0x1B8B  }
0xa8: {  	_ =	swait.ge [sflag:s23], $0x1  }
0xa9: {  	[sflag:s23] =	ssyncset.done $0x0  }
0xaa: {  	s25 =	simm.s32 $0x1B8E;
	s24 =	sld [smem:$0x3FFE];
	[sflag:s23] =	ssyncadd.s32 $0xFFFFFFFF  }
0xab: {  	s26 =	simm.s32 $execute0_lowered;
	[smem:$0x3FD2] =	sst s25  }
0xac: {  	s5 =	sshll.u32 s26, $0x1;
	_ =	strace $0x80000052;
	[dreg:$0x1] =	wrdreg $0xFFFFFFFF  }
0xad: {  	s28 =	simm.s32 $_size_execute0_lowered;
	s3 =	sadd.s32 s3, s5;
	[dreg:$0x0] =	wrdreg $0x0  }
0xae: {  	s5 =	sshll.u32 s28, $0x1;
	[dreg:$0x2] =	wrdreg s3  }
0xaf: {  	[dreg:$0x3] =	wrdreg s5  }
0xb0: {  	[dreg:$0x4] =	wrdreg $0xC0  }
0xb1: {  	_ =	task [dreg:s7], $0x5FFFF  }
0xb2: {  	[dreg:$0x1] =	wrdreg $0xFFFFFFFF  }
0xb3: {  	[dreg:$0x0] =	wrdreg $0x60  }
0xb4: {  	[dreg:$0x2] =	wrdreg s24  }
0xb5: {  	[dreg:$0x3] =	wrdreg s16  }
0xb6: {  	[dreg:$0x4] =	wrdreg $0x9  }
0xb7: {  	_ =	task.clear_ibuf [dreg:s7], $0x5FFFF;
	_ =	strace $0x90000052  }
0xb8: {  	s29 =	simm.s32 $0x9;
	_ =	strace $0x80000054  }
0xb9: {  	_ =	swait.ge [sflag:s29], $0x1  }
0xba: {  	[sflag:s29] =	ssyncadd.s32 $0xFFFFFFFF  }
0xbb: {  	_ =	strace $0x90000054  }
0xbc: {  	_ =	sfence  }
0xbd: {  	s30 =	sld [smem:$0x0];
	_ =	sdelay $0x2  }
0xbe: {  	s31 =	sshll.u32 s1, $0xD;
	s1 =	sshrl.u32 s1, $0x2  }
0xbf: {  	s3 =	sand.u32 $0x4000, s31;
	s1 =	sadd.s32 s1, s30  }
0xc0: {  	s0 =	sor.u32 s3, s0;
	s1 =	sshll.u32 s1, $0x11  }
0xc1: {  	s0 =	sor.u32 s1, s0  }
0xc2: {  	s0 =	sadd.s32 $0x8F2B, s0  }
0xc3: {  	[sflag:s0] =	ssyncadd.remote.s32 $0x1  }
0xc4: {  	_ =	sfence.sel $0xFFFF  }
0xc5: {  	[dreg:$0x0] =	wrdreg $0xFFFFFFFF;
	(pc) =	sbr.abs _section_cstart, $3  }
0xc6: {  	[dreg:$0x1] =	wrdreg $0xFFFFFFFF  }
0xc7: {  	_ =	task.clear_ibuf [dreg:s7], $0x2FFFF;
	_ =	strace $0x9FFFFFFF  }
0xc8: {  	(tm) =	ssettm $0x7FFFFFFF  }
0xc9: {  	_ =	shalt  }
tec
execute0_lowered:
.L_overlay_start_1:
0x0: {  	(tag) =	ssettag $0x1  }
0x1: {  	s0 =	srdreg.scid  }
0x2: {  	s2 =	stileid.u32;
	s5 =	rddreg [dreg:$0x1];
	s1 =	sand.u32 $0x1, s0  }
0x3: {  	s3 =	smul.u32 $0x780, s2;
	s0 =	rddreg [dreg:$0x0];
	s2 =	simm.s32 $0x0  }
0x4: {  	s17 =	simm.s32 $0x880;
	[smem:$0x7FF] =	sst s2  }
0x5: {  	s18 =	simm.s32 $0x1080;
	_ =	strace $0x80000053;
	[dreg:$0x4] =	wrdreg s17  }
0x6: {  	s19 =	simm.s32 $0x1880;
	[dreg:$0x5] =	wrdreg s18  }
0x7: {  	s20 =	simm.s32 $0x2080;
	[dreg:$0x6] =	wrdreg s19  }
0x8: {  	s21 =	simm.s32 $0x2880;
	[dreg:$0x7] =	wrdreg s20  }
0x9: {  	s22 =	simm.s32 $0x3080;
	[dreg:$0x8] =	wrdreg s21  }
0xa: {  	s23 =	simm.s32 $0x3880;
	[dreg:$0x9] =	wrdreg s22  }
0xb: {  	s24 =	simm.s32 $0x4080;
	[dreg:$0xa] =	wrdreg s23  }
0xc: {  	s25 =	simm.s32 $0x4880;
	[dreg:$0xb] =	wrdreg s24  }
0xd: {  	s26 =	simm.s32 $0x5080;
	[dreg:$0xc] =	wrdreg s25  }
0xe: {  	s6 =	simm.s32 $0x6080;
	[dreg:$0xd] =	wrdreg s26  }
0xf: {  	s7 =	simm.s32 $0x6880;
	[dreg:$0xf] =	wrdreg s6  }
0x10: {  	s8 =	simm.s32 $0x7080;
	[dreg:$0x10] =	wrdreg s7  }
0x11: {  	s9 =	simm.s32 $0x7880;
	[dreg:$0x11] =	wrdreg s8  }
0x12: {  	s10 =	simm.s32 $0x8080;
	[dreg:$0x12] =	wrdreg s9  }
0x13: {  	s11 =	simm.s32 $0x8880;
	s12 =	simm.s32 $0x9080;
	[dreg:$0x13] =	wrdreg s10  }
0x14: {  	s13 =	simm.s32 $0x9880;
	s15 =	simm.s32 $0xA080;
	[dreg:$0x14] =	wrdreg s11  }
0x15: {  	s28 =	simm.s32 $0x18080;
	s29 =	simm.s32 $0x18880;
	[dreg:$0x15] =	wrdreg s12  }
0x16: {  	s30 =	simm.s32 $0x1;
	s31 =	simm.s32 $0x0;
	[dreg:$0x16] =	wrdreg s13  }
0x17: {  	s4 =	smul.u32 $0x3C0, s1;
	[dreg:$0x17] =	wrdreg s15;
	s17 =	simm.s32 $0xB080  }
0x18: {  	s1 =	ssub.s32 $0x2, s1;
	s18 =	simm.s32 $0xB880;
	[dreg:$0x19] =	wrdreg s17  }
0x19: {  	s19 =	sshrl.u32 s1, $0x1;
	s20 =	simm.s32 $0xC080;
	[dreg:$0x1a] =	wrdreg s18  }
0x1a: {  	s21 =	simm.s32 $0xC880;
	s6 =	simm.s32 $0xD080;
	[dreg:$0x1b] =	wrdreg s20  }
0x1b: {  	s7 =	simm.s32 $0xD880;
	s8 =	simm.s32 $0xE080;
	[dreg:$0x1c] =	wrdreg s21  }
0x1c: {  	s22 =	simm.s32 $0xE880;
	s23 =	simm.s32 $0xF080;
	[dreg:$0x1d] =	wrdreg s6  }
0x1d: {  	s25 =	simm.s32 $0xF880;
	s10 =	simm.s32 $0x2;
	[dreg:$0x1e] =	wrdreg s7  }
0x1e: {  	s26 =	simm.s32 $0x10080;
	s11 =	simm.s32 $0x80;
	[dreg:$0x1f] =	wrdreg s8  }
0x1f: {  	s12 =	simm.s32 $0x10880;
	s13 =	simm.s32 $0x11080;
	[smem:$0x7F9] =	sst s22  }
0x20: {  	s3 =	sadd.s32 s4, s3;
	s4 =	sadd.s32 $0xC79500, s0;
	[smem:$0x7FB] =	sst s23  }
0x21: {  	s15 =	simm.s32 $0x12080;
	s6 =	sadd.s32 $0xC79700, s0;
	[smem:$0x7FC] =	sst s25  }
0x22: {  	s1 =	ssub.s32 s1, s19;
	s7 =	sadd.s32 $0xC79800, s0;
	[smem:$0x7FD] =	sst s26  }
0x23: {  	s17 =	simm.s32 $0x13080;
	s18 =	simm.s32 $0x13880;
	s19 =	simm.s32 $0x14080  }
0x24: {  	s20 =	simm.s32 $0x14880;
	s21 =	simm.s32 $0x15080;
	s22 =	simm.s32 $0x15880  }
0x25: {  	s23 =	simm.s32 $0x16080;
	s3 =	sshrl.u32 s3, $0x3;
	s1 =	smax.u32 s1, $0x1  }
0x26: {  	s25 =	simm.s32 $0x17080;
	s16 =	sadd.s32 s3, s5;
	[smem:$0x7F8] =	sst s1  }
0x27: {  	s5 =	simm.s32 $0x5880;
	s14 =	smul.u32 $0x500, s3;
	[dreg:$0x3] =	wrdreg s16  }
0x28: {  	s26 =	simm.s32 $0x17880;
	s3 =	sadd.s32 $0xC79400, s0;
	[dreg:$0xe] =	wrdreg s5  }
0x29: {  	v2 =	vlaneseq.u32;
	s16 =	simm.s32 $0xA880;
	s5 =	sadd.s32 $0xC79600, s0;
	s9 =	sadd.s32 s14, s0  }
0x2a: {  	vm0 =	vmmov $0xffff;
	v1 =	vshrl.u32 v2, $0x3;
	[dreg:$0x18] =	wrdreg s16;
	s14 =	simm.s32 $0x11880;
	s24 =	sadd.s32 $0x319400, s9  }
0x2b: {  	v0 =	vand.u32 $0x7, v2;
	v2 =	vor.u32 $0x8, v2;
	v1 =	vmul.u32 $0x8, v1;
	s16 =	simm.s32 $0x12880;
	[smem:$0x7FA] =	sst s24;
	s24 =	simm.s32 $0x16880  }
.LBB2_1:
0x2c: {  	s9 =	sld [smem:$0x7FA];
	s0 =	simm.s32 $0x0  }
.LBB2_2:
0x2d: {  	s8 =	rddreg [dreg:$0x3]  }
0x2e: {  	s8 =	sadd.s32 s0, s8  }
0x2f: {  	[tilespmem:s2], [sflag:$0x2] =	stream.linear.gather [hbm4b:s8+s2], $0x50, $0x38;
	[tilespmem:$0x19080] =	vst v63  }
0x30: {  	_ =	swait.ge [sflag:s10], $0x50  }
0x31: {  	[sflag:s10] =	ssyncset.done $0x0  }
0x32: {  	[sflag:s10] =	ssyncadd.s32 $0xFFFFFFB0  }
0x33: {  	v3 =	vld [tilespmem:$0x0];
	_ =	sdelay $0x4  }
0x34: {  	v4 =	vshrl.u32 v3, $0x3  }
0x35: {  	v4 =	vmul.u32 $0x50, v4  }
0x36: {  	v3 =	vand.u32 $0x7, v3  }
0x37: {  	v3 =	vor.u32 v3, v4  }
0x38: {  	v4 =	vperm.xlane v3, v0;
	_ =	sdelay $0x1  }
0x39: {  	v4 =	vadd.s32 v1, v4;
	_ =	sdelay $0x4  }
0x3a: {  	[tilespmem:s11], [sflag:$0x1] =	stream.indirect_vreg.gather [hbm4b:s3+s2], $0x80, v4, vm0, $0xb8;
	[tilespmem:$0x19080] =	vst v63  }
0x3b: {  	s8 =	rddreg [dreg:$0x4]  }
0x3c: {  	[tilespmem:s8], [sflag:$0x1] =	stream.indirect_vreg.gather [hbm4b:s4+s2], $0x80, v4, vm0, $0xb8;
	[tilespmem:$0x19080] =	vst v63  }
0x3d: {  	s1 =	rddreg [dreg:$0x5];
	v3 =	vperm.xlane v3, v2  }
0x3e: {  	[tilespmem:s1], [sflag:$0x1] =	stream.indirect_vreg.gather [hbm4b:s5+s2], $0x80, v4, vm0, $0xb8;
	[tilespmem:$0x19080] =	vst v63  }
0x3f: {  	v3 =	vadd.s32 v1, v3;
	s8 =	rddreg [dreg:$0x6]  }
0x40: {  	[tilespmem:s8], [sflag:$0x1] =	stream.indirect_vreg.gather [hbm4b:s6+s2], $0x80, v4, vm0, $0xb8;
	[tilespmem:$0x19080] =	vst v63  }
0x41: {  	s1 =	rddreg [dreg:$0x7]  }
0x42: {  	[tilespmem:s1], [sflag:$0x1] =	stream.indirect_vreg.gather [hbm4b:s7+s2], $0x80, v4, vm0, $0xb8;
	[tilespmem:$0x19080] =	vst v63  }
0x43: {  	s8 =	rddreg [dreg:$0x8]  }
0x44: {  	[tilespmem:s8], [sflag:$0x1] =	stream.indirect_vreg.gather [hbm4b:s3+s2], $0x80, v3, vm0, $0xb8;
	[tilespmem:$0x19080] =	vst v63  }
0x45: {  	s1 =	rddreg [dreg:$0x9]  }
0x46: {  	[tilespmem:s1], [sflag:$0x1] =	stream.indirect_vreg.gather [hbm4b:s4+s2], $0x80, v3, vm0, $0xb8;
	[tilespmem:$0x19080] =	vst v63  }
0x47: {  	s8 =	rddreg [dreg:$0xa]  }
0x48: {  	[tilespmem:s8], [sflag:$0x1] =	stream.indirect_vreg.gather [hbm4b:s5+s2], $0x80, v3, vm0, $0xb8;
	[tilespmem:$0x19080] =	vst v63  }
0x49: {  	s1 =	rddreg [dreg:$0xb]  }
0x4a: {  	[tilespmem:s1], [sflag:$0x1] =	stream.indirect_vreg.gather [hbm4b:s6+s2], $0x80, v3, vm0, $0xb8;
	[tilespmem:$0x19080] =	vst v63  }
0x4b: {  	s8 =	rddreg [dreg:$0xc]  }
0x4c: {  	[tilespmem:s8], [sflag:$0x1] =	stream.indirect_vreg.gather [hbm4b:s7+s2], $0x80, v3, vm0, $0xb8;
	[tilespmem:$0x19080] =	vst v63  }
0x4d: {  	v3 =	vld [tilespmem:$0x10];
	_ =	sdelay $0x4  }
0x4e: {  	v60 =	vshrl.u32 v3, $0x3  }
0x4f: {  	v4 =	vmul.u32 $0x50, v60  }
0x50: {  	v3 =	vand.u32 $0x7, v3  }
0x51: {  	v3 =	vor.u32 v3, v4  }
0x52: {  	v4 =	vperm.xlane v3, v0;
	_ =	sdelay $0x1  }
0x53: {  	v4 =	vadd.s32 v1, v4;
	_ =	sdelay $0x3  }
0x54: {  	s1 =	rddreg [dreg:$0xd]  }
0x55: {  	[tilespmem:s1], [sflag:$0x1] =	stream.indirect_vreg.gather [hbm4b:s3+s2], $0x80, v4, vm0, $0xb8;
	[tilespmem:$0x19080] =	vst v63  }
0x56: {  	s8 =	rddreg [dreg:$0xe]  }
0x57: {  	[tilespmem:s8], [sflag:$0x1] =	stream.indirect_vreg.gather [hbm4b:s4+s2], $0x80, v4, vm0, $0xb8;
	[tilespmem:$0x19080] =	vst v63  }
0x58: {  	v3 =	vperm.xlane v3, v2;
	s1 =	rddreg [dreg:$0xf]  }
0x59: {  	[tilespmem:s1], [sflag:$0x1] =	stream.indirect_vreg.gather [hbm4b:s5+s2], $0x80, v4, vm0, $0xb8;
	[tilespmem:$0x19080] =	vst v63  }
0x5a: {  	v3 =	vadd.s32 v1, v3;
	s8 =	rddreg [dreg:$0x10]  }
0x5b: {  	[tilespmem:s8], [sflag:$0x1] =	stream.indirect_vreg.gather [hbm4b:s6+s2], $0x80, v4, vm0, $0xb8;
	[tilespmem:$0x19080] =	vst v63  }
0x5c: {  	s1 =	rddreg [dreg:$0x11]  }
0x5d: {  	[tilespmem:s1], [sflag:$0x1] =	stream.indirect_vreg.gather [hbm4b:s7+s2], $0x80, v4, vm0, $0xb8;
	[tilespmem:$0x19080] =	vst v63  }
0x5e: {  	s8 =	rddreg [dreg:$0x12]  }
0x5f: {  	[tilespmem:s8], [sflag:$0x1] =	stream.indirect_vreg.gather [hbm4b:s3+s2], $0x80, v3, vm0, $0xb8;
	[tilespmem:$0x19080] =	vst v63  }
0x60: {  	s1 =	rddreg [dreg:$0x13]  }
0x61: {  	[tilespmem:s1], [sflag:$0x1] =	stream.indirect_vreg.gather [hbm4b:s4+s2], $0x80, v3, vm0, $0xb8;
	[tilespmem:$0x19080] =	vst v63  }
0x62: {  	s8 =	rddreg [dreg:$0x14]  }
0x63: {  	[tilespmem:s8], [sflag:$0x1] =	stream.indirect_vreg.gather [hbm4b:s5+s2], $0x80, v3, vm0, $0xb8;
	[tilespmem:$0x19080] =	vst v63  }
0x64: {  	s1 =	rddreg [dreg:$0x15]  }
0x65: {  	[tilespmem:s1], [sflag:$0x1] =	stream.indirect_vreg.gather [hbm4b:s6+s2], $0x80, v3, vm0, $0xb8;
	[tilespmem:$0x19080] =	vst v63  }
0x66: {  	s8 =	rddreg [dreg:$0x16]  }
0x67: {  	[tilespmem:s8], [sflag:$0x1] =	stream.indirect_vreg.gather [hbm4b:s7+s2], $0x80, v3, vm0, $0xb8;
	[tilespmem:$0x19080] =	vst v63  }
0x68: {  	v3 =	vld [tilespmem:$0x20];
	_ =	sdelay $0x4  }
0x69: {  	v61 =	vshrl.u32 v3, $0x3  }
0x6a: {  	v4 =	vmul.u32 $0x50, v61  }
0x6b: {  	v3 =	vand.u32 $0x7, v3  }
0x6c: {  	v3 =	vor.u32 v3, v4  }
0x6d: {  	v4 =	vperm.xlane v3, v0;
	_ =	sdelay $0x1  }
0x6e: {  	v4 =	vadd.s32 v1, v4;
	_ =	sdelay $0x2  }
0x6f: {  	s1 =	rddreg [dreg:$0x17]  }
0x70: {  	s8 =	rddreg [dreg:$0x18]  }
0x71: {  	[tilespmem:s1], [sflag:$0x1] =	stream.indirect_vreg.gather [hbm4b:s3+s2], $0x80, v4, vm0, $0xb8;
	[tilespmem:$0x19080] =	vst v63  }
0x72: {  	s1 =	rddreg [dreg:$0x19]  }
0x73: {  	[tilespmem:s8], [sflag:$0x1] =	stream.indirect_vreg.gather [hbm4b:s4+s2], $0x80, v4, vm0, $0xb8;
	[tilespmem:$0x19080] =	vst v63  }
0x74: {  	v3 =	vperm.xlane v3, v2;
	s8 =	rddreg [dreg:$0x1a]  }
0x75: {  	[tilespmem:s1], [sflag:$0x1] =	stream.indirect_vreg.gather [hbm4b:s5+s2], $0x80, v4, vm0, $0xb8;
	[tilespmem:$0x19080] =	vst v63  }
0x76: {  	v3 =	vadd.s32 v1, v3;
	s1 =	rddreg [dreg:$0x1b]  }
0x77: {  	[tilespmem:s8], [sflag:$0x1] =	stream.indirect_vreg.gather [hbm4b:s6+s2], $0x80, v4, vm0, $0xb8;
	[tilespmem:$0x19080] =	vst v63  }
0x78: {  	s8 =	rddreg [dreg:$0x1c]  }
0x79: {  	[tilespmem:s1], [sflag:$0x1] =	stream.indirect_vreg.gather [hbm4b:s7+s2], $0x80, v4, vm0, $0xb8;
	[tilespmem:$0x19080] =	vst v63  }
0x7a: {  	s1 =	rddreg [dreg:$0x1d]  }
0x7b: {  	[tilespmem:s8], [sflag:$0x1] =	stream.indirect_vreg.gather [hbm4b:s3+s2], $0x80, v3, vm0, $0xb8;
	[tilespmem:$0x19080] =	vst v63  }
0x7c: {  	s8 =	rddreg [dreg:$0x1e]  }
0x7d: {  	[tilespmem:s1], [sflag:$0x1] =	stream.indirect_vreg.gather [hbm4b:s4+s2], $0x80, v3, vm0, $0xb8;
	[tilespmem:$0x19080] =	vst v63  }
0x7e: {  	s1 =	rddreg [dreg:$0x1f]  }
0x7f: {  	[tilespmem:s8], [sflag:$0x1] =	stream.indirect_vreg.gather [hbm4b:s5+s2], $0x80, v3, vm0, $0xb8;
	[tilespmem:$0x19080] =	vst v63  }
0x80: {  	s8 =	sld [smem:$0x7F9]  }
0x81: {  	[tilespmem:s1], [sflag:$0x1] =	stream.indirect_vreg.gather [hbm4b:s6+s2], $0x80, v3, vm0, $0xb8;
	[tilespmem:$0x19080] =	vst v63  }
0x82: {  	_ = 	snop  }
0x83: {  	[tilespmem:s8], [sflag:$0x1] =	stream.indirect_vreg.gather [hbm4b:s7+s2], $0x80, v3, vm0, $0xb8;
	[tilespmem:$0x19080] =	vst v63  }
0x84: {  	v3 =	vld [tilespmem:$0x30];
	_ =	sdelay $0x4  }
0x85: {  	v62 =	vshrl.u32 v3, $0x3  }
0x86: {  	v4 =	vmul.u32 $0x50, v62  }
0x87: {  	v3 =	vand.u32 $0x7, v3  }
0x88: {  	v3 =	vor.u32 v3, v4  }
0x89: {  	v4 =	vperm.xlane v3, v0;
	_ =	sdelay $0x1  }
0x8a: {  	v4 =	vadd.s32 v1, v4;
	_ =	sdelay $0x1  }
0x8b: {  	s1 =	sld [smem:$0x7FB];
	_ =	sdelay $0x1  }
0x8c: {  	s8 =	sld [smem:$0x7FC]  }
0x8d: {  	[tilespmem:s1], [sflag:$0x1] =	stream.indirect_vreg.gather [hbm4b:s3+s2], $0x80, v4, vm0, $0xb8;
	[tilespmem:$0x19080] =	vst v63  }
0x8e: {  	s1 =	sld [smem:$0x7FD]  }
0x8f: {  	[tilespmem:s8], [sflag:$0x1] =	stream.indirect_vreg.gather [hbm4b:s4+s2], $0x80, v4, vm0, $0xb8;
	[tilespmem:$0x19080] =	vst v63  }
0x90: {  	v3 =	vperm.xlane v3, v2  }
0x91: {  	[tilespmem:s1], [sflag:$0x1] =	stream.indirect_vreg.gather [hbm4b:s5+s2], $0x80, v4, vm0, $0xb8;
	[tilespmem:$0x19080] =	vst v63  }
0x92: {  	v3 =	vadd.s32 v1, v3  }
0x93: {  	[tilespmem:s12], [sflag:$0x1] =	stream.indirect_vreg.gather [hbm4b:s6+s2], $0x80, v4, vm0, $0xb8;
	[tilespmem:$0x19080] =	vst v63  }
0x94: {  	_ = 	snop  }
0x95: {  	[tilespmem:s13], [sflag:$0x1] =	stream.indirect_vreg.gather [hbm4b:s7+s2], $0x80, v4, vm0, $0xb8;
	[tilespmem:$0x19080] =	vst v63  }
0x96: {  	_ = 	snop  }
0x97: {  	[tilespmem:s14], [sflag:$0x1] =	stream.indirect_vreg.gather [hbm4b:s3+s2], $0x80, v3, vm0, $0xb8;
	[tilespmem:$0x19080] =	vst v63  }
0x98: {  	_ = 	snop  }
0x99: {  	[tilespmem:s15], [sflag:$0x1] =	stream.indirect_vreg.gather [hbm4b:s4+s2], $0x80, v3, vm0, $0xb8;
	[tilespmem:$0x19080] =	vst v63  }
0x9a: {  	_ = 	snop  }
0x9b: {  	[tilespmem:s16], [sflag:$0x1] =	stream.indirect_vreg.gather [hbm4b:s5+s2], $0x80, v3, vm0, $0xb8;
	[tilespmem:$0x19080] =	vst v63  }
0x9c: {  	_ = 	snop  }
0x9d: {  	[tilespmem:s17], [sflag:$0x1] =	stream.indirect_vreg.gather [hbm4b:s6+s2], $0x80, v3, vm0, $0xb8;
	[tilespmem:$0x19080] =	vst v63  }
0x9e: {  	_ = 	snop  }
0x9f: {  	[tilespmem:s18], [sflag:$0x1] =	stream.indirect_vreg.gather [hbm4b:s7+s2], $0x80, v3, vm0, $0xb8;
	[tilespmem:$0x19080] =	vst v63  }
0xa0: {  	v3 =	vld [tilespmem:$0x40];
	_ =	sdelay $0x4  }
0xa1: {  	v63 =	vshrl.u32 v3, $0x3  }
0xa2: {  	v4 =	vmul.u32 $0x50, v63  }
0xa3: {  	v3 =	vand.u32 $0x7, v3  }
0xa4: {  	v3 =	vor.u32 v3, v4  }
0xa5: {  	v4 =	vperm.xlane v3, v0;
	_ =	sdelay $0x1  }
0xa6: {  	v4 =	vadd.s32 v1, v4;
	_ =	sdelay $0x4  }
0xa7: {  	[tilespmem:s19], [sflag:$0x1] =	stream.indirect_vreg.gather [hbm4b:s3+s2], $0x80, v4, vm0, $0xb8;
	[tilespmem:$0x19080] =	vst v63  }
0xa8: {  	_ = 	snop  }
0xa9: {  	[tilespmem:s20], [sflag:$0x1] =	stream.indirect_vreg.gather [hbm4b:s4+s2], $0x80, v4, vm0, $0xb8;
	[tilespmem:$0x19080] =	vst v63  }
0xaa: {  	v3 =	vperm.xlane v3, v2  }
0xab: {  	[tilespmem:s21], [sflag:$0x1] =	stream.indirect_vreg.gather [hbm4b:s5+s2], $0x80, v4, vm0, $0xb8;
	[tilespmem:$0x19080] =	vst v63  }
0xac: {  	v3 =	vadd.s32 v1, v3  }
0xad: {  	[tilespmem:s22], [sflag:$0x1] =	stream.indirect_vreg.gather [hbm4b:s6+s2], $0x80, v4, vm0, $0xb8;
	[tilespmem:$0x19080] =	vst v63  }
0xae: {  	_ = 	snop  }
0xaf: {  	[tilespmem:s23], [sflag:$0x1] =	stream.indirect_vreg.gather [hbm4b:s7+s2], $0x80, v4, vm0, $0xb8;
	[tilespmem:$0x19080] =	vst v63  }
0xb0: {  	_ = 	snop  }
0xb1: {  	[tilespmem:s24], [sflag:$0x1] =	stream.indirect_vreg.gather [hbm4b:s3+s2], $0x80, v3, vm0, $0xb8;
	[tilespmem:$0x19080] =	vst v63  }
0xb2: {  	_ = 	snop  }
0xb3: {  	[tilespmem:s25], [sflag:$0x1] =	stream.indirect_vreg.gather [hbm4b:s4+s2], $0x80, v3, vm0, $0xb8;
	[tilespmem:$0x19080] =	vst v63  }
0xb4: {  	_ = 	snop  }
0xb5: {  	[tilespmem:s26], [sflag:$0x1] =	stream.indirect_vreg.gather [hbm4b:s5+s2], $0x80, v3, vm0, $0xb8;
	[tilespmem:$0x19080] =	vst v63  }
0xb6: {  	_ = 	snop  }
0xb7: {  	[tilespmem:s28], [sflag:$0x1] =	stream.indirect_vreg.gather [hbm4b:s6+s2], $0x80, v3, vm0, $0xb8;
	[tilespmem:$0x19080] =	vst v63  }
0xb8: {  	_ = 	snop  }
0xb9: {  	[tilespmem:s29], [sflag:$0x1] =	stream.indirect_vreg.gather [hbm4b:s7+s2], $0x80, v3, vm0, $0xb8;
	[tilespmem:$0x19080] =	vst v63  }
0xba: {  	_ =	swait.ge [sflag:s30], $0x19000  }
0xbb: {  	p0 =	sne.s32 s0, $0x6E;
	[sflag:s30] =	ssyncset.done $0x0  }
.Ltmp0:
0xbc: {  	[sflag:s30] =	ssyncadd.s32 $0xFFFE7000;
	(pc) =	sbr.rel @p0 .LBB2_2-.Ltmp0, $4  }
0xbd: {  	[hbm4b:s9+s2] =	stream.linear.scatter [tilespmem:s11], [sflag:$0x2], $0x19000, $0x38;
	[tilespmem:$0x19080] =	vst v63  }
0xbe: {  	_ =	swait.ge [sflag:s10], $0x19000  }
0xbf: {  	[sflag:s10] =	ssyncset.done $0x0  }
0xc0: {  	s0 =	sadd.s32 $0xA, s0;
	s9 =	sadd.s32 $0x3200, s9;
	[sflag:s10] =	ssyncadd.s32 $0xFFFE7000  }
0xc1: {  	s0 =	sld [smem:$0x7F8];
	_ =	sdelay $0x1  }
0xc2: {  	s31 =	sadd.s32 $0x1, s31  }
0xc3: {  	p0 =	sne.s32 s31, s0  }
.Ltmp1:
0xc4: {  	_ = 	snop;
	(pc) =	sbr.rel @p0 .LBB2_1-.Ltmp1, $1  }
0xc5: {  	_ =	sdelay $0x3  }
0xc6: {  	_ =	sfence.sel $0x180000  }
0xc7: {  	[bflag:$0x0] =	sbarrier.arrive $0xFFFF  }
0xc8: {  	_ =	strace $0x90000053  }
0xc9: {  	s0 =	stileid.u32;
	[bflag:$0x2] =	sbarrier.arrive $0xFFFF  }
0xca: {  	p0 =	sne.s32 s0, $0x0;
	s0 =	rddreg [dreg:$0x2]  }
0xcb: {  	s0 =	sadd.s32 @!p0 $0x100000, s0  }
0xcc: {  	[sflag:s0] =	ssyncadd.tile.s32 @!p0 $0x1;
	_ =	shalt  }
.Lfunc_end2:
_tile_overlayer_lowered:
.L_overlay_start_2:
0xcd: {  	(tag) =	ssettag $0x2  }
0xce: {  	s0 =	rddreg [dreg:$0x0];
	s2 =	stileid.u32  }
0xcf: {  	s1 =	rddreg [dreg:$0x1];
	p0 =	sne.s32 s2, $0x0  }
0xd0: {  	s3 =	rddreg [dreg:$0x2];
	[bflag:$0x3] =	sbarrier.arrive $0xFFFF;
	s2 =	simm.s32 @!p0 $0x1C02  }
0xd1: {  	[timem:s3], [sflag:s2] =	dma.local @!p0 [hbm:s0], s1  }
0xd2: {  	s0 =	simm.s32 @!p0 $0x2  }
0xd3: {  	_ =	swait.ge @!p0 [sflag:s0], s1  }
0xd4: {  	s1 =	ssub.s32 @!p0 $0x0, s1;
	[sflag:s0] =	ssyncset.done @!p0 $0x0  }
0xd5: {  	[sflag:s0] =	ssyncadd.s32 @!p0 s1  }
0xd6: {  	[bflag:$0x3] =	sbarrier.arrive $0xFFFF  }
0xd7: {  	_ =	shalt  }

// kernel: kernel.31.cloned.1.call-start
scs
__scs_entry_jumppad:
0x0: {  	(pc) =	sbr.rel $0x88, $3  }
0x1: {  	(tag) =	ssettag $0x0;
	lr =	simm.s32 $0x1  }
0x2: {  	[smem:$0x3F9D] =	sst lr;
	_ =	strace $0xD0000000  }
0x3: {  	_ = 	snop  }
0x4: {  	_ = 	snop  }
0x5: {  	_ = 	snop  }
0x6: {  	_ = 	snop  }
0x7: {  	_ = 	snop  }
__scs_overlays_trampoline_lowered:
0x8: {  	[smem:$0x3FAC] =	sst s0  }
0x9: {  	[smem:$0x3FAD] =	sst s1  }
0xa: {  	[smem:$0x3FAE] =	sst s2  }
0xb: {  	[smem:$0x3FAF] =	sst s3  }
0xc: {  	[smem:$0x3FB0] =	sst s4  }
0xd: {  	[smem:$0x3FB1] =	sst s5  }
0xe: {  	[smem:$0x3FB2] =	sst s6  }
0xf: {  	[smem:$0x3FB3] =	sst s7  }
0x10: {  	[smem:$0x3FB4] =	sst s8  }
0x11: {  	[smem:$0x3FB5] =	sst s9;
	s0 =	simm.s32 @!p0 $0x0  }
0x12: {  	s1 =	sld [smem:$0x3F9B];
	s0 =	simm.s32 @p0 $0x1  }
0x13: {  	[smem:$0x3FB6] =	sst s0;
	s0 =	simm.s32 @!p1 $0x0  }
0x14: {  	s2 =	sld [smem:$0x3F9A];
	s0 =	simm.s32 @p1 $0x1  }
0x15: {  	[smem:$0x3FB7] =	sst s0;
	s0 =	simm.s32 @!p2 $0x0  }
0x16: {  	s3 =	sld [smem:$0x3FDB];
	s0 =	simm.s32 @p2 $0x1  }
0x17: {  	s4 =	simm.s32 $0x1BF5;
	[smem:$0x3FB9] =	sst s0  }
0x18: {  	s0 =	sld [smem:$0x3F9C];
	_ =	swait.ge [sflag:s4], $0x0  }
0x19: {  	s7 =	sld [smem:$0x3F9D]  }
0x1a: {  	s8 =	sadd.s32 $0xFFFFE003, lr  }
0x1b: {  	s9 =	sadd.s32 $0xFFFFFEF7, lr;
	s5 =	simm.s32 $0xFFFFFFFF;
	p2 =	slt.u32 s8, $0xFFFFF086  }
0x1c: {  	p1 =	slt.u32 s9, $0xF7A;
	s5 =	simm.s32 @!p2 $0x0  }
0x1d: {  	s5 =	simm.s32 @p1 $0x1;
	p0 =	seq.s32 s7, s2  }
0x1e: {  	s7 =	smul.u32 @!p0 $0xF7A, s2;
	p2 =	seq.s32 @!p0 s5, $0x0  }
0x1f: {  	s9 =	smul.u32 $0xF7A, s1;
	s8 =	simm.s32 @!p0 $0x1BF5;
	p2 =	por !p2, p0  }
0x20: {  	[sflag:s8] =	ssyncset.s32 @!p0 $0xFFFFF086;
	s6 =	sadd.s32 @!p0 s3, s7;
	s7 =	simm.s32 @!p0 $0x108  }
0x21: {  	s3 =	sadd.s32 s3, s9;
	s6 =	sadd.s32 @!p0 $0x88, s6;
	s7 =	simm.s32 @p2 $0x1082  }
0x22: {  	[simem:s7], [sflag:s8] =	dma.local @!p0 [hbm:s6], $0xF7A  }
0x23: {  	s9 =	sor.u32 $0xD0000000, s2;
	s6 =	simm.s32 $0x108;
	_ =	swait.ge @!p0 [sflag:s8], $0x0  }
0x24: {  	s3 =	sadd.s32 $0x88, s3;
	s6 =	simm.s32 @!p1 $0x1082;
	[sflag:s4] =	ssyncset.s32 $0xFFFFF086  }
0x25: {  	[simem:s6], [sflag:s4] =	dma.local [hbm:s3], $0xF7A  }
0x26: {  	[smem:$0x3F9D] =	sst s1;
	(tag) =	ssettag s2;
	_ =	strace s9  }
0x27: {  	s1 =	sld [smem:$0x3FAD]  }
0x28: {  	s2 =	sld [smem:$0x3FAE]  }
0x29: {  	s4 =	sld [smem:$0x3FB0]  }
0x2a: {  	p0 =	seq.s32 s5, $0x0;
	s5 =	sld [smem:$0x3FB1]  }
0x2b: {  	s6 =	sld [smem:$0x3FB2]  }
0x2c: {  	s7 =	sld [smem:$0x3FB3]  }
0x2d: {  	s3 =	simm.s32 $0x108;
	s8 =	sld [smem:$0x3FB4]  }
0x2e: {  	s3 =	simm.s32 @!p0 $0x1082;
	s9 =	sld [smem:$0x3FB5]  }
0x2f: {  	lr =	sadd.s32 s0, s3;
	s0 =	sld [smem:$0x3FAC]  }
0x30: {  	s3 =	sld [smem:$0x3FAF]  }
0x31: {  	[smem:$0x3FB8] =	sst s10  }
0x32: {  	s10 =	sld [smem:$0x3FB6];
	_ =	sdelay $0x3  }
0x33: {  	p0 =	seq.s32 s10, $0x1;
	s10 =	sld [smem:$0x3FB8];
	_ =	sdelay $0x3  }
0x34: {  	[smem:$0x3FB8] =	sst s10  }
0x35: {  	s10 =	sld [smem:$0x3FB7];
	_ =	sdelay $0x3  }
0x36: {  	p1 =	seq.s32 s10, $0x1;
	s10 =	sld [smem:$0x3FB8];
	_ =	sdelay $0x3  }
0x37: {  	[smem:$0x3FB8] =	sst s10  }
0x38: {  	s10 =	sld [smem:$0x3FB9]  }
0x39: {  	_ = 	snop;
	(pc) =	sbr.ind lr, $3  }
0x3a: {  	_ = 	snop  }
0x3b: {  	_ = 	snop  }
0x3c: {  	p2 =	seq.s32 s10, $0x1;
	s10 =	sld [smem:$0x3FB8]  }
0x3d: {  	_ =	shalt  }
0x3e: {  	_ =	shalt  }
0x3f: {  	_ =	shalt  }
0x40: {  	_ =	shalt  }
0x41: {  	_ =	shalt  }
0x42: {  	_ =	shalt  }
0x43: {  	_ =	shalt  }
0x44: {  	_ =	shalt  }
0x45: {  	_ =	shalt  }
0x46: {  	_ =	shalt  }
0x47: {  	_ =	shalt  }
0x48: {  	_ =	shalt  }
0x49: {  	_ =	shalt  }
0x4a: {  	_ =	shalt  }
0x4b: {  	_ =	shalt  }
0x4c: {  	_ =	shalt  }
0x4d: {  	_ =	shalt  }
0x4e: {  	_ =	shalt  }
0x4f: {  	_ =	shalt  }
0x50: {  	_ =	shalt  }
0x51: {  	_ =	shalt  }
0x52: {  	_ =	shalt  }
0x53: {  	_ =	shalt  }
0x54: {  	_ =	shalt  }
0x55: {  	_ =	shalt  }
0x56: {  	_ =	shalt  }
0x57: {  	_ =	shalt  }
0x58: {  	_ =	shalt  }
0x59: {  	_ =	shalt  }
0x5a: {  	_ =	shalt  }
0x5b: {  	_ =	shalt  }
0x5c: {  	_ =	shalt  }
0x5d: {  	_ =	shalt  }
0x5e: {  	_ =	shalt  }
0x5f: {  	_ =	shalt  }
0x60: {  	_ =	shalt  }
0x61: {  	_ =	shalt  }
0x62: {  	_ =	shalt  }
0x63: {  	_ =	shalt  }
0x64: {  	_ =	shalt  }
0x65: {  	_ =	shalt  }
0x66: {  	_ =	shalt  }
0x67: {  	_ =	shalt  }
0x68: {  	_ =	shalt  }
0x69: {  	_ =	shalt  }
0x6a: {  	_ =	shalt  }
0x6b: {  	_ =	shalt  }
0x6c: {  	_ =	shalt  }
0x6d: {  	_ =	shalt  }
0x6e: {  	_ =	shalt  }
0x6f: {  	_ =	shalt  }
0x70: {  	_ =	shalt  }
0x71: {  	_ =	shalt  }
0x72: {  	_ =	shalt  }
0x73: {  	_ =	shalt  }
0x74: {  	_ =	shalt  }
0x75: {  	_ =	shalt  }
0x76: {  	_ =	shalt  }
0x77: {  	_ =	shalt  }
0x78: {  	_ =	shalt  }
0x79: {  	_ =	shalt  }
0x7a: {  	_ =	shalt  }
0x7b: {  	_ =	shalt  }
0x7c: {  	_ =	shalt  }
0x7d: {  	_ =	shalt  }
0x7e: {  	_ =	shalt  }
0x7f: {  	_ =	shalt  }
0x80: {  	_ =	shalt  }
0x81: {  	_ =	shalt  }
0x82: {  	_ =	shalt  }
0x83: {  	_ =	shalt  }
0x84: {  	_ =	shalt  }
0x85: {  	_ =	shalt  }
0x86: {  	_ =	shalt  }
0x87: {  	_ =	shalt  }
.Lfunc_end0:
.L_simem_size_0:
called_computation.6_lowered:
.L_overlay_start_0:
0x88: {  	s2 =	sld [smem:$0x3FD9]  }
0x89: {  	s3 =	sld [smem:$0x3FFE];
	_ =	sdelay $0x1  }
0x8a: {  	s1 =	srdreg.scid  }
0x8b: {  	s0 =	sand.u32 $0x1, s1  }
0x8c: {  	s14 =	sshll.u32 s0, $0xA;
	s2 =	sadd.s32 s3, s2  }
0x8d: {  	s2 =	sadd.s32 s2, s14  }
0x8e: {  	[smem:$0x3FC4] =	sst s2  }
0x8f: {  	_ = 	snop  }
0x90: {  	s2 =	sld [smem:$0x3FD0];
	_ =	sdelay $0x2  }
0x91: {  	s15 =	simm.s32 $0xB;
	s4 =	simm.s32 $0x10  }
0x92: {  	[smem:s4], [sflag:s15] =	dma.local [hbm:s2], $0x1  }
0x93: {  	_ =	swait.eq [sflag:s15], $0x1  }
0x94: {  	[sflag:s15] =	ssyncset.done $0x0  }
0x95: {  	[sflag:s15] =	ssyncadd.s32 $0xFFFFFFFF  }
0x96: {  	s16 =	sld [smem:$0x10];
	(tm) =	ssettm $0x1  }
0x97: {  	s17 =	sld [smem:$0x3FFB];
	_ =	sdelay $0x3  }
0x98: {  	_ =	strace s17  }
0x99: {  	s3 =	sld [smem:$0x3FFC];
	_ =	sdelay $0x3  }
0x9a: {  	_ =	strace s3  }
0x9b: {  	s3 =	sld [smem:$0x3FFD];
	_ =	sdelay $0x3  }
0x9c: {  	_ =	strace s3  }
0x9d: {  	_ =	strace $0x8FFFFFFF  }
0x9e: {  	s18 =	sld [smem:$0x3FDB];
	_ =	sdelay $0x1  }
0x9f: {  	s19 =	simm.s32 $_scs_section_size  }
0xa0: {  	s5 =	simm.s32 $_size__tile_overlayer_lowered;
	s6 =	simm.s32 $_tile_overlayer_lowered  }
0xa1: {  	s22 =	simm.s32 $0x1BFF;
	s21 =	sshll.u32 s6, $0x1;
	s3 =	sadd.s32 s19, s18  }
0xa2: {  	s7 =	simm.s32 $0x0;
	s20 =	sshll.u32 s5, $0x1;
	s5 =	sadd.s32 s21, s3  }
0xa3: {  	[timem:s7], [sflag:s22] =	dma.local [hbm:s5], s20  }
0xa4: {  	_ =	swait.ge [sflag:s22], s20  }
0xa5: {  	s4 =	ssub.s32 $0x0, s20;
	[sflag:s22] =	ssyncset.done $0x0  }
0xa6: {  	[sflag:s22] =	ssyncadd.s32 s4;
	_ =	sdelay $0x1  }
0xa7: {  	s23 =	simm.s32 $0x1B8B  }
0xa8: {  	_ =	swait.ge [sflag:s23], $0x1  }
0xa9: {  	[sflag:s23] =	ssyncset.done $0x0  }
0xaa: {  	s25 =	simm.s32 $0x1B8E;
	s24 =	sld [smem:$0x3FFE];
	[sflag:s23] =	ssyncadd.s32 $0xFFFFFFFF  }
0xab: {  	s26 =	simm.s32 $execute0_lowered;
	[smem:$0x3FD2] =	sst s25  }
0xac: {  	s5 =	sshll.u32 s26, $0x1;
	_ =	strace $0x80000055;
	[dreg:$0x1] =	wrdreg $0xFFFFFFFF  }
0xad: {  	s28 =	simm.s32 $_size_execute0_lowered;
	s3 =	sadd.s32 s3, s5;
	[dreg:$0x0] =	wrdreg $0x0  }
0xae: {  	s5 =	sshll.u32 s28, $0x1;
	[dreg:$0x2] =	wrdreg s3  }
0xaf: {  	[dreg:$0x3] =	wrdreg s5  }
0xb0: {  	[dreg:$0x4] =	wrdreg $0xC0  }
0xb1: {  	_ =	task [dreg:s7], $0x5FFFF  }
0xb2: {  	[dreg:$0x1] =	wrdreg $0xFFFFFFFF  }
0xb3: {  	[dreg:$0x0] =	wrdreg $0x60  }
0xb4: {  	[dreg:$0x2] =	wrdreg s24  }
0xb5: {  	[dreg:$0x3] =	wrdreg s16  }
0xb6: {  	[dreg:$0x4] =	wrdreg $0x9  }
0xb7: {  	_ =	task.clear_ibuf [dreg:s7], $0x5FFFF;
	_ =	strace $0x90000055  }
0xb8: {  	s29 =	simm.s32 $0x9;
	_ =	strace $0x80000057  }
0xb9: {  	_ =	swait.ge [sflag:s29], $0x1  }
0xba: {  	[sflag:s29] =	ssyncadd.s32 $0xFFFFFFFF  }
0xbb: {  	_ =	strace $0x90000057  }
0xbc: {  	_ =	sfence  }
0xbd: {  	s30 =	sld [smem:$0x0];
	_ =	sdelay $0x2  }
0xbe: {  	s31 =	sshll.u32 s1, $0xD;
	s1 =	sshrl.u32 s1, $0x2  }
0xbf: {  	s3 =	sand.u32 $0x4000, s31;
	s1 =	sadd.s32 s1, s30  }
0xc0: {  	s0 =	sor.u32 s3, s0;
	s1 =	sshll.u32 s1, $0x11  }
0xc1: {  	s0 =	sor.u32 s1, s0  }
0xc2: {  	s0 =	sadd.s32 $0x8F2B, s0  }
0xc3: {  	[sflag:s0] =	ssyncadd.remote.s32 $0x1  }
0xc4: {  	_ =	sfence.sel $0xFFFF  }
0xc5: {  	[dreg:$0x0] =	wrdreg $0xFFFFFFFF;
	(pc) =	sbr.abs _section_cstart, $3  }
0xc6: {  	[dreg:$0x1] =	wrdreg $0xFFFFFFFF  }
0xc7: {  	_ =	task.clear_ibuf [dreg:s7], $0x2FFFF;
	_ =	strace $0x9FFFFFFF  }
0xc8: {  	(tm) =	ssettm $0x7FFFFFFF  }
0xc9: {  	_ =	shalt  }
tec
execute0_lowered:
.L_overlay_start_1:
0x0: {  	(tag) =	ssettag $0x1  }
0x1: {  	s0 =	srdreg.scid  }
0x2: {  	s2 =	stileid.u32;
	s5 =	rddreg [dreg:$0x1];
	s1 =	sand.u32 $0x1, s0  }
0x3: {  	s3 =	smul.u32 $0x780, s2;
	s0 =	rddreg [dreg:$0x0];
	s2 =	simm.s32 $0x0  }
0x4: {  	s17 =	simm.s32 $0x880;
	[smem:$0x7FF] =	sst s2  }
0x5: {  	s18 =	simm.s32 $0x1080;
	_ =	strace $0x80000056;
	[dreg:$0x4] =	wrdreg s17  }
0x6: {  	s19 =	simm.s32 $0x1880;
	[dreg:$0x5] =	wrdreg s18  }
0x7: {  	s20 =	simm.s32 $0x2080;
	[dreg:$0x6] =	wrdreg s19  }
0x8: {  	s21 =	simm.s32 $0x2880;
	[dreg:$0x7] =	wrdreg s20  }
0x9: {  	s22 =	simm.s32 $0x3080;
	[dreg:$0x8] =	wrdreg s21  }
0xa: {  	s23 =	simm.s32 $0x3880;
	[dreg:$0x9] =	wrdreg s22  }
0xb: {  	s24 =	simm.s32 $0x4080;
	[dreg:$0xa] =	wrdreg s23  }
0xc: {  	s25 =	simm.s32 $0x4880;
	[dreg:$0xb] =	wrdreg s24  }
0xd: {  	s26 =	simm.s32 $0x5080;
	[dreg:$0xc] =	wrdreg s25  }
0xe: {  	s6 =	simm.s32 $0x6080;
	[dreg:$0xd] =	wrdreg s26  }
0xf: {  	s7 =	simm.s32 $0x6880;
	[dreg:$0xf] =	wrdreg s6  }
0x10: {  	s8 =	simm.s32 $0x7080;
	[dreg:$0x10] =	wrdreg s7  }
0x11: {  	s9 =	simm.s32 $0x7880;
	[dreg:$0x11] =	wrdreg s8  }
0x12: {  	s10 =	simm.s32 $0x8080;
	[dreg:$0x12] =	wrdreg s9  }
0x13: {  	s11 =	simm.s32 $0x8880;
	s12 =	simm.s32 $0x9080;
	[dreg:$0x13] =	wrdreg s10  }
0x14: {  	s13 =	simm.s32 $0x9880;
	s15 =	simm.s32 $0xA080;
	[dreg:$0x14] =	wrdreg s11  }
0x15: {  	s28 =	simm.s32 $0x18080;
	s29 =	simm.s32 $0x18880;
	[dreg:$0x15] =	wrdreg s12  }
0x16: {  	s30 =	simm.s32 $0x1;
	s31 =	simm.s32 $0x0;
	[dreg:$0x16] =	wrdreg s13  }
0x17: {  	s4 =	smul.u32 $0x3C0, s1;
	[dreg:$0x17] =	wrdreg s15;
	s17 =	simm.s32 $0xB080  }
0x18: {  	s1 =	ssub.s32 $0x2, s1;
	s18 =	simm.s32 $0xB880;
	[dreg:$0x19] =	wrdreg s17  }
0x19: {  	s19 =	sshrl.u32 s1, $0x1;
	s20 =	simm.s32 $0xC080;
	[dreg:$0x1a] =	wrdreg s18  }
0x1a: {  	s21 =	simm.s32 $0xC880;
	s6 =	simm.s32 $0xD080;
	[dreg:$0x1b] =	wrdreg s20  }
0x1b: {  	s7 =	simm.s32 $0xD880;
	s8 =	simm.s32 $0xE080;
	[dreg:$0x1c] =	wrdreg s21  }
0x1c: {  	s22 =	simm.s32 $0xE880;
	s23 =	simm.s32 $0xF080;
	[dreg:$0x1d] =	wrdreg s6  }
0x1d: {  	s25 =	simm.s32 $0xF880;
	s10 =	simm.s32 $0x2;
	[dreg:$0x1e] =	wrdreg s7  }
0x1e: {  	s26 =	simm.s32 $0x10080;
	s11 =	simm.s32 $0x80;
	[dreg:$0x1f] =	wrdreg s8  }
0x1f: {  	s12 =	simm.s32 $0x10880;
	s13 =	simm.s32 $0x11080;
	[smem:$0x7F9] =	sst s22  }
0x20: {  	s3 =	sadd.s32 s4, s3;
	s4 =	sadd.s32 $0xC79500, s0;
	[smem:$0x7FB] =	sst s23  }
0x21: {  	s15 =	simm.s32 $0x12080;
	s6 =	sadd.s32 $0xC79700, s0;
	[smem:$0x7FC] =	sst s25  }
0x22: {  	s1 =	ssub.s32 s1, s19;
	s7 =	sadd.s32 $0xC79800, s0;
	[smem:$0x7FD] =	sst s26  }
0x23: {  	s17 =	simm.s32 $0x13080;
	s18 =	simm.s32 $0x13880;
	s19 =	simm.s32 $0x14080  }
0x24: {  	s20 =	simm.s32 $0x14880;
	s21 =	simm.s32 $0x15080;
	s22 =	simm.s32 $0x15880  }
0x25: {  	s23 =	simm.s32 $0x16080;
	s3 =	sshrl.u32 s3, $0x3;
	s1 =	smax.u32 s1, $0x1  }
0x26: {  	s25 =	simm.s32 $0x17080;
	s16 =	sadd.s32 s3, s5;
	[smem:$0x7F8] =	sst s1  }
0x27: {  	s5 =	simm.s32 $0x5880;
	s14 =	smul.u32 $0x500, s3;
	[dreg:$0x3] =	wrdreg s16  }
0x28: {  	s26 =	simm.s32 $0x17880;
	s3 =	sadd.s32 $0xC79400, s0;
	[dreg:$0xe] =	wrdreg s5  }
0x29: {  	v2 =	vlaneseq.u32;
	s16 =	simm.s32 $0xA880;
	s5 =	sadd.s32 $0xC79600, s0;
	s9 =	sadd.s32 s14, s0  }
0x2a: {  	vm0 =	vmmov $0xffff;
	v1 =	vshrl.u32 v2, $0x3;
	[dreg:$0x18] =	wrdreg s16;
	s14 =	simm.s32 $0x11880;
	s24 =	sadd.s32 $0x319400, s9  }
0x2b: {  	v0 =	vand.u32 $0x7, v2;
	v2 =	vor.u32 $0x8, v2;
	v1 =	vmul.u32 $0x8, v1;
	s16 =	simm.s32 $0x12880;
	[smem:$0x7FA] =	sst s24;
	s24 =	simm.s32 $0x16880  }
.LBB2_1:
0x2c: {  	s9 =	sld [smem:$0x7FA];
	s0 =	simm.s32 $0x0  }
.LBB2_2:
0x2d: {  	s8 =	rddreg [dreg:$0x3]  }
0x2e: {  	s8 =	sadd.s32 s0, s8  }
0x2f: {  	[tilespmem:s2], [sflag:$0x2] =	stream.linear.gather [hbm4b:s8+s2], $0x50, $0x38;
	[tilespmem:$0x19080] =	vst v63  }
0x30: {  	_ =	swait.ge [sflag:s10], $0x50  }
0x31: {  	[sflag:s10] =	ssyncset.done $0x0  }
0x32: {  	[sflag:s10] =	ssyncadd.s32 $0xFFFFFFB0  }
0x33: {  	v3 =	vld [tilespmem:$0x0];
	_ =	sdelay $0x4  }
0x34: {  	v4 =	vshrl.u32 v3, $0x3  }
0x35: {  	v4 =	vmul.u32 $0x50, v4  }
0x36: {  	v3 =	vand.u32 $0x7, v3  }
0x37: {  	v3 =	vor.u32 v3, v4  }
0x38: {  	v4 =	vperm.xlane v3, v0;
	_ =	sdelay $0x1  }
0x39: {  	v4 =	vadd.s32 v1, v4;
	_ =	sdelay $0x4  }
0x3a: {  	[tilespmem:s11], [sflag:$0x1] =	stream.indirect_vreg.gather [hbm4b:s3+s2], $0x80, v4, vm0, $0xb8;
	[tilespmem:$0x19080] =	vst v63  }
0x3b: {  	s8 =	rddreg [dreg:$0x4]  }
0x3c: {  	[tilespmem:s8], [sflag:$0x1] =	stream.indirect_vreg.gather [hbm4b:s4+s2], $0x80, v4, vm0, $0xb8;
	[tilespmem:$0x19080] =	vst v63  }
0x3d: {  	s1 =	rddreg [dreg:$0x5];
	v3 =	vperm.xlane v3, v2  }
0x3e: {  	[tilespmem:s1], [sflag:$0x1] =	stream.indirect_vreg.gather [hbm4b:s5+s2], $0x80, v4, vm0, $0xb8;
	[tilespmem:$0x19080] =	vst v63  }
0x3f: {  	v3 =	vadd.s32 v1, v3;
	s8 =	rddreg [dreg:$0x6]  }
0x40: {  	[tilespmem:s8], [sflag:$0x1] =	stream.indirect_vreg.gather [hbm4b:s6+s2], $0x80, v4, vm0, $0xb8;
	[tilespmem:$0x19080] =	vst v63  }
0x41: {  	s1 =	rddreg [dreg:$0x7]  }
0x42: {  	[tilespmem:s1], [sflag:$0x1] =	stream.indirect_vreg.gather [hbm4b:s7+s2], $0x80, v4, vm0, $0xb8;
	[tilespmem:$0x19080] =	vst v63  }
0x43: {  	s8 =	rddreg [dreg:$0x8]  }
0x44: {  	[tilespmem:s8], [sflag:$0x1] =	stream.indirect_vreg.gather [hbm4b:s3+s2], $0x80, v3, vm0, $0xb8;
	[tilespmem:$0x19080] =	vst v63  }
0x45: {  	s1 =	rddreg [dreg:$0x9]  }
0x46: {  	[tilespmem:s1], [sflag:$0x1] =	stream.indirect_vreg.gather [hbm4b:s4+s2], $0x80, v3, vm0, $0xb8;
	[tilespmem:$0x19080] =	vst v63  }
0x47: {  	s8 =	rddreg [dreg:$0xa]  }
0x48: {  	[tilespmem:s8], [sflag:$0x1] =	stream.indirect_vreg.gather [hbm4b:s5+s2], $0x80, v3, vm0, $0xb8;
	[tilespmem:$0x19080] =	vst v63  }
0x49: {  	s1 =	rddreg [dreg:$0xb]  }
0x4a: {  	[tilespmem:s1], [sflag:$0x1] =	stream.indirect_vreg.gather [hbm4b:s6+s2], $0x80, v3, vm0, $0xb8;
	[tilespmem:$0x19080] =	vst v63  }
0x4b: {  	s8 =	rddreg [dreg:$0xc]  }
0x4c: {  	[tilespmem:s8], [sflag:$0x1] =	stream.indirect_vreg.gather [hbm4b:s7+s2], $0x80, v3, vm0, $0xb8;
	[tilespmem:$0x19080] =	vst v63  }
0x4d: {  	v3 =	vld [tilespmem:$0x10];
	_ =	sdelay $0x4  }
0x4e: {  	v60 =	vshrl.u32 v3, $0x3  }
0x4f: {  	v4 =	vmul.u32 $0x50, v60  }
0x50: {  	v3 =	vand.u32 $0x7, v3  }
0x51: {  	v3 =	vor.u32 v3, v4  }
0x52: {  	v4 =	vperm.xlane v3, v0;
	_ =	sdelay $0x1  }
0x53: {  	v4 =	vadd.s32 v1, v4;
	_ =	sdelay $0x3  }
0x54: {  	s1 =	rddreg [dreg:$0xd]  }
0x55: {  	[tilespmem:s1], [sflag:$0x1] =	stream.indirect_vreg.gather [hbm4b:s3+s2], $0x80, v4, vm0, $0xb8;
	[tilespmem:$0x19080] =	vst v63  }
0x56: {  	s8 =	rddreg [dreg:$0xe]  }
0x57: {  	[tilespmem:s8], [sflag:$0x1] =	stream.indirect_vreg.gather [hbm4b:s4+s2], $0x80, v4, vm0, $0xb8;
	[tilespmem:$0x19080] =	vst v63  }
0x58: {  	v3 =	vperm.xlane v3, v2;
	s1 =	rddreg [dreg:$0xf]  }
0x59: {  	[tilespmem:s1], [sflag:$0x1] =	stream.indirect_vreg.gather [hbm4b:s5+s2], $0x80, v4, vm0, $0xb8;
	[tilespmem:$0x19080] =	vst v63  }
0x5a: {  	v3 =	vadd.s32 v1, v3;
	s8 =	rddreg [dreg:$0x10]  }
0x5b: {  	[tilespmem:s8], [sflag:$0x1] =	stream.indirect_vreg.gather [hbm4b:s6+s2], $0x80, v4, vm0, $0xb8;
	[tilespmem:$0x19080] =	vst v63  }
0x5c: {  	s1 =	rddreg [dreg:$0x11]  }
0x5d: {  	[tilespmem:s1], [sflag:$0x1] =	stream.indirect_vreg.gather [hbm4b:s7+s2], $0x80, v4, vm0, $0xb8;
	[tilespmem:$0x19080] =	vst v63  }
0x5e: {  	s8 =	rddreg [dreg:$0x12]  }
0x5f: {  	[tilespmem:s8], [sflag:$0x1] =	stream.indirect_vreg.gather [hbm4b:s3+s2], $0x80, v3, vm0, $0xb8;
	[tilespmem:$0x19080] =	vst v63  }
0x60: {  	s1 =	rddreg [dreg:$0x13]  }
0x61: {  	[tilespmem:s1], [sflag:$0x1] =	stream.indirect_vreg.gather [hbm4b:s4+s2], $0x80, v3, vm0, $0xb8;
	[tilespmem:$0x19080] =	vst v63  }
0x62: {  	s8 =	rddreg [dreg:$0x14]  }
0x63: {  	[tilespmem:s8], [sflag:$0x1] =	stream.indirect_vreg.gather [hbm4b:s5+s2], $0x80, v3, vm0, $0xb8;
	[tilespmem:$0x19080] =	vst v63  }
0x64: {  	s1 =	rddreg [dreg:$0x15]  }
0x65: {  	[tilespmem:s1], [sflag:$0x1] =	stream.indirect_vreg.gather [hbm4b:s6+s2], $0x80, v3, vm0, $0xb8;
	[tilespmem:$0x19080] =	vst v63  }
0x66: {  	s8 =	rddreg [dreg:$0x16]  }
0x67: {  	[tilespmem:s8], [sflag:$0x1] =	stream.indirect_vreg.gather [hbm4b:s7+s2], $0x80, v3, vm0, $0xb8;
	[tilespmem:$0x19080] =	vst v63  }
0x68: {  	v3 =	vld [tilespmem:$0x20];
	_ =	sdelay $0x4  }
0x69: {  	v61 =	vshrl.u32 v3, $0x3  }
0x6a: {  	v4 =	vmul.u32 $0x50, v61  }
0x6b: {  	v3 =	vand.u32 $0x7, v3  }
0x6c: {  	v3 =	vor.u32 v3, v4  }
0x6d: {  	v4 =	vperm.xlane v3, v0;
	_ =	sdelay $0x1  }
0x6e: {  	v4 =	vadd.s32 v1, v4;
	_ =	sdelay $0x2  }
0x6f: {  	s1 =	rddreg [dreg:$0x17]  }
0x70: {  	s8 =	rddreg [dreg:$0x18]  }
0x71: {  	[tilespmem:s1], [sflag:$0x1] =	stream.indirect_vreg.gather [hbm4b:s3+s2], $0x80, v4, vm0, $0xb8;
	[tilespmem:$0x19080] =	vst v63  }
0x72: {  	s1 =	rddreg [dreg:$0x19]  }
0x73: {  	[tilespmem:s8], [sflag:$0x1] =	stream.indirect_vreg.gather [hbm4b:s4+s2], $0x80, v4, vm0, $0xb8;
	[tilespmem:$0x19080] =	vst v63  }
0x74: {  	v3 =	vperm.xlane v3, v2;
	s8 =	rddreg [dreg:$0x1a]  }
0x75: {  	[tilespmem:s1], [sflag:$0x1] =	stream.indirect_vreg.gather [hbm4b:s5+s2], $0x80, v4, vm0, $0xb8;
	[tilespmem:$0x19080] =	vst v63  }
0x76: {  	v3 =	vadd.s32 v1, v3;
	s1 =	rddreg [dreg:$0x1b]  }
0x77: {  	[tilespmem:s8], [sflag:$0x1] =	stream.indirect_vreg.gather [hbm4b:s6+s2], $0x80, v4, vm0, $0xb8;
	[tilespmem:$0x19080] =	vst v63  }
0x78: {  	s8 =	rddreg [dreg:$0x1c]  }
0x79: {  	[tilespmem:s1], [sflag:$0x1] =	stream.indirect_vreg.gather [hbm4b:s7+s2], $0x80, v4, vm0, $0xb8;
	[tilespmem:$0x19080] =	vst v63  }
0x7a: {  	s1 =	rddreg [dreg:$0x1d]  }
0x7b: {  	[tilespmem:s8], [sflag:$0x1] =	stream.indirect_vreg.gather [hbm4b:s3+s2], $0x80, v3, vm0, $0xb8;
	[tilespmem:$0x19080] =	vst v63  }
0x7c: {  	s8 =	rddreg [dreg:$0x1e]  }
0x7d: {  	[tilespmem:s1], [sflag:$0x1] =	stream.indirect_vreg.gather [hbm4b:s4+s2], $0x80, v3, vm0, $0xb8;
	[tilespmem:$0x19080] =	vst v63  }
0x7e: {  	s1 =	rddreg [dreg:$0x1f]  }
0x7f: {  	[tilespmem:s8], [sflag:$0x1] =	stream.indirect_vreg.gather [hbm4b:s5+s2], $0x80, v3, vm0, $0xb8;
	[tilespmem:$0x19080] =	vst v63  }
0x80: {  	s8 =	sld [smem:$0x7F9]  }
0x81: {  	[tilespmem:s1], [sflag:$0x1] =	stream.indirect_vreg.gather [hbm4b:s6+s2], $0x80, v3, vm0, $0xb8;
	[tilespmem:$0x19080] =	vst v63  }
0x82: {  	_ = 	snop  }
0x83: {  	[tilespmem:s8], [sflag:$0x1] =	stream.indirect_vreg.gather [hbm4b:s7+s2], $0x80, v3, vm0, $0xb8;
	[tilespmem:$0x19080] =	vst v63  }
0x84: {  	v3 =	vld [tilespmem:$0x30];
	_ =	sdelay $0x4  }
0x85: {  	v62 =	vshrl.u32 v3, $0x3  }
0x86: {  	v4 =	vmul.u32 $0x50, v62  }
0x87: {  	v3 =	vand.u32 $0x7, v3  }
0x88: {  	v3 =	vor.u32 v3, v4  }
0x89: {  	v4 =	vperm.xlane v3, v0;
	_ =	sdelay $0x1  }
0x8a: {  	v4 =	vadd.s32 v1, v4;
	_ =	sdelay $0x1  }
0x8b: {  	s1 =	sld [smem:$0x7FB];
	_ =	sdelay $0x1  }
0x8c: {  	s8 =	sld [smem:$0x7FC]  }
0x8d: {  	[tilespmem:s1], [sflag:$0x1] =	stream.indirect_vreg.gather [hbm4b:s3+s2], $0x80, v4, vm0, $0xb8;
	[tilespmem:$0x19080] =	vst v63  }
0x8e: {  	s1 =	sld [smem:$0x7FD]  }
0x8f: {  	[tilespmem:s8], [sflag:$0x1] =	stream.indirect_vreg.gather [hbm4b:s4+s2], $0x80, v4, vm0, $0xb8;
	[tilespmem:$0x19080] =	vst v63  }
0x90: {  	v3 =	vperm.xlane v3, v2  }
0x91: {  	[tilespmem:s1], [sflag:$0x1] =	stream.indirect_vreg.gather [hbm4b:s5+s2], $0x80, v4, vm0, $0xb8;
	[tilespmem:$0x19080] =	vst v63  }
0x92: {  	v3 =	vadd.s32 v1, v3  }
0x93: {  	[tilespmem:s12], [sflag:$0x1] =	stream.indirect_vreg.gather [hbm4b:s6+s2], $0x80, v4, vm0, $0xb8;
	[tilespmem:$0x19080] =	vst v63  }
0x94: {  	_ = 	snop  }
0x95: {  	[tilespmem:s13], [sflag:$0x1] =	stream.indirect_vreg.gather [hbm4b:s7+s2], $0x80, v4, vm0, $0xb8;
	[tilespmem:$0x19080] =	vst v63  }
0x96: {  	_ = 	snop  }
0x97: {  	[tilespmem:s14], [sflag:$0x1] =	stream.indirect_vreg.gather [hbm4b:s3+s2], $0x80, v3, vm0, $0xb8;
	[tilespmem:$0x19080] =	vst v63  }
0x98: {  	_ = 	snop  }
0x99: {  	[tilespmem:s15], [sflag:$0x1] =	stream.indirect_vreg.gather [hbm4b:s4+s2], $0x80, v3, vm0, $0xb8;
	[tilespmem:$0x19080] =	vst v63  }
0x9a: {  	_ = 	snop  }
0x9b: {  	[tilespmem:s16], [sflag:$0x1] =	stream.indirect_vreg.gather [hbm4b:s5+s2], $0x80, v3, vm0, $0xb8;
	[tilespmem:$0x19080] =	vst v63  }
0x9c: {  	_ = 	snop  }
0x9d: {  	[tilespmem:s17], [sflag:$0x1] =	stream.indirect_vreg.gather [hbm4b:s6+s2], $0x80, v3, vm0, $0xb8;
	[tilespmem:$0x19080] =	vst v63  }
0x9e: {  	_ = 	snop  }
0x9f: {  	[tilespmem:s18], [sflag:$0x1] =	stream.indirect_vreg.gather [hbm4b:s7+s2], $0x80, v3, vm0, $0xb8;
	[tilespmem:$0x19080] =	vst v63  }
0xa0: {  	v3 =	vld [tilespmem:$0x40];
	_ =	sdelay $0x4  }
0xa1: {  	v63 =	vshrl.u32 v3, $0x3  }
0xa2: {  	v4 =	vmul.u32 $0x50, v63  }
0xa3: {  	v3 =	vand.u32 $0x7, v3  }
0xa4: {  	v3 =	vor.u32 v3, v4  }
0xa5: {  	v4 =	vperm.xlane v3, v0;
	_ =	sdelay $0x1  }
0xa6: {  	v4 =	vadd.s32 v1, v4;
	_ =	sdelay $0x4  }
0xa7: {  	[tilespmem:s19], [sflag:$0x1] =	stream.indirect_vreg.gather [hbm4b:s3+s2], $0x80, v4, vm0, $0xb8;
	[tilespmem:$0x19080] =	vst v63  }
0xa8: {  	_ = 	snop  }
0xa9: {  	[tilespmem:s20], [sflag:$0x1] =	stream.indirect_vreg.gather [hbm4b:s4+s2], $0x80, v4, vm0, $0xb8;
	[tilespmem:$0x19080] =	vst v63  }
0xaa: {  	v3 =	vperm.xlane v3, v2  }
0xab: {  	[tilespmem:s21], [sflag:$0x1] =	stream.indirect_vreg.gather [hbm4b:s5+s2], $0x80, v4, vm0, $0xb8;
	[tilespmem:$0x19080] =	vst v63  }
0xac: {  	v3 =	vadd.s32 v1, v3  }
0xad: {  	[tilespmem:s22], [sflag:$0x1] =	stream.indirect_vreg.gather [hbm4b:s6+s2], $0x80, v4, vm0, $0xb8;
	[tilespmem:$0x19080] =	vst v63  }
0xae: {  	_ = 	snop  }
0xaf: {  	[tilespmem:s23], [sflag:$0x1] =	stream.indirect_vreg.gather [hbm4b:s7+s2], $0x80, v4, vm0, $0xb8;
	[tilespmem:$0x19080] =	vst v63  }
0xb0: {  	_ = 	snop  }
0xb1: {  	[tilespmem:s24], [sflag:$0x1] =	stream.indirect_vreg.gather [hbm4b:s3+s2], $0x80, v3, vm0, $0xb8;
	[tilespmem:$0x19080] =	vst v63  }
0xb2: {  	_ = 	snop  }
0xb3: {  	[tilespmem:s25], [sflag:$0x1] =	stream.indirect_vreg.gather [hbm4b:s4+s2], $0x80, v3, vm0, $0xb8;
	[tilespmem:$0x19080] =	vst v63  }
0xb4: {  	_ = 	snop  }
0xb5: {  	[tilespmem:s26], [sflag:$0x1] =	stream.indirect_vreg.gather [hbm4b:s5+s2], $0x80, v3, vm0, $0xb8;
	[tilespmem:$0x19080] =	vst v63  }
0xb6: {  	_ = 	snop  }
0xb7: {  	[tilespmem:s28], [sflag:$0x1] =	stream.indirect_vreg.gather [hbm4b:s6+s2], $0x80, v3, vm0, $0xb8;
	[tilespmem:$0x19080] =	vst v63  }
0xb8: {  	_ = 	snop  }
0xb9: {  	[tilespmem:s29], [sflag:$0x1] =	stream.indirect_vreg.gather [hbm4b:s7+s2], $0x80, v3, vm0, $0xb8;
	[tilespmem:$0x19080] =	vst v63  }
0xba: {  	_ =	swait.ge [sflag:s30], $0x19000  }
0xbb: {  	p0 =	sne.s32 s0, $0x6E;
	[sflag:s30] =	ssyncset.done $0x0  }
.Ltmp0:
0xbc: {  	[sflag:s30] =	ssyncadd.s32 $0xFFFE7000;
	(pc) =	sbr.rel @p0 .LBB2_2-.Ltmp0, $4  }
0xbd: {  	[hbm4b:s9+s2] =	stream.linear.scatter [tilespmem:s11], [sflag:$0x2], $0x19000, $0x38;
	[tilespmem:$0x19080] =	vst v63  }
0xbe: {  	_ =	swait.ge [sflag:s10], $0x19000  }
0xbf: {  	[sflag:s10] =	ssyncset.done $0x0  }
0xc0: {  	s0 =	sadd.s32 $0xA, s0;
	s9 =	sadd.s32 $0x3200, s9;
	[sflag:s10] =	ssyncadd.s32 $0xFFFE7000  }
0xc1: {  	s0 =	sld [smem:$0x7F8];
	_ =	sdelay $0x1  }
0xc2: {  	s31 =	sadd.s32 $0x1, s31  }
0xc3: {  	p0 =	sne.s32 s31, s0  }
.Ltmp1:
0xc4: {  	_ = 	snop;
	(pc) =	sbr.rel @p0 .LBB2_1-.Ltmp1, $1  }
0xc5: {  	_ =	sdelay $0x3  }
0xc6: {  	_ =	sfence.sel $0x180000  }
0xc7: {  	[bflag:$0x0] =	sbarrier.arrive $0xFFFF  }
0xc8: {  	_ =	strace $0x90000056  }
0xc9: {  	s0 =	stileid.u32;
	[bflag:$0x2] =	sbarrier.arrive $0xFFFF  }
0xca: {  	p0 =	sne.s32 s0, $0x0;
	s0 =	rddreg [dreg:$0x2]  }
0xcb: {  	s0 =	sadd.s32 @!p0 $0x100000, s0  }
0xcc: {  	[sflag:s0] =	ssyncadd.tile.s32 @!p0 $0x1;
	_ =	shalt  }
.Lfunc_end2:
_tile_overlayer_lowered:
.L_overlay_start_2:
0xcd: {  	(tag) =	ssettag $0x2  }
0xce: {  	s0 =	rddreg [dreg:$0x0];
	s2 =	stileid.u32  }
0xcf: {  	s1 =	rddreg [dreg:$0x1];
	p0 =	sne.s32 s2, $0x0  }
0xd0: {  	s3 =	rddreg [dreg:$0x2];
	[bflag:$0x3] =	sbarrier.arrive $0xFFFF;
	s2 =	simm.s32 @!p0 $0x1C02  }
0xd1: {  	[timem:s3], [sflag:s2] =	dma.local @!p0 [hbm:s0], s1  }
0xd2: {  	s0 =	simm.s32 @!p0 $0x2  }
0xd3: {  	_ =	swait.ge @!p0 [sflag:s0], s1  }
0xd4: {  	s1 =	ssub.s32 @!p0 $0x0, s1;
	[sflag:s0] =	ssyncset.done @!p0 $0x0  }
0xd5: {  	[sflag:s0] =	ssyncadd.s32 @!p0 s1  }
0xd6: {  	[bflag:$0x3] =	sbarrier.arrive $0xFFFF  }
0xd7: {  	_ =	shalt  }

// kernel: kernel.34.cloned.1.call-start
scs
__scs_entry_jumppad:
0x0: {  	(pc) =	sbr.rel $0x88, $3  }
0x1: {  	(tag) =	ssettag $0x0;
	lr =	simm.s32 $0x1  }
0x2: {  	[smem:$0x3F9D] =	sst lr;
	_ =	strace $0xD0000000  }
0x3: {  	_ = 	snop  }
0x4: {  	_ = 	snop  }
0x5: {  	_ = 	snop  }
0x6: {  	_ = 	snop  }
0x7: {  	_ = 	snop  }
__scs_overlays_trampoline_lowered:
0x8: {  	[smem:$0x3FAC] =	sst s0  }
0x9: {  	[smem:$0x3FAD] =	sst s1  }
0xa: {  	[smem:$0x3FAE] =	sst s2  }
0xb: {  	[smem:$0x3FAF] =	sst s3  }
0xc: {  	[smem:$0x3FB0] =	sst s4  }
0xd: {  	[smem:$0x3FB1] =	sst s5  }
0xe: {  	[smem:$0x3FB2] =	sst s6  }
0xf: {  	[smem:$0x3FB3] =	sst s7  }
0x10: {  	[smem:$0x3FB4] =	sst s8  }
0x11: {  	[smem:$0x3FB5] =	sst s9;
	s0 =	simm.s32 @!p0 $0x0  }
0x12: {  	s1 =	sld [smem:$0x3F9B];
	s0 =	simm.s32 @p0 $0x1  }
0x13: {  	[smem:$0x3FB6] =	sst s0;
	s0 =	simm.s32 @!p1 $0x0  }
0x14: {  	s2 =	sld [smem:$0x3F9A];
	s0 =	simm.s32 @p1 $0x1  }
0x15: {  	[smem:$0x3FB7] =	sst s0;
	s0 =	simm.s32 @!p2 $0x0  }
0x16: {  	s3 =	sld [smem:$0x3FDB];
	s0 =	simm.s32 @p2 $0x1  }
0x17: {  	s4 =	simm.s32 $0x1BF5;
	[smem:$0x3FB9] =	sst s0  }
0x18: {  	s0 =	sld [smem:$0x3F9C];
	_ =	swait.ge [sflag:s4], $0x0  }
0x19: {  	s7 =	sld [smem:$0x3F9D]  }
0x1a: {  	s8 =	sadd.s32 $0xFFFFE003, lr  }
0x1b: {  	s9 =	sadd.s32 $0xFFFFFEF7, lr;
	s5 =	simm.s32 $0xFFFFFFFF;
	p2 =	slt.u32 s8, $0xFFFFF086  }
0x1c: {  	p1 =	slt.u32 s9, $0xF7A;
	s5 =	simm.s32 @!p2 $0x0  }
0x1d: {  	s5 =	simm.s32 @p1 $0x1;
	p0 =	seq.s32 s7, s2  }
0x1e: {  	s7 =	smul.u32 @!p0 $0xF7A, s2;
	p2 =	seq.s32 @!p0 s5, $0x0  }
0x1f: {  	s9 =	smul.u32 $0xF7A, s1;
	s8 =	simm.s32 @!p0 $0x1BF5;
	p2 =	por !p2, p0  }
0x20: {  	[sflag:s8] =	ssyncset.s32 @!p0 $0xFFFFF086;
	s6 =	sadd.s32 @!p0 s3, s7;
	s7 =	simm.s32 @!p0 $0x108  }
0x21: {  	s3 =	sadd.s32 s3, s9;
	s6 =	sadd.s32 @!p0 $0x88, s6;
	s7 =	simm.s32 @p2 $0x1082  }
0x22: {  	[simem:s7], [sflag:s8] =	dma.local @!p0 [hbm:s6], $0xF7A  }
0x23: {  	s9 =	sor.u32 $0xD0000000, s2;
	s6 =	simm.s32 $0x108;
	_ =	swait.ge @!p0 [sflag:s8], $0x0  }
0x24: {  	s3 =	sadd.s32 $0x88, s3;
	s6 =	simm.s32 @!p1 $0x1082;
	[sflag:s4] =	ssyncset.s32 $0xFFFFF086  }
0x25: {  	[simem:s6], [sflag:s4] =	dma.local [hbm:s3], $0xF7A  }
0x26: {  	[smem:$0x3F9D] =	sst s1;
	(tag) =	ssettag s2;
	_ =	strace s9  }
0x27: {  	s1 =	sld [smem:$0x3FAD]  }
0x28: {  	s2 =	sld [smem:$0x3FAE]  }
0x29: {  	s4 =	sld [smem:$0x3FB0]  }
0x2a: {  	p0 =	seq.s32 s5, $0x0;
	s5 =	sld [smem:$0x3FB1]  }
0x2b: {  	s6 =	sld [smem:$0x3FB2]  }
0x2c: {  	s7 =	sld [smem:$0x3FB3]  }
0x2d: {  	s3 =	simm.s32 $0x108;
	s8 =	sld [smem:$0x3FB4]  }
0x2e: {  	s3 =	simm.s32 @!p0 $0x1082;
	s9 =	sld [smem:$0x3FB5]  }
0x2f: {  	lr =	sadd.s32 s0, s3;
	s0 =	sld [smem:$0x3FAC]  }
0x30: {  	s3 =	sld [smem:$0x3FAF]  }
0x31: {  	[smem:$0x3FB8] =	sst s10  }
0x32: {  	s10 =	sld [smem:$0x3FB6];
	_ =	sdelay $0x3  }
0x33: {  	p0 =	seq.s32 s10, $0x1;
	s10 =	sld [smem:$0x3FB8];
	_ =	sdelay $0x3  }
0x34: {  	[smem:$0x3FB8] =	sst s10  }
0x35: {  	s10 =	sld [smem:$0x3FB7];
	_ =	sdelay $0x3  }
0x36: {  	p1 =	seq.s32 s10, $0x1;
	s10 =	sld [smem:$0x3FB8];
	_ =	sdelay $0x3  }
0x37: {  	[smem:$0x3FB8] =	sst s10  }
0x38: {  	s10 =	sld [smem:$0x3FB9]  }
0x39: {  	_ = 	snop;
	(pc) =	sbr.ind lr, $3  }
0x3a: {  	_ = 	snop  }
0x3b: {  	_ = 	snop  }
0x3c: {  	p2 =	seq.s32 s10, $0x1;
	s10 =	sld [smem:$0x3FB8]  }
0x3d: {  	_ =	shalt  }
0x3e: {  	_ =	shalt  }
0x3f: {  	_ =	shalt  }
0x40: {  	_ =	shalt  }
0x41: {  	_ =	shalt  }
0x42: {  	_ =	shalt  }
0x43: {  	_ =	shalt  }
0x44: {  	_ =	shalt  }
0x45: {  	_ =	shalt  }
0x46: {  	_ =	shalt  }
0x47: {  	_ =	shalt  }
0x48: {  	_ =	shalt  }
0x49: {  	_ =	shalt  }
0x4a: {  	_ =	shalt  }
0x4b: {  	_ =	shalt  }
0x4c: {  	_ =	shalt  }
0x4d: {  	_ =	shalt  }
0x4e: {  	_ =	shalt  }
0x4f: {  	_ =	shalt  }
0x50: {  	_ =	shalt  }
0x51: {  	_ =	shalt  }
0x52: {  	_ =	shalt  }
0x53: {  	_ =	shalt  }
0x54: {  	_ =	shalt  }
0x55: {  	_ =	shalt  }
0x56: {  	_ =	shalt  }
0x57: {  	_ =	shalt  }
0x58: {  	_ =	shalt  }
0x59: {  	_ =	shalt  }
0x5a: {  	_ =	shalt  }
0x5b: {  	_ =	shalt  }
0x5c: {  	_ =	shalt  }
0x5d: {  	_ =	shalt  }
0x5e: {  	_ =	shalt  }
0x5f: {  	_ =	shalt  }
0x60: {  	_ =	shalt  }
0x61: {  	_ =	shalt  }
0x62: {  	_ =	shalt  }
0x63: {  	_ =	shalt  }
0x64: {  	_ =	shalt  }
0x65: {  	_ =	shalt  }
0x66: {  	_ =	shalt  }
0x67: {  	_ =	shalt  }
0x68: {  	_ =	shalt  }
0x69: {  	_ =	shalt  }
0x6a: {  	_ =	shalt  }
0x6b: {  	_ =	shalt  }
0x6c: {  	_ =	shalt  }
0x6d: {  	_ =	shalt  }
0x6e: {  	_ =	shalt  }
0x6f: {  	_ =	shalt  }
0x70: {  	_ =	shalt  }
0x71: {  	_ =	shalt  }
0x72: {  	_ =	shalt  }
0x73: {  	_ =	shalt  }
0x74: {  	_ =	shalt  }
0x75: {  	_ =	shalt  }
0x76: {  	_ =	shalt  }
0x77: {  	_ =	shalt  }
0x78: {  	_ =	shalt  }
0x79: {  	_ =	shalt  }
0x7a: {  	_ =	shalt  }
0x7b: {  	_ =	shalt  }
0x7c: {  	_ =	shalt  }
0x7d: {  	_ =	shalt  }
0x7e: {  	_ =	shalt  }
0x7f: {  	_ =	shalt  }
0x80: {  	_ =	shalt  }
0x81: {  	_ =	shalt  }
0x82: {  	_ =	shalt  }
0x83: {  	_ =	shalt  }
0x84: {  	_ =	shalt  }
0x85: {  	_ =	shalt  }
0x86: {  	_ =	shalt  }
0x87: {  	_ =	shalt  }
.Lfunc_end0:
.L_simem_size_0:
called_computation.7_lowered:
.L_overlay_start_0:
0x88: {  	s2 =	sld [smem:$0x3FD9]  }
0x89: {  	s3 =	sld [smem:$0x3FFE];
	_ =	sdelay $0x1  }
0x8a: {  	s1 =	srdreg.scid  }
0x8b: {  	s0 =	sand.u32 $0x1, s1  }
0x8c: {  	s14 =	sshll.u32 s0, $0xA;
	s2 =	sadd.s32 s3, s2  }
0x8d: {  	s2 =	sadd.s32 s2, s14  }
0x8e: {  	[smem:$0x3FC4] =	sst s2  }
0x8f: {  	_ = 	snop  }
0x90: {  	s2 =	sld [smem:$0x3FD0];
	_ =	sdelay $0x2  }
0x91: {  	s15 =	simm.s32 $0xB;
	s4 =	simm.s32 $0x10  }
0x92: {  	[smem:s4], [sflag:s15] =	dma.local [hbm:s2], $0x1  }
0x93: {  	_ =	swait.eq [sflag:s15], $0x1  }
0x94: {  	[sflag:s15] =	ssyncset.done $0x0  }
0x95: {  	[sflag:s15] =	ssyncadd.s32 $0xFFFFFFFF  }
0x96: {  	s16 =	sld [smem:$0x12];
	(tm) =	ssettm $0x1  }
0x97: {  	s17 =	sld [smem:$0x3FFB];
	_ =	sdelay $0x3  }
0x98: {  	_ =	strace s17  }
0x99: {  	s3 =	sld [smem:$0x3FFC];
	_ =	sdelay $0x3  }
0x9a: {  	_ =	strace s3  }
0x9b: {  	s3 =	sld [smem:$0x3FFD];
	_ =	sdelay $0x3  }
0x9c: {  	_ =	strace s3  }
0x9d: {  	_ =	strace $0x8FFFFFFF  }
0x9e: {  	s18 =	sld [smem:$0x3FDB];
	_ =	sdelay $0x1  }
0x9f: {  	s19 =	simm.s32 $_scs_section_size  }
0xa0: {  	s5 =	simm.s32 $_size__tile_overlayer_lowered;
	s6 =	simm.s32 $_tile_overlayer_lowered  }
0xa1: {  	s22 =	simm.s32 $0x1BFF;
	s21 =	sshll.u32 s6, $0x1;
	s3 =	sadd.s32 s19, s18  }
0xa2: {  	s7 =	simm.s32 $0x0;
	s20 =	sshll.u32 s5, $0x1;
	s5 =	sadd.s32 s21, s3  }
0xa3: {  	[timem:s7], [sflag:s22] =	dma.local [hbm:s5], s20  }
0xa4: {  	_ =	swait.ge [sflag:s22], s20  }
0xa5: {  	s4 =	ssub.s32 $0x0, s20;
	[sflag:s22] =	ssyncset.done $0x0  }
0xa6: {  	[sflag:s22] =	ssyncadd.s32 s4;
	_ =	sdelay $0x1  }
0xa7: {  	s23 =	simm.s32 $0x1B8B  }
0xa8: {  	_ =	swait.ge [sflag:s23], $0x1  }
0xa9: {  	[sflag:s23] =	ssyncset.done $0x0  }
0xaa: {  	s25 =	simm.s32 $0x1B8E;
	s24 =	sld [smem:$0x3FFE];
	[sflag:s23] =	ssyncadd.s32 $0xFFFFFFFF  }
0xab: {  	s26 =	simm.s32 $execute0_lowered;
	[smem:$0x3FD2] =	sst s25  }
0xac: {  	s5 =	sshll.u32 s26, $0x1;
	_ =	strace $0x80000058;
	[dreg:$0x1] =	wrdreg $0xFFFFFFFF  }
0xad: {  	s28 =	simm.s32 $_size_execute0_lowered;
	s3 =	sadd.s32 s3, s5;
	[dreg:$0x0] =	wrdreg $0x0  }
0xae: {  	s5 =	sshll.u32 s28, $0x1;
	[dreg:$0x2] =	wrdreg s3  }
0xaf: {  	[dreg:$0x3] =	wrdreg s5  }
0xb0: {  	[dreg:$0x4] =	wrdreg $0xC0  }
0xb1: {  	_ =	task [dreg:s7], $0x5FFFF  }
0xb2: {  	[dreg:$0x1] =	wrdreg $0xFFFFFFFF  }
0xb3: {  	[dreg:$0x0] =	wrdreg $0x60  }
0xb4: {  	[dreg:$0x2] =	wrdreg s24  }
0xb5: {  	[dreg:$0x3] =	wrdreg s16  }
0xb6: {  	[dreg:$0x4] =	wrdreg $0x9  }
0xb7: {  	_ =	task.clear_ibuf [dreg:s7], $0x5FFFF;
	_ =	strace $0x90000058  }
0xb8: {  	s29 =	simm.s32 $0x9;
	_ =	strace $0x8000005A  }
0xb9: {  	_ =	swait.ge [sflag:s29], $0x1  }
0xba: {  	[sflag:s29] =	ssyncadd.s32 $0xFFFFFFFF  }
0xbb: {  	_ =	strace $0x9000005A  }
0xbc: {  	_ =	sfence  }
0xbd: {  	s30 =	sld [smem:$0x0];
	_ =	sdelay $0x2  }
0xbe: {  	s31 =	sshll.u32 s1, $0xD;
	s1 =	sshrl.u32 s1, $0x2  }
0xbf: {  	s3 =	sand.u32 $0x4000, s31;
	s1 =	sadd.s32 s1, s30  }
0xc0: {  	s0 =	sor.u32 s3, s0;
	s1 =	sshll.u32 s1, $0x11  }
0xc1: {  	s0 =	sor.u32 s1, s0  }
0xc2: {  	s0 =	sadd.s32 $0x8F2B, s0  }
0xc3: {  	[sflag:s0] =	ssyncadd.remote.s32 $0x1  }
0xc4: {  	_ =	sfence.sel $0xFFFF  }
0xc5: {  	[dreg:$0x0] =	wrdreg $0xFFFFFFFF;
	(pc) =	sbr.abs _section_cstart, $3  }
0xc6: {  	[dreg:$0x1] =	wrdreg $0xFFFFFFFF  }
0xc7: {  	_ =	task.clear_ibuf [dreg:s7], $0x2FFFF;
	_ =	strace $0x9FFFFFFF  }
0xc8: {  	(tm) =	ssettm $0x7FFFFFFF  }
0xc9: {  	_ =	shalt  }
tec
execute0_lowered:
.L_overlay_start_1:
0x0: {  	(tag) =	ssettag $0x1  }
0x1: {  	s0 =	srdreg.scid  }
0x2: {  	s2 =	stileid.u32;
	s5 =	rddreg [dreg:$0x1];
	s1 =	sand.u32 $0x1, s0  }
0x3: {  	s3 =	smul.u32 $0x780, s2;
	s0 =	rddreg [dreg:$0x0];
	s2 =	simm.s32 $0x0  }
0x4: {  	s17 =	simm.s32 $0x880;
	[smem:$0x7FF] =	sst s2  }
0x5: {  	s18 =	simm.s32 $0x1080;
	_ =	strace $0x80000059;
	[dreg:$0x4] =	wrdreg s17  }
0x6: {  	s19 =	simm.s32 $0x1880;
	[dreg:$0x5] =	wrdreg s18  }
0x7: {  	s20 =	simm.s32 $0x2080;
	[dreg:$0x6] =	wrdreg s19  }
0x8: {  	s21 =	simm.s32 $0x2880;
	[dreg:$0x7] =	wrdreg s20  }
0x9: {  	s22 =	simm.s32 $0x3080;
	[dreg:$0x8] =	wrdreg s21  }
0xa: {  	s23 =	simm.s32 $0x3880;
	[dreg:$0x9] =	wrdreg s22  }
0xb: {  	s24 =	simm.s32 $0x4080;
	[dreg:$0xa] =	wrdreg s23  }
0xc: {  	s25 =	simm.s32 $0x4880;
	[dreg:$0xb] =	wrdreg s24  }
0xd: {  	s26 =	simm.s32 $0x5080;
	[dreg:$0xc] =	wrdreg s25  }
0xe: {  	s6 =	simm.s32 $0x6080;
	[dreg:$0xd] =	wrdreg s26  }
0xf: {  	s7 =	simm.s32 $0x6880;
	[dreg:$0xf] =	wrdreg s6  }
0x10: {  	s8 =	simm.s32 $0x7080;
	[dreg:$0x10] =	wrdreg s7  }
0x11: {  	s9 =	simm.s32 $0x7880;
	[dreg:$0x11] =	wrdreg s8  }
0x12: {  	s10 =	simm.s32 $0x8080;
	[dreg:$0x12] =	wrdreg s9  }
0x13: {  	s11 =	simm.s32 $0x8880;
	s12 =	simm.s32 $0x9080;
	[dreg:$0x13] =	wrdreg s10  }
0x14: {  	s13 =	simm.s32 $0x9880;
	s15 =	simm.s32 $0xA080;
	[dreg:$0x14] =	wrdreg s11  }
0x15: {  	s28 =	simm.s32 $0x18080;
	s29 =	simm.s32 $0x18880;
	[dreg:$0x15] =	wrdreg s12  }
0x16: {  	s30 =	simm.s32 $0x1;
	s31 =	simm.s32 $0x0;
	[dreg:$0x16] =	wrdreg s13  }
0x17: {  	s4 =	smul.u32 $0x3C0, s1;
	[dreg:$0x17] =	wrdreg s15;
	s17 =	simm.s32 $0xB080  }
0x18: {  	s1 =	ssub.s32 $0x2, s1;
	s18 =	simm.s32 $0xB880;
	[dreg:$0x19] =	wrdreg s17  }
0x19: {  	s19 =	sshrl.u32 s1, $0x1;
	s20 =	simm.s32 $0xC080;
	[dreg:$0x1a] =	wrdreg s18  }
0x1a: {  	s21 =	simm.s32 $0xC880;
	s6 =	simm.s32 $0xD080;
	[dreg:$0x1b] =	wrdreg s20  }
0x1b: {  	s7 =	simm.s32 $0xD880;
	s8 =	simm.s32 $0xE080;
	[dreg:$0x1c] =	wrdreg s21  }
0x1c: {  	s22 =	simm.s32 $0xE880;
	s23 =	simm.s32 $0xF080;
	[dreg:$0x1d] =	wrdreg s6  }
0x1d: {  	s25 =	simm.s32 $0xF880;
	s10 =	simm.s32 $0x2;
	[dreg:$0x1e] =	wrdreg s7  }
0x1e: {  	s26 =	simm.s32 $0x10080;
	s11 =	simm.s32 $0x80;
	[dreg:$0x1f] =	wrdreg s8  }
0x1f: {  	s12 =	simm.s32 $0x10880;
	s13 =	simm.s32 $0x11080;
	[smem:$0x7F9] =	sst s22  }
0x20: {  	s3 =	sadd.s32 s4, s3;
	s4 =	sadd.s32 $0x7C9500, s0;
	[smem:$0x7FB] =	sst s23  }
0x21: {  	s15 =	simm.s32 $0x12080;
	s6 =	sadd.s32 $0x7C9700, s0;
	[smem:$0x7FC] =	sst s25  }
0x22: {  	s1 =	ssub.s32 s1, s19;
	s7 =	sadd.s32 $0x7C9800, s0;
	[smem:$0x7FD] =	sst s26  }
0x23: {  	s17 =	simm.s32 $0x13080;
	s18 =	simm.s32 $0x13880;
	s19 =	simm.s32 $0x14080  }
0x24: {  	s20 =	simm.s32 $0x14880;
	s21 =	simm.s32 $0x15080;
	s22 =	simm.s32 $0x15880  }
0x25: {  	s23 =	simm.s32 $0x16080;
	s3 =	sshrl.u32 s3, $0x3;
	s1 =	smax.u32 s1, $0x1  }
0x26: {  	s25 =	simm.s32 $0x17080;
	s16 =	sadd.s32 s3, s5;
	[smem:$0x7F8] =	sst s1  }
0x27: {  	s5 =	simm.s32 $0x5880;
	s14 =	smul.u32 $0x500, s3;
	[dreg:$0x3] =	wrdreg s16  }
0x28: {  	s26 =	simm.s32 $0x17880;
	s3 =	sadd.s32 $0x7C9400, s0;
	[dreg:$0xe] =	wrdreg s5  }
0x29: {  	v2 =	vlaneseq.u32;
	s16 =	simm.s32 $0xA880;
	s5 =	sadd.s32 $0x7C9600, s0;
	s9 =	sadd.s32 s14, s0  }
0x2a: {  	vm0 =	vmmov $0xffff;
	v1 =	vshrl.u32 v2, $0x3;
	[dreg:$0x18] =	wrdreg s16;
	s14 =	simm.s32 $0x11880;
	s24 =	sadd.s32 $0x319400, s9  }
0x2b: {  	v0 =	vand.u32 $0x7, v2;
	v2 =	vor.u32 $0x8, v2;
	v1 =	vmul.u32 $0x8, v1;
	s16 =	simm.s32 $0x12880;
	[smem:$0x7FA] =	sst s24;
	s24 =	simm.s32 $0x16880  }
.LBB2_1:
0x2c: {  	s9 =	sld [smem:$0x7FA];
	s0 =	simm.s32 $0x0  }
.LBB2_2:
0x2d: {  	s8 =	rddreg [dreg:$0x3]  }
0x2e: {  	s8 =	sadd.s32 s0, s8  }
0x2f: {  	[tilespmem:s2], [sflag:$0x2] =	stream.linear.gather [hbm4b:s8+s2], $0x50, $0x38;
	[tilespmem:$0x19080] =	vst v63  }
0x30: {  	_ =	swait.ge [sflag:s10], $0x50  }
0x31: {  	[sflag:s10] =	ssyncset.done $0x0  }
0x32: {  	[sflag:s10] =	ssyncadd.s32 $0xFFFFFFB0  }
0x33: {  	v3 =	vld [tilespmem:$0x0];
	_ =	sdelay $0x4  }
0x34: {  	v4 =	vshrl.u32 v3, $0x3  }
0x35: {  	v4 =	vmul.u32 $0x50, v4  }
0x36: {  	v3 =	vand.u32 $0x7, v3  }
0x37: {  	v3 =	vor.u32 v3, v4  }
0x38: {  	v4 =	vperm.xlane v3, v0;
	_ =	sdelay $0x1  }
0x39: {  	v4 =	vadd.s32 v1, v4;
	_ =	sdelay $0x4  }
0x3a: {  	[tilespmem:s11], [sflag:$0x1] =	stream.indirect_vreg.gather [hbm4b:s3+s2], $0x80, v4, vm0, $0xb8;
	[tilespmem:$0x19080] =	vst v63  }
0x3b: {  	s8 =	rddreg [dreg:$0x4]  }
0x3c: {  	[tilespmem:s8], [sflag:$0x1] =	stream.indirect_vreg.gather [hbm4b:s4+s2], $0x80, v4, vm0, $0xb8;
	[tilespmem:$0x19080] =	vst v63  }
0x3d: {  	s1 =	rddreg [dreg:$0x5];
	v3 =	vperm.xlane v3, v2  }
0x3e: {  	[tilespmem:s1], [sflag:$0x1] =	stream.indirect_vreg.gather [hbm4b:s5+s2], $0x80, v4, vm0, $0xb8;
	[tilespmem:$0x19080] =	vst v63  }
0x3f: {  	v3 =	vadd.s32 v1, v3;
	s8 =	rddreg [dreg:$0x6]  }
0x40: {  	[tilespmem:s8], [sflag:$0x1] =	stream.indirect_vreg.gather [hbm4b:s6+s2], $0x80, v4, vm0, $0xb8;
	[tilespmem:$0x19080] =	vst v63  }
0x41: {  	s1 =	rddreg [dreg:$0x7]  }
0x42: {  	[tilespmem:s1], [sflag:$0x1] =	stream.indirect_vreg.gather [hbm4b:s7+s2], $0x80, v4, vm0, $0xb8;
	[tilespmem:$0x19080] =	vst v63  }
0x43: {  	s8 =	rddreg [dreg:$0x8]  }
0x44: {  	[tilespmem:s8], [sflag:$0x1] =	stream.indirect_vreg.gather [hbm4b:s3+s2], $0x80, v3, vm0, $0xb8;
	[tilespmem:$0x19080] =	vst v63  }
0x45: {  	s1 =	rddreg [dreg:$0x9]  }
0x46: {  	[tilespmem:s1], [sflag:$0x1] =	stream.indirect_vreg.gather [hbm4b:s4+s2], $0x80, v3, vm0, $0xb8;
	[tilespmem:$0x19080] =	vst v63  }
0x47: {  	s8 =	rddreg [dreg:$0xa]  }
0x48: {  	[tilespmem:s8], [sflag:$0x1] =	stream.indirect_vreg.gather [hbm4b:s5+s2], $0x80, v3, vm0, $0xb8;
	[tilespmem:$0x19080] =	vst v63  }
0x49: {  	s1 =	rddreg [dreg:$0xb]  }
0x4a: {  	[tilespmem:s1], [sflag:$0x1] =	stream.indirect_vreg.gather [hbm4b:s6+s2], $0x80, v3, vm0, $0xb8;
	[tilespmem:$0x19080] =	vst v63  }
0x4b: {  	s8 =	rddreg [dreg:$0xc]  }
0x4c: {  	[tilespmem:s8], [sflag:$0x1] =	stream.indirect_vreg.gather [hbm4b:s7+s2], $0x80, v3, vm0, $0xb8;
	[tilespmem:$0x19080] =	vst v63  }
0x4d: {  	v3 =	vld [tilespmem:$0x10];
	_ =	sdelay $0x4  }
0x4e: {  	v60 =	vshrl.u32 v3, $0x3  }
0x4f: {  	v4 =	vmul.u32 $0x50, v60  }
0x50: {  	v3 =	vand.u32 $0x7, v3  }
0x51: {  	v3 =	vor.u32 v3, v4  }
0x52: {  	v4 =	vperm.xlane v3, v0;
	_ =	sdelay $0x1  }
0x53: {  	v4 =	vadd.s32 v1, v4;
	_ =	sdelay $0x3  }
0x54: {  	s1 =	rddreg [dreg:$0xd]  }
0x55: {  	[tilespmem:s1], [sflag:$0x1] =	stream.indirect_vreg.gather [hbm4b:s3+s2], $0x80, v4, vm0, $0xb8;
	[tilespmem:$0x19080] =	vst v63  }
0x56: {  	s8 =	rddreg [dreg:$0xe]  }
0x57: {  	[tilespmem:s8], [sflag:$0x1] =	stream.indirect_vreg.gather [hbm4b:s4+s2], $0x80, v4, vm0, $0xb8;
	[tilespmem:$0x19080] =	vst v63  }
0x58: {  	v3 =	vperm.xlane v3, v2;
	s1 =	rddreg [dreg:$0xf]  }
0x59: {  	[tilespmem:s1], [sflag:$0x1] =	stream.indirect_vreg.gather [hbm4b:s5+s2], $0x80, v4, vm0, $0xb8;
	[tilespmem:$0x19080] =	vst v63  }
0x5a: {  	v3 =	vadd.s32 v1, v3;
	s8 =	rddreg [dreg:$0x10]  }
0x5b: {  	[tilespmem:s8], [sflag:$0x1] =	stream.indirect_vreg.gather [hbm4b:s6+s2], $0x80, v4, vm0, $0xb8;
	[tilespmem:$0x19080] =	vst v63  }
0x5c: {  	s1 =	rddreg [dreg:$0x11]  }
0x5d: {  	[tilespmem:s1], [sflag:$0x1] =	stream.indirect_vreg.gather [hbm4b:s7+s2], $0x80, v4, vm0, $0xb8;
	[tilespmem:$0x19080] =	vst v63  }
0x5e: {  	s8 =	rddreg [dreg:$0x12]  }
0x5f: {  	[tilespmem:s8], [sflag:$0x1] =	stream.indirect_vreg.gather [hbm4b:s3+s2], $0x80, v3, vm0, $0xb8;
	[tilespmem:$0x19080] =	vst v63  }
0x60: {  	s1 =	rddreg [dreg:$0x13]  }
0x61: {  	[tilespmem:s1], [sflag:$0x1] =	stream.indirect_vreg.gather [hbm4b:s4+s2], $0x80, v3, vm0, $0xb8;
	[tilespmem:$0x19080] =	vst v63  }
0x62: {  	s8 =	rddreg [dreg:$0x14]  }
0x63: {  	[tilespmem:s8], [sflag:$0x1] =	stream.indirect_vreg.gather [hbm4b:s5+s2], $0x80, v3, vm0, $0xb8;
	[tilespmem:$0x19080] =	vst v63  }
0x64: {  	s1 =	rddreg [dreg:$0x15]  }
0x65: {  	[tilespmem:s1], [sflag:$0x1] =	stream.indirect_vreg.gather [hbm4b:s6+s2], $0x80, v3, vm0, $0xb8;
	[tilespmem:$0x19080] =	vst v63  }
0x66: {  	s8 =	rddreg [dreg:$0x16]  }
0x67: {  	[tilespmem:s8], [sflag:$0x1] =	stream.indirect_vreg.gather [hbm4b:s7+s2], $0x80, v3, vm0, $0xb8;
	[tilespmem:$0x19080] =	vst v63  }
0x68: {  	v3 =	vld [tilespmem:$0x20];
	_ =	sdelay $0x4  }
0x69: {  	v61 =	vshrl.u32 v3, $0x3  }
0x6a: {  	v4 =	vmul.u32 $0x50, v61  }
0x6b: {  	v3 =	vand.u32 $0x7, v3  }
0x6c: {  	v3 =	vor.u32 v3, v4  }
0x6d: {  	v4 =	vperm.xlane v3, v0;
	_ =	sdelay $0x1  }
0x6e: {  	v4 =	vadd.s32 v1, v4;
	_ =	sdelay $0x2  }
0x6f: {  	s1 =	rddreg [dreg:$0x17]  }
0x70: {  	s8 =	rddreg [dreg:$0x18]  }
0x71: {  	[tilespmem:s1], [sflag:$0x1] =	stream.indirect_vreg.gather [hbm4b:s3+s2], $0x80, v4, vm0, $0xb8;
	[tilespmem:$0x19080] =	vst v63  }
0x72: {  	s1 =	rddreg [dreg:$0x19]  }
0x73: {  	[tilespmem:s8], [sflag:$0x1] =	stream.indirect_vreg.gather [hbm4b:s4+s2], $0x80, v4, vm0, $0xb8;
	[tilespmem:$0x19080] =	vst v63  }
0x74: {  	v3 =	vperm.xlane v3, v2;
	s8 =	rddreg [dreg:$0x1a]  }
0x75: {  	[tilespmem:s1], [sflag:$0x1] =	stream.indirect_vreg.gather [hbm4b:s5+s2], $0x80, v4, vm0, $0xb8;
	[tilespmem:$0x19080] =	vst v63  }
0x76: {  	v3 =	vadd.s32 v1, v3;
	s1 =	rddreg [dreg:$0x1b]  }
0x77: {  	[tilespmem:s8], [sflag:$0x1] =	stream.indirect_vreg.gather [hbm4b:s6+s2], $0x80, v4, vm0, $0xb8;
	[tilespmem:$0x19080] =	vst v63  }
0x78: {  	s8 =	rddreg [dreg:$0x1c]  }
0x79: {  	[tilespmem:s1], [sflag:$0x1] =	stream.indirect_vreg.gather [hbm4b:s7+s2], $0x80, v4, vm0, $0xb8;
	[tilespmem:$0x19080] =	vst v63  }
0x7a: {  	s1 =	rddreg [dreg:$0x1d]  }
0x7b: {  	[tilespmem:s8], [sflag:$0x1] =	stream.indirect_vreg.gather [hbm4b:s3+s2], $0x80, v3, vm0, $0xb8;
	[tilespmem:$0x19080] =	vst v63  }
0x7c: {  	s8 =	rddreg [dreg:$0x1e]  }
0x7d: {  	[tilespmem:s1], [sflag:$0x1] =	stream.indirect_vreg.gather [hbm4b:s4+s2], $0x80, v3, vm0, $0xb8;
	[tilespmem:$0x19080] =	vst v63  }
0x7e: {  	s1 =	rddreg [dreg:$0x1f]  }
0x7f: {  	[tilespmem:s8], [sflag:$0x1] =	stream.indirect_vreg.gather [hbm4b:s5+s2], $0x80, v3, vm0, $0xb8;
	[tilespmem:$0x19080] =	vst v63  }
0x80: {  	s8 =	sld [smem:$0x7F9]  }
0x81: {  	[tilespmem:s1], [sflag:$0x1] =	stream.indirect_vreg.gather [hbm4b:s6+s2], $0x80, v3, vm0, $0xb8;
	[tilespmem:$0x19080] =	vst v63  }
0x82: {  	_ = 	snop  }
0x83: {  	[tilespmem:s8], [sflag:$0x1] =	stream.indirect_vreg.gather [hbm4b:s7+s2], $0x80, v3, vm0, $0xb8;
	[tilespmem:$0x19080] =	vst v63  }
0x84: {  	v3 =	vld [tilespmem:$0x30];
	_ =	sdelay $0x4  }
0x85: {  	v62 =	vshrl.u32 v3, $0x3  }
0x86: {  	v4 =	vmul.u32 $0x50, v62  }
0x87: {  	v3 =	vand.u32 $0x7, v3  }
0x88: {  	v3 =	vor.u32 v3, v4  }
0x89: {  	v4 =	vperm.xlane v3, v0;
	_ =	sdelay $0x1  }
0x8a: {  	v4 =	vadd.s32 v1, v4;
	_ =	sdelay $0x1  }
0x8b: {  	s1 =	sld [smem:$0x7FB];
	_ =	sdelay $0x1  }
0x8c: {  	s8 =	sld [smem:$0x7FC]  }
0x8d: {  	[tilespmem:s1], [sflag:$0x1] =	stream.indirect_vreg.gather [hbm4b:s3+s2], $0x80, v4, vm0, $0xb8;
	[tilespmem:$0x19080] =	vst v63  }
0x8e: {  	s1 =	sld [smem:$0x7FD]  }
0x8f: {  	[tilespmem:s8], [sflag:$0x1] =	stream.indirect_vreg.gather [hbm4b:s4+s2], $0x80, v4, vm0, $0xb8;
	[tilespmem:$0x19080] =	vst v63  }
0x90: {  	v3 =	vperm.xlane v3, v2  }
0x91: {  	[tilespmem:s1], [sflag:$0x1] =	stream.indirect_vreg.gather [hbm4b:s5+s2], $0x80, v4, vm0, $0xb8;
	[tilespmem:$0x19080] =	vst v63  }
0x92: {  	v3 =	vadd.s32 v1, v3  }
0x93: {  	[tilespmem:s12], [sflag:$0x1] =	stream.indirect_vreg.gather [hbm4b:s6+s2], $0x80, v4, vm0, $0xb8;
	[tilespmem:$0x19080] =	vst v63  }
0x94: {  	_ = 	snop  }
0x95: {  	[tilespmem:s13], [sflag:$0x1] =	stream.indirect_vreg.gather [hbm4b:s7+s2], $0x80, v4, vm0, $0xb8;
	[tilespmem:$0x19080] =	vst v63  }
0x96: {  	_ = 	snop  }
0x97: {  	[tilespmem:s14], [sflag:$0x1] =	stream.indirect_vreg.gather [hbm4b:s3+s2], $0x80, v3, vm0, $0xb8;
	[tilespmem:$0x19080] =	vst v63  }
0x98: {  	_ = 	snop  }
0x99: {  	[tilespmem:s15], [sflag:$0x1] =	stream.indirect_vreg.gather [hbm4b:s4+s2], $0x80, v3, vm0, $0xb8;
	[tilespmem:$0x19080] =	vst v63  }
0x9a: {  	_ = 	snop  }
0x9b: {  	[tilespmem:s16], [sflag:$0x1] =	stream.indirect_vreg.gather [hbm4b:s5+s2], $0x80, v3, vm0, $0xb8;
	[tilespmem:$0x19080] =	vst v63  }
0x9c: {  	_ = 	snop  }
0x9d: {  	[tilespmem:s17], [sflag:$0x1] =	stream.indirect_vreg.gather [hbm4b:s6+s2], $0x80, v3, vm0, $0xb8;
	[tilespmem:$0x19080] =	vst v63  }
0x9e: {  	_ = 	snop  }
0x9f: {  	[tilespmem:s18], [sflag:$0x1] =	stream.indirect_vreg.gather [hbm4b:s7+s2], $0x80, v3, vm0, $0xb8;
	[tilespmem:$0x19080] =	vst v63  }
0xa0: {  	v3 =	vld [tilespmem:$0x40];
	_ =	sdelay $0x4  }
0xa1: {  	v63 =	vshrl.u32 v3, $0x3  }
0xa2: {  	v4 =	vmul.u32 $0x50, v63  }
0xa3: {  	v3 =	vand.u32 $0x7, v3  }
0xa4: {  	v3 =	vor.u32 v3, v4  }
0xa5: {  	v4 =	vperm.xlane v3, v0;
	_ =	sdelay $0x1  }
0xa6: {  	v4 =	vadd.s32 v1, v4;
	_ =	sdelay $0x4  }
0xa7: {  	[tilespmem:s19], [sflag:$0x1] =	stream.indirect_vreg.gather [hbm4b:s3+s2], $0x80, v4, vm0, $0xb8;
	[tilespmem:$0x19080] =	vst v63  }
0xa8: {  	_ = 	snop  }
0xa9: {  	[tilespmem:s20], [sflag:$0x1] =	stream.indirect_vreg.gather [hbm4b:s4+s2], $0x80, v4, vm0, $0xb8;
	[tilespmem:$0x19080] =	vst v63  }
0xaa: {  	v3 =	vperm.xlane v3, v2  }
0xab: {  	[tilespmem:s21], [sflag:$0x1] =	stream.indirect_vreg.gather [hbm4b:s5+s2], $0x80, v4, vm0, $0xb8;
	[tilespmem:$0x19080] =	vst v63  }
0xac: {  	v3 =	vadd.s32 v1, v3  }
0xad: {  	[tilespmem:s22], [sflag:$0x1] =	stream.indirect_vreg.gather [hbm4b:s6+s2], $0x80, v4, vm0, $0xb8;
	[tilespmem:$0x19080] =	vst v63  }
0xae: {  	_ = 	snop  }
0xaf: {  	[tilespmem:s23], [sflag:$0x1] =	stream.indirect_vreg.gather [hbm4b:s7+s2], $0x80, v4, vm0, $0xb8;
	[tilespmem:$0x19080] =	vst v63  }
0xb0: {  	_ = 	snop  }
0xb1: {  	[tilespmem:s24], [sflag:$0x1] =	stream.indirect_vreg.gather [hbm4b:s3+s2], $0x80, v3, vm0, $0xb8;
	[tilespmem:$0x19080] =	vst v63  }
0xb2: {  	_ = 	snop  }
0xb3: {  	[tilespmem:s25], [sflag:$0x1] =	stream.indirect_vreg.gather [hbm4b:s4+s2], $0x80, v3, vm0, $0xb8;
	[tilespmem:$0x19080] =	vst v63  }
0xb4: {  	_ = 	snop  }
0xb5: {  	[tilespmem:s26], [sflag:$0x1] =	stream.indirect_vreg.gather [hbm4b:s5+s2], $0x80, v3, vm0, $0xb8;
	[tilespmem:$0x19080] =	vst v63  }
0xb6: {  	_ = 	snop  }
0xb7: {  	[tilespmem:s28], [sflag:$0x1] =	stream.indirect_vreg.gather [hbm4b:s6+s2], $0x80, v3, vm0, $0xb8;
	[tilespmem:$0x19080] =	vst v63  }
0xb8: {  	_ = 	snop  }
0xb9: {  	[tilespmem:s29], [sflag:$0x1] =	stream.indirect_vreg.gather [hbm4b:s7+s2], $0x80, v3, vm0, $0xb8;
	[tilespmem:$0x19080] =	vst v63  }
0xba: {  	_ =	swait.ge [sflag:s30], $0x19000  }
0xbb: {  	p0 =	sne.s32 s0, $0x6E;
	[sflag:s30] =	ssyncset.done $0x0  }
.Ltmp0:
0xbc: {  	[sflag:s30] =	ssyncadd.s32 $0xFFFE7000;
	(pc) =	sbr.rel @p0 .LBB2_2-.Ltmp0, $4  }
0xbd: {  	[hbm4b:s9+s2] =	stream.linear.scatter [tilespmem:s11], [sflag:$0x2], $0x19000, $0x38;
	[tilespmem:$0x19080] =	vst v63  }
0xbe: {  	_ =	swait.ge [sflag:s10], $0x19000  }
0xbf: {  	[sflag:s10] =	ssyncset.done $0x0  }
0xc0: {  	s0 =	sadd.s32 $0xA, s0;
	s9 =	sadd.s32 $0x3200, s9;
	[sflag:s10] =	ssyncadd.s32 $0xFFFE7000  }
0xc1: {  	s0 =	sld [smem:$0x7F8];
	_ =	sdelay $0x1  }
0xc2: {  	s31 =	sadd.s32 $0x1, s31  }
0xc3: {  	p0 =	sne.s32 s31, s0  }
.Ltmp1:
0xc4: {  	_ = 	snop;
	(pc) =	sbr.rel @p0 .LBB2_1-.Ltmp1, $1  }
0xc5: {  	_ =	sdelay $0x3  }
0xc6: {  	_ =	sfence.sel $0x180000  }
0xc7: {  	[bflag:$0x0] =	sbarrier.arrive $0xFFFF  }
0xc8: {  	_ =	strace $0x90000059  }
0xc9: {  	s0 =	stileid.u32;
	[bflag:$0x2] =	sbarrier.arrive $0xFFFF  }
0xca: {  	p0 =	sne.s32 s0, $0x0;
	s0 =	rddreg [dreg:$0x2]  }
0xcb: {  	s0 =	sadd.s32 @!p0 $0x100000, s0  }
0xcc: {  	[sflag:s0] =	ssyncadd.tile.s32 @!p0 $0x1;
	_ =	shalt  }
.Lfunc_end2:
_tile_overlayer_lowered:
.L_overlay_start_2:
0xcd: {  	(tag) =	ssettag $0x2  }
0xce: {  	s0 =	rddreg [dreg:$0x0];
	s2 =	stileid.u32  }
0xcf: {  	s1 =	rddreg [dreg:$0x1];
	p0 =	sne.s32 s2, $0x0  }
0xd0: {  	s3 =	rddreg [dreg:$0x2];
	[bflag:$0x3] =	sbarrier.arrive $0xFFFF;
	s2 =	simm.s32 @!p0 $0x1C02  }
0xd1: {  	[timem:s3], [sflag:s2] =	dma.local @!p0 [hbm:s0], s1  }
0xd2: {  	s0 =	simm.s32 @!p0 $0x2  }
0xd3: {  	_ =	swait.ge @!p0 [sflag:s0], s1  }
0xd4: {  	s1 =	ssub.s32 @!p0 $0x0, s1;
	[sflag:s0] =	ssyncset.done @!p0 $0x0  }
0xd5: {  	[sflag:s0] =	ssyncadd.s32 @!p0 s1  }
0xd6: {  	[bflag:$0x3] =	sbarrier.arrive $0xFFFF  }
0xd7: {  	_ =	shalt  }

// kernel: kernel.37.cloned.1.call-start
scs
__scs_entry_jumppad:
0x0: {  	(pc) =	sbr.rel $0x88, $3  }
0x1: {  	(tag) =	ssettag $0x0;
	lr =	simm.s32 $0x1  }
0x2: {  	[smem:$0x3F9D] =	sst lr;
	_ =	strace $0xD0000000  }
0x3: {  	_ = 	snop  }
0x4: {  	_ = 	snop  }
0x5: {  	_ = 	snop  }
0x6: {  	_ = 	snop  }
0x7: {  	_ = 	snop  }
__scs_overlays_trampoline_lowered:
0x8: {  	[smem:$0x3FAC] =	sst s0  }
0x9: {  	[smem:$0x3FAD] =	sst s1  }
0xa: {  	[smem:$0x3FAE] =	sst s2  }
0xb: {  	[smem:$0x3FAF] =	sst s3  }
0xc: {  	[smem:$0x3FB0] =	sst s4  }
0xd: {  	[smem:$0x3FB1] =	sst s5  }
0xe: {  	[smem:$0x3FB2] =	sst s6  }
0xf: {  	[smem:$0x3FB3] =	sst s7  }
0x10: {  	[smem:$0x3FB4] =	sst s8  }
0x11: {  	[smem:$0x3FB5] =	sst s9;
	s0 =	simm.s32 @!p0 $0x0  }
0x12: {  	s1 =	sld [smem:$0x3F9B];
	s0 =	simm.s32 @p0 $0x1  }
0x13: {  	[smem:$0x3FB6] =	sst s0;
	s0 =	simm.s32 @!p1 $0x0  }
0x14: {  	s2 =	sld [smem:$0x3F9A];
	s0 =	simm.s32 @p1 $0x1  }
0x15: {  	[smem:$0x3FB7] =	sst s0;
	s0 =	simm.s32 @!p2 $0x0  }
0x16: {  	s3 =	sld [smem:$0x3FDB];
	s0 =	simm.s32 @p2 $0x1  }
0x17: {  	s4 =	simm.s32 $0x1BF5;
	[smem:$0x3FB9] =	sst s0  }
0x18: {  	s0 =	sld [smem:$0x3F9C];
	_ =	swait.ge [sflag:s4], $0x0  }
0x19: {  	s7 =	sld [smem:$0x3F9D]  }
0x1a: {  	s8 =	sadd.s32 $0xFFFFE003, lr  }
0x1b: {  	s9 =	sadd.s32 $0xFFFFFEF7, lr;
	s5 =	simm.s32 $0xFFFFFFFF;
	p2 =	slt.u32 s8, $0xFFFFF086  }
0x1c: {  	p1 =	slt.u32 s9, $0xF7A;
	s5 =	simm.s32 @!p2 $0x0  }
0x1d: {  	s5 =	simm.s32 @p1 $0x1;
	p0 =	seq.s32 s7, s2  }
0x1e: {  	s7 =	smul.u32 @!p0 $0xF7A, s2;
	p2 =	seq.s32 @!p0 s5, $0x0  }
0x1f: {  	s9 =	smul.u32 $0xF7A, s1;
	s8 =	simm.s32 @!p0 $0x1BF5;
	p2 =	por !p2, p0  }
0x20: {  	[sflag:s8] =	ssyncset.s32 @!p0 $0xFFFFF086;
	s6 =	sadd.s32 @!p0 s3, s7;
	s7 =	simm.s32 @!p0 $0x108  }
0x21: {  	s3 =	sadd.s32 s3, s9;
	s6 =	sadd.s32 @!p0 $0x88, s6;
	s7 =	simm.s32 @p2 $0x1082  }
0x22: {  	[simem:s7], [sflag:s8] =	dma.local @!p0 [hbm:s6], $0xF7A  }
0x23: {  	s9 =	sor.u32 $0xD0000000, s2;
	s6 =	simm.s32 $0x108;
	_ =	swait.ge @!p0 [sflag:s8], $0x0  }
0x24: {  	s3 =	sadd.s32 $0x88, s3;
	s6 =	simm.s32 @!p1 $0x1082;
	[sflag:s4] =	ssyncset.s32 $0xFFFFF086  }
0x25: {  	[simem:s6], [sflag:s4] =	dma.local [hbm:s3], $0xF7A  }
0x26: {  	[smem:$0x3F9D] =	sst s1;
	(tag) =	ssettag s2;
	_ =	strace s9  }
0x27: {  	s1 =	sld [smem:$0x3FAD]  }
0x28: {  	s2 =	sld [smem:$0x3FAE]  }
0x29: {  	s4 =	sld [smem:$0x3FB0]  }
0x2a: {  	p0 =	seq.s32 s5, $0x0;
	s5 =	sld [smem:$0x3FB1]  }
0x2b: {  	s6 =	sld [smem:$0x3FB2]  }
0x2c: {  	s7 =	sld [smem:$0x3FB3]  }
0x2d: {  	s3 =	simm.s32 $0x108;
	s8 =	sld [smem:$0x3FB4]  }
0x2e: {  	s3 =	simm.s32 @!p0 $0x1082;
	s9 =	sld [smem:$0x3FB5]  }
0x2f: {  	lr =	sadd.s32 s0, s3;
	s0 =	sld [smem:$0x3FAC]  }
0x30: {  	s3 =	sld [smem:$0x3FAF]  }
0x31: {  	[smem:$0x3FB8] =	sst s10  }
0x32: {  	s10 =	sld [smem:$0x3FB6];
	_ =	sdelay $0x3  }
0x33: {  	p0 =	seq.s32 s10, $0x1;
	s10 =	sld [smem:$0x3FB8];
	_ =	sdelay $0x3  }
0x34: {  	[smem:$0x3FB8] =	sst s10  }
0x35: {  	s10 =	sld [smem:$0x3FB7];
	_ =	sdelay $0x3  }
0x36: {  	p1 =	seq.s32 s10, $0x1;
	s10 =	sld [smem:$0x3FB8];
	_ =	sdelay $0x3  }
0x37: {  	[smem:$0x3FB8] =	sst s10  }
0x38: {  	s10 =	sld [smem:$0x3FB9]  }
0x39: {  	_ = 	snop;
	(pc) =	sbr.ind lr, $3  }
0x3a: {  	_ = 	snop  }
0x3b: {  	_ = 	snop  }
0x3c: {  	p2 =	seq.s32 s10, $0x1;
	s10 =	sld [smem:$0x3FB8]  }
0x3d: {  	_ =	shalt  }
0x3e: {  	_ =	shalt  }
0x3f: {  	_ =	shalt  }
0x40: {  	_ =	shalt  }
0x41: {  	_ =	shalt  }
0x42: {  	_ =	shalt  }
0x43: {  	_ =	shalt  }
0x44: {  	_ =	shalt  }
0x45: {  	_ =	shalt  }
0x46: {  	_ =	shalt  }
0x47: {  	_ =	shalt  }
0x48: {  	_ =	shalt  }
0x49: {  	_ =	shalt  }
0x4a: {  	_ =	shalt  }
0x4b: {  	_ =	shalt  }
0x4c: {  	_ =	shalt  }
0x4d: {  	_ =	shalt  }
0x4e: {  	_ =	shalt  }
0x4f: {  	_ =	shalt  }
0x50: {  	_ =	shalt  }
0x51: {  	_ =	shalt  }
0x52: {  	_ =	shalt  }
0x53: {  	_ =	shalt  }
0x54: {  	_ =	shalt  }
0x55: {  	_ =	shalt  }
0x56: {  	_ =	shalt  }
0x57: {  	_ =	shalt  }
0x58: {  	_ =	shalt  }
0x59: {  	_ =	shalt  }
0x5a: {  	_ =	shalt  }
0x5b: {  	_ =	shalt  }
0x5c: {  	_ =	shalt  }
0x5d: {  	_ =	shalt  }
0x5e: {  	_ =	shalt  }
0x5f: {  	_ =	shalt  }
0x60: {  	_ =	shalt  }
0x61: {  	_ =	shalt  }
0x62: {  	_ =	shalt  }
0x63: {  	_ =	shalt  }
0x64: {  	_ =	shalt  }
0x65: {  	_ =	shalt  }
0x66: {  	_ =	shalt  }
0x67: {  	_ =	shalt  }
0x68: {  	_ =	shalt  }
0x69: {  	_ =	shalt  }
0x6a: {  	_ =	shalt  }
0x6b: {  	_ =	shalt  }
0x6c: {  	_ =	shalt  }
0x6d: {  	_ =	shalt  }
0x6e: {  	_ =	shalt  }
0x6f: {  	_ =	shalt  }
0x70: {  	_ =	shalt  }
0x71: {  	_ =	shalt  }
0x72: {  	_ =	shalt  }
0x73: {  	_ =	shalt  }
0x74: {  	_ =	shalt  }
0x75: {  	_ =	shalt  }
0x76: {  	_ =	shalt  }
0x77: {  	_ =	shalt  }
0x78: {  	_ =	shalt  }
0x79: {  	_ =	shalt  }
0x7a: {  	_ =	shalt  }
0x7b: {  	_ =	shalt  }
0x7c: {  	_ =	shalt  }
0x7d: {  	_ =	shalt  }
0x7e: {  	_ =	shalt  }
0x7f: {  	_ =	shalt  }
0x80: {  	_ =	shalt  }
0x81: {  	_ =	shalt  }
0x82: {  	_ =	shalt  }
0x83: {  	_ =	shalt  }
0x84: {  	_ =	shalt  }
0x85: {  	_ =	shalt  }
0x86: {  	_ =	shalt  }
0x87: {  	_ =	shalt  }
.Lfunc_end0:
.L_simem_size_0:
called_computation.8_lowered:
.L_overlay_start_0:
0x88: {  	s2 =	sld [smem:$0x3FD9]  }
0x89: {  	s3 =	sld [smem:$0x3FFE];
	_ =	sdelay $0x1  }
0x8a: {  	s1 =	srdreg.scid  }
0x8b: {  	s0 =	sand.u32 $0x1, s1  }
0x8c: {  	s14 =	sshll.u32 s0, $0xA;
	s2 =	sadd.s32 s3, s2  }
0x8d: {  	s2 =	sadd.s32 s2, s14  }
0x8e: {  	[smem:$0x3FC4] =	sst s2  }
0x8f: {  	_ = 	snop  }
0x90: {  	s2 =	sld [smem:$0x3FD0];
	_ =	sdelay $0x2  }
0x91: {  	s15 =	simm.s32 $0xB;
	s4 =	simm.s32 $0x10  }
0x92: {  	[smem:s4], [sflag:s15] =	dma.local [hbm:s2], $0x1  }
0x93: {  	_ =	swait.eq [sflag:s15], $0x1  }
0x94: {  	[sflag:s15] =	ssyncset.done $0x0  }
0x95: {  	[sflag:s15] =	ssyncadd.s32 $0xFFFFFFFF  }
0x96: {  	s16 =	sld [smem:$0x10];
	(tm) =	ssettm $0x1  }
0x97: {  	s17 =	sld [smem:$0x3FFB];
	_ =	sdelay $0x3  }
0x98: {  	_ =	strace s17  }
0x99: {  	s3 =	sld [smem:$0x3FFC];
	_ =	sdelay $0x3  }
0x9a: {  	_ =	strace s3  }
0x9b: {  	s3 =	sld [smem:$0x3FFD];
	_ =	sdelay $0x3  }
0x9c: {  	_ =	strace s3  }
0x9d: {  	_ =	strace $0x8FFFFFFF  }
0x9e: {  	s18 =	sld [smem:$0x3FDB];
	_ =	sdelay $0x1  }
0x9f: {  	s19 =	simm.s32 $_scs_section_size  }
0xa0: {  	s5 =	simm.s32 $_size__tile_overlayer_lowered;
	s6 =	simm.s32 $_tile_overlayer_lowered  }
0xa1: {  	s22 =	simm.s32 $0x1BFF;
	s21 =	sshll.u32 s6, $0x1;
	s3 =	sadd.s32 s19, s18  }
0xa2: {  	s7 =	simm.s32 $0x0;
	s20 =	sshll.u32 s5, $0x1;
	s5 =	sadd.s32 s21, s3  }
0xa3: {  	[timem:s7], [sflag:s22] =	dma.local [hbm:s5], s20  }
0xa4: {  	_ =	swait.ge [sflag:s22], s20  }
0xa5: {  	s4 =	ssub.s32 $0x0, s20;
	[sflag:s22] =	ssyncset.done $0x0  }
0xa6: {  	[sflag:s22] =	ssyncadd.s32 s4;
	_ =	sdelay $0x1  }
0xa7: {  	s23 =	simm.s32 $0x1B8B  }
0xa8: {  	_ =	swait.ge [sflag:s23], $0x1  }
0xa9: {  	[sflag:s23] =	ssyncset.done $0x0  }
0xaa: {  	s25 =	simm.s32 $0x1B8E;
	s24 =	sld [smem:$0x3FFE];
	[sflag:s23] =	ssyncadd.s32 $0xFFFFFFFF  }
0xab: {  	s26 =	simm.s32 $execute0_lowered;
	[smem:$0x3FD2] =	sst s25  }
0xac: {  	s5 =	sshll.u32 s26, $0x1;
	_ =	strace $0x8000005B;
	[dreg:$0x1] =	wrdreg $0xFFFFFFFF  }
0xad: {  	s28 =	simm.s32 $_size_execute0_lowered;
	s3 =	sadd.s32 s3, s5;
	[dreg:$0x0] =	wrdreg $0x0  }
0xae: {  	s5 =	sshll.u32 s28, $0x1;
	[dreg:$0x2] =	wrdreg s3  }
0xaf: {  	[dreg:$0x3] =	wrdreg s5  }
0xb0: {  	[dreg:$0x4] =	wrdreg $0xC0  }
0xb1: {  	_ =	task [dreg:s7], $0x5FFFF  }
0xb2: {  	[dreg:$0x1] =	wrdreg $0xFFFFFFFF  }
0xb3: {  	[dreg:$0x0] =	wrdreg $0x60  }
0xb4: {  	[dreg:$0x2] =	wrdreg s24  }
0xb5: {  	[dreg:$0x3] =	wrdreg s16  }
0xb6: {  	[dreg:$0x4] =	wrdreg $0x9  }
0xb7: {  	_ =	task.clear_ibuf [dreg:s7], $0x5FFFF;
	_ =	strace $0x9000005B  }
0xb8: {  	s29 =	simm.s32 $0x9;
	_ =	strace $0x8000005D  }
0xb9: {  	_ =	swait.ge [sflag:s29], $0x1  }
0xba: {  	[sflag:s29] =	ssyncadd.s32 $0xFFFFFFFF  }
0xbb: {  	_ =	strace $0x9000005D  }
0xbc: {  	_ =	sfence  }
0xbd: {  	s30 =	sld [smem:$0x0];
	_ =	sdelay $0x2  }
0xbe: {  	s31 =	sshll.u32 s1, $0xD;
	s1 =	sshrl.u32 s1, $0x2  }
0xbf: {  	s3 =	sand.u32 $0x4000, s31;
	s1 =	sadd.s32 s1, s30  }
0xc0: {  	s0 =	sor.u32 s3, s0;
	s1 =	sshll.u32 s1, $0x11  }
0xc1: {  	s0 =	sor.u32 s1, s0  }
0xc2: {  	s0 =	sadd.s32 $0x8F2B, s0  }
0xc3: {  	[sflag:s0] =	ssyncadd.remote.s32 $0x1  }
0xc4: {  	_ =	sfence.sel $0xFFFF  }
0xc5: {  	[dreg:$0x0] =	wrdreg $0xFFFFFFFF;
	(pc) =	sbr.abs _section_cstart, $3  }
0xc6: {  	[dreg:$0x1] =	wrdreg $0xFFFFFFFF  }
0xc7: {  	_ =	task.clear_ibuf [dreg:s7], $0x2FFFF;
	_ =	strace $0x9FFFFFFF  }
0xc8: {  	(tm) =	ssettm $0x7FFFFFFF  }
0xc9: {  	_ =	shalt  }
tec
execute0_lowered:
.L_overlay_start_1:
0x0: {  	(tag) =	ssettag $0x1  }
0x1: {  	s0 =	srdreg.scid  }
0x2: {  	s2 =	stileid.u32;
	s5 =	rddreg [dreg:$0x1];
	s1 =	sand.u32 $0x1, s0  }
0x3: {  	s3 =	smul.u32 $0x780, s2;
	s0 =	rddreg [dreg:$0x0];
	s2 =	simm.s32 $0x0  }
0x4: {  	s17 =	simm.s32 $0x880;
	[smem:$0x7FF] =	sst s2  }
0x5: {  	s18 =	simm.s32 $0x1080;
	_ =	strace $0x8000005C;
	[dreg:$0x4] =	wrdreg s17  }
0x6: {  	s19 =	simm.s32 $0x1880;
	[dreg:$0x5] =	wrdreg s18  }
0x7: {  	s20 =	simm.s32 $0x2080;
	[dreg:$0x6] =	wrdreg s19  }
0x8: {  	s21 =	simm.s32 $0x2880;
	[dreg:$0x7] =	wrdreg s20  }
0x9: {  	s22 =	simm.s32 $0x3080;
	[dreg:$0x8] =	wrdreg s21  }
0xa: {  	s23 =	simm.s32 $0x3880;
	[dreg:$0x9] =	wrdreg s22  }
0xb: {  	s24 =	simm.s32 $0x4080;
	[dreg:$0xa] =	wrdreg s23  }
0xc: {  	s25 =	simm.s32 $0x4880;
	[dreg:$0xb] =	wrdreg s24  }
0xd: {  	s26 =	simm.s32 $0x5080;
	[dreg:$0xc] =	wrdreg s25  }
0xe: {  	s6 =	simm.s32 $0x6080;
	[dreg:$0xd] =	wrdreg s26  }
0xf: {  	s7 =	simm.s32 $0x6880;
	[dreg:$0xf] =	wrdreg s6  }
0x10: {  	s8 =	simm.s32 $0x7080;
	[dreg:$0x10] =	wrdreg s7  }
0x11: {  	s9 =	simm.s32 $0x7880;
	[dreg:$0x11] =	wrdreg s8  }
0x12: {  	s10 =	simm.s32 $0x8080;
	[dreg:$0x12] =	wrdreg s9  }
0x13: {  	s11 =	simm.s32 $0x8880;
	s12 =	simm.s32 $0x9080;
	[dreg:$0x13] =	wrdreg s10  }
0x14: {  	s13 =	simm.s32 $0x9880;
	s15 =	simm.s32 $0xA080;
	[dreg:$0x14] =	wrdreg s11  }
0x15: {  	s28 =	simm.s32 $0x18080;
	s29 =	simm.s32 $0x18880;
	[dreg:$0x15] =	wrdreg s12  }
0x16: {  	s30 =	simm.s32 $0x1;
	s31 =	simm.s32 $0x0;
	[dreg:$0x16] =	wrdreg s13  }
0x17: {  	s4 =	smul.u32 $0x3C0, s1;
	[dreg:$0x17] =	wrdreg s15;
	s17 =	simm.s32 $0xB080  }
0x18: {  	s1 =	ssub.s32 $0x2, s1;
	s18 =	simm.s32 $0xB880;
	[dreg:$0x19] =	wrdreg s17  }
0x19: {  	s19 =	sshrl.u32 s1, $0x1;
	s20 =	simm.s32 $0xC080;
	[dreg:$0x1a] =	wrdreg s18  }
0x1a: {  	s21 =	simm.s32 $0xC880;
	s6 =	simm.s32 $0xD080;
	[dreg:$0x1b] =	wrdreg s20  }
0x1b: {  	s7 =	simm.s32 $0xD880;
	s8 =	simm.s32 $0xE080;
	[dreg:$0x1c] =	wrdreg s21  }
0x1c: {  	s22 =	simm.s32 $0xE880;
	s23 =	simm.s32 $0xF080;
	[dreg:$0x1d] =	wrdreg s6  }
0x1d: {  	s25 =	simm.s32 $0xF880;
	s10 =	simm.s32 $0x2;
	[dreg:$0x1e] =	wrdreg s7  }
0x1e: {  	s26 =	simm.s32 $0x10080;
	s11 =	simm.s32 $0x80;
	[dreg:$0x1f] =	wrdreg s8  }
0x1f: {  	s12 =	simm.s32 $0x10880;
	s13 =	simm.s32 $0x11080;
	[smem:$0x7F9] =	sst s22  }
0x20: {  	s3 =	sadd.s32 s4, s3;
	s4 =	sadd.s32 $0x7C9500, s0;
	[smem:$0x7FB] =	sst s23  }
0x21: {  	s15 =	simm.s32 $0x12080;
	s6 =	sadd.s32 $0x7C9700, s0;
	[smem:$0x7FC] =	sst s25  }
0x22: {  	s1 =	ssub.s32 s1, s19;
	s7 =	sadd.s32 $0x7C9800, s0;
	[smem:$0x7FD] =	sst s26  }
0x23: {  	s17 =	simm.s32 $0x13080;
	s18 =	simm.s32 $0x13880;
	s19 =	simm.s32 $0x14080  }
0x24: {  	s20 =	simm.s32 $0x14880;
	s21 =	simm.s32 $0x15080;
	s22 =	simm.s32 $0x15880  }
0x25: {  	s23 =	simm.s32 $0x16080;
	s3 =	sshrl.u32 s3, $0x3;
	s1 =	smax.u32 s1, $0x1  }
0x26: {  	s25 =	simm.s32 $0x17080;
	s16 =	sadd.s32 s3, s5;
	[smem:$0x7F8] =	sst s1  }
0x27: {  	s5 =	simm.s32 $0x5880;
	s14 =	smul.u32 $0x500, s3;
	[dreg:$0x3] =	wrdreg s16  }
0x28: {  	s26 =	simm.s32 $0x17880;
	s3 =	sadd.s32 $0x7C9400, s0;
	[dreg:$0xe] =	wrdreg s5  }
0x29: {  	v2 =	vlaneseq.u32;
	s16 =	simm.s32 $0xA880;
	s5 =	sadd.s32 $0x7C9600, s0;
	s9 =	sadd.s32 s14, s0  }
0x2a: {  	vm0 =	vmmov $0xffff;
	v1 =	vshrl.u32 v2, $0x3;
	[dreg:$0x18] =	wrdreg s16;
	s14 =	simm.s32 $0x11880;
	s24 =	sadd.s32 $0x319400, s9  }
0x2b: {  	v0 =	vand.u32 $0x7, v2;
	v2 =	vor.u32 $0x8, v2;
	v1 =	vmul.u32 $0x8, v1;
	s16 =	simm.s32 $0x12880;
	[smem:$0x7FA] =	sst s24;
	s24 =	simm.s32 $0x16880  }
.LBB2_1:
0x2c: {  	s9 =	sld [smem:$0x7FA];
	s0 =	simm.s32 $0x0  }
.LBB2_2:
0x2d: {  	s8 =	rddreg [dreg:$0x3]  }
0x2e: {  	s8 =	sadd.s32 s0, s8  }
0x2f: {  	[tilespmem:s2], [sflag:$0x2] =	stream.linear.gather [hbm4b:s8+s2], $0x50, $0x38;
	[tilespmem:$0x19080] =	vst v63  }
0x30: {  	_ =	swait.ge [sflag:s10], $0x50  }
0x31: {  	[sflag:s10] =	ssyncset.done $0x0  }
0x32: {  	[sflag:s10] =	ssyncadd.s32 $0xFFFFFFB0  }
0x33: {  	v3 =	vld [tilespmem:$0x0];
	_ =	sdelay $0x4  }
0x34: {  	v4 =	vshrl.u32 v3, $0x3  }
0x35: {  	v4 =	vmul.u32 $0x50, v4  }
0x36: {  	v3 =	vand.u32 $0x7, v3  }
0x37: {  	v3 =	vor.u32 v3, v4  }
0x38: {  	v4 =	vperm.xlane v3, v0;
	_ =	sdelay $0x1  }
0x39: {  	v4 =	vadd.s32 v1, v4;
	_ =	sdelay $0x4  }
0x3a: {  	[tilespmem:s11], [sflag:$0x1] =	stream.indirect_vreg.gather [hbm4b:s3+s2], $0x80, v4, vm0, $0xb8;
	[tilespmem:$0x19080] =	vst v63  }
0x3b: {  	s8 =	rddreg [dreg:$0x4]  }
0x3c: {  	[tilespmem:s8], [sflag:$0x1] =	stream.indirect_vreg.gather [hbm4b:s4+s2], $0x80, v4, vm0, $0xb8;
	[tilespmem:$0x19080] =	vst v63  }
0x3d: {  	s1 =	rddreg [dreg:$0x5];
	v3 =	vperm.xlane v3, v2  }
0x3e: {  	[tilespmem:s1], [sflag:$0x1] =	stream.indirect_vreg.gather [hbm4b:s5+s2], $0x80, v4, vm0, $0xb8;
	[tilespmem:$0x19080] =	vst v63  }
0x3f: {  	v3 =	vadd.s32 v1, v3;
	s8 =	rddreg [dreg:$0x6]  }
0x40: {  	[tilespmem:s8], [sflag:$0x1] =	stream.indirect_vreg.gather [hbm4b:s6+s2], $0x80, v4, vm0, $0xb8;
	[tilespmem:$0x19080] =	vst v63  }
0x41: {  	s1 =	rddreg [dreg:$0x7]  }
0x42: {  	[tilespmem:s1], [sflag:$0x1] =	stream.indirect_vreg.gather [hbm4b:s7+s2], $0x80, v4, vm0, $0xb8;
	[tilespmem:$0x19080] =	vst v63  }
0x43: {  	s8 =	rddreg [dreg:$0x8]  }
0x44: {  	[tilespmem:s8], [sflag:$0x1] =	stream.indirect_vreg.gather [hbm4b:s3+s2], $0x80, v3, vm0, $0xb8;
	[tilespmem:$0x19080] =	vst v63  }
0x45: {  	s1 =	rddreg [dreg:$0x9]  }
0x46: {  	[tilespmem:s1], [sflag:$0x1] =	stream.indirect_vreg.gather [hbm4b:s4+s2], $0x80, v3, vm0, $0xb8;
	[tilespmem:$0x19080] =	vst v63  }
0x47: {  	s8 =	rddreg [dreg:$0xa]  }
0x48: {  	[tilespmem:s8], [sflag:$0x1] =	stream.indirect_vreg.gather [hbm4b:s5+s2], $0x80, v3, vm0, $0xb8;
	[tilespmem:$0x19080] =	vst v63  }
0x49: {  	s1 =	rddreg [dreg:$0xb]  }
0x4a: {  	[tilespmem:s1], [sflag:$0x1] =	stream.indirect_vreg.gather [hbm4b:s6+s2], $0x80, v3, vm0, $0xb8;
	[tilespmem:$0x19080] =	vst v63  }
0x4b: {  	s8 =	rddreg [dreg:$0xc]  }
0x4c: {  	[tilespmem:s8], [sflag:$0x1] =	stream.indirect_vreg.gather [hbm4b:s7+s2], $0x80, v3, vm0, $0xb8;
	[tilespmem:$0x19080] =	vst v63  }
0x4d: {  	v3 =	vld [tilespmem:$0x10];
	_ =	sdelay $0x4  }
0x4e: {  	v60 =	vshrl.u32 v3, $0x3  }
0x4f: {  	v4 =	vmul.u32 $0x50, v60  }
0x50: {  	v3 =	vand.u32 $0x7, v3  }
0x51: {  	v3 =	vor.u32 v3, v4  }
0x52: {  	v4 =	vperm.xlane v3, v0;
	_ =	sdelay $0x1  }
0x53: {  	v4 =	vadd.s32 v1, v4;
	_ =	sdelay $0x3  }
0x54: {  	s1 =	rddreg [dreg:$0xd]  }
0x55: {  	[tilespmem:s1], [sflag:$0x1] =	stream.indirect_vreg.gather [hbm4b:s3+s2], $0x80, v4, vm0, $0xb8;
	[tilespmem:$0x19080] =	vst v63  }
0x56: {  	s8 =	rddreg [dreg:$0xe]  }
0x57: {  	[tilespmem:s8], [sflag:$0x1] =	stream.indirect_vreg.gather [hbm4b:s4+s2], $0x80, v4, vm0, $0xb8;
	[tilespmem:$0x19080] =	vst v63  }
0x58: {  	v3 =	vperm.xlane v3, v2;
	s1 =	rddreg [dreg:$0xf]  }
0x59: {  	[tilespmem:s1], [sflag:$0x1] =	stream.indirect_vreg.gather [hbm4b:s5+s2], $0x80, v4, vm0, $0xb8;
	[tilespmem:$0x19080] =	vst v63  }
0x5a: {  	v3 =	vadd.s32 v1, v3;
	s8 =	rddreg [dreg:$0x10]  }
0x5b: {  	[tilespmem:s8], [sflag:$0x1] =	stream.indirect_vreg.gather [hbm4b:s6+s2], $0x80, v4, vm0, $0xb8;
	[tilespmem:$0x19080] =	vst v63  }
0x5c: {  	s1 =	rddreg [dreg:$0x11]  }
0x5d: {  	[tilespmem:s1], [sflag:$0x1] =	stream.indirect_vreg.gather [hbm4b:s7+s2], $0x80, v4, vm0, $0xb8;
	[tilespmem:$0x19080] =	vst v63  }
0x5e: {  	s8 =	rddreg [dreg:$0x12]  }
0x5f: {  	[tilespmem:s8], [sflag:$0x1] =	stream.indirect_vreg.gather [hbm4b:s3+s2], $0x80, v3, vm0, $0xb8;
	[tilespmem:$0x19080] =	vst v63  }
0x60: {  	s1 =	rddreg [dreg:$0x13]  }
0x61: {  	[tilespmem:s1], [sflag:$0x1] =	stream.indirect_vreg.gather [hbm4b:s4+s2], $0x80, v3, vm0, $0xb8;
	[tilespmem:$0x19080] =	vst v63  }
0x62: {  	s8 =	rddreg [dreg:$0x14]  }
0x63: {  	[tilespmem:s8], [sflag:$0x1] =	stream.indirect_vreg.gather [hbm4b:s5+s2], $0x80, v3, vm0, $0xb8;
	[tilespmem:$0x19080] =	vst v63  }
0x64: {  	s1 =	rddreg [dreg:$0x15]  }
0x65: {  	[tilespmem:s1], [sflag:$0x1] =	stream.indirect_vreg.gather [hbm4b:s6+s2], $0x80, v3, vm0, $0xb8;
	[tilespmem:$0x19080] =	vst v63  }
0x66: {  	s8 =	rddreg [dreg:$0x16]  }
0x67: {  	[tilespmem:s8], [sflag:$0x1] =	stream.indirect_vreg.gather [hbm4b:s7+s2], $0x80, v3, vm0, $0xb8;
	[tilespmem:$0x19080] =	vst v63  }
0x68: {  	v3 =	vld [tilespmem:$0x20];
	_ =	sdelay $0x4  }
0x69: {  	v61 =	vshrl.u32 v3, $0x3  }
0x6a: {  	v4 =	vmul.u32 $0x50, v61  }
0x6b: {  	v3 =	vand.u32 $0x7, v3  }
0x6c: {  	v3 =	vor.u32 v3, v4  }
0x6d: {  	v4 =	vperm.xlane v3, v0;
	_ =	sdelay $0x1  }
0x6e: {  	v4 =	vadd.s32 v1, v4;
	_ =	sdelay $0x2  }
0x6f: {  	s1 =	rddreg [dreg:$0x17]  }
0x70: {  	s8 =	rddreg [dreg:$0x18]  }
0x71: {  	[tilespmem:s1], [sflag:$0x1] =	stream.indirect_vreg.gather [hbm4b:s3+s2], $0x80, v4, vm0, $0xb8;
	[tilespmem:$0x19080] =	vst v63  }
0x72: {  	s1 =	rddreg [dreg:$0x19]  }
0x73: {  	[tilespmem:s8], [sflag:$0x1] =	stream.indirect_vreg.gather [hbm4b:s4+s2], $0x80, v4, vm0, $0xb8;
	[tilespmem:$0x19080] =	vst v63  }
0x74: {  	v3 =	vperm.xlane v3, v2;
	s8 =	rddreg [dreg:$0x1a]  }
0x75: {  	[tilespmem:s1], [sflag:$0x1] =	stream.indirect_vreg.gather [hbm4b:s5+s2], $0x80, v4, vm0, $0xb8;
	[tilespmem:$0x19080] =	vst v63  }
0x76: {  	v3 =	vadd.s32 v1, v3;
	s1 =	rddreg [dreg:$0x1b]  }
0x77: {  	[tilespmem:s8], [sflag:$0x1] =	stream.indirect_vreg.gather [hbm4b:s6+s2], $0x80, v4, vm0, $0xb8;
	[tilespmem:$0x19080] =	vst v63  }
0x78: {  	s8 =	rddreg [dreg:$0x1c]  }
0x79: {  	[tilespmem:s1], [sflag:$0x1] =	stream.indirect_vreg.gather [hbm4b:s7+s2], $0x80, v4, vm0, $0xb8;
	[tilespmem:$0x19080] =	vst v63  }
0x7a: {  	s1 =	rddreg [dreg:$0x1d]  }
0x7b: {  	[tilespmem:s8], [sflag:$0x1] =	stream.indirect_vreg.gather [hbm4b:s3+s2], $0x80, v3, vm0, $0xb8;
	[tilespmem:$0x19080] =	vst v63  }
0x7c: {  	s8 =	rddreg [dreg:$0x1e]  }
0x7d: {  	[tilespmem:s1], [sflag:$0x1] =	stream.indirect_vreg.gather [hbm4b:s4+s2], $0x80, v3, vm0, $0xb8;
	[tilespmem:$0x19080] =	vst v63  }
0x7e: {  	s1 =	rddreg [dreg:$0x1f]  }
0x7f: {  	[tilespmem:s8], [sflag:$0x1] =	stream.indirect_vreg.gather [hbm4b:s5+s2], $0x80, v3, vm0, $0xb8;
	[tilespmem:$0x19080] =	vst v63  }
0x80: {  	s8 =	sld [smem:$0x7F9]  }
0x81: {  	[tilespmem:s1], [sflag:$0x1] =	stream.indirect_vreg.gather [hbm4b:s6+s2], $0x80, v3, vm0, $0xb8;
	[tilespmem:$0x19080] =	vst v63  }
0x82: {  	_ = 	snop  }
0x83: {  	[tilespmem:s8], [sflag:$0x1] =	stream.indirect_vreg.gather [hbm4b:s7+s2], $0x80, v3, vm0, $0xb8;
	[tilespmem:$0x19080] =	vst v63  }
0x84: {  	v3 =	vld [tilespmem:$0x30];
	_ =	sdelay $0x4  }
0x85: {  	v62 =	vshrl.u32 v3, $0x3  }
0x86: {  	v4 =	vmul.u32 $0x50, v62  }
0x87: {  	v3 =	vand.u32 $0x7, v3  }
0x88: {  	v3 =	vor.u32 v3, v4  }
0x89: {  	v4 =	vperm.xlane v3, v0;
	_ =	sdelay $0x1  }
0x8a: {  	v4 =	vadd.s32 v1, v4;
	_ =	sdelay $0x1  }
0x8b: {  	s1 =	sld [smem:$0x7FB];
	_ =	sdelay $0x1  }
0x8c: {  	s8 =	sld [smem:$0x7FC]  }
0x8d: {  	[tilespmem:s1], [sflag:$0x1] =	stream.indirect_vreg.gather [hbm4b:s3+s2], $0x80, v4, vm0, $0xb8;
	[tilespmem:$0x19080] =	vst v63  }
0x8e: {  	s1 =	sld [smem:$0x7FD]  }
0x8f: {  	[tilespmem:s8], [sflag:$0x1] =	stream.indirect_vreg.gather [hbm4b:s4+s2], $0x80, v4, vm0, $0xb8;
	[tilespmem:$0x19080] =	vst v63  }
0x90: {  	v3 =	vperm.xlane v3, v2  }
0x91: {  	[tilespmem:s1], [sflag:$0x1] =	stream.indirect_vreg.gather [hbm4b:s5+s2], $0x80, v4, vm0, $0xb8;
	[tilespmem:$0x19080] =	vst v63  }
0x92: {  	v3 =	vadd.s32 v1, v3  }
0x93: {  	[tilespmem:s12], [sflag:$0x1] =	stream.indirect_vreg.gather [hbm4b:s6+s2], $0x80, v4, vm0, $0xb8;
	[tilespmem:$0x19080] =	vst v63  }
0x94: {  	_ = 	snop  }
0x95: {  	[tilespmem:s13], [sflag:$0x1] =	stream.indirect_vreg.gather [hbm4b:s7+s2], $0x80, v4, vm0, $0xb8;
	[tilespmem:$0x19080] =	vst v63  }
0x96: {  	_ = 	snop  }
0x97: {  	[tilespmem:s14], [sflag:$0x1] =	stream.indirect_vreg.gather [hbm4b:s3+s2], $0x80, v3, vm0, $0xb8;
	[tilespmem:$0x19080] =	vst v63  }
0x98: {  	_ = 	snop  }
0x99: {  	[tilespmem:s15], [sflag:$0x1] =	stream.indirect_vreg.gather [hbm4b:s4+s2], $0x80, v3, vm0, $0xb8;
	[tilespmem:$0x19080] =	vst v63  }
0x9a: {  	_ = 	snop  }
0x9b: {  	[tilespmem:s16], [sflag:$0x1] =	stream.indirect_vreg.gather [hbm4b:s5+s2], $0x80, v3, vm0, $0xb8;
	[tilespmem:$0x19080] =	vst v63  }
0x9c: {  	_ = 	snop  }
0x9d: {  	[tilespmem:s17], [sflag:$0x1] =	stream.indirect_vreg.gather [hbm4b:s6+s2], $0x80, v3, vm0, $0xb8;
	[tilespmem:$0x19080] =	vst v63  }
0x9e: {  	_ = 	snop  }
0x9f: {  	[tilespmem:s18], [sflag:$0x1] =	stream.indirect_vreg.gather [hbm4b:s7+s2], $0x80, v3, vm0, $0xb8;
	[tilespmem:$0x19080] =	vst v63  }
0xa0: {  	v3 =	vld [tilespmem:$0x40];
	_ =	sdelay $0x4  }
0xa1: {  	v63 =	vshrl.u32 v3, $0x3  }
0xa2: {  	v4 =	vmul.u32 $0x50, v63  }
0xa3: {  	v3 =	vand.u32 $0x7, v3  }
0xa4: {  	v3 =	vor.u32 v3, v4  }
0xa5: {  	v4 =	vperm.xlane v3, v0;
	_ =	sdelay $0x1  }
0xa6: {  	v4 =	vadd.s32 v1, v4;
	_ =	sdelay $0x4  }
0xa7: {  	[tilespmem:s19], [sflag:$0x1] =	stream.indirect_vreg.gather [hbm4b:s3+s2], $0x80, v4, vm0, $0xb8;
	[tilespmem:$0x19080] =	vst v63  }
0xa8: {  	_ = 	snop  }
0xa9: {  	[tilespmem:s20], [sflag:$0x1] =	stream.indirect_vreg.gather [hbm4b:s4+s2], $0x80, v4, vm0, $0xb8;
	[tilespmem:$0x19080] =	vst v63  }
0xaa: {  	v3 =	vperm.xlane v3, v2  }
0xab: {  	[tilespmem:s21], [sflag:$0x1] =	stream.indirect_vreg.gather [hbm4b:s5+s2], $0x80, v4, vm0, $0xb8;
	[tilespmem:$0x19080] =	vst v63  }
0xac: {  	v3 =	vadd.s32 v1, v3  }
0xad: {  	[tilespmem:s22], [sflag:$0x1] =	stream.indirect_vreg.gather [hbm4b:s6+s2], $0x80, v4, vm0, $0xb8;
	[tilespmem:$0x19080] =	vst v63  }
0xae: {  	_ = 	snop  }
0xaf: {  	[tilespmem:s23], [sflag:$0x1] =	stream.indirect_vreg.gather [hbm4b:s7+s2], $0x80, v4, vm0, $0xb8;
	[tilespmem:$0x19080] =	vst v63  }
0xb0: {  	_ = 	snop  }
0xb1: {  	[tilespmem:s24], [sflag:$0x1] =	stream.indirect_vreg.gather [hbm4b:s3+s2], $0x80, v3, vm0, $0xb8;
	[tilespmem:$0x19080] =	vst v63  }
0xb2: {  	_ = 	snop  }
0xb3: {  	[tilespmem:s25], [sflag:$0x1] =	stream.indirect_vreg.gather [hbm4b:s4+s2], $0x80, v3, vm0, $0xb8;
	[tilespmem:$0x19080] =	vst v63  }
0xb4: {  	_ = 	snop  }
0xb5: {  	[tilespmem:s26], [sflag:$0x1] =	stream.indirect_vreg.gather [hbm4b:s5+s2], $0x80, v3, vm0, $0xb8;
	[tilespmem:$0x19080] =	vst v63  }
0xb6: {  	_ = 	snop  }
0xb7: {  	[tilespmem:s28], [sflag:$0x1] =	stream.indirect_vreg.gather [hbm4b:s6+s2], $0x80, v3, vm0, $0xb8;
	[tilespmem:$0x19080] =	vst v63  }
0xb8: {  	_ = 	snop  }
0xb9: {  	[tilespmem:s29], [sflag:$0x1] =	stream.indirect_vreg.gather [hbm4b:s7+s2], $0x80, v3, vm0, $0xb8;
	[tilespmem:$0x19080] =	vst v63  }
0xba: {  	_ =	swait.ge [sflag:s30], $0x19000  }
0xbb: {  	p0 =	sne.s32 s0, $0x6E;
	[sflag:s30] =	ssyncset.done $0x0  }
.Ltmp0:
0xbc: {  	[sflag:s30] =	ssyncadd.s32 $0xFFFE7000;
	(pc) =	sbr.rel @p0 .LBB2_2-.Ltmp0, $4  }
0xbd: {  	[hbm4b:s9+s2] =	stream.linear.scatter [tilespmem:s11], [sflag:$0x2], $0x19000, $0x38;
	[tilespmem:$0x19080] =	vst v63  }
0xbe: {  	_ =	swait.ge [sflag:s10], $0x19000  }
0xbf: {  	[sflag:s10] =	ssyncset.done $0x0  }
0xc0: {  	s0 =	sadd.s32 $0xA, s0;
	s9 =	sadd.s32 $0x3200, s9;
	[sflag:s10] =	ssyncadd.s32 $0xFFFE7000  }
0xc1: {  	s0 =	sld [smem:$0x7F8];
	_ =	sdelay $0x1  }
0xc2: {  	s31 =	sadd.s32 $0x1, s31  }
0xc3: {  	p0 =	sne.s32 s31, s0  }
.Ltmp1:
0xc4: {  	_ = 	snop;
	(pc) =	sbr.rel @p0 .LBB2_1-.Ltmp1, $1  }
0xc5: {  	_ =	sdelay $0x3  }
0xc6: {  	_ =	sfence.sel $0x180000  }
0xc7: {  	[bflag:$0x0] =	sbarrier.arrive $0xFFFF  }
0xc8: {  	_ =	strace $0x9000005C  }
0xc9: {  	s0 =	stileid.u32;
	[bflag:$0x2] =	sbarrier.arrive $0xFFFF  }
0xca: {  	p0 =	sne.s32 s0, $0x0;
	s0 =	rddreg [dreg:$0x2]  }
0xcb: {  	s0 =	sadd.s32 @!p0 $0x100000, s0  }
0xcc: {  	[sflag:s0] =	ssyncadd.tile.s32 @!p0 $0x1;
	_ =	shalt  }
.Lfunc_end2:
_tile_overlayer_lowered:
.L_overlay_start_2:
0xcd: {  	(tag) =	ssettag $0x2  }
0xce: {  	s0 =	rddreg [dreg:$0x0];
	s2 =	stileid.u32  }
0xcf: {  	s1 =	rddreg [dreg:$0x1];
	p0 =	sne.s32 s2, $0x0  }
0xd0: {  	s3 =	rddreg [dreg:$0x2];
	[bflag:$0x3] =	sbarrier.arrive $0xFFFF;
	s2 =	simm.s32 @!p0 $0x1C02  }
0xd1: {  	[timem:s3], [sflag:s2] =	dma.local @!p0 [hbm:s0], s1  }
0xd2: {  	s0 =	simm.s32 @!p0 $0x2  }
0xd3: {  	_ =	swait.ge @!p0 [sflag:s0], s1  }
0xd4: {  	s1 =	ssub.s32 @!p0 $0x0, s1;
	[sflag:s0] =	ssyncset.done @!p0 $0x0  }
0xd5: {  	[sflag:s0] =	ssyncadd.s32 @!p0 s1  }
0xd6: {  	[bflag:$0x3] =	sbarrier.arrive $0xFFFF  }
0xd7: {  	_ =	shalt  }

// kernel: kernel.40.cloned.1.call-start
scs
__scs_entry_jumppad:
0x0: {  	(pc) =	sbr.rel $0x88, $3  }
0x1: {  	(tag) =	ssettag $0x0;
	lr =	simm.s32 $0x1  }
0x2: {  	[smem:$0x3F9D] =	sst lr;
	_ =	strace $0xD0000000  }
0x3: {  	_ = 	snop  }
0x4: {  	_ = 	snop  }
0x5: {  	_ = 	snop  }
0x6: {  	_ = 	snop  }
0x7: {  	_ = 	snop  }
__scs_overlays_trampoline_lowered:
0x8: {  	[smem:$0x3FAC] =	sst s0  }
0x9: {  	[smem:$0x3FAD] =	sst s1  }
0xa: {  	[smem:$0x3FAE] =	sst s2  }
0xb: {  	[smem:$0x3FAF] =	sst s3  }
0xc: {  	[smem:$0x3FB0] =	sst s4  }
0xd: {  	[smem:$0x3FB1] =	sst s5  }
0xe: {  	[smem:$0x3FB2] =	sst s6  }
0xf: {  	[smem:$0x3FB3] =	sst s7  }
0x10: {  	[smem:$0x3FB4] =	sst s8  }
0x11: {  	[smem:$0x3FB5] =	sst s9;
	s0 =	simm.s32 @!p0 $0x0  }
0x12: {  	s1 =	sld [smem:$0x3F9B];
	s0 =	simm.s32 @p0 $0x1  }
0x13: {  	[smem:$0x3FB6] =	sst s0;
	s0 =	simm.s32 @!p1 $0x0  }
0x14: {  	s2 =	sld [smem:$0x3F9A];
	s0 =	simm.s32 @p1 $0x1  }
0x15: {  	[smem:$0x3FB7] =	sst s0;
	s0 =	simm.s32 @!p2 $0x0  }
0x16: {  	s3 =	sld [smem:$0x3FDB];
	s0 =	simm.s32 @p2 $0x1  }
0x17: {  	s4 =	simm.s32 $0x1BF5;
	[smem:$0x3FB9] =	sst s0  }
0x18: {  	s0 =	sld [smem:$0x3F9C];
	_ =	swait.ge [sflag:s4], $0x0  }
0x19: {  	s7 =	sld [smem:$0x3F9D]  }
0x1a: {  	s8 =	sadd.s32 $0xFFFFE003, lr  }
0x1b: {  	s9 =	sadd.s32 $0xFFFFFEF7, lr;
	s5 =	simm.s32 $0xFFFFFFFF;
	p2 =	slt.u32 s8, $0xFFFFF086  }
0x1c: {  	p1 =	slt.u32 s9, $0xF7A;
	s5 =	simm.s32 @!p2 $0x0  }
0x1d: {  	s5 =	simm.s32 @p1 $0x1;
	p0 =	seq.s32 s7, s2  }
0x1e: {  	s7 =	smul.u32 @!p0 $0xF7A, s2;
	p2 =	seq.s32 @!p0 s5, $0x0  }
0x1f: {  	s9 =	smul.u32 $0xF7A, s1;
	s8 =	simm.s32 @!p0 $0x1BF5;
	p2 =	por !p2, p0  }
0x20: {  	[sflag:s8] =	ssyncset.s32 @!p0 $0xFFFFF086;
	s6 =	sadd.s32 @!p0 s3, s7;
	s7 =	simm.s32 @!p0 $0x108  }
0x21: {  	s3 =	sadd.s32 s3, s9;
	s6 =	sadd.s32 @!p0 $0x88, s6;
	s7 =	simm.s32 @p2 $0x1082  }
0x22: {  	[simem:s7], [sflag:s8] =	dma.local @!p0 [hbm:s6], $0xF7A  }
0x23: {  	s9 =	sor.u32 $0xD0000000, s2;
	s6 =	simm.s32 $0x108;
	_ =	swait.ge @!p0 [sflag:s8], $0x0  }
0x24: {  	s3 =	sadd.s32 $0x88, s3;
	s6 =	simm.s32 @!p1 $0x1082;
	[sflag:s4] =	ssyncset.s32 $0xFFFFF086  }
0x25: {  	[simem:s6], [sflag:s4] =	dma.local [hbm:s3], $0xF7A  }
0x26: {  	[smem:$0x3F9D] =	sst s1;
	(tag) =	ssettag s2;
	_ =	strace s9  }
0x27: {  	s1 =	sld [smem:$0x3FAD]  }
0x28: {  	s2 =	sld [smem:$0x3FAE]  }
0x29: {  	s4 =	sld [smem:$0x3FB0]  }
0x2a: {  	p0 =	seq.s32 s5, $0x0;
	s5 =	sld [smem:$0x3FB1]  }
0x2b: {  	s6 =	sld [smem:$0x3FB2]  }
0x2c: {  	s7 =	sld [smem:$0x3FB3]  }
0x2d: {  	s3 =	simm.s32 $0x108;
	s8 =	sld [smem:$0x3FB4]  }
0x2e: {  	s3 =	simm.s32 @!p0 $0x1082;
	s9 =	sld [smem:$0x3FB5]  }
0x2f: {  	lr =	sadd.s32 s0, s3;
	s0 =	sld [smem:$0x3FAC]  }
0x30: {  	s3 =	sld [smem:$0x3FAF]  }
0x31: {  	[smem:$0x3FB8] =	sst s10  }
0x32: {  	s10 =	sld [smem:$0x3FB6];
	_ =	sdelay $0x3  }
0x33: {  	p0 =	seq.s32 s10, $0x1;
	s10 =	sld [smem:$0x3FB8];
	_ =	sdelay $0x3  }
0x34: {  	[smem:$0x3FB8] =	sst s10  }
0x35: {  	s10 =	sld [smem:$0x3FB7];
	_ =	sdelay $0x3  }
0x36: {  	p1 =	seq.s32 s10, $0x1;
	s10 =	sld [smem:$0x3FB8];
	_ =	sdelay $0x3  }
0x37: {  	[smem:$0x3FB8] =	sst s10  }
0x38: {  	s10 =	sld [smem:$0x3FB9]  }
0x39: {  	_ = 	snop;
	(pc) =	sbr.ind lr, $3  }
0x3a: {  	_ = 	snop  }
0x3b: {  	_ = 	snop  }
0x3c: {  	p2 =	seq.s32 s10, $0x1;
	s10 =	sld [smem:$0x3FB8]  }
0x3d: {  	_ =	shalt  }
0x3e: {  	_ =	shalt  }
0x3f: {  	_ =	shalt  }
0x40: {  	_ =	shalt  }
0x41: {  	_ =	shalt  }
0x42: {  	_ =	shalt  }
0x43: {  	_ =	shalt  }
0x44: {  	_ =	shalt  }
0x45: {  	_ =	shalt  }
0x46: {  	_ =	shalt  }
0x47: {  	_ =	shalt  }
0x48: {  	_ =	shalt  }
0x49: {  	_ =	shalt  }
0x4a: {  	_ =	shalt  }
0x4b: {  	_ =	shalt  }
0x4c: {  	_ =	shalt  }
0x4d: {  	_ =	shalt  }
0x4e: {  	_ =	shalt  }
0x4f: {  	_ =	shalt  }
0x50: {  	_ =	shalt  }
0x51: {  	_ =	shalt  }
0x52: {  	_ =	shalt  }
0x53: {  	_ =	shalt  }
0x54: {  	_ =	shalt  }
0x55: {  	_ =	shalt  }
0x56: {  	_ =	shalt  }
0x57: {  	_ =	shalt  }
0x58: {  	_ =	shalt  }
0x59: {  	_ =	shalt  }
0x5a: {  	_ =	shalt  }
0x5b: {  	_ =	shalt  }
0x5c: {  	_ =	shalt  }
0x5d: {  	_ =	shalt  }
0x5e: {  	_ =	shalt  }
0x5f: {  	_ =	shalt  }
0x60: {  	_ =	shalt  }
0x61: {  	_ =	shalt  }
0x62: {  	_ =	shalt  }
0x63: {  	_ =	shalt  }
0x64: {  	_ =	shalt  }
0x65: {  	_ =	shalt  }
0x66: {  	_ =	shalt  }
0x67: {  	_ =	shalt  }
0x68: {  	_ =	shalt  }
0x69: {  	_ =	shalt  }
0x6a: {  	_ =	shalt  }
0x6b: {  	_ =	shalt  }
0x6c: {  	_ =	shalt  }
0x6d: {  	_ =	shalt  }
0x6e: {  	_ =	shalt  }
0x6f: {  	_ =	shalt  }
0x70: {  	_ =	shalt  }
0x71: {  	_ =	shalt  }
0x72: {  	_ =	shalt  }
0x73: {  	_ =	shalt  }
0x74: {  	_ =	shalt  }
0x75: {  	_ =	shalt  }
0x76: {  	_ =	shalt  }
0x77: {  	_ =	shalt  }
0x78: {  	_ =	shalt  }
0x79: {  	_ =	shalt  }
0x7a: {  	_ =	shalt  }
0x7b: {  	_ =	shalt  }
0x7c: {  	_ =	shalt  }
0x7d: {  	_ =	shalt  }
0x7e: {  	_ =	shalt  }
0x7f: {  	_ =	shalt  }
0x80: {  	_ =	shalt  }
0x81: {  	_ =	shalt  }
0x82: {  	_ =	shalt  }
0x83: {  	_ =	shalt  }
0x84: {  	_ =	shalt  }
0x85: {  	_ =	shalt  }
0x86: {  	_ =	shalt  }
0x87: {  	_ =	shalt  }
.Lfunc_end0:
.L_simem_size_0:
called_computation.9_lowered:
.L_overlay_start_0:
0x88: {  	s2 =	sld [smem:$0x3FD9]  }
0x89: {  	s3 =	sld [smem:$0x3FFE];
	_ =	sdelay $0x1  }
0x8a: {  	s1 =	srdreg.scid  }
0x8b: {  	s0 =	sand.u32 $0x1, s1  }
0x8c: {  	s14 =	sshll.u32 s0, $0xA;
	s2 =	sadd.s32 s3, s2  }
0x8d: {  	s2 =	sadd.s32 s2, s14  }
0x8e: {  	[smem:$0x3FC4] =	sst s2  }
0x8f: {  	_ = 	snop  }
0x90: {  	s2 =	sld [smem:$0x3FD0];
	_ =	sdelay $0x2  }
0x91: {  	s15 =	simm.s32 $0xB;
	s4 =	simm.s32 $0x10  }
0x92: {  	[smem:s4], [sflag:s15] =	dma.local [hbm:s2], $0x1  }
0x93: {  	_ =	swait.eq [sflag:s15], $0x1  }
0x94: {  	[sflag:s15] =	ssyncset.done $0x0  }
0x95: {  	[sflag:s15] =	ssyncadd.s32 $0xFFFFFFFF  }
0x96: {  	s16 =	sld [smem:$0x12];
	(tm) =	ssettm $0x1  }
0x97: {  	s17 =	sld [smem:$0x3FFB];
	_ =	sdelay $0x3  }
0x98: {  	_ =	strace s17  }
0x99: {  	s3 =	sld [smem:$0x3FFC];
	_ =	sdelay $0x3  }
0x9a: {  	_ =	strace s3  }
0x9b: {  	s3 =	sld [smem:$0x3FFD];
	_ =	sdelay $0x3  }
0x9c: {  	_ =	strace s3  }
0x9d: {  	_ =	strace $0x8FFFFFFF  }
0x9e: {  	s18 =	sld [smem:$0x3FDB];
	_ =	sdelay $0x1  }
0x9f: {  	s19 =	simm.s32 $_scs_section_size  }
0xa0: {  	s5 =	simm.s32 $_size__tile_overlayer_lowered;
	s6 =	simm.s32 $_tile_overlayer_lowered  }
0xa1: {  	s22 =	simm.s32 $0x1BFF;
	s21 =	sshll.u32 s6, $0x1;
	s3 =	sadd.s32 s19, s18  }
0xa2: {  	s7 =	simm.s32 $0x0;
	s20 =	sshll.u32 s5, $0x1;
	s5 =	sadd.s32 s21, s3  }
0xa3: {  	[timem:s7], [sflag:s22] =	dma.local [hbm:s5], s20  }
0xa4: {  	_ =	swait.ge [sflag:s22], s20  }
0xa5: {  	s4 =	ssub.s32 $0x0, s20;
	[sflag:s22] =	ssyncset.done $0x0  }
0xa6: {  	[sflag:s22] =	ssyncadd.s32 s4;
	_ =	sdelay $0x1  }
0xa7: {  	s23 =	simm.s32 $0x1B8B  }
0xa8: {  	_ =	swait.ge [sflag:s23], $0x1  }
0xa9: {  	[sflag:s23] =	ssyncset.done $0x0  }
0xaa: {  	s25 =	simm.s32 $0x1B8E;
	s24 =	sld [smem:$0x3FFE];
	[sflag:s23] =	ssyncadd.s32 $0xFFFFFFFF  }
0xab: {  	s26 =	simm.s32 $execute0_lowered;
	[smem:$0x3FD2] =	sst s25  }
0xac: {  	s5 =	sshll.u32 s26, $0x1;
	_ =	strace $0x8000005E;
	[dreg:$0x1] =	wrdreg $0xFFFFFFFF  }
0xad: {  	s28 =	simm.s32 $_size_execute0_lowered;
	s3 =	sadd.s32 s3, s5;
	[dreg:$0x0] =	wrdreg $0x0  }
0xae: {  	s5 =	sshll.u32 s28, $0x1;
	[dreg:$0x2] =	wrdreg s3  }
0xaf: {  	[dreg:$0x3] =	wrdreg s5  }
0xb0: {  	[dreg:$0x4] =	wrdreg $0xC0  }
0xb1: {  	_ =	task [dreg:s7], $0x5FFFF  }
0xb2: {  	[dreg:$0x1] =	wrdreg $0xFFFFFFFF  }
0xb3: {  	[dreg:$0x0] =	wrdreg $0x60  }
0xb4: {  	[dreg:$0x2] =	wrdreg s24  }
0xb5: {  	[dreg:$0x3] =	wrdreg s16  }
0xb6: {  	[dreg:$0x4] =	wrdreg $0x9  }
0xb7: {  	_ =	task.clear_ibuf [dreg:s7], $0x5FFFF;
	_ =	strace $0x9000005E  }
0xb8: {  	s29 =	simm.s32 $0x9;
	_ =	strace $0x80000060  }
0xb9: {  	_ =	swait.ge [sflag:s29], $0x1  }
0xba: {  	[sflag:s29] =	ssyncadd.s32 $0xFFFFFFFF  }
0xbb: {  	_ =	strace $0x90000060  }
0xbc: {  	_ =	sfence  }
0xbd: {  	s30 =	sld [smem:$0x0];
	_ =	sdelay $0x2  }
0xbe: {  	s31 =	sshll.u32 s1, $0xD;
	s1 =	sshrl.u32 s1, $0x2  }
0xbf: {  	s3 =	sand.u32 $0x4000, s31;
	s1 =	sadd.s32 s1, s30  }
0xc0: {  	s0 =	sor.u32 s3, s0;
	s1 =	sshll.u32 s1, $0x11  }
0xc1: {  	s0 =	sor.u32 s1, s0  }
0xc2: {  	s0 =	sadd.s32 $0x8F2B, s0  }
0xc3: {  	[sflag:s0] =	ssyncadd.remote.s32 $0x1  }
0xc4: {  	_ =	sfence.sel $0xFFFF  }
0xc5: {  	[dreg:$0x0] =	wrdreg $0xFFFFFFFF;
	(pc) =	sbr.abs _section_cstart, $3  }
0xc6: {  	[dreg:$0x1] =	wrdreg $0xFFFFFFFF  }
0xc7: {  	_ =	task.clear_ibuf [dreg:s7], $0x2FFFF;
	_ =	strace $0x9FFFFFFF  }
0xc8: {  	(tm) =	ssettm $0x7FFFFFFF  }
0xc9: {  	_ =	shalt  }
tec
execute0_lowered:
.L_overlay_start_1:
0x0: {  	(tag) =	ssettag $0x1  }
0x1: {  	s0 =	srdreg.scid  }
0x2: {  	s2 =	stileid.u32;
	s5 =	rddreg [dreg:$0x1];
	s1 =	sand.u32 $0x1, s0  }
0x3: {  	s3 =	smul.u32 $0x780, s2;
	s0 =	rddreg [dreg:$0x0];
	s2 =	simm.s32 $0x0  }
0x4: {  	s17 =	simm.s32 $0x880;
	[smem:$0x7FF] =	sst s2  }
0x5: {  	s18 =	simm.s32 $0x1080;
	_ =	strace $0x8000005F;
	[dreg:$0x4] =	wrdreg s17  }
0x6: {  	s19 =	simm.s32 $0x1880;
	[dreg:$0x5] =	wrdreg s18  }
0x7: {  	s20 =	simm.s32 $0x2080;
	[dreg:$0x6] =	wrdreg s19  }
0x8: {  	s21 =	simm.s32 $0x2880;
	[dreg:$0x7] =	wrdreg s20  }
0x9: {  	s22 =	simm.s32 $0x3080;
	[dreg:$0x8] =	wrdreg s21  }
0xa: {  	s23 =	simm.s32 $0x3880;
	[dreg:$0x9] =	wrdreg s22  }
0xb: {  	s24 =	simm.s32 $0x4080;
	[dreg:$0xa] =	wrdreg s23  }
0xc: {  	s25 =	simm.s32 $0x4880;
	[dreg:$0xb] =	wrdreg s24  }
0xd: {  	s26 =	simm.s32 $0x5080;
	[dreg:$0xc] =	wrdreg s25  }
0xe: {  	s6 =	simm.s32 $0x6080;
	[dreg:$0xd] =	wrdreg s26  }
0xf: {  	s7 =	simm.s32 $0x6880;
	[dreg:$0xf] =	wrdreg s6  }
0x10: {  	s8 =	simm.s32 $0x7080;
	[dreg:$0x10] =	wrdreg s7  }
0x11: {  	s9 =	simm.s32 $0x7880;
	[dreg:$0x11] =	wrdreg s8  }
0x12: {  	s10 =	simm.s32 $0x8080;
	[dreg:$0x12] =	wrdreg s9  }
0x13: {  	s11 =	simm.s32 $0x8880;
	s12 =	simm.s32 $0x9080;
	[dreg:$0x13] =	wrdreg s10  }
0x14: {  	s13 =	simm.s32 $0x9880;
	s15 =	simm.s32 $0xA080;
	[dreg:$0x14] =	wrdreg s11  }
0x15: {  	s28 =	simm.s32 $0x18080;
	s29 =	simm.s32 $0x18880;
	[dreg:$0x15] =	wrdreg s12  }
0x16: {  	s30 =	simm.s32 $0x1;
	s31 =	simm.s32 $0x0;
	[dreg:$0x16] =	wrdreg s13  }
0x17: {  	s4 =	smul.u32 $0x3C0, s1;
	[dreg:$0x17] =	wrdreg s15;
	s17 =	simm.s32 $0xB080  }
0x18: {  	s1 =	ssub.s32 $0x2, s1;
	s18 =	simm.s32 $0xB880;
	[dreg:$0x19] =	wrdreg s17  }
0x19: {  	s19 =	sshrl.u32 s1, $0x1;
	s20 =	simm.s32 $0xC080;
	[dreg:$0x1a] =	wrdreg s18  }
0x1a: {  	s21 =	simm.s32 $0xC880;
	s6 =	simm.s32 $0xD080;
	[dreg:$0x1b] =	wrdreg s20  }
0x1b: {  	s7 =	simm.s32 $0xD880;
	s8 =	simm.s32 $0xE080;
	[dreg:$0x1c] =	wrdreg s21  }
0x1c: {  	s22 =	simm.s32 $0xE880;
	s23 =	simm.s32 $0xF080;
	[dreg:$0x1d] =	wrdreg s6  }
0x1d: {  	s25 =	simm.s32 $0xF880;
	s10 =	simm.s32 $0x2;
	[dreg:$0x1e] =	wrdreg s7  }
0x1e: {  	s26 =	simm.s32 $0x10080;
	s11 =	simm.s32 $0x80;
	[dreg:$0x1f] =	wrdreg s8  }
0x1f: {  	s12 =	simm.s32 $0x10880;
	s13 =	simm.s32 $0x11080;
	[smem:$0x7F9] =	sst s22  }
0x20: {  	s3 =	sadd.s32 s4, s3;
	s4 =	sadd.s32 $0xC79500, s0;
	[smem:$0x7FB] =	sst s23  }
0x21: {  	s15 =	simm.s32 $0x12080;
	s6 =	sadd.s32 $0xC79700, s0;
	[smem:$0x7FC] =	sst s25  }
0x22: {  	s1 =	ssub.s32 s1, s19;
	s7 =	sadd.s32 $0xC79800, s0;
	[smem:$0x7FD] =	sst s26  }
0x23: {  	s17 =	simm.s32 $0x13080;
	s18 =	simm.s32 $0x13880;
	s19 =	simm.s32 $0x14080  }
0x24: {  	s20 =	simm.s32 $0x14880;
	s21 =	simm.s32 $0x15080;
	s22 =	simm.s32 $0x15880  }
0x25: {  	s23 =	simm.s32 $0x16080;
	s3 =	sshrl.u32 s3, $0x3;
	s1 =	smax.u32 s1, $0x1  }
0x26: {  	s25 =	simm.s32 $0x17080;
	s16 =	sadd.s32 s3, s5;
	[smem:$0x7F8] =	sst s1  }
0x27: {  	s5 =	simm.s32 $0x5880;
	s14 =	smul.u32 $0x500, s3;
	[dreg:$0x3] =	wrdreg s16  }
0x28: {  	s26 =	simm.s32 $0x17880;
	s3 =	sadd.s32 $0xC79400, s0;
	[dreg:$0xe] =	wrdreg s5  }
0x29: {  	v2 =	vlaneseq.u32;
	s16 =	simm.s32 $0xA880;
	s5 =	sadd.s32 $0xC79600, s0;
	s9 =	sadd.s32 s14, s0  }
0x2a: {  	vm0 =	vmmov $0xffff;
	v1 =	vshrl.u32 v2, $0x3;
	[dreg:$0x18] =	wrdreg s16;
	s14 =	simm.s32 $0x11880;
	s24 =	sadd.s32 $0x319400, s9  }
0x2b: {  	v0 =	vand.u32 $0x7, v2;
	v2 =	vor.u32 $0x8, v2;
	v1 =	vmul.u32 $0x8, v1;
	s16 =	simm.s32 $0x12880;
	[smem:$0x7FA] =	sst s24;
	s24 =	simm.s32 $0x16880  }
.LBB2_1:
0x2c: {  	s9 =	sld [smem:$0x7FA];
	s0 =	simm.s32 $0x0  }
.LBB2_2:
0x2d: {  	s8 =	rddreg [dreg:$0x3]  }
0x2e: {  	s8 =	sadd.s32 s0, s8  }
0x2f: {  	[tilespmem:s2], [sflag:$0x2] =	stream.linear.gather [hbm4b:s8+s2], $0x50, $0x38;
	[tilespmem:$0x19080] =	vst v63  }
0x30: {  	_ =	swait.ge [sflag:s10], $0x50  }
0x31: {  	[sflag:s10] =	ssyncset.done $0x0  }
0x32: {  	[sflag:s10] =	ssyncadd.s32 $0xFFFFFFB0  }
0x33: {  	v3 =	vld [tilespmem:$0x0];
	_ =	sdelay $0x4  }
0x34: {  	v4 =	vshrl.u32 v3, $0x3  }
0x35: {  	v4 =	vmul.u32 $0x50, v4  }
0x36: {  	v3 =	vand.u32 $0x7, v3  }
0x37: {  	v3 =	vor.u32 v3, v4  }
0x38: {  	v4 =	vperm.xlane v3, v0;
	_ =	sdelay $0x1  }
0x39: {  	v4 =	vadd.s32 v1, v4;
	_ =	sdelay $0x4  }
0x3a: {  	[tilespmem:s11], [sflag:$0x1] =	stream.indirect_vreg.gather [hbm4b:s3+s2], $0x80, v4, vm0, $0xb8;
	[tilespmem:$0x19080] =	vst v63  }
0x3b: {  	s8 =	rddreg [dreg:$0x4]  }
0x3c: {  	[tilespmem:s8], [sflag:$0x1] =	stream.indirect_vreg.gather [hbm4b:s4+s2], $0x80, v4, vm0, $0xb8;
	[tilespmem:$0x19080] =	vst v63  }
0x3d: {  	s1 =	rddreg [dreg:$0x5];
	v3 =	vperm.xlane v3, v2  }
0x3e: {  	[tilespmem:s1], [sflag:$0x1] =	stream.indirect_vreg.gather [hbm4b:s5+s2], $0x80, v4, vm0, $0xb8;
	[tilespmem:$0x19080] =	vst v63  }
0x3f: {  	v3 =	vadd.s32 v1, v3;
	s8 =	rddreg [dreg:$0x6]  }
0x40: {  	[tilespmem:s8], [sflag:$0x1] =	stream.indirect_vreg.gather [hbm4b:s6+s2], $0x80, v4, vm0, $0xb8;
	[tilespmem:$0x19080] =	vst v63  }
0x41: {  	s1 =	rddreg [dreg:$0x7]  }
0x42: {  	[tilespmem:s1], [sflag:$0x1] =	stream.indirect_vreg.gather [hbm4b:s7+s2], $0x80, v4, vm0, $0xb8;
	[tilespmem:$0x19080] =	vst v63  }
0x43: {  	s8 =	rddreg [dreg:$0x8]  }
0x44: {  	[tilespmem:s8], [sflag:$0x1] =	stream.indirect_vreg.gather [hbm4b:s3+s2], $0x80, v3, vm0, $0xb8;
	[tilespmem:$0x19080] =	vst v63  }
0x45: {  	s1 =	rddreg [dreg:$0x9]  }
0x46: {  	[tilespmem:s1], [sflag:$0x1] =	stream.indirect_vreg.gather [hbm4b:s4+s2], $0x80, v3, vm0, $0xb8;
	[tilespmem:$0x19080] =	vst v63  }
0x47: {  	s8 =	rddreg [dreg:$0xa]  }
0x48: {  	[tilespmem:s8], [sflag:$0x1] =	stream.indirect_vreg.gather [hbm4b:s5+s2], $0x80, v3, vm0, $0xb8;
	[tilespmem:$0x19080] =	vst v63  }
0x49: {  	s1 =	rddreg [dreg:$0xb]  }
0x4a: {  	[tilespmem:s1], [sflag:$0x1] =	stream.indirect_vreg.gather [hbm4b:s6+s2], $0x80, v3, vm0, $0xb8;
	[tilespmem:$0x19080] =	vst v63  }
0x4b: {  	s8 =	rddreg [dreg:$0xc]  }
0x4c: {  	[tilespmem:s8], [sflag:$0x1] =	stream.indirect_vreg.gather [hbm4b:s7+s2], $0x80, v3, vm0, $0xb8;
	[tilespmem:$0x19080] =	vst v63  }
0x4d: {  	v3 =	vld [tilespmem:$0x10];
	_ =	sdelay $0x4  }
0x4e: {  	v60 =	vshrl.u32 v3, $0x3  }
0x4f: {  	v4 =	vmul.u32 $0x50, v60  }
0x50: {  	v3 =	vand.u32 $0x7, v3  }
0x51: {  	v3 =	vor.u32 v3, v4  }
0x52: {  	v4 =	vperm.xlane v3, v0;
	_ =	sdelay $0x1  }
0x53: {  	v4 =	vadd.s32 v1, v4;
	_ =	sdelay $0x3  }
0x54: {  	s1 =	rddreg [dreg:$0xd]  }
0x55: {  	[tilespmem:s1], [sflag:$0x1] =	stream.indirect_vreg.gather [hbm4b:s3+s2], $0x80, v4, vm0, $0xb8;
	[tilespmem:$0x19080] =	vst v63  }
0x56: {  	s8 =	rddreg [dreg:$0xe]  }
0x57: {  	[tilespmem:s8], [sflag:$0x1] =	stream.indirect_vreg.gather [hbm4b:s4+s2], $0x80, v4, vm0, $0xb8;
	[tilespmem:$0x19080] =	vst v63  }
0x58: {  	v3 =	vperm.xlane v3, v2;
	s1 =	rddreg [dreg:$0xf]  }
0x59: {  	[tilespmem:s1], [sflag:$0x1] =	stream.indirect_vreg.gather [hbm4b:s5+s2], $0x80, v4, vm0, $0xb8;
	[tilespmem:$0x19080] =	vst v63  }
0x5a: {  	v3 =	vadd.s32 v1, v3;
	s8 =	rddreg [dreg:$0x10]  }
0x5b: {  	[tilespmem:s8], [sflag:$0x1] =	stream.indirect_vreg.gather [hbm4b:s6+s2], $0x80, v4, vm0, $0xb8;
	[tilespmem:$0x19080] =	vst v63  }
0x5c: {  	s1 =	rddreg [dreg:$0x11]  }
0x5d: {  	[tilespmem:s1], [sflag:$0x1] =	stream.indirect_vreg.gather [hbm4b:s7+s2], $0x80, v4, vm0, $0xb8;
	[tilespmem:$0x19080] =	vst v63  }
0x5e: {  	s8 =	rddreg [dreg:$0x12]  }
0x5f: {  	[tilespmem:s8], [sflag:$0x1] =	stream.indirect_vreg.gather [hbm4b:s3+s2], $0x80, v3, vm0, $0xb8;
	[tilespmem:$0x19080] =	vst v63  }
0x60: {  	s1 =	rddreg [dreg:$0x13]  }
0x61: {  	[tilespmem:s1], [sflag:$0x1] =	stream.indirect_vreg.gather [hbm4b:s4+s2], $0x80, v3, vm0, $0xb8;
	[tilespmem:$0x19080] =	vst v63  }
0x62: {  	s8 =	rddreg [dreg:$0x14]  }
0x63: {  	[tilespmem:s8], [sflag:$0x1] =	stream.indirect_vreg.gather [hbm4b:s5+s2], $0x80, v3, vm0, $0xb8;
	[tilespmem:$0x19080] =	vst v63  }
0x64: {  	s1 =	rddreg [dreg:$0x15]  }
0x65: {  	[tilespmem:s1], [sflag:$0x1] =	stream.indirect_vreg.gather [hbm4b:s6+s2], $0x80, v3, vm0, $0xb8;
	[tilespmem:$0x19080] =	vst v63  }
0x66: {  	s8 =	rddreg [dreg:$0x16]  }
0x67: {  	[tilespmem:s8], [sflag:$0x1] =	stream.indirect_vreg.gather [hbm4b:s7+s2], $0x80, v3, vm0, $0xb8;
	[tilespmem:$0x19080] =	vst v63  }
0x68: {  	v3 =	vld [tilespmem:$0x20];
	_ =	sdelay $0x4  }
0x69: {  	v61 =	vshrl.u32 v3, $0x3  }
0x6a: {  	v4 =	vmul.u32 $0x50, v61  }
0x6b: {  	v3 =	vand.u32 $0x7, v3  }
0x6c: {  	v3 =	vor.u32 v3, v4  }
0x6d: {  	v4 =	vperm.xlane v3, v0;
	_ =	sdelay $0x1  }
0x6e: {  	v4 =	vadd.s32 v1, v4;
	_ =	sdelay $0x2  }
0x6f: {  	s1 =	rddreg [dreg:$0x17]  }
0x70: {  	s8 =	rddreg [dreg:$0x18]  }
0x71: {  	[tilespmem:s1], [sflag:$0x1] =	stream.indirect_vreg.gather [hbm4b:s3+s2], $0x80, v4, vm0, $0xb8;
	[tilespmem:$0x19080] =	vst v63  }
0x72: {  	s1 =	rddreg [dreg:$0x19]  }
0x73: {  	[tilespmem:s8], [sflag:$0x1] =	stream.indirect_vreg.gather [hbm4b:s4+s2], $0x80, v4, vm0, $0xb8;
	[tilespmem:$0x19080] =	vst v63  }
0x74: {  	v3 =	vperm.xlane v3, v2;
	s8 =	rddreg [dreg:$0x1a]  }
0x75: {  	[tilespmem:s1], [sflag:$0x1] =	stream.indirect_vreg.gather [hbm4b:s5+s2], $0x80, v4, vm0, $0xb8;
	[tilespmem:$0x19080] =	vst v63  }
0x76: {  	v3 =	vadd.s32 v1, v3;
	s1 =	rddreg [dreg:$0x1b]  }
0x77: {  	[tilespmem:s8], [sflag:$0x1] =	stream.indirect_vreg.gather [hbm4b:s6+s2], $0x80, v4, vm0, $0xb8;
	[tilespmem:$0x19080] =	vst v63  }
0x78: {  	s8 =	rddreg [dreg:$0x1c]  }
0x79: {  	[tilespmem:s1], [sflag:$0x1] =	stream.indirect_vreg.gather [hbm4b:s7+s2], $0x80, v4, vm0, $0xb8;
	[tilespmem:$0x19080] =	vst v63  }
0x7a: {  	s1 =	rddreg [dreg:$0x1d]  }
0x7b: {  	[tilespmem:s8], [sflag:$0x1] =	stream.indirect_vreg.gather [hbm4b:s3+s2], $0x80, v3, vm0, $0xb8;
	[tilespmem:$0x19080] =	vst v63  }
0x7c: {  	s8 =	rddreg [dreg:$0x1e]  }
0x7d: {  	[tilespmem:s1], [sflag:$0x1] =	stream.indirect_vreg.gather [hbm4b:s4+s2], $0x80, v3, vm0, $0xb8;
	[tilespmem:$0x19080] =	vst v63  }
0x7e: {  	s1 =	rddreg [dreg:$0x1f]  }
0x7f: {  	[tilespmem:s8], [sflag:$0x1] =	stream.indirect_vreg.gather [hbm4b:s5+s2], $0x80, v3, vm0, $0xb8;
	[tilespmem:$0x19080] =	vst v63  }
0x80: {  	s8 =	sld [smem:$0x7F9]  }
0x81: {  	[tilespmem:s1], [sflag:$0x1] =	stream.indirect_vreg.gather [hbm4b:s6+s2], $0x80, v3, vm0, $0xb8;
	[tilespmem:$0x19080] =	vst v63  }
0x82: {  	_ = 	snop  }
0x83: {  	[tilespmem:s8], [sflag:$0x1] =	stream.indirect_vreg.gather [hbm4b:s7+s2], $0x80, v3, vm0, $0xb8;
	[tilespmem:$0x19080] =	vst v63  }
0x84: {  	v3 =	vld [tilespmem:$0x30];
	_ =	sdelay $0x4  }
0x85: {  	v62 =	vshrl.u32 v3, $0x3  }
0x86: {  	v4 =	vmul.u32 $0x50, v62  }
0x87: {  	v3 =	vand.u32 $0x7, v3  }
0x88: {  	v3 =	vor.u32 v3, v4  }
0x89: {  	v4 =	vperm.xlane v3, v0;
	_ =	sdelay $0x1  }
0x8a: {  	v4 =	vadd.s32 v1, v4;
	_ =	sdelay $0x1  }
0x8b: {  	s1 =	sld [smem:$0x7FB];
	_ =	sdelay $0x1  }
0x8c: {  	s8 =	sld [smem:$0x7FC]  }
0x8d: {  	[tilespmem:s1], [sflag:$0x1] =	stream.indirect_vreg.gather [hbm4b:s3+s2], $0x80, v4, vm0, $0xb8;
	[tilespmem:$0x19080] =	vst v63  }
0x8e: {  	s1 =	sld [smem:$0x7FD]  }
0x8f: {  	[tilespmem:s8], [sflag:$0x1] =	stream.indirect_vreg.gather [hbm4b:s4+s2], $0x80, v4, vm0, $0xb8;
	[tilespmem:$0x19080] =	vst v63  }
0x90: {  	v3 =	vperm.xlane v3, v2  }
0x91: {  	[tilespmem:s1], [sflag:$0x1] =	stream.indirect_vreg.gather [hbm4b:s5+s2], $0x80, v4, vm0, $0xb8;
	[tilespmem:$0x19080] =	vst v63  }
0x92: {  	v3 =	vadd.s32 v1, v3  }
0x93: {  	[tilespmem:s12], [sflag:$0x1] =	stream.indirect_vreg.gather [hbm4b:s6+s2], $0x80, v4, vm0, $0xb8;
	[tilespmem:$0x19080] =	vst v63  }
0x94: {  	_ = 	snop  }
0x95: {  	[tilespmem:s13], [sflag:$0x1] =	stream.indirect_vreg.gather [hbm4b:s7+s2], $0x80, v4, vm0, $0xb8;
	[tilespmem:$0x19080] =	vst v63  }
0x96: {  	_ = 	snop  }
0x97: {  	[tilespmem:s14], [sflag:$0x1] =	stream.indirect_vreg.gather [hbm4b:s3+s2], $0x80, v3, vm0, $0xb8;
	[tilespmem:$0x19080] =	vst v63  }
0x98: {  	_ = 	snop  }
0x99: {  	[tilespmem:s15], [sflag:$0x1] =	stream.indirect_vreg.gather [hbm4b:s4+s2], $0x80, v3, vm0, $0xb8;
	[tilespmem:$0x19080] =	vst v63  }
0x9a: {  	_ = 	snop  }
0x9b: {  	[tilespmem:s16], [sflag:$0x1] =	stream.indirect_vreg.gather [hbm4b:s5+s2], $0x80, v3, vm0, $0xb8;
	[tilespmem:$0x19080] =	vst v63  }
0x9c: {  	_ = 	snop  }
0x9d: {  	[tilespmem:s17], [sflag:$0x1] =	stream.indirect_vreg.gather [hbm4b:s6+s2], $0x80, v3, vm0, $0xb8;
	[tilespmem:$0x19080] =	vst v63  }
0x9e: {  	_ = 	snop  }
0x9f: {  	[tilespmem:s18], [sflag:$0x1] =	stream.indirect_vreg.gather [hbm4b:s7+s2], $0x80, v3, vm0, $0xb8;
	[tilespmem:$0x19080] =	vst v63  }
0xa0: {  	v3 =	vld [tilespmem:$0x40];
	_ =	sdelay $0x4  }
0xa1: {  	v63 =	vshrl.u32 v3, $0x3  }
0xa2: {  	v4 =	vmul.u32 $0x50, v63  }
0xa3: {  	v3 =	vand.u32 $0x7, v3  }
0xa4: {  	v3 =	vor.u32 v3, v4  }
0xa5: {  	v4 =	vperm.xlane v3, v0;
	_ =	sdelay $0x1  }
0xa6: {  	v4 =	vadd.s32 v1, v4;
	_ =	sdelay $0x4  }
0xa7: {  	[tilespmem:s19], [sflag:$0x1] =	stream.indirect_vreg.gather [hbm4b:s3+s2], $0x80, v4, vm0, $0xb8;
	[tilespmem:$0x19080] =	vst v63  }
0xa8: {  	_ = 	snop  }
0xa9: {  	[tilespmem:s20], [sflag:$0x1] =	stream.indirect_vreg.gather [hbm4b:s4+s2], $0x80, v4, vm0, $0xb8;
	[tilespmem:$0x19080] =	vst v63  }
0xaa: {  	v3 =	vperm.xlane v3, v2  }
0xab: {  	[tilespmem:s21], [sflag:$0x1] =	stream.indirect_vreg.gather [hbm4b:s5+s2], $0x80, v4, vm0, $0xb8;
	[tilespmem:$0x19080] =	vst v63  }
0xac: {  	v3 =	vadd.s32 v1, v3  }
0xad: {  	[tilespmem:s22], [sflag:$0x1] =	stream.indirect_vreg.gather [hbm4b:s6+s2], $0x80, v4, vm0, $0xb8;
	[tilespmem:$0x19080] =	vst v63  }
0xae: {  	_ = 	snop  }
0xaf: {  	[tilespmem:s23], [sflag:$0x1] =	stream.indirect_vreg.gather [hbm4b:s7+s2], $0x80, v4, vm0, $0xb8;
	[tilespmem:$0x19080] =	vst v63  }
0xb0: {  	_ = 	snop  }
0xb1: {  	[tilespmem:s24], [sflag:$0x1] =	stream.indirect_vreg.gather [hbm4b:s3+s2], $0x80, v3, vm0, $0xb8;
	[tilespmem:$0x19080] =	vst v63  }
0xb2: {  	_ = 	snop  }
0xb3: {  	[tilespmem:s25], [sflag:$0x1] =	stream.indirect_vreg.gather [hbm4b:s4+s2], $0x80, v3, vm0, $0xb8;
	[tilespmem:$0x19080] =	vst v63  }
0xb4: {  	_ = 	snop  }
0xb5: {  	[tilespmem:s26], [sflag:$0x1] =	stream.indirect_vreg.gather [hbm4b:s5+s2], $0x80, v3, vm0, $0xb8;
	[tilespmem:$0x19080] =	vst v63  }
0xb6: {  	_ = 	snop  }
0xb7: {  	[tilespmem:s28], [sflag:$0x1] =	stream.indirect_vreg.gather [hbm4b:s6+s2], $0x80, v3, vm0, $0xb8;
	[tilespmem:$0x19080] =	vst v63  }
0xb8: {  	_ = 	snop  }
0xb9: {  	[tilespmem:s29], [sflag:$0x1] =	stream.indirect_vreg.gather [hbm4b:s7+s2], $0x80, v3, vm0, $0xb8;
	[tilespmem:$0x19080] =	vst v63  }
0xba: {  	_ =	swait.ge [sflag:s30], $0x19000  }
0xbb: {  	p0 =	sne.s32 s0, $0x6E;
	[sflag:s30] =	ssyncset.done $0x0  }
.Ltmp0:
0xbc: {  	[sflag:s30] =	ssyncadd.s32 $0xFFFE7000;
	(pc) =	sbr.rel @p0 .LBB2_2-.Ltmp0, $4  }
0xbd: {  	[hbm4b:s9+s2] =	stream.linear.scatter [tilespmem:s11], [sflag:$0x2], $0x19000, $0x38;
	[tilespmem:$0x19080] =	vst v63  }
0xbe: {  	_ =	swait.ge [sflag:s10], $0x19000  }
0xbf: {  	[sflag:s10] =	ssyncset.done $0x0  }
0xc0: {  	s0 =	sadd.s32 $0xA, s0;
	s9 =	sadd.s32 $0x3200, s9;
	[sflag:s10] =	ssyncadd.s32 $0xFFFE7000  }
0xc1: {  	s0 =	sld [smem:$0x7F8];
	_ =	sdelay $0x1  }
0xc2: {  	s31 =	sadd.s32 $0x1, s31  }
0xc3: {  	p0 =	sne.s32 s31, s0  }
.Ltmp1:
0xc4: {  	_ = 	snop;
	(pc) =	sbr.rel @p0 .LBB2_1-.Ltmp1, $1  }
0xc5: {  	_ =	sdelay $0x3  }
0xc6: {  	_ =	sfence.sel $0x180000  }
0xc7: {  	[bflag:$0x0] =	sbarrier.arrive $0xFFFF  }
0xc8: {  	_ =	strace $0x9000005F  }
0xc9: {  	s0 =	stileid.u32;
	[bflag:$0x2] =	sbarrier.arrive $0xFFFF  }
0xca: {  	p0 =	sne.s32 s0, $0x0;
	s0 =	rddreg [dreg:$0x2]  }
0xcb: {  	s0 =	sadd.s32 @!p0 $0x100000, s0  }
0xcc: {  	[sflag:s0] =	ssyncadd.tile.s32 @!p0 $0x1;
	_ =	shalt  }
.Lfunc_end2:
_tile_overlayer_lowered:
.L_overlay_start_2:
0xcd: {  	(tag) =	ssettag $0x2  }
0xce: {  	s0 =	rddreg [dreg:$0x0];
	s2 =	stileid.u32  }
0xcf: {  	s1 =	rddreg [dreg:$0x1];
	p0 =	sne.s32 s2, $0x0  }
0xd0: {  	s3 =	rddreg [dreg:$0x2];
	[bflag:$0x3] =	sbarrier.arrive $0xFFFF;
	s2 =	simm.s32 @!p0 $0x1C02  }
0xd1: {  	[timem:s3], [sflag:s2] =	dma.local @!p0 [hbm:s0], s1  }
0xd2: {  	s0 =	simm.s32 @!p0 $0x2  }
0xd3: {  	_ =	swait.ge @!p0 [sflag:s0], s1  }
0xd4: {  	s1 =	ssub.s32 @!p0 $0x0, s1;
	[sflag:s0] =	ssyncset.done @!p0 $0x0  }
0xd5: {  	[sflag:s0] =	ssyncadd.s32 @!p0 s1  }
0xd6: {  	[bflag:$0x3] =	sbarrier.arrive $0xFFFF  }
0xd7: {  	_ =	shalt  }

// kernel: kernel.43.cloned.1.call-start
scs
__scs_entry_jumppad:
0x0: {  	(pc) =	sbr.rel $0x88, $3  }
0x1: {  	(tag) =	ssettag $0x0;
	lr =	simm.s32 $0x1  }
0x2: {  	[smem:$0x3F9D] =	sst lr;
	_ =	strace $0xD0000000  }
0x3: {  	_ = 	snop  }
0x4: {  	_ = 	snop  }
0x5: {  	_ = 	snop  }
0x6: {  	_ = 	snop  }
0x7: {  	_ = 	snop  }
__scs_overlays_trampoline_lowered:
0x8: {  	[smem:$0x3FAC] =	sst s0  }
0x9: {  	[smem:$0x3FAD] =	sst s1  }
0xa: {  	[smem:$0x3FAE] =	sst s2  }
0xb: {  	[smem:$0x3FAF] =	sst s3  }
0xc: {  	[smem:$0x3FB0] =	sst s4  }
0xd: {  	[smem:$0x3FB1] =	sst s5  }
0xe: {  	[smem:$0x3FB2] =	sst s6  }
0xf: {  	[smem:$0x3FB3] =	sst s7  }
0x10: {  	[smem:$0x3FB4] =	sst s8  }
0x11: {  	[smem:$0x3FB5] =	sst s9;
	s0 =	simm.s32 @!p0 $0x0  }
0x12: {  	s1 =	sld [smem:$0x3F9B];
	s0 =	simm.s32 @p0 $0x1  }
0x13: {  	[smem:$0x3FB6] =	sst s0;
	s0 =	simm.s32 @!p1 $0x0  }
0x14: {  	s2 =	sld [smem:$0x3F9A];
	s0 =	simm.s32 @p1 $0x1  }
0x15: {  	[smem:$0x3FB7] =	sst s0;
	s0 =	simm.s32 @!p2 $0x0  }
0x16: {  	s3 =	sld [smem:$0x3FDB];
	s0 =	simm.s32 @p2 $0x1  }
0x17: {  	s4 =	simm.s32 $0x1BF5;
	[smem:$0x3FB9] =	sst s0  }
0x18: {  	s0 =	sld [smem:$0x3F9C];
	_ =	swait.ge [sflag:s4], $0x0  }
0x19: {  	s7 =	sld [smem:$0x3F9D]  }
0x1a: {  	s8 =	sadd.s32 $0xFFFFE003, lr  }
0x1b: {  	s9 =	sadd.s32 $0xFFFFFEF7, lr;
	s5 =	simm.s32 $0xFFFFFFFF;
	p2 =	slt.u32 s8, $0xFFFFF086  }
0x1c: {  	p1 =	slt.u32 s9, $0xF7A;
	s5 =	simm.s32 @!p2 $0x0  }
0x1d: {  	s5 =	simm.s32 @p1 $0x1;
	p0 =	seq.s32 s7, s2  }
0x1e: {  	s7 =	smul.u32 @!p0 $0xF7A, s2;
	p2 =	seq.s32 @!p0 s5, $0x0  }
0x1f: {  	s9 =	smul.u32 $0xF7A, s1;
	s8 =	simm.s32 @!p0 $0x1BF5;
	p2 =	por !p2, p0  }
0x20: {  	[sflag:s8] =	ssyncset.s32 @!p0 $0xFFFFF086;
	s6 =	sadd.s32 @!p0 s3, s7;
	s7 =	simm.s32 @!p0 $0x108  }
0x21: {  	s3 =	sadd.s32 s3, s9;
	s6 =	sadd.s32 @!p0 $0x88, s6;
	s7 =	simm.s32 @p2 $0x1082  }
0x22: {  	[simem:s7], [sflag:s8] =	dma.local @!p0 [hbm:s6], $0xF7A  }
0x23: {  	s9 =	sor.u32 $0xD0000000, s2;
	s6 =	simm.s32 $0x108;
	_ =	swait.ge @!p0 [sflag:s8], $0x0  }
0x24: {  	s3 =	sadd.s32 $0x88, s3;
	s6 =	simm.s32 @!p1 $0x1082;
	[sflag:s4] =	ssyncset.s32 $0xFFFFF086  }
0x25: {  	[simem:s6], [sflag:s4] =	dma.local [hbm:s3], $0xF7A  }
0x26: {  	[smem:$0x3F9D] =	sst s1;
	(tag) =	ssettag s2;
	_ =	strace s9  }
0x27: {  	s1 =	sld [smem:$0x3FAD]  }
0x28: {  	s2 =	sld [smem:$0x3FAE]  }
0x29: {  	s4 =	sld [smem:$0x3FB0]  }
0x2a: {  	p0 =	seq.s32 s5, $0x0;
	s5 =	sld [smem:$0x3FB1]  }
0x2b: {  	s6 =	sld [smem:$0x3FB2]  }
0x2c: {  	s7 =	sld [smem:$0x3FB3]  }
0x2d: {  	s3 =	simm.s32 $0x108;
	s8 =	sld [smem:$0x3FB4]  }
0x2e: {  	s3 =	simm.s32 @!p0 $0x1082;
	s9 =	sld [smem:$0x3FB5]  }
0x2f: {  	lr =	sadd.s32 s0, s3;
	s0 =	sld [smem:$0x3FAC]  }
0x30: {  	s3 =	sld [smem:$0x3FAF]  }
0x31: {  	[smem:$0x3FB8] =	sst s10  }
0x32: {  	s10 =	sld [smem:$0x3FB6];
	_ =	sdelay $0x3  }
0x33: {  	p0 =	seq.s32 s10, $0x1;
	s10 =	sld [smem:$0x3FB8];
	_ =	sdelay $0x3  }
0x34: {  	[smem:$0x3FB8] =	sst s10  }
0x35: {  	s10 =	sld [smem:$0x3FB7];
	_ =	sdelay $0x3  }
0x36: {  	p1 =	seq.s32 s10, $0x1;
	s10 =	sld [smem:$0x3FB8];
	_ =	sdelay $0x3  }
0x37: {  	[smem:$0x3FB8] =	sst s10  }
0x38: {  	s10 =	sld [smem:$0x3FB9]  }
0x39: {  	_ = 	snop;
	(pc) =	sbr.ind lr, $3  }
0x3a: {  	_ = 	snop  }
0x3b: {  	_ = 	snop  }
0x3c: {  	p2 =	seq.s32 s10, $0x1;
	s10 =	sld [smem:$0x3FB8]  }
0x3d: {  	_ =	shalt  }
0x3e: {  	_ =	shalt  }
0x3f: {  	_ =	shalt  }
0x40: {  	_ =	shalt  }
0x41: {  	_ =	shalt  }
0x42: {  	_ =	shalt  }
0x43: {  	_ =	shalt  }
0x44: {  	_ =	shalt  }
0x45: {  	_ =	shalt  }
0x46: {  	_ =	shalt  }
0x47: {  	_ =	shalt  }
0x48: {  	_ =	shalt  }
0x49: {  	_ =	shalt  }
0x4a: {  	_ =	shalt  }
0x4b: {  	_ =	shalt  }
0x4c: {  	_ =	shalt  }
0x4d: {  	_ =	shalt  }
0x4e: {  	_ =	shalt  }
0x4f: {  	_ =	shalt  }
0x50: {  	_ =	shalt  }
0x51: {  	_ =	shalt  }
0x52: {  	_ =	shalt  }
0x53: {  	_ =	shalt  }
0x54: {  	_ =	shalt  }
0x55: {  	_ =	shalt  }
0x56: {  	_ =	shalt  }
0x57: {  	_ =	shalt  }
0x58: {  	_ =	shalt  }
0x59: {  	_ =	shalt  }
0x5a: {  	_ =	shalt  }
0x5b: {  	_ =	shalt  }
0x5c: {  	_ =	shalt  }
0x5d: {  	_ =	shalt  }
0x5e: {  	_ =	shalt  }
0x5f: {  	_ =	shalt  }
0x60: {  	_ =	shalt  }
0x61: {  	_ =	shalt  }
0x62: {  	_ =	shalt  }
0x63: {  	_ =	shalt  }
0x64: {  	_ =	shalt  }
0x65: {  	_ =	shalt  }
0x66: {  	_ =	shalt  }
0x67: {  	_ =	shalt  }
0x68: {  	_ =	shalt  }
0x69: {  	_ =	shalt  }
0x6a: {  	_ =	shalt  }
0x6b: {  	_ =	shalt  }
0x6c: {  	_ =	shalt  }
0x6d: {  	_ =	shalt  }
0x6e: {  	_ =	shalt  }
0x6f: {  	_ =	shalt  }
0x70: {  	_ =	shalt  }
0x71: {  	_ =	shalt  }
0x72: {  	_ =	shalt  }
0x73: {  	_ =	shalt  }
0x74: {  	_ =	shalt  }
0x75: {  	_ =	shalt  }
0x76: {  	_ =	shalt  }
0x77: {  	_ =	shalt  }
0x78: {  	_ =	shalt  }
0x79: {  	_ =	shalt  }
0x7a: {  	_ =	shalt  }
0x7b: {  	_ =	shalt  }
0x7c: {  	_ =	shalt  }
0x7d: {  	_ =	shalt  }
0x7e: {  	_ =	shalt  }
0x7f: {  	_ =	shalt  }
0x80: {  	_ =	shalt  }
0x81: {  	_ =	shalt  }
0x82: {  	_ =	shalt  }
0x83: {  	_ =	shalt  }
0x84: {  	_ =	shalt  }
0x85: {  	_ =	shalt  }
0x86: {  	_ =	shalt  }
0x87: {  	_ =	shalt  }
.Lfunc_end0:
.L_simem_size_0:
called_computation.10_lowered:
.L_overlay_start_0:
0x88: {  	s2 =	sld [smem:$0x3FD9]  }
0x89: {  	s3 =	sld [smem:$0x3FFE];
	_ =	sdelay $0x1  }
0x8a: {  	s1 =	srdreg.scid  }
0x8b: {  	s0 =	sand.u32 $0x1, s1  }
0x8c: {  	s14 =	sshll.u32 s0, $0xA;
	s2 =	sadd.s32 s3, s2  }
0x8d: {  	s2 =	sadd.s32 s2, s14  }
0x8e: {  	[smem:$0x3FC4] =	sst s2  }
0x8f: {  	_ = 	snop  }
0x90: {  	s2 =	sld [smem:$0x3FD0];
	_ =	sdelay $0x2  }
0x91: {  	s15 =	simm.s32 $0xB;
	s4 =	simm.s32 $0x10  }
0x92: {  	[smem:s4], [sflag:s15] =	dma.local [hbm:s2], $0x1  }
0x93: {  	_ =	swait.eq [sflag:s15], $0x1  }
0x94: {  	[sflag:s15] =	ssyncset.done $0x0  }
0x95: {  	[sflag:s15] =	ssyncadd.s32 $0xFFFFFFFF  }
0x96: {  	s16 =	sld [smem:$0x10];
	(tm) =	ssettm $0x1  }
0x97: {  	s17 =	sld [smem:$0x3FFB];
	_ =	sdelay $0x3  }
0x98: {  	_ =	strace s17  }
0x99: {  	s3 =	sld [smem:$0x3FFC];
	_ =	sdelay $0x3  }
0x9a: {  	_ =	strace s3  }
0x9b: {  	s3 =	sld [smem:$0x3FFD];
	_ =	sdelay $0x3  }
0x9c: {  	_ =	strace s3  }
0x9d: {  	_ =	strace $0x8FFFFFFF  }
0x9e: {  	s18 =	sld [smem:$0x3FDB];
	_ =	sdelay $0x1  }
0x9f: {  	s19 =	simm.s32 $_scs_section_size  }
0xa0: {  	s5 =	simm.s32 $_size__tile_overlayer_lowered;
	s6 =	simm.s32 $_tile_overlayer_lowered  }
0xa1: {  	s22 =	simm.s32 $0x1BFF;
	s21 =	sshll.u32 s6, $0x1;
	s3 =	sadd.s32 s19, s18  }
0xa2: {  	s7 =	simm.s32 $0x0;
	s20 =	sshll.u32 s5, $0x1;
	s5 =	sadd.s32 s21, s3  }
0xa3: {  	[timem:s7], [sflag:s22] =	dma.local [hbm:s5], s20  }
0xa4: {  	_ =	swait.ge [sflag:s22], s20  }
0xa5: {  	s4 =	ssub.s32 $0x0, s20;
	[sflag:s22] =	ssyncset.done $0x0  }
0xa6: {  	[sflag:s22] =	ssyncadd.s32 s4;
	_ =	sdelay $0x1  }
0xa7: {  	s23 =	simm.s32 $0x1B8B  }
0xa8: {  	_ =	swait.ge [sflag:s23], $0x1  }
0xa9: {  	[sflag:s23] =	ssyncset.done $0x0  }
0xaa: {  	s25 =	simm.s32 $0x1B8E;
	s24 =	sld [smem:$0x3FFE];
	[sflag:s23] =	ssyncadd.s32 $0xFFFFFFFF  }
0xab: {  	s26 =	simm.s32 $execute0_lowered;
	[smem:$0x3FD2] =	sst s25  }
0xac: {  	s5 =	sshll.u32 s26, $0x1;
	_ =	strace $0x80000061;
	[dreg:$0x1] =	wrdreg $0xFFFFFFFF  }
0xad: {  	s28 =	simm.s32 $_size_execute0_lowered;
	s3 =	sadd.s32 s3, s5;
	[dreg:$0x0] =	wrdreg $0x0  }
0xae: {  	s5 =	sshll.u32 s28, $0x1;
	[dreg:$0x2] =	wrdreg s3  }
0xaf: {  	[dreg:$0x3] =	wrdreg s5  }
0xb0: {  	[dreg:$0x4] =	wrdreg $0xC0  }
0xb1: {  	_ =	task [dreg:s7], $0x5FFFF  }
0xb2: {  	[dreg:$0x1] =	wrdreg $0xFFFFFFFF  }
0xb3: {  	[dreg:$0x0] =	wrdreg $0x60  }
0xb4: {  	[dreg:$0x2] =	wrdreg s24  }
0xb5: {  	[dreg:$0x3] =	wrdreg s16  }
0xb6: {  	[dreg:$0x4] =	wrdreg $0x9  }
0xb7: {  	_ =	task.clear_ibuf [dreg:s7], $0x5FFFF;
	_ =	strace $0x90000061  }
0xb8: {  	s29 =	simm.s32 $0x9;
	_ =	strace $0x80000063  }
0xb9: {  	_ =	swait.ge [sflag:s29], $0x1  }
0xba: {  	[sflag:s29] =	ssyncadd.s32 $0xFFFFFFFF  }
0xbb: {  	_ =	strace $0x90000063  }
0xbc: {  	_ =	sfence  }
0xbd: {  	s30 =	sld [smem:$0x0];
	_ =	sdelay $0x2  }
0xbe: {  	s31 =	sshll.u32 s1, $0xD;
	s1 =	sshrl.u32 s1, $0x2  }
0xbf: {  	s3 =	sand.u32 $0x4000, s31;
	s1 =	sadd.s32 s1, s30  }
0xc0: {  	s0 =	sor.u32 s3, s0;
	s1 =	sshll.u32 s1, $0x11  }
0xc1: {  	s0 =	sor.u32 s1, s0  }
0xc2: {  	s0 =	sadd.s32 $0x8F2B, s0  }
0xc3: {  	[sflag:s0] =	ssyncadd.remote.s32 $0x1  }
0xc4: {  	_ =	sfence.sel $0xFFFF  }
0xc5: {  	[dreg:$0x0] =	wrdreg $0xFFFFFFFF;
	(pc) =	sbr.abs _section_cstart, $3  }
0xc6: {  	[dreg:$0x1] =	wrdreg $0xFFFFFFFF  }
0xc7: {  	_ =	task.clear_ibuf [dreg:s7], $0x2FFFF;
	_ =	strace $0x9FFFFFFF  }
0xc8: {  	(tm) =	ssettm $0x7FFFFFFF  }
0xc9: {  	_ =	shalt  }
tec
execute0_lowered:
.L_overlay_start_1:
0x0: {  	(tag) =	ssettag $0x1  }
0x1: {  	s0 =	srdreg.scid  }
0x2: {  	s2 =	stileid.u32;
	s5 =	rddreg [dreg:$0x1];
	s1 =	sand.u32 $0x1, s0  }
0x3: {  	s3 =	smul.u32 $0x780, s2;
	s0 =	rddreg [dreg:$0x0];
	s2 =	simm.s32 $0x0  }
0x4: {  	s17 =	simm.s32 $0x880;
	[smem:$0x7FF] =	sst s2  }
0x5: {  	s18 =	simm.s32 $0x1080;
	_ =	strace $0x80000062;
	[dreg:$0x4] =	wrdreg s17  }
0x6: {  	s19 =	simm.s32 $0x1880;
	[dreg:$0x5] =	wrdreg s18  }
0x7: {  	s20 =	simm.s32 $0x2080;
	[dreg:$0x6] =	wrdreg s19  }
0x8: {  	s21 =	simm.s32 $0x2880;
	[dreg:$0x7] =	wrdreg s20  }
0x9: {  	s22 =	simm.s32 $0x3080;
	[dreg:$0x8] =	wrdreg s21  }
0xa: {  	s23 =	simm.s32 $0x3880;
	[dreg:$0x9] =	wrdreg s22  }
0xb: {  	s24 =	simm.s32 $0x4080;
	[dreg:$0xa] =	wrdreg s23  }
0xc: {  	s25 =	simm.s32 $0x4880;
	[dreg:$0xb] =	wrdreg s24  }
0xd: {  	s26 =	simm.s32 $0x5080;
	[dreg:$0xc] =	wrdreg s25  }
0xe: {  	s6 =	simm.s32 $0x6080;
	[dreg:$0xd] =	wrdreg s26  }
0xf: {  	s7 =	simm.s32 $0x6880;
	[dreg:$0xf] =	wrdreg s6  }
0x10: {  	s8 =	simm.s32 $0x7080;
	[dreg:$0x10] =	wrdreg s7  }
0x11: {  	s9 =	simm.s32 $0x7880;
	[dreg:$0x11] =	wrdreg s8  }
0x12: {  	s10 =	simm.s32 $0x8080;
	[dreg:$0x12] =	wrdreg s9  }
0x13: {  	s11 =	simm.s32 $0x8880;
	s12 =	simm.s32 $0x9080;
	[dreg:$0x13] =	wrdreg s10  }
0x14: {  	s13 =	simm.s32 $0x9880;
	s15 =	simm.s32 $0xA080;
	[dreg:$0x14] =	wrdreg s11  }
0x15: {  	s28 =	simm.s32 $0x18080;
	s29 =	simm.s32 $0x18880;
	[dreg:$0x15] =	wrdreg s12  }
0x16: {  	s30 =	simm.s32 $0x1;
	s31 =	simm.s32 $0x0;
	[dreg:$0x16] =	wrdreg s13  }
0x17: {  	s4 =	smul.u32 $0x3C0, s1;
	[dreg:$0x17] =	wrdreg s15;
	s17 =	simm.s32 $0xB080  }
0x18: {  	s1 =	ssub.s32 $0x2, s1;
	s18 =	simm.s32 $0xB880;
	[dreg:$0x19] =	wrdreg s17  }
0x19: {  	s19 =	sshrl.u32 s1, $0x1;
	s20 =	simm.s32 $0xC080;
	[dreg:$0x1a] =	wrdreg s18  }
0x1a: {  	s21 =	simm.s32 $0xC880;
	s6 =	simm.s32 $0xD080;
	[dreg:$0x1b] =	wrdreg s20  }
0x1b: {  	s7 =	simm.s32 $0xD880;
	s8 =	simm.s32 $0xE080;
	[dreg:$0x1c] =	wrdreg s21  }
0x1c: {  	s22 =	simm.s32 $0xE880;
	s23 =	simm.s32 $0xF080;
	[dreg:$0x1d] =	wrdreg s6  }
0x1d: {  	s25 =	simm.s32 $0xF880;
	s10 =	simm.s32 $0x2;
	[dreg:$0x1e] =	wrdreg s7  }
0x1e: {  	s26 =	simm.s32 $0x10080;
	s11 =	simm.s32 $0x80;
	[dreg:$0x1f] =	wrdreg s8  }
0x1f: {  	s12 =	simm.s32 $0x10880;
	s13 =	simm.s32 $0x11080;
	[smem:$0x7F9] =	sst s22  }
0x20: {  	s3 =	sadd.s32 s4, s3;
	s4 =	sadd.s32 $0xC79500, s0;
	[smem:$0x7FB] =	sst s23  }
0x21: {  	s15 =	simm.s32 $0x12080;
	s6 =	sadd.s32 $0xC79700, s0;
	[smem:$0x7FC] =	sst s25  }
0x22: {  	s1 =	ssub.s32 s1, s19;
	s7 =	sadd.s32 $0xC79800, s0;
	[smem:$0x7FD] =	sst s26  }
0x23: {  	s17 =	simm.s32 $0x13080;
	s18 =	simm.s32 $0x13880;
	s19 =	simm.s32 $0x14080  }
0x24: {  	s20 =	simm.s32 $0x14880;
	s21 =	simm.s32 $0x15080;
	s22 =	simm.s32 $0x15880  }
0x25: {  	s23 =	simm.s32 $0x16080;
	s3 =	sshrl.u32 s3, $0x3;
	s1 =	smax.u32 s1, $0x1  }
0x26: {  	s25 =	simm.s32 $0x17080;
	s16 =	sadd.s32 s3, s5;
	[smem:$0x7F8] =	sst s1  }
0x27: {  	s5 =	simm.s32 $0x5880;
	s14 =	smul.u32 $0x500, s3;
	[dreg:$0x3] =	wrdreg s16  }
0x28: {  	s26 =	simm.s32 $0x17880;
	s3 =	sadd.s32 $0xC79400, s0;
	[dreg:$0xe] =	wrdreg s5  }
0x29: {  	v2 =	vlaneseq.u32;
	s16 =	simm.s32 $0xA880;
	s5 =	sadd.s32 $0xC79600, s0;
	s9 =	sadd.s32 s14, s0  }
0x2a: {  	vm0 =	vmmov $0xffff;
	v1 =	vshrl.u32 v2, $0x3;
	[dreg:$0x18] =	wrdreg s16;
	s14 =	simm.s32 $0x11880;
	s24 =	sadd.s32 $0x319400, s9  }
0x2b: {  	v0 =	vand.u32 $0x7, v2;
	v2 =	vor.u32 $0x8, v2;
	v1 =	vmul.u32 $0x8, v1;
	s16 =	simm.s32 $0x12880;
	[smem:$0x7FA] =	sst s24;
	s24 =	simm.s32 $0x16880  }
.LBB2_1:
0x2c: {  	s9 =	sld [smem:$0x7FA];
	s0 =	simm.s32 $0x0  }
.LBB2_2:
0x2d: {  	s8 =	rddreg [dreg:$0x3]  }
0x2e: {  	s8 =	sadd.s32 s0, s8  }
0x2f: {  	[tilespmem:s2], [sflag:$0x2] =	stream.linear.gather [hbm4b:s8+s2], $0x50, $0x38;
	[tilespmem:$0x19080] =	vst v63  }
0x30: {  	_ =	swait.ge [sflag:s10], $0x50  }
0x31: {  	[sflag:s10] =	ssyncset.done $0x0  }
0x32: {  	[sflag:s10] =	ssyncadd.s32 $0xFFFFFFB0  }
0x33: {  	v3 =	vld [tilespmem:$0x0];
	_ =	sdelay $0x4  }
0x34: {  	v4 =	vshrl.u32 v3, $0x3  }
0x35: {  	v4 =	vmul.u32 $0x50, v4  }
0x36: {  	v3 =	vand.u32 $0x7, v3  }
0x37: {  	v3 =	vor.u32 v3, v4  }
0x38: {  	v4 =	vperm.xlane v3, v0;
	_ =	sdelay $0x1  }
0x39: {  	v4 =	vadd.s32 v1, v4;
	_ =	sdelay $0x4  }
0x3a: {  	[tilespmem:s11], [sflag:$0x1] =	stream.indirect_vreg.gather [hbm4b:s3+s2], $0x80, v4, vm0, $0xb8;
	[tilespmem:$0x19080] =	vst v63  }
0x3b: {  	s8 =	rddreg [dreg:$0x4]  }
0x3c: {  	[tilespmem:s8], [sflag:$0x1] =	stream.indirect_vreg.gather [hbm4b:s4+s2], $0x80, v4, vm0, $0xb8;
	[tilespmem:$0x19080] =	vst v63  }
0x3d: {  	s1 =	rddreg [dreg:$0x5];
	v3 =	vperm.xlane v3, v2  }
0x3e: {  	[tilespmem:s1], [sflag:$0x1] =	stream.indirect_vreg.gather [hbm4b:s5+s2], $0x80, v4, vm0, $0xb8;
	[tilespmem:$0x19080] =	vst v63  }
0x3f: {  	v3 =	vadd.s32 v1, v3;
	s8 =	rddreg [dreg:$0x6]  }
0x40: {  	[tilespmem:s8], [sflag:$0x1] =	stream.indirect_vreg.gather [hbm4b:s6+s2], $0x80, v4, vm0, $0xb8;
	[tilespmem:$0x19080] =	vst v63  }
0x41: {  	s1 =	rddreg [dreg:$0x7]  }
0x42: {  	[tilespmem:s1], [sflag:$0x1] =	stream.indirect_vreg.gather [hbm4b:s7+s2], $0x80, v4, vm0, $0xb8;
	[tilespmem:$0x19080] =	vst v63  }
0x43: {  	s8 =	rddreg [dreg:$0x8]  }
0x44: {  	[tilespmem:s8], [sflag:$0x1] =	stream.indirect_vreg.gather [hbm4b:s3+s2], $0x80, v3, vm0, $0xb8;
	[tilespmem:$0x19080] =	vst v63  }
0x45: {  	s1 =	rddreg [dreg:$0x9]  }
0x46: {  	[tilespmem:s1], [sflag:$0x1] =	stream.indirect_vreg.gather [hbm4b:s4+s2], $0x80, v3, vm0, $0xb8;
	[tilespmem:$0x19080] =	vst v63  }
0x47: {  	s8 =	rddreg [dreg:$0xa]  }
0x48: {  	[tilespmem:s8], [sflag:$0x1] =	stream.indirect_vreg.gather [hbm4b:s5+s2], $0x80, v3, vm0, $0xb8;
	[tilespmem:$0x19080] =	vst v63  }
0x49: {  	s1 =	rddreg [dreg:$0xb]  }
0x4a: {  	[tilespmem:s1], [sflag:$0x1] =	stream.indirect_vreg.gather [hbm4b:s6+s2], $0x80, v3, vm0, $0xb8;
	[tilespmem:$0x19080] =	vst v63  }
0x4b: {  	s8 =	rddreg [dreg:$0xc]  }
0x4c: {  	[tilespmem:s8], [sflag:$0x1] =	stream.indirect_vreg.gather [hbm4b:s7+s2], $0x80, v3, vm0, $0xb8;
	[tilespmem:$0x19080] =	vst v63  }
0x4d: {  	v3 =	vld [tilespmem:$0x10];
	_ =	sdelay $0x4  }
0x4e: {  	v60 =	vshrl.u32 v3, $0x3  }
0x4f: {  	v4 =	vmul.u32 $0x50, v60  }
0x50: {  	v3 =	vand.u32 $0x7, v3  }
0x51: {  	v3 =	vor.u32 v3, v4  }
0x52: {  	v4 =	vperm.xlane v3, v0;
	_ =	sdelay $0x1  }
0x53: {  	v4 =	vadd.s32 v1, v4;
	_ =	sdelay $0x3  }
0x54: {  	s1 =	rddreg [dreg:$0xd]  }
0x55: {  	[tilespmem:s1], [sflag:$0x1] =	stream.indirect_vreg.gather [hbm4b:s3+s2], $0x80, v4, vm0, $0xb8;
	[tilespmem:$0x19080] =	vst v63  }
0x56: {  	s8 =	rddreg [dreg:$0xe]  }
0x57: {  	[tilespmem:s8], [sflag:$0x1] =	stream.indirect_vreg.gather [hbm4b:s4+s2], $0x80, v4, vm0, $0xb8;
	[tilespmem:$0x19080] =	vst v63  }
0x58: {  	v3 =	vperm.xlane v3, v2;
	s1 =	rddreg [dreg:$0xf]  }
0x59: {  	[tilespmem:s1], [sflag:$0x1] =	stream.indirect_vreg.gather [hbm4b:s5+s2], $0x80, v4, vm0, $0xb8;
	[tilespmem:$0x19080] =	vst v63  }
0x5a: {  	v3 =	vadd.s32 v1, v3;
	s8 =	rddreg [dreg:$0x10]  }
0x5b: {  	[tilespmem:s8], [sflag:$0x1] =	stream.indirect_vreg.gather [hbm4b:s6+s2], $0x80, v4, vm0, $0xb8;
	[tilespmem:$0x19080] =	vst v63  }
0x5c: {  	s1 =	rddreg [dreg:$0x11]  }
0x5d: {  	[tilespmem:s1], [sflag:$0x1] =	stream.indirect_vreg.gather [hbm4b:s7+s2], $0x80, v4, vm0, $0xb8;
	[tilespmem:$0x19080] =	vst v63  }
0x5e: {  	s8 =	rddreg [dreg:$0x12]  }
0x5f: {  	[tilespmem:s8], [sflag:$0x1] =	stream.indirect_vreg.gather [hbm4b:s3+s2], $0x80, v3, vm0, $0xb8;
	[tilespmem:$0x19080] =	vst v63  }
0x60: {  	s1 =	rddreg [dreg:$0x13]  }
0x61: {  	[tilespmem:s1], [sflag:$0x1] =	stream.indirect_vreg.gather [hbm4b:s4+s2], $0x80, v3, vm0, $0xb8;
	[tilespmem:$0x19080] =	vst v63  }
0x62: {  	s8 =	rddreg [dreg:$0x14]  }
0x63: {  	[tilespmem:s8], [sflag:$0x1] =	stream.indirect_vreg.gather [hbm4b:s5+s2], $0x80, v3, vm0, $0xb8;
	[tilespmem:$0x19080] =	vst v63  }
0x64: {  	s1 =	rddreg [dreg:$0x15]  }
0x65: {  	[tilespmem:s1], [sflag:$0x1] =	stream.indirect_vreg.gather [hbm4b:s6+s2], $0x80, v3, vm0, $0xb8;
	[tilespmem:$0x19080] =	vst v63  }
0x66: {  	s8 =	rddreg [dreg:$0x16]  }
0x67: {  	[tilespmem:s8], [sflag:$0x1] =	stream.indirect_vreg.gather [hbm4b:s7+s2], $0x80, v3, vm0, $0xb8;
	[tilespmem:$0x19080] =	vst v63  }
0x68: {  	v3 =	vld [tilespmem:$0x20];
	_ =	sdelay $0x4  }
0x69: {  	v61 =	vshrl.u32 v3, $0x3  }
0x6a: {  	v4 =	vmul.u32 $0x50, v61  }
0x6b: {  	v3 =	vand.u32 $0x7, v3  }
0x6c: {  	v3 =	vor.u32 v3, v4  }
0x6d: {  	v4 =	vperm.xlane v3, v0;
	_ =	sdelay $0x1  }
0x6e: {  	v4 =	vadd.s32 v1, v4;
	_ =	sdelay $0x2  }
0x6f: {  	s1 =	rddreg [dreg:$0x17]  }
0x70: {  	s8 =	rddreg [dreg:$0x18]  }
0x71: {  	[tilespmem:s1], [sflag:$0x1] =	stream.indirect_vreg.gather [hbm4b:s3+s2], $0x80, v4, vm0, $0xb8;
	[tilespmem:$0x19080] =	vst v63  }
0x72: {  	s1 =	rddreg [dreg:$0x19]  }
0x73: {  	[tilespmem:s8], [sflag:$0x1] =	stream.indirect_vreg.gather [hbm4b:s4+s2], $0x80, v4, vm0, $0xb8;
	[tilespmem:$0x19080] =	vst v63  }
0x74: {  	v3 =	vperm.xlane v3, v2;
	s8 =	rddreg [dreg:$0x1a]  }
0x75: {  	[tilespmem:s1], [sflag:$0x1] =	stream.indirect_vreg.gather [hbm4b:s5+s2], $0x80, v4, vm0, $0xb8;
	[tilespmem:$0x19080] =	vst v63  }
0x76: {  	v3 =	vadd.s32 v1, v3;
	s1 =	rddreg [dreg:$0x1b]  }
0x77: {  	[tilespmem:s8], [sflag:$0x1] =	stream.indirect_vreg.gather [hbm4b:s6+s2], $0x80, v4, vm0, $0xb8;
	[tilespmem:$0x19080] =	vst v63  }
0x78: {  	s8 =	rddreg [dreg:$0x1c]  }
0x79: {  	[tilespmem:s1], [sflag:$0x1] =	stream.indirect_vreg.gather [hbm4b:s7+s2], $0x80, v4, vm0, $0xb8;
	[tilespmem:$0x19080] =	vst v63  }
0x7a: {  	s1 =	rddreg [dreg:$0x1d]  }
0x7b: {  	[tilespmem:s8], [sflag:$0x1] =	stream.indirect_vreg.gather [hbm4b:s3+s2], $0x80, v3, vm0, $0xb8;
	[tilespmem:$0x19080] =	vst v63  }
0x7c: {  	s8 =	rddreg [dreg:$0x1e]  }
0x7d: {  	[tilespmem:s1], [sflag:$0x1] =	stream.indirect_vreg.gather [hbm4b:s4+s2], $0x80, v3, vm0, $0xb8;
	[tilespmem:$0x19080] =	vst v63  }
0x7e: {  	s1 =	rddreg [dreg:$0x1f]  }
0x7f: {  	[tilespmem:s8], [sflag:$0x1] =	stream.indirect_vreg.gather [hbm4b:s5+s2], $0x80, v3, vm0, $0xb8;
	[tilespmem:$0x19080] =	vst v63  }
0x80: {  	s8 =	sld [smem:$0x7F9]  }
0x81: {  	[tilespmem:s1], [sflag:$0x1] =	stream.indirect_vreg.gather [hbm4b:s6+s2], $0x80, v3, vm0, $0xb8;
	[tilespmem:$0x19080] =	vst v63  }
0x82: {  	_ = 	snop  }
0x83: {  	[tilespmem:s8], [sflag:$0x1] =	stream.indirect_vreg.gather [hbm4b:s7+s2], $0x80, v3, vm0, $0xb8;
	[tilespmem:$0x19080] =	vst v63  }
0x84: {  	v3 =	vld [tilespmem:$0x30];
	_ =	sdelay $0x4  }
0x85: {  	v62 =	vshrl.u32 v3, $0x3  }
0x86: {  	v4 =	vmul.u32 $0x50, v62  }
0x87: {  	v3 =	vand.u32 $0x7, v3  }
0x88: {  	v3 =	vor.u32 v3, v4  }
0x89: {  	v4 =	vperm.xlane v3, v0;
	_ =	sdelay $0x1  }
0x8a: {  	v4 =	vadd.s32 v1, v4;
	_ =	sdelay $0x1  }
0x8b: {  	s1 =	sld [smem:$0x7FB];
	_ =	sdelay $0x1  }
0x8c: {  	s8 =	sld [smem:$0x7FC]  }
0x8d: {  	[tilespmem:s1], [sflag:$0x1] =	stream.indirect_vreg.gather [hbm4b:s3+s2], $0x80, v4, vm0, $0xb8;
	[tilespmem:$0x19080] =	vst v63  }
0x8e: {  	s1 =	sld [smem:$0x7FD]  }
0x8f: {  	[tilespmem:s8], [sflag:$0x1] =	stream.indirect_vreg.gather [hbm4b:s4+s2], $0x80, v4, vm0, $0xb8;
	[tilespmem:$0x19080] =	vst v63  }
0x90: {  	v3 =	vperm.xlane v3, v2  }
0x91: {  	[tilespmem:s1], [sflag:$0x1] =	stream.indirect_vreg.gather [hbm4b:s5+s2], $0x80, v4, vm0, $0xb8;
	[tilespmem:$0x19080] =	vst v63  }
0x92: {  	v3 =	vadd.s32 v1, v3  }
0x93: {  	[tilespmem:s12], [sflag:$0x1] =	stream.indirect_vreg.gather [hbm4b:s6+s2], $0x80, v4, vm0, $0xb8;
	[tilespmem:$0x19080] =	vst v63  }
0x94: {  	_ = 	snop  }
0x95: {  	[tilespmem:s13], [sflag:$0x1] =	stream.indirect_vreg.gather [hbm4b:s7+s2], $0x80, v4, vm0, $0xb8;
	[tilespmem:$0x19080] =	vst v63  }
0x96: {  	_ = 	snop  }
0x97: {  	[tilespmem:s14], [sflag:$0x1] =	stream.indirect_vreg.gather [hbm4b:s3+s2], $0x80, v3, vm0, $0xb8;
	[tilespmem:$0x19080] =	vst v63  }
0x98: {  	_ = 	snop  }
0x99: {  	[tilespmem:s15], [sflag:$0x1] =	stream.indirect_vreg.gather [hbm4b:s4+s2], $0x80, v3, vm0, $0xb8;
	[tilespmem:$0x19080] =	vst v63  }
0x9a: {  	_ = 	snop  }
0x9b: {  	[tilespmem:s16], [sflag:$0x1] =	stream.indirect_vreg.gather [hbm4b:s5+s2], $0x80, v3, vm0, $0xb8;
	[tilespmem:$0x19080] =	vst v63  }
0x9c: {  	_ = 	snop  }
0x9d: {  	[tilespmem:s17], [sflag:$0x1] =	stream.indirect_vreg.gather [hbm4b:s6+s2], $0x80, v3, vm0, $0xb8;
	[tilespmem:$0x19080] =	vst v63  }
0x9e: {  	_ = 	snop  }
0x9f: {  	[tilespmem:s18], [sflag:$0x1] =	stream.indirect_vreg.gather [hbm4b:s7+s2], $0x80, v3, vm0, $0xb8;
	[tilespmem:$0x19080] =	vst v63  }
0xa0: {  	v3 =	vld [tilespmem:$0x40];
	_ =	sdelay $0x4  }
0xa1: {  	v63 =	vshrl.u32 v3, $0x3  }
0xa2: {  	v4 =	vmul.u32 $0x50, v63  }
0xa3: {  	v3 =	vand.u32 $0x7, v3  }
0xa4: {  	v3 =	vor.u32 v3, v4  }
0xa5: {  	v4 =	vperm.xlane v3, v0;
	_ =	sdelay $0x1  }
0xa6: {  	v4 =	vadd.s32 v1, v4;
	_ =	sdelay $0x4  }
0xa7: {  	[tilespmem:s19], [sflag:$0x1] =	stream.indirect_vreg.gather [hbm4b:s3+s2], $0x80, v4, vm0, $0xb8;
	[tilespmem:$0x19080] =	vst v63  }
0xa8: {  	_ = 	snop  }
0xa9: {  	[tilespmem:s20], [sflag:$0x1] =	stream.indirect_vreg.gather [hbm4b:s4+s2], $0x80, v4, vm0, $0xb8;
	[tilespmem:$0x19080] =	vst v63  }
0xaa: {  	v3 =	vperm.xlane v3, v2  }
0xab: {  	[tilespmem:s21], [sflag:$0x1] =	stream.indirect_vreg.gather [hbm4b:s5+s2], $0x80, v4, vm0, $0xb8;
	[tilespmem:$0x19080] =	vst v63  }
0xac: {  	v3 =	vadd.s32 v1, v3  }
0xad: {  	[tilespmem:s22], [sflag:$0x1] =	stream.indirect_vreg.gather [hbm4b:s6+s2], $0x80, v4, vm0, $0xb8;
	[tilespmem:$0x19080] =	vst v63  }
0xae: {  	_ = 	snop  }
0xaf: {  	[tilespmem:s23], [sflag:$0x1] =	stream.indirect_vreg.gather [hbm4b:s7+s2], $0x80, v4, vm0, $0xb8;
	[tilespmem:$0x19080] =	vst v63  }
0xb0: {  	_ = 	snop  }
0xb1: {  	[tilespmem:s24], [sflag:$0x1] =	stream.indirect_vreg.gather [hbm4b:s3+s2], $0x80, v3, vm0, $0xb8;
	[tilespmem:$0x19080] =	vst v63  }
0xb2: {  	_ = 	snop  }
0xb3: {  	[tilespmem:s25], [sflag:$0x1] =	stream.indirect_vreg.gather [hbm4b:s4+s2], $0x80, v3, vm0, $0xb8;
	[tilespmem:$0x19080] =	vst v63  }
0xb4: {  	_ = 	snop  }
0xb5: {  	[tilespmem:s26], [sflag:$0x1] =	stream.indirect_vreg.gather [hbm4b:s5+s2], $0x80, v3, vm0, $0xb8;
	[tilespmem:$0x19080] =	vst v63  }
0xb6: {  	_ = 	snop  }
0xb7: {  	[tilespmem:s28], [sflag:$0x1] =	stream.indirect_vreg.gather [hbm4b:s6+s2], $0x80, v3, vm0, $0xb8;
	[tilespmem:$0x19080] =	vst v63  }
0xb8: {  	_ = 	snop  }
0xb9: {  	[tilespmem:s29], [sflag:$0x1] =	stream.indirect_vreg.gather [hbm4b:s7+s2], $0x80, v3, vm0, $0xb8;
	[tilespmem:$0x19080] =	vst v63  }
0xba: {  	_ =	swait.ge [sflag:s30], $0x19000  }
0xbb: {  	p0 =	sne.s32 s0, $0x6E;
	[sflag:s30] =	ssyncset.done $0x0  }
.Ltmp0:
0xbc: {  	[sflag:s30] =	ssyncadd.s32 $0xFFFE7000;
	(pc) =	sbr.rel @p0 .LBB2_2-.Ltmp0, $4  }
0xbd: {  	[hbm4b:s9+s2] =	stream.linear.scatter [tilespmem:s11], [sflag:$0x2], $0x19000, $0x38;
	[tilespmem:$0x19080] =	vst v63  }
0xbe: {  	_ =	swait.ge [sflag:s10], $0x19000  }
0xbf: {  	[sflag:s10] =	ssyncset.done $0x0  }
0xc0: {  	s0 =	sadd.s32 $0xA, s0;
	s9 =	sadd.s32 $0x3200, s9;
	[sflag:s10] =	ssyncadd.s32 $0xFFFE7000  }
0xc1: {  	s0 =	sld [smem:$0x7F8];
	_ =	sdelay $0x1  }
0xc2: {  	s31 =	sadd.s32 $0x1, s31  }
0xc3: {  	p0 =	sne.s32 s31, s0  }
.Ltmp1:
0xc4: {  	_ = 	snop;
	(pc) =	sbr.rel @p0 .LBB2_1-.Ltmp1, $1  }
0xc5: {  	_ =	sdelay $0x3  }
0xc6: {  	_ =	sfence.sel $0x180000  }
0xc7: {  	[bflag:$0x0] =	sbarrier.arrive $0xFFFF  }
0xc8: {  	_ =	strace $0x90000062  }
0xc9: {  	s0 =	stileid.u32;
	[bflag:$0x2] =	sbarrier.arrive $0xFFFF  }
0xca: {  	p0 =	sne.s32 s0, $0x0;
	s0 =	rddreg [dreg:$0x2]  }
0xcb: {  	s0 =	sadd.s32 @!p0 $0x100000, s0  }
0xcc: {  	[sflag:s0] =	ssyncadd.tile.s32 @!p0 $0x1;
	_ =	shalt  }
.Lfunc_end2:
_tile_overlayer_lowered:
.L_overlay_start_2:
0xcd: {  	(tag) =	ssettag $0x2  }
0xce: {  	s0 =	rddreg [dreg:$0x0];
	s2 =	stileid.u32  }
0xcf: {  	s1 =	rddreg [dreg:$0x1];
	p0 =	sne.s32 s2, $0x0  }
0xd0: {  	s3 =	rddreg [dreg:$0x2];
	[bflag:$0x3] =	sbarrier.arrive $0xFFFF;
	s2 =	simm.s32 @!p0 $0x1C02  }
0xd1: {  	[timem:s3], [sflag:s2] =	dma.local @!p0 [hbm:s0], s1  }
0xd2: {  	s0 =	simm.s32 @!p0 $0x2  }
0xd3: {  	_ =	swait.ge @!p0 [sflag:s0], s1  }
0xd4: {  	s1 =	ssub.s32 @!p0 $0x0, s1;
	[sflag:s0] =	ssyncset.done @!p0 $0x0  }
0xd5: {  	[sflag:s0] =	ssyncadd.s32 @!p0 s1  }
0xd6: {  	[bflag:$0x3] =	sbarrier.arrive $0xFFFF  }
0xd7: {  	_ =	shalt  }

// kernel: kernel.46.cloned.1.call-start
scs
__scs_entry_jumppad:
0x0: {  	(pc) =	sbr.rel $0x88, $3  }
0x1: {  	(tag) =	ssettag $0x0;
	lr =	simm.s32 $0x1  }
0x2: {  	[smem:$0x3F9D] =	sst lr;
	_ =	strace $0xD0000000  }
0x3: {  	_ = 	snop  }
0x4: {  	_ = 	snop  }
0x5: {  	_ = 	snop  }
0x6: {  	_ = 	snop  }
0x7: {  	_ = 	snop  }
__scs_overlays_trampoline_lowered:
0x8: {  	[smem:$0x3FAC] =	sst s0  }
0x9: {  	[smem:$0x3FAD] =	sst s1  }
0xa: {  	[smem:$0x3FAE] =	sst s2  }
0xb: {  	[smem:$0x3FAF] =	sst s3  }
0xc: {  	[smem:$0x3FB0] =	sst s4  }
0xd: {  	[smem:$0x3FB1] =	sst s5  }
0xe: {  	[smem:$0x3FB2] =	sst s6  }
0xf: {  	[smem:$0x3FB3] =	sst s7  }
0x10: {  	[smem:$0x3FB4] =	sst s8  }
0x11: {  	[smem:$0x3FB5] =	sst s9;
	s0 =	simm.s32 @!p0 $0x0  }
0x12: {  	s1 =	sld [smem:$0x3F9B];
	s0 =	simm.s32 @p0 $0x1  }
0x13: {  	[smem:$0x3FB6] =	sst s0;
	s0 =	simm.s32 @!p1 $0x0  }
0x14: {  	s2 =	sld [smem:$0x3F9A];
	s0 =	simm.s32 @p1 $0x1  }
0x15: {  	[smem:$0x3FB7] =	sst s0;
	s0 =	simm.s32 @!p2 $0x0  }
0x16: {  	s3 =	sld [smem:$0x3FDB];
	s0 =	simm.s32 @p2 $0x1  }
0x17: {  	s4 =	simm.s32 $0x1BF5;
	[smem:$0x3FB9] =	sst s0  }
0x18: {  	s0 =	sld [smem:$0x3F9C];
	_ =	swait.ge [sflag:s4], $0x0  }
0x19: {  	s7 =	sld [smem:$0x3F9D]  }
0x1a: {  	s8 =	sadd.s32 $0xFFFFE003, lr  }
0x1b: {  	s9 =	sadd.s32 $0xFFFFFEF7, lr;
	s5 =	simm.s32 $0xFFFFFFFF;
	p2 =	slt.u32 s8, $0xFFFFF086  }
0x1c: {  	p1 =	slt.u32 s9, $0xF7A;
	s5 =	simm.s32 @!p2 $0x0  }
0x1d: {  	s5 =	simm.s32 @p1 $0x1;
	p0 =	seq.s32 s7, s2  }
0x1e: {  	s7 =	smul.u32 @!p0 $0xF7A, s2;
	p2 =	seq.s32 @!p0 s5, $0x0  }
0x1f: {  	s9 =	smul.u32 $0xF7A, s1;
	s8 =	simm.s32 @!p0 $0x1BF5;
	p2 =	por !p2, p0  }
0x20: {  	[sflag:s8] =	ssyncset.s32 @!p0 $0xFFFFF086;
	s6 =	sadd.s32 @!p0 s3, s7;
	s7 =	simm.s32 @!p0 $0x108  }
0x21: {  	s3 =	sadd.s32 s3, s9;
	s6 =	sadd.s32 @!p0 $0x88, s6;
	s7 =	simm.s32 @p2 $0x1082  }
0x22: {  	[simem:s7], [sflag:s8] =	dma.local @!p0 [hbm:s6], $0xF7A  }
0x23: {  	s9 =	sor.u32 $0xD0000000, s2;
	s6 =	simm.s32 $0x108;
	_ =	swait.ge @!p0 [sflag:s8], $0x0  }
0x24: {  	s3 =	sadd.s32 $0x88, s3;
	s6 =	simm.s32 @!p1 $0x1082;
	[sflag:s4] =	ssyncset.s32 $0xFFFFF086  }
0x25: {  	[simem:s6], [sflag:s4] =	dma.local [hbm:s3], $0xF7A  }
0x26: {  	[smem:$0x3F9D] =	sst s1;
	(tag) =	ssettag s2;
	_ =	strace s9  }
0x27: {  	s1 =	sld [smem:$0x3FAD]  }
0x28: {  	s2 =	sld [smem:$0x3FAE]  }
0x29: {  	s4 =	sld [smem:$0x3FB0]  }
0x2a: {  	p0 =	seq.s32 s5, $0x0;
	s5 =	sld [smem:$0x3FB1]  }
0x2b: {  	s6 =	sld [smem:$0x3FB2]  }
0x2c: {  	s7 =	sld [smem:$0x3FB3]  }
0x2d: {  	s3 =	simm.s32 $0x108;
	s8 =	sld [smem:$0x3FB4]  }
0x2e: {  	s3 =	simm.s32 @!p0 $0x1082;
	s9 =	sld [smem:$0x3FB5]  }
0x2f: {  	lr =	sadd.s32 s0, s3;
	s0 =	sld [smem:$0x3FAC]  }
0x30: {  	s3 =	sld [smem:$0x3FAF]  }
0x31: {  	[smem:$0x3FB8] =	sst s10  }
0x32: {  	s10 =	sld [smem:$0x3FB6];
	_ =	sdelay $0x3  }
0x33: {  	p0 =	seq.s32 s10, $0x1;
	s10 =	sld [smem:$0x3FB8];
	_ =	sdelay $0x3  }
0x34: {  	[smem:$0x3FB8] =	sst s10  }
0x35: {  	s10 =	sld [smem:$0x3FB7];
	_ =	sdelay $0x3  }
0x36: {  	p1 =	seq.s32 s10, $0x1;
	s10 =	sld [smem:$0x3FB8];
	_ =	sdelay $0x3  }
0x37: {  	[smem:$0x3FB8] =	sst s10  }
0x38: {  	s10 =	sld [smem:$0x3FB9]  }
0x39: {  	_ = 	snop;
	(pc) =	sbr.ind lr, $3  }
0x3a: {  	_ = 	snop  }
0x3b: {  	_ = 	snop  }
0x3c: {  	p2 =	seq.s32 s10, $0x1;
	s10 =	sld [smem:$0x3FB8]  }
0x3d: {  	_ =	shalt  }
0x3e: {  	_ =	shalt  }
0x3f: {  	_ =	shalt  }
0x40: {  	_ =	shalt  }
0x41: {  	_ =	shalt  }
0x42: {  	_ =	shalt  }
0x43: {  	_ =	shalt  }
0x44: {  	_ =	shalt  }
0x45: {  	_ =	shalt  }
0x46: {  	_ =	shalt  }
0x47: {  	_ =	shalt  }
0x48: {  	_ =	shalt  }
0x49: {  	_ =	shalt  }
0x4a: {  	_ =	shalt  }
0x4b: {  	_ =	shalt  }
0x4c: {  	_ =	shalt  }
0x4d: {  	_ =	shalt  }
0x4e: {  	_ =	shalt  }
0x4f: {  	_ =	shalt  }
0x50: {  	_ =	shalt  }
0x51: {  	_ =	shalt  }
0x52: {  	_ =	shalt  }
0x53: {  	_ =	shalt  }
0x54: {  	_ =	shalt  }
0x55: {  	_ =	shalt  }
0x56: {  	_ =	shalt  }
0x57: {  	_ =	shalt  }
0x58: {  	_ =	shalt  }
0x59: {  	_ =	shalt  }
0x5a: {  	_ =	shalt  }
0x5b: {  	_ =	shalt  }
0x5c: {  	_ =	shalt  }
0x5d: {  	_ =	shalt  }
0x5e: {  	_ =	shalt  }
0x5f: {  	_ =	shalt  }
0x60: {  	_ =	shalt  }
0x61: {  	_ =	shalt  }
0x62: {  	_ =	shalt  }
0x63: {  	_ =	shalt  }
0x64: {  	_ =	shalt  }
0x65: {  	_ =	shalt  }
0x66: {  	_ =	shalt  }
0x67: {  	_ =	shalt  }
0x68: {  	_ =	shalt  }
0x69: {  	_ =	shalt  }
0x6a: {  	_ =	shalt  }
0x6b: {  	_ =	shalt  }
0x6c: {  	_ =	shalt  }
0x6d: {  	_ =	shalt  }
0x6e: {  	_ =	shalt  }
0x6f: {  	_ =	shalt  }
0x70: {  	_ =	shalt  }
0x71: {  	_ =	shalt  }
0x72: {  	_ =	shalt  }
0x73: {  	_ =	shalt  }
0x74: {  	_ =	shalt  }
0x75: {  	_ =	shalt  }
0x76: {  	_ =	shalt  }
0x77: {  	_ =	shalt  }
0x78: {  	_ =	shalt  }
0x79: {  	_ =	shalt  }
0x7a: {  	_ =	shalt  }
0x7b: {  	_ =	shalt  }
0x7c: {  	_ =	shalt  }
0x7d: {  	_ =	shalt  }
0x7e: {  	_ =	shalt  }
0x7f: {  	_ =	shalt  }
0x80: {  	_ =	shalt  }
0x81: {  	_ =	shalt  }
0x82: {  	_ =	shalt  }
0x83: {  	_ =	shalt  }
0x84: {  	_ =	shalt  }
0x85: {  	_ =	shalt  }
0x86: {  	_ =	shalt  }
0x87: {  	_ =	shalt  }
.Lfunc_end0:
.L_simem_size_0:
called_computation.11_lowered:
.L_overlay_start_0:
0x88: {  	s2 =	sld [smem:$0x3FD9]  }
0x89: {  	s3 =	sld [smem:$0x3FFE];
	_ =	sdelay $0x1  }
0x8a: {  	s1 =	srdreg.scid  }
0x8b: {  	s0 =	sand.u32 $0x1, s1  }
0x8c: {  	s14 =	sshll.u32 s0, $0xA;
	s2 =	sadd.s32 s3, s2  }
0x8d: {  	s2 =	sadd.s32 s2, s14  }
0x8e: {  	[smem:$0x3FC4] =	sst s2  }
0x8f: {  	_ = 	snop  }
0x90: {  	s2 =	sld [smem:$0x3FD0];
	_ =	sdelay $0x2  }
0x91: {  	s15 =	simm.s32 $0xB;
	s4 =	simm.s32 $0x10  }
0x92: {  	[smem:s4], [sflag:s15] =	dma.local [hbm:s2], $0x1  }
0x93: {  	_ =	swait.eq [sflag:s15], $0x1  }
0x94: {  	[sflag:s15] =	ssyncset.done $0x0  }
0x95: {  	[sflag:s15] =	ssyncadd.s32 $0xFFFFFFFF  }
0x96: {  	s16 =	sld [smem:$0x12];
	(tm) =	ssettm $0x1  }
0x97: {  	s17 =	sld [smem:$0x3FFB];
	_ =	sdelay $0x3  }
0x98: {  	_ =	strace s17  }
0x99: {  	s3 =	sld [smem:$0x3FFC];
	_ =	sdelay $0x3  }
0x9a: {  	_ =	strace s3  }
0x9b: {  	s3 =	sld [smem:$0x3FFD];
	_ =	sdelay $0x3  }
0x9c: {  	_ =	strace s3  }
0x9d: {  	_ =	strace $0x8FFFFFFF  }
0x9e: {  	s18 =	sld [smem:$0x3FDB];
	_ =	sdelay $0x1  }
0x9f: {  	s19 =	simm.s32 $_scs_section_size  }
0xa0: {  	s5 =	simm.s32 $_size__tile_overlayer_lowered;
	s6 =	simm.s32 $_tile_overlayer_lowered  }
0xa1: {  	s22 =	simm.s32 $0x1BFF;
	s21 =	sshll.u32 s6, $0x1;
	s3 =	sadd.s32 s19, s18  }
0xa2: {  	s7 =	simm.s32 $0x0;
	s20 =	sshll.u32 s5, $0x1;
	s5 =	sadd.s32 s21, s3  }
0xa3: {  	[timem:s7], [sflag:s22] =	dma.local [hbm:s5], s20  }
0xa4: {  	_ =	swait.ge [sflag:s22], s20  }
0xa5: {  	s4 =	ssub.s32 $0x0, s20;
	[sflag:s22] =	ssyncset.done $0x0  }
0xa6: {  	[sflag:s22] =	ssyncadd.s32 s4;
	_ =	sdelay $0x1  }
0xa7: {  	s23 =	simm.s32 $0x1B8B  }
0xa8: {  	_ =	swait.ge [sflag:s23], $0x1  }
0xa9: {  	[sflag:s23] =	ssyncset.done $0x0  }
0xaa: {  	s25 =	simm.s32 $0x1B8E;
	s24 =	sld [smem:$0x3FFE];
	[sflag:s23] =	ssyncadd.s32 $0xFFFFFFFF  }
0xab: {  	s26 =	simm.s32 $execute0_lowered;
	[smem:$0x3FD2] =	sst s25  }
0xac: {  	s5 =	sshll.u32 s26, $0x1;
	_ =	strace $0x80000064;
	[dreg:$0x1] =	wrdreg $0xFFFFFFFF  }
0xad: {  	s28 =	simm.s32 $_size_execute0_lowered;
	s3 =	sadd.s32 s3, s5;
	[dreg:$0x0] =	wrdreg $0x0  }
0xae: {  	s5 =	sshll.u32 s28, $0x1;
	[dreg:$0x2] =	wrdreg s3  }
0xaf: {  	[dreg:$0x3] =	wrdreg s5  }
0xb0: {  	[dreg:$0x4] =	wrdreg $0xC0  }
0xb1: {  	_ =	task [dreg:s7], $0x5FFFF  }
0xb2: {  	[dreg:$0x1] =	wrdreg $0xFFFFFFFF  }
0xb3: {  	[dreg:$0x0] =	wrdreg $0x60  }
0xb4: {  	[dreg:$0x2] =	wrdreg s24  }
0xb5: {  	[dreg:$0x3] =	wrdreg s16  }
0xb6: {  	[dreg:$0x4] =	wrdreg $0x9  }
0xb7: {  	_ =	task.clear_ibuf [dreg:s7], $0x5FFFF;
	_ =	strace $0x90000064  }
0xb8: {  	s29 =	simm.s32 $0x9;
	_ =	strace $0x80000066  }
0xb9: {  	_ =	swait.ge [sflag:s29], $0x1  }
0xba: {  	[sflag:s29] =	ssyncadd.s32 $0xFFFFFFFF  }
0xbb: {  	_ =	strace $0x90000066  }
0xbc: {  	_ =	sfence  }
0xbd: {  	s30 =	sld [smem:$0x0];
	_ =	sdelay $0x2  }
0xbe: {  	s31 =	sshll.u32 s1, $0xD;
	s1 =	sshrl.u32 s1, $0x2  }
0xbf: {  	s3 =	sand.u32 $0x4000, s31;
	s1 =	sadd.s32 s1, s30  }
0xc0: {  	s0 =	sor.u32 s3, s0;
	s1 =	sshll.u32 s1, $0x11  }
0xc1: {  	s0 =	sor.u32 s1, s0  }
0xc2: {  	s0 =	sadd.s32 $0x8F2B, s0  }
0xc3: {  	[sflag:s0] =	ssyncadd.remote.s32 $0x1  }
0xc4: {  	_ =	sfence.sel $0xFFFF  }
0xc5: {  	[dreg:$0x0] =	wrdreg $0xFFFFFFFF;
	(pc) =	sbr.abs _section_cstart, $3  }
0xc6: {  	[dreg:$0x1] =	wrdreg $0xFFFFFFFF  }
0xc7: {  	_ =	task.clear_ibuf [dreg:s7], $0x2FFFF;
	_ =	strace $0x9FFFFFFF  }
0xc8: {  	(tm) =	ssettm $0x7FFFFFFF  }
0xc9: {  	_ =	shalt  }
tec
execute0_lowered:
.L_overlay_start_1:
0x0: {  	(tag) =	ssettag $0x1  }
0x1: {  	s0 =	srdreg.scid  }
0x2: {  	s2 =	stileid.u32;
	s5 =	rddreg [dreg:$0x1];
	s1 =	sand.u32 $0x1, s0  }
0x3: {  	s3 =	smul.u32 $0x780, s2;
	s0 =	rddreg [dreg:$0x0];
	s2 =	simm.s32 $0x0  }
0x4: {  	s17 =	simm.s32 $0x880;
	[smem:$0x7FF] =	sst s2  }
0x5: {  	s18 =	simm.s32 $0x1080;
	_ =	strace $0x80000065;
	[dreg:$0x4] =	wrdreg s17  }
0x6: {  	s19 =	simm.s32 $0x1880;
	[dreg:$0x5] =	wrdreg s18  }
0x7: {  	s20 =	simm.s32 $0x2080;
	[dreg:$0x6] =	wrdreg s19  }
0x8: {  	s21 =	simm.s32 $0x2880;
	[dreg:$0x7] =	wrdreg s20  }
0x9: {  	s22 =	simm.s32 $0x3080;
	[dreg:$0x8] =	wrdreg s21  }
0xa: {  	s23 =	simm.s32 $0x3880;
	[dreg:$0x9] =	wrdreg s22  }
0xb: {  	s24 =	simm.s32 $0x4080;
	[dreg:$0xa] =	wrdreg s23  }
0xc: {  	s25 =	simm.s32 $0x4880;
	[dreg:$0xb] =	wrdreg s24  }
0xd: {  	s26 =	simm.s32 $0x5080;
	[dreg:$0xc] =	wrdreg s25  }
0xe: {  	s6 =	simm.s32 $0x6080;
	[dreg:$0xd] =	wrdreg s26  }
0xf: {  	s7 =	simm.s32 $0x6880;
	[dreg:$0xf] =	wrdreg s6  }
0x10: {  	s8 =	simm.s32 $0x7080;
	[dreg:$0x10] =	wrdreg s7  }
0x11: {  	s9 =	simm.s32 $0x7880;
	[dreg:$0x11] =	wrdreg s8  }
0x12: {  	s10 =	simm.s32 $0x8080;
	[dreg:$0x12] =	wrdreg s9  }
0x13: {  	s11 =	simm.s32 $0x8880;
	s12 =	simm.s32 $0x9080;
	[dreg:$0x13] =	wrdreg s10  }
0x14: {  	s13 =	simm.s32 $0x9880;
	s15 =	simm.s32 $0xA080;
	[dreg:$0x14] =	wrdreg s11  }
0x15: {  	s28 =	simm.s32 $0x18080;
	s29 =	simm.s32 $0x18880;
	[dreg:$0x15] =	wrdreg s12  }
0x16: {  	s30 =	simm.s32 $0x1;
	s31 =	simm.s32 $0x0;
	[dreg:$0x16] =	wrdreg s13  }
0x17: {  	s4 =	smul.u32 $0x3C0, s1;
	[dreg:$0x17] =	wrdreg s15;
	s17 =	simm.s32 $0xB080  }
0x18: {  	s1 =	ssub.s32 $0x2, s1;
	s18 =	simm.s32 $0xB880;
	[dreg:$0x19] =	wrdreg s17  }
0x19: {  	s19 =	sshrl.u32 s1, $0x1;
	s20 =	simm.s32 $0xC080;
	[dreg:$0x1a] =	wrdreg s18  }
0x1a: {  	s21 =	simm.s32 $0xC880;
	s6 =	simm.s32 $0xD080;
	[dreg:$0x1b] =	wrdreg s20  }
0x1b: {  	s7 =	simm.s32 $0xD880;
	s8 =	simm.s32 $0xE080;
	[dreg:$0x1c] =	wrdreg s21  }
0x1c: {  	s22 =	simm.s32 $0xE880;
	s23 =	simm.s32 $0xF080;
	[dreg:$0x1d] =	wrdreg s6  }
0x1d: {  	s25 =	simm.s32 $0xF880;
	s10 =	simm.s32 $0x2;
	[dreg:$0x1e] =	wrdreg s7  }
0x1e: {  	s26 =	simm.s32 $0x10080;
	s11 =	simm.s32 $0x80;
	[dreg:$0x1f] =	wrdreg s8  }
0x1f: {  	s12 =	simm.s32 $0x10880;
	s13 =	simm.s32 $0x11080;
	[smem:$0x7F9] =	sst s22  }
0x20: {  	s3 =	sadd.s32 s4, s3;
	s4 =	sadd.s32 $0x7C9500, s0;
	[smem:$0x7FB] =	sst s23  }
0x21: {  	s15 =	simm.s32 $0x12080;
	s6 =	sadd.s32 $0x7C9700, s0;
	[smem:$0x7FC] =	sst s25  }
0x22: {  	s1 =	ssub.s32 s1, s19;
	s7 =	sadd.s32 $0x7C9800, s0;
	[smem:$0x7FD] =	sst s26  }
0x23: {  	s17 =	simm.s32 $0x13080;
	s18 =	simm.s32 $0x13880;
	s19 =	simm.s32 $0x14080  }
0x24: {  	s20 =	simm.s32 $0x14880;
	s21 =	simm.s32 $0x15080;
	s22 =	simm.s32 $0x15880  }
0x25: {  	s23 =	simm.s32 $0x16080;
	s3 =	sshrl.u32 s3, $0x3;
	s1 =	smax.u32 s1, $0x1  }
0x26: {  	s25 =	simm.s32 $0x17080;
	s16 =	sadd.s32 s3, s5;
	[smem:$0x7F8] =	sst s1  }
0x27: {  	s5 =	simm.s32 $0x5880;
	s14 =	smul.u32 $0x500, s3;
	[dreg:$0x3] =	wrdreg s16  }
0x28: {  	s26 =	simm.s32 $0x17880;
	s3 =	sadd.s32 $0x7C9400, s0;
	[dreg:$0xe] =	wrdreg s5  }
0x29: {  	v2 =	vlaneseq.u32;
	s16 =	simm.s32 $0xA880;
	s5 =	sadd.s32 $0x7C9600, s0;
	s9 =	sadd.s32 s14, s0  }
0x2a: {  	vm0 =	vmmov $0xffff;
	v1 =	vshrl.u32 v2, $0x3;
	[dreg:$0x18] =	wrdreg s16;
	s14 =	simm.s32 $0x11880;
	s24 =	sadd.s32 $0x319400, s9  }
0x2b: {  	v0 =	vand.u32 $0x7, v2;
	v2 =	vor.u32 $0x8, v2;
	v1 =	vmul.u32 $0x8, v1;
	s16 =	simm.s32 $0x12880;
	[smem:$0x7FA] =	sst s24;
	s24 =	simm.s32 $0x16880  }
.LBB2_1:
0x2c: {  	s9 =	sld [smem:$0x7FA];
	s0 =	simm.s32 $0x0  }
.LBB2_2:
0x2d: {  	s8 =	rddreg [dreg:$0x3]  }
0x2e: {  	s8 =	sadd.s32 s0, s8  }
0x2f: {  	[tilespmem:s2], [sflag:$0x2] =	stream.linear.gather [hbm4b:s8+s2], $0x50, $0x38;
	[tilespmem:$0x19080] =	vst v63  }
0x30: {  	_ =	swait.ge [sflag:s10], $0x50  }
0x31: {  	[sflag:s10] =	ssyncset.done $0x0  }
0x32: {  	[sflag:s10] =	ssyncadd.s32 $0xFFFFFFB0  }
0x33: {  	v3 =	vld [tilespmem:$0x0];
	_ =	sdelay $0x4  }
0x34: {  	v4 =	vshrl.u32 v3, $0x3  }
0x35: {  	v4 =	vmul.u32 $0x50, v4  }
0x36: {  	v3 =	vand.u32 $0x7, v3  }
0x37: {  	v3 =	vor.u32 v3, v4  }
0x38: {  	v4 =	vperm.xlane v3, v0;
	_ =	sdelay $0x1  }
0x39: {  	v4 =	vadd.s32 v1, v4;
	_ =	sdelay $0x4  }
0x3a: {  	[tilespmem:s11], [sflag:$0x1] =	stream.indirect_vreg.gather [hbm4b:s3+s2], $0x80, v4, vm0, $0xb8;
	[tilespmem:$0x19080] =	vst v63  }
0x3b: {  	s8 =	rddreg [dreg:$0x4]  }
0x3c: {  	[tilespmem:s8], [sflag:$0x1] =	stream.indirect_vreg.gather [hbm4b:s4+s2], $0x80, v4, vm0, $0xb8;
	[tilespmem:$0x19080] =	vst v63  }
0x3d: {  	s1 =	rddreg [dreg:$0x5];
	v3 =	vperm.xlane v3, v2  }
0x3e: {  	[tilespmem:s1], [sflag:$0x1] =	stream.indirect_vreg.gather [hbm4b:s5+s2], $0x80, v4, vm0, $0xb8;
	[tilespmem:$0x19080] =	vst v63  }
0x3f: {  	v3 =	vadd.s32 v1, v3;
	s8 =	rddreg [dreg:$0x6]  }
0x40: {  	[tilespmem:s8], [sflag:$0x1] =	stream.indirect_vreg.gather [hbm4b:s6+s2], $0x80, v4, vm0, $0xb8;
	[tilespmem:$0x19080] =	vst v63  }
0x41: {  	s1 =	rddreg [dreg:$0x7]  }
0x42: {  	[tilespmem:s1], [sflag:$0x1] =	stream.indirect_vreg.gather [hbm4b:s7+s2], $0x80, v4, vm0, $0xb8;
	[tilespmem:$0x19080] =	vst v63  }
0x43: {  	s8 =	rddreg [dreg:$0x8]  }
0x44: {  	[tilespmem:s8], [sflag:$0x1] =	stream.indirect_vreg.gather [hbm4b:s3+s2], $0x80, v3, vm0, $0xb8;
	[tilespmem:$0x19080] =	vst v63  }
0x45: {  	s1 =	rddreg [dreg:$0x9]  }
0x46: {  	[tilespmem:s1], [sflag:$0x1] =	stream.indirect_vreg.gather [hbm4b:s4+s2], $0x80, v3, vm0, $0xb8;
	[tilespmem:$0x19080] =	vst v63  }
0x47: {  	s8 =	rddreg [dreg:$0xa]  }
0x48: {  	[tilespmem:s8], [sflag:$0x1] =	stream.indirect_vreg.gather [hbm4b:s5+s2], $0x80, v3, vm0, $0xb8;
	[tilespmem:$0x19080] =	vst v63  }
0x49: {  	s1 =	rddreg [dreg:$0xb]  }
0x4a: {  	[tilespmem:s1], [sflag:$0x1] =	stream.indirect_vreg.gather [hbm4b:s6+s2], $0x80, v3, vm0, $0xb8;
	[tilespmem:$0x19080] =	vst v63  }
0x4b: {  	s8 =	rddreg [dreg:$0xc]  }
0x4c: {  	[tilespmem:s8], [sflag:$0x1] =	stream.indirect_vreg.gather [hbm4b:s7+s2], $0x80, v3, vm0, $0xb8;
	[tilespmem:$0x19080] =	vst v63  }
0x4d: {  	v3 =	vld [tilespmem:$0x10];
	_ =	sdelay $0x4  }
0x4e: {  	v60 =	vshrl.u32 v3, $0x3  }
0x4f: {  	v4 =	vmul.u32 $0x50, v60  }
0x50: {  	v3 =	vand.u32 $0x7, v3  }
0x51: {  	v3 =	vor.u32 v3, v4  }
0x52: {  	v4 =	vperm.xlane v3, v0;
	_ =	sdelay $0x1  }
0x53: {  	v4 =	vadd.s32 v1, v4;
	_ =	sdelay $0x3  }
0x54: {  	s1 =	rddreg [dreg:$0xd]  }
0x55: {  	[tilespmem:s1], [sflag:$0x1] =	stream.indirect_vreg.gather [hbm4b:s3+s2], $0x80, v4, vm0, $0xb8;
	[tilespmem:$0x19080] =	vst v63  }
0x56: {  	s8 =	rddreg [dreg:$0xe]  }
0x57: {  	[tilespmem:s8], [sflag:$0x1] =	stream.indirect_vreg.gather [hbm4b:s4+s2], $0x80, v4, vm0, $0xb8;
	[tilespmem:$0x19080] =	vst v63  }
0x58: {  	v3 =	vperm.xlane v3, v2;
	s1 =	rddreg [dreg:$0xf]  }
0x59: {  	[tilespmem:s1], [sflag:$0x1] =	stream.indirect_vreg.gather [hbm4b:s5+s2], $0x80, v4, vm0, $0xb8;
	[tilespmem:$0x19080] =	vst v63  }
0x5a: {  	v3 =	vadd.s32 v1, v3;
	s8 =	rddreg [dreg:$0x10]  }
0x5b: {  	[tilespmem:s8], [sflag:$0x1] =	stream.indirect_vreg.gather [hbm4b:s6+s2], $0x80, v4, vm0, $0xb8;
	[tilespmem:$0x19080] =	vst v63  }
0x5c: {  	s1 =	rddreg [dreg:$0x11]  }
0x5d: {  	[tilespmem:s1], [sflag:$0x1] =	stream.indirect_vreg.gather [hbm4b:s7+s2], $0x80, v4, vm0, $0xb8;
	[tilespmem:$0x19080] =	vst v63  }
0x5e: {  	s8 =	rddreg [dreg:$0x12]  }
0x5f: {  	[tilespmem:s8], [sflag:$0x1] =	stream.indirect_vreg.gather [hbm4b:s3+s2], $0x80, v3, vm0, $0xb8;
	[tilespmem:$0x19080] =	vst v63  }
0x60: {  	s1 =	rddreg [dreg:$0x13]  }
0x61: {  	[tilespmem:s1], [sflag:$0x1] =	stream.indirect_vreg.gather [hbm4b:s4+s2], $0x80, v3, vm0, $0xb8;
	[tilespmem:$0x19080] =	vst v63  }
0x62: {  	s8 =	rddreg [dreg:$0x14]  }
0x63: {  	[tilespmem:s8], [sflag:$0x1] =	stream.indirect_vreg.gather [hbm4b:s5+s2], $0x80, v3, vm0, $0xb8;
	[tilespmem:$0x19080] =	vst v63  }
0x64: {  	s1 =	rddreg [dreg:$0x15]  }
0x65: {  	[tilespmem:s1], [sflag:$0x1] =	stream.indirect_vreg.gather [hbm4b:s6+s2], $0x80, v3, vm0, $0xb8;
	[tilespmem:$0x19080] =	vst v63  }
0x66: {  	s8 =	rddreg [dreg:$0x16]  }
0x67: {  	[tilespmem:s8], [sflag:$0x1] =	stream.indirect_vreg.gather [hbm4b:s7+s2], $0x80, v3, vm0, $0xb8;
	[tilespmem:$0x19080] =	vst v63  }
0x68: {  	v3 =	vld [tilespmem:$0x20];
	_ =	sdelay $0x4  }
0x69: {  	v61 =	vshrl.u32 v3, $0x3  }
0x6a: {  	v4 =	vmul.u32 $0x50, v61  }
0x6b: {  	v3 =	vand.u32 $0x7, v3  }
0x6c: {  	v3 =	vor.u32 v3, v4  }
0x6d: {  	v4 =	vperm.xlane v3, v0;
	_ =	sdelay $0x1  }
0x6e: {  	v4 =	vadd.s32 v1, v4;
	_ =	sdelay $0x2  }
0x6f: {  	s1 =	rddreg [dreg:$0x17]  }
0x70: {  	s8 =	rddreg [dreg:$0x18]  }
0x71: {  	[tilespmem:s1], [sflag:$0x1] =	stream.indirect_vreg.gather [hbm4b:s3+s2], $0x80, v4, vm0, $0xb8;
	[tilespmem:$0x19080] =	vst v63  }
0x72: {  	s1 =	rddreg [dreg:$0x19]  }
0x73: {  	[tilespmem:s8], [sflag:$0x1] =	stream.indirect_vreg.gather [hbm4b:s4+s2], $0x80, v4, vm0, $0xb8;
	[tilespmem:$0x19080] =	vst v63  }
0x74: {  	v3 =	vperm.xlane v3, v2;
	s8 =	rddreg [dreg:$0x1a]  }
0x75: {  	[tilespmem:s1], [sflag:$0x1] =	stream.indirect_vreg.gather [hbm4b:s5+s2], $0x80, v4, vm0, $0xb8;
	[tilespmem:$0x19080] =	vst v63  }
0x76: {  	v3 =	vadd.s32 v1, v3;
	s1 =	rddreg [dreg:$0x1b]  }
0x77: {  	[tilespmem:s8], [sflag:$0x1] =	stream.indirect_vreg.gather [hbm4b:s6+s2], $0x80, v4, vm0, $0xb8;
	[tilespmem:$0x19080] =	vst v63  }
0x78: {  	s8 =	rddreg [dreg:$0x1c]  }
0x79: {  	[tilespmem:s1], [sflag:$0x1] =	stream.indirect_vreg.gather [hbm4b:s7+s2], $0x80, v4, vm0, $0xb8;
	[tilespmem:$0x19080] =	vst v63  }
0x7a: {  	s1 =	rddreg [dreg:$0x1d]  }
0x7b: {  	[tilespmem:s8], [sflag:$0x1] =	stream.indirect_vreg.gather [hbm4b:s3+s2], $0x80, v3, vm0, $0xb8;
	[tilespmem:$0x19080] =	vst v63  }
0x7c: {  	s8 =	rddreg [dreg:$0x1e]  }
0x7d: {  	[tilespmem:s1], [sflag:$0x1] =	stream.indirect_vreg.gather [hbm4b:s4+s2], $0x80, v3, vm0, $0xb8;
	[tilespmem:$0x19080] =	vst v63  }
0x7e: {  	s1 =	rddreg [dreg:$0x1f]  }
0x7f: {  	[tilespmem:s8], [sflag:$0x1] =	stream.indirect_vreg.gather [hbm4b:s5+s2], $0x80, v3, vm0, $0xb8;
	[tilespmem:$0x19080] =	vst v63  }
0x80: {  	s8 =	sld [smem:$0x7F9]  }
0x81: {  	[tilespmem:s1], [sflag:$0x1] =	stream.indirect_vreg.gather [hbm4b:s6+s2], $0x80, v3, vm0, $0xb8;
	[tilespmem:$0x19080] =	vst v63  }
0x82: {  	_ = 	snop  }
0x83: {  	[tilespmem:s8], [sflag:$0x1] =	stream.indirect_vreg.gather [hbm4b:s7+s2], $0x80, v3, vm0, $0xb8;
	[tilespmem:$0x19080] =	vst v63  }
0x84: {  	v3 =	vld [tilespmem:$0x30];
	_ =	sdelay $0x4  }
0x85: {  	v62 =	vshrl.u32 v3, $0x3  }
0x86: {  	v4 =	vmul.u32 $0x50, v62  }
0x87: {  	v3 =	vand.u32 $0x7, v3  }
0x88: {  	v3 =	vor.u32 v3, v4  }
0x89: {  	v4 =	vperm.xlane v3, v0;
	_ =	sdelay $0x1  }
0x8a: {  	v4 =	vadd.s32 v1, v4;
	_ =	sdelay $0x1  }
0x8b: {  	s1 =	sld [smem:$0x7FB];
	_ =	sdelay $0x1  }
0x8c: {  	s8 =	sld [smem:$0x7FC]  }
0x8d: {  	[tilespmem:s1], [sflag:$0x1] =	stream.indirect_vreg.gather [hbm4b:s3+s2], $0x80, v4, vm0, $0xb8;
	[tilespmem:$0x19080] =	vst v63  }
0x8e: {  	s1 =	sld [smem:$0x7FD]  }
0x8f: {  	[tilespmem:s8], [sflag:$0x1] =	stream.indirect_vreg.gather [hbm4b:s4+s2], $0x80, v4, vm0, $0xb8;
	[tilespmem:$0x19080] =	vst v63  }
0x90: {  	v3 =	vperm.xlane v3, v2  }
0x91: {  	[tilespmem:s1], [sflag:$0x1] =	stream.indirect_vreg.gather [hbm4b:s5+s2], $0x80, v4, vm0, $0xb8;
	[tilespmem:$0x19080] =	vst v63  }
0x92: {  	v3 =	vadd.s32 v1, v3  }
0x93: {  	[tilespmem:s12], [sflag:$0x1] =	stream.indirect_vreg.gather [hbm4b:s6+s2], $0x80, v4, vm0, $0xb8;
	[tilespmem:$0x19080] =	vst v63  }
0x94: {  	_ = 	snop  }
0x95: {  	[tilespmem:s13], [sflag:$0x1] =	stream.indirect_vreg.gather [hbm4b:s7+s2], $0x80, v4, vm0, $0xb8;
	[tilespmem:$0x19080] =	vst v63  }
0x96: {  	_ = 	snop  }
0x97: {  	[tilespmem:s14], [sflag:$0x1] =	stream.indirect_vreg.gather [hbm4b:s3+s2], $0x80, v3, vm0, $0xb8;
	[tilespmem:$0x19080] =	vst v63  }
0x98: {  	_ = 	snop  }
0x99: {  	[tilespmem:s15], [sflag:$0x1] =	stream.indirect_vreg.gather [hbm4b:s4+s2], $0x80, v3, vm0, $0xb8;
	[tilespmem:$0x19080] =	vst v63  }
0x9a: {  	_ = 	snop  }
0x9b: {  	[tilespmem:s16], [sflag:$0x1] =	stream.indirect_vreg.gather [hbm4b:s5+s2], $0x80, v3, vm0, $0xb8;
	[tilespmem:$0x19080] =	vst v63  }
0x9c: {  	_ = 	snop  }
0x9d: {  	[tilespmem:s17], [sflag:$0x1] =	stream.indirect_vreg.gather [hbm4b:s6+s2], $0x80, v3, vm0, $0xb8;
	[tilespmem:$0x19080] =	vst v63  }
0x9e: {  	_ = 	snop  }
0x9f: {  	[tilespmem:s18], [sflag:$0x1] =	stream.indirect_vreg.gather [hbm4b:s7+s2], $0x80, v3, vm0, $0xb8;
	[tilespmem:$0x19080] =	vst v63  }
0xa0: {  	v3 =	vld [tilespmem:$0x40];
	_ =	sdelay $0x4  }
0xa1: {  	v63 =	vshrl.u32 v3, $0x3  }
0xa2: {  	v4 =	vmul.u32 $0x50, v63  }
0xa3: {  	v3 =	vand.u32 $0x7, v3  }
0xa4: {  	v3 =	vor.u32 v3, v4  }
0xa5: {  	v4 =	vperm.xlane v3, v0;
	_ =	sdelay $0x1  }
0xa6: {  	v4 =	vadd.s32 v1, v4;
	_ =	sdelay $0x4  }
0xa7: {  	[tilespmem:s19], [sflag:$0x1] =	stream.indirect_vreg.gather [hbm4b:s3+s2], $0x80, v4, vm0, $0xb8;
	[tilespmem:$0x19080] =	vst v63  }
0xa8: {  	_ = 	snop  }
0xa9: {  	[tilespmem:s20], [sflag:$0x1] =	stream.indirect_vreg.gather [hbm4b:s4+s2], $0x80, v4, vm0, $0xb8;
	[tilespmem:$0x19080] =	vst v63  }
0xaa: {  	v3 =	vperm.xlane v3, v2  }
0xab: {  	[tilespmem:s21], [sflag:$0x1] =	stream.indirect_vreg.gather [hbm4b:s5+s2], $0x80, v4, vm0, $0xb8;
	[tilespmem:$0x19080] =	vst v63  }
0xac: {  	v3 =	vadd.s32 v1, v3  }
0xad: {  	[tilespmem:s22], [sflag:$0x1] =	stream.indirect_vreg.gather [hbm4b:s6+s2], $0x80, v4, vm0, $0xb8;
	[tilespmem:$0x19080] =	vst v63  }
0xae: {  	_ = 	snop  }
0xaf: {  	[tilespmem:s23], [sflag:$0x1] =	stream.indirect_vreg.gather [hbm4b:s7+s2], $0x80, v4, vm0, $0xb8;
	[tilespmem:$0x19080] =	vst v63  }
0xb0: {  	_ = 	snop  }
0xb1: {  	[tilespmem:s24], [sflag:$0x1] =	stream.indirect_vreg.gather [hbm4b:s3+s2], $0x80, v3, vm0, $0xb8;
	[tilespmem:$0x19080] =	vst v63  }
0xb2: {  	_ = 	snop  }
0xb3: {  	[tilespmem:s25], [sflag:$0x1] =	stream.indirect_vreg.gather [hbm4b:s4+s2], $0x80, v3, vm0, $0xb8;
	[tilespmem:$0x19080] =	vst v63  }
0xb4: {  	_ = 	snop  }
0xb5: {  	[tilespmem:s26], [sflag:$0x1] =	stream.indirect_vreg.gather [hbm4b:s5+s2], $0x80, v3, vm0, $0xb8;
	[tilespmem:$0x19080] =	vst v63  }
0xb6: {  	_ = 	snop  }
0xb7: {  	[tilespmem:s28], [sflag:$0x1] =	stream.indirect_vreg.gather [hbm4b:s6+s2], $0x80, v3, vm0, $0xb8;
	[tilespmem:$0x19080] =	vst v63  }
0xb8: {  	_ = 	snop  }
0xb9: {  	[tilespmem:s29], [sflag:$0x1] =	stream.indirect_vreg.gather [hbm4b:s7+s2], $0x80, v3, vm0, $0xb8;
	[tilespmem:$0x19080] =	vst v63  }
0xba: {  	_ =	swait.ge [sflag:s30], $0x19000  }
0xbb: {  	p0 =	sne.s32 s0, $0x6E;
	[sflag:s30] =	ssyncset.done $0x0  }
.Ltmp0:
0xbc: {  	[sflag:s30] =	ssyncadd.s32 $0xFFFE7000;
	(pc) =	sbr.rel @p0 .LBB2_2-.Ltmp0, $4  }
0xbd: {  	[hbm4b:s9+s2] =	stream.linear.scatter [tilespmem:s11], [sflag:$0x2], $0x19000, $0x38;
	[tilespmem:$0x19080] =	vst v63  }
0xbe: {  	_ =	swait.ge [sflag:s10], $0x19000  }
0xbf: {  	[sflag:s10] =	ssyncset.done $0x0  }
0xc0: {  	s0 =	sadd.s32 $0xA, s0;
	s9 =	sadd.s32 $0x3200, s9;
	[sflag:s10] =	ssyncadd.s32 $0xFFFE7000  }
0xc1: {  	s0 =	sld [smem:$0x7F8];
	_ =	sdelay $0x1  }
0xc2: {  	s31 =	sadd.s32 $0x1, s31  }
0xc3: {  	p0 =	sne.s32 s31, s0  }
.Ltmp1:
0xc4: {  	_ = 	snop;
	(pc) =	sbr.rel @p0 .LBB2_1-.Ltmp1, $1  }
0xc5: {  	_ =	sdelay $0x3  }
0xc6: {  	_ =	sfence.sel $0x180000  }
0xc7: {  	[bflag:$0x0] =	sbarrier.arrive $0xFFFF  }
0xc8: {  	_ =	strace $0x90000065  }
0xc9: {  	s0 =	stileid.u32;
	[bflag:$0x2] =	sbarrier.arrive $0xFFFF  }
0xca: {  	p0 =	sne.s32 s0, $0x0;
	s0 =	rddreg [dreg:$0x2]  }
0xcb: {  	s0 =	sadd.s32 @!p0 $0x100000, s0  }
0xcc: {  	[sflag:s0] =	ssyncadd.tile.s32 @!p0 $0x1;
	_ =	shalt  }
.Lfunc_end2:
_tile_overlayer_lowered:
.L_overlay_start_2:
0xcd: {  	(tag) =	ssettag $0x2  }
0xce: {  	s0 =	rddreg [dreg:$0x0];
	s2 =	stileid.u32  }
0xcf: {  	s1 =	rddreg [dreg:$0x1];
	p0 =	sne.s32 s2, $0x0  }
0xd0: {  	s3 =	rddreg [dreg:$0x2];
	[bflag:$0x3] =	sbarrier.arrive $0xFFFF;
	s2 =	simm.s32 @!p0 $0x1C02  }
0xd1: {  	[timem:s3], [sflag:s2] =	dma.local @!p0 [hbm:s0], s1  }
0xd2: {  	s0 =	simm.s32 @!p0 $0x2  }
0xd3: {  	_ =	swait.ge @!p0 [sflag:s0], s1  }
0xd4: {  	s1 =	ssub.s32 @!p0 $0x0, s1;
	[sflag:s0] =	ssyncset.done @!p0 $0x0  }
0xd5: {  	[sflag:s0] =	ssyncadd.s32 @!p0 s1  }
0xd6: {  	[bflag:$0x3] =	sbarrier.arrive $0xFFFF  }
0xd7: {  	_ =	shalt  }

// kernel: kernel.49.cloned.1.call-start
scs
__scs_entry_jumppad:
0x0: {  	(pc) =	sbr.rel $0x88, $3  }
0x1: {  	(tag) =	ssettag $0x0;
	lr =	simm.s32 $0x1  }
0x2: {  	[smem:$0x3F9D] =	sst lr;
	_ =	strace $0xD0000000  }
0x3: {  	_ = 	snop  }
0x4: {  	_ = 	snop  }
0x5: {  	_ = 	snop  }
0x6: {  	_ = 	snop  }
0x7: {  	_ = 	snop  }
__scs_overlays_trampoline_lowered:
0x8: {  	[smem:$0x3FAC] =	sst s0  }
0x9: {  	[smem:$0x3FAD] =	sst s1  }
0xa: {  	[smem:$0x3FAE] =	sst s2  }
0xb: {  	[smem:$0x3FAF] =	sst s3  }
0xc: {  	[smem:$0x3FB0] =	sst s4  }
0xd: {  	[smem:$0x3FB1] =	sst s5  }
0xe: {  	[smem:$0x3FB2] =	sst s6  }
0xf: {  	[smem:$0x3FB3] =	sst s7  }
0x10: {  	[smem:$0x3FB4] =	sst s8  }
0x11: {  	[smem:$0x3FB5] =	sst s9;
	s0 =	simm.s32 @!p0 $0x0  }
0x12: {  	s1 =	sld [smem:$0x3F9B];
	s0 =	simm.s32 @p0 $0x1  }
0x13: {  	[smem:$0x3FB6] =	sst s0;
	s0 =	simm.s32 @!p1 $0x0  }
0x14: {  	s2 =	sld [smem:$0x3F9A];
	s0 =	simm.s32 @p1 $0x1  }
0x15: {  	[smem:$0x3FB7] =	sst s0;
	s0 =	simm.s32 @!p2 $0x0  }
0x16: {  	s3 =	sld [smem:$0x3FDB];
	s0 =	simm.s32 @p2 $0x1  }
0x17: {  	s4 =	simm.s32 $0x1BF5;
	[smem:$0x3FB9] =	sst s0  }
0x18: {  	s0 =	sld [smem:$0x3F9C];
	_ =	swait.ge [sflag:s4], $0x0  }
0x19: {  	s7 =	sld [smem:$0x3F9D]  }
0x1a: {  	s8 =	sadd.s32 $0xFFFFE003, lr  }
0x1b: {  	s9 =	sadd.s32 $0xFFFFFEF7, lr;
	s5 =	simm.s32 $0xFFFFFFFF;
	p2 =	slt.u32 s8, $0xFFFFF086  }
0x1c: {  	p1 =	slt.u32 s9, $0xF7A;
	s5 =	simm.s32 @!p2 $0x0  }
0x1d: {  	s5 =	simm.s32 @p1 $0x1;
	p0 =	seq.s32 s7, s2  }
0x1e: {  	s7 =	smul.u32 @!p0 $0xF7A, s2;
	p2 =	seq.s32 @!p0 s5, $0x0  }
0x1f: {  	s9 =	smul.u32 $0xF7A, s1;
	s8 =	simm.s32 @!p0 $0x1BF5;
	p2 =	por !p2, p0  }
0x20: {  	[sflag:s8] =	ssyncset.s32 @!p0 $0xFFFFF086;
	s6 =	sadd.s32 @!p0 s3, s7;
	s7 =	simm.s32 @!p0 $0x108  }
0x21: {  	s3 =	sadd.s32 s3, s9;
	s6 =	sadd.s32 @!p0 $0x88, s6;
	s7 =	simm.s32 @p2 $0x1082  }
0x22: {  	[simem:s7], [sflag:s8] =	dma.local @!p0 [hbm:s6], $0xF7A  }
0x23: {  	s9 =	sor.u32 $0xD0000000, s2;
	s6 =	simm.s32 $0x108;
	_ =	swait.ge @!p0 [sflag:s8], $0x0  }
0x24: {  	s3 =	sadd.s32 $0x88, s3;
	s6 =	simm.s32 @!p1 $0x1082;
	[sflag:s4] =	ssyncset.s32 $0xFFFFF086  }
0x25: {  	[simem:s6], [sflag:s4] =	dma.local [hbm:s3], $0xF7A  }
0x26: {  	[smem:$0x3F9D] =	sst s1;
	(tag) =	ssettag s2;
	_ =	strace s9  }
0x27: {  	s1 =	sld [smem:$0x3FAD]  }
0x28: {  	s2 =	sld [smem:$0x3FAE]  }
0x29: {  	s4 =	sld [smem:$0x3FB0]  }
0x2a: {  	p0 =	seq.s32 s5, $0x0;
	s5 =	sld [smem:$0x3FB1]  }
0x2b: {  	s6 =	sld [smem:$0x3FB2]  }
0x2c: {  	s7 =	sld [smem:$0x3FB3]  }
0x2d: {  	s3 =	simm.s32 $0x108;
	s8 =	sld [smem:$0x3FB4]  }
0x2e: {  	s3 =	simm.s32 @!p0 $0x1082;
	s9 =	sld [smem:$0x3FB5]  }
0x2f: {  	lr =	sadd.s32 s0, s3;
	s0 =	sld [smem:$0x3FAC]  }
0x30: {  	s3 =	sld [smem:$0x3FAF]  }
0x31: {  	[smem:$0x3FB8] =	sst s10  }
0x32: {  	s10 =	sld [smem:$0x3FB6];
	_ =	sdelay $0x3  }
0x33: {  	p0 =	seq.s32 s10, $0x1;
	s10 =	sld [smem:$0x3FB8];
	_ =	sdelay $0x3  }
0x34: {  	[smem:$0x3FB8] =	sst s10  }
0x35: {  	s10 =	sld [smem:$0x3FB7];
	_ =	sdelay $0x3  }
0x36: {  	p1 =	seq.s32 s10, $0x1;
	s10 =	sld [smem:$0x3FB8];
	_ =	sdelay $0x3  }
0x37: {  	[smem:$0x3FB8] =	sst s10  }
0x38: {  	s10 =	sld [smem:$0x3FB9]  }
0x39: {  	_ = 	snop;
	(pc) =	sbr.ind lr, $3  }
0x3a: {  	_ = 	snop  }
0x3b: {  	_ = 	snop  }
0x3c: {  	p2 =	seq.s32 s10, $0x1;
	s10 =	sld [smem:$0x3FB8]  }
0x3d: {  	_ =	shalt  }
0x3e: {  	_ =	shalt  }
0x3f: {  	_ =	shalt  }
0x40: {  	_ =	shalt  }
0x41: {  	_ =	shalt  }
0x42: {  	_ =	shalt  }
0x43: {  	_ =	shalt  }
0x44: {  	_ =	shalt  }
0x45: {  	_ =	shalt  }
0x46: {  	_ =	shalt  }
0x47: {  	_ =	shalt  }
0x48: {  	_ =	shalt  }
0x49: {  	_ =	shalt  }
0x4a: {  	_ =	shalt  }
0x4b: {  	_ =	shalt  }
0x4c: {  	_ =	shalt  }
0x4d: {  	_ =	shalt  }
0x4e: {  	_ =	shalt  }
0x4f: {  	_ =	shalt  }
0x50: {  	_ =	shalt  }
0x51: {  	_ =	shalt  }
0x52: {  	_ =	shalt  }
0x53: {  	_ =	shalt  }
0x54: {  	_ =	shalt  }
0x55: {  	_ =	shalt  }
0x56: {  	_ =	shalt  }
0x57: {  	_ =	shalt  }
0x58: {  	_ =	shalt  }
0x59: {  	_ =	shalt  }
0x5a: {  	_ =	shalt  }
0x5b: {  	_ =	shalt  }
0x5c: {  	_ =	shalt  }
0x5d: {  	_ =	shalt  }
0x5e: {  	_ =	shalt  }
0x5f: {  	_ =	shalt  }
0x60: {  	_ =	shalt  }
0x61: {  	_ =	shalt  }
0x62: {  	_ =	shalt  }
0x63: {  	_ =	shalt  }
0x64: {  	_ =	shalt  }
0x65: {  	_ =	shalt  }
0x66: {  	_ =	shalt  }
0x67: {  	_ =	shalt  }
0x68: {  	_ =	shalt  }
0x69: {  	_ =	shalt  }
0x6a: {  	_ =	shalt  }
0x6b: {  	_ =	shalt  }
0x6c: {  	_ =	shalt  }
0x6d: {  	_ =	shalt  }
0x6e: {  	_ =	shalt  }
0x6f: {  	_ =	shalt  }
0x70: {  	_ =	shalt  }
0x71: {  	_ =	shalt  }
0x72: {  	_ =	shalt  }
0x73: {  	_ =	shalt  }
0x74: {  	_ =	shalt  }
0x75: {  	_ =	shalt  }
0x76: {  	_ =	shalt  }
0x77: {  	_ =	shalt  }
0x78: {  	_ =	shalt  }
0x79: {  	_ =	shalt  }
0x7a: {  	_ =	shalt  }
0x7b: {  	_ =	shalt  }
0x7c: {  	_ =	shalt  }
0x7d: {  	_ =	shalt  }
0x7e: {  	_ =	shalt  }
0x7f: {  	_ =	shalt  }
0x80: {  	_ =	shalt  }
0x81: {  	_ =	shalt  }
0x82: {  	_ =	shalt  }
0x83: {  	_ =	shalt  }
0x84: {  	_ =	shalt  }
0x85: {  	_ =	shalt  }
0x86: {  	_ =	shalt  }
0x87: {  	_ =	shalt  }
.Lfunc_end0:
.L_simem_size_0:
called_computation.12_lowered:
.L_overlay_start_0:
0x88: {  	s2 =	sld [smem:$0x3FD9]  }
0x89: {  	s3 =	sld [smem:$0x3FFE];
	_ =	sdelay $0x1  }
0x8a: {  	s1 =	srdreg.scid  }
0x8b: {  	s0 =	sand.u32 $0x1, s1  }
0x8c: {  	s14 =	sshll.u32 s0, $0xA;
	s2 =	sadd.s32 s3, s2  }
0x8d: {  	s2 =	sadd.s32 s2, s14  }
0x8e: {  	[smem:$0x3FC4] =	sst s2  }
0x8f: {  	_ = 	snop  }
0x90: {  	s2 =	sld [smem:$0x3FD0];
	_ =	sdelay $0x2  }
0x91: {  	s15 =	simm.s32 $0xB;
	s4 =	simm.s32 $0x10  }
0x92: {  	[smem:s4], [sflag:s15] =	dma.local [hbm:s2], $0x1  }
0x93: {  	_ =	swait.eq [sflag:s15], $0x1  }
0x94: {  	[sflag:s15] =	ssyncset.done $0x0  }
0x95: {  	[sflag:s15] =	ssyncadd.s32 $0xFFFFFFFF  }
0x96: {  	s16 =	sld [smem:$0x10];
	(tm) =	ssettm $0x1  }
0x97: {  	s17 =	sld [smem:$0x3FFB];
	_ =	sdelay $0x3  }
0x98: {  	_ =	strace s17  }
0x99: {  	s3 =	sld [smem:$0x3FFC];
	_ =	sdelay $0x3  }
0x9a: {  	_ =	strace s3  }
0x9b: {  	s3 =	sld [smem:$0x3FFD];
	_ =	sdelay $0x3  }
0x9c: {  	_ =	strace s3  }
0x9d: {  	_ =	strace $0x8FFFFFFF  }
0x9e: {  	s18 =	sld [smem:$0x3FDB];
	_ =	sdelay $0x1  }
0x9f: {  	s19 =	simm.s32 $_scs_section_size  }
0xa0: {  	s5 =	simm.s32 $_size__tile_overlayer_lowered;
	s6 =	simm.s32 $_tile_overlayer_lowered  }
0xa1: {  	s22 =	simm.s32 $0x1BFF;
	s21 =	sshll.u32 s6, $0x1;
	s3 =	sadd.s32 s19, s18  }
0xa2: {  	s7 =	simm.s32 $0x0;
	s20 =	sshll.u32 s5, $0x1;
	s5 =	sadd.s32 s21, s3  }
0xa3: {  	[timem:s7], [sflag:s22] =	dma.local [hbm:s5], s20  }
0xa4: {  	_ =	swait.ge [sflag:s22], s20  }
0xa5: {  	s4 =	ssub.s32 $0x0, s20;
	[sflag:s22] =	ssyncset.done $0x0  }
0xa6: {  	[sflag:s22] =	ssyncadd.s32 s4;
	_ =	sdelay $0x1  }
0xa7: {  	s23 =	simm.s32 $0x1B8B  }
0xa8: {  	_ =	swait.ge [sflag:s23], $0x1  }
0xa9: {  	[sflag:s23] =	ssyncset.done $0x0  }
0xaa: {  	s25 =	simm.s32 $0x1B8E;
	s24 =	sld [smem:$0x3FFE];
	[sflag:s23] =	ssyncadd.s32 $0xFFFFFFFF  }
0xab: {  	s26 =	simm.s32 $execute0_lowered;
	[smem:$0x3FD2] =	sst s25  }
0xac: {  	s5 =	sshll.u32 s26, $0x1;
	_ =	strace $0x80000067;
	[dreg:$0x1] =	wrdreg $0xFFFFFFFF  }
0xad: {  	s28 =	simm.s32 $_size_execute0_lowered;
	s3 =	sadd.s32 s3, s5;
	[dreg:$0x0] =	wrdreg $0x0  }
0xae: {  	s5 =	sshll.u32 s28, $0x1;
	[dreg:$0x2] =	wrdreg s3  }
0xaf: {  	[dreg:$0x3] =	wrdreg s5  }
0xb0: {  	[dreg:$0x4] =	wrdreg $0xC0  }
0xb1: {  	_ =	task [dreg:s7], $0x5FFFF  }
0xb2: {  	[dreg:$0x1] =	wrdreg $0xFFFFFFFF  }
0xb3: {  	[dreg:$0x0] =	wrdreg $0x60  }
0xb4: {  	[dreg:$0x2] =	wrdreg s24  }
0xb5: {  	[dreg:$0x3] =	wrdreg s16  }
0xb6: {  	[dreg:$0x4] =	wrdreg $0x9  }
0xb7: {  	_ =	task.clear_ibuf [dreg:s7], $0x5FFFF;
	_ =	strace $0x90000067  }
0xb8: {  	s29 =	simm.s32 $0x9;
	_ =	strace $0x80000069  }
0xb9: {  	_ =	swait.ge [sflag:s29], $0x1  }
0xba: {  	[sflag:s29] =	ssyncadd.s32 $0xFFFFFFFF  }
0xbb: {  	_ =	strace $0x90000069  }
0xbc: {  	_ =	sfence  }
0xbd: {  	s30 =	sld [smem:$0x0];
	_ =	sdelay $0x2  }
0xbe: {  	s31 =	sshll.u32 s1, $0xD;
	s1 =	sshrl.u32 s1, $0x2  }
0xbf: {  	s3 =	sand.u32 $0x4000, s31;
	s1 =	sadd.s32 s1, s30  }
0xc0: {  	s0 =	sor.u32 s3, s0;
	s1 =	sshll.u32 s1, $0x11  }
0xc1: {  	s0 =	sor.u32 s1, s0  }
0xc2: {  	s0 =	sadd.s32 $0x8F2B, s0  }
0xc3: {  	[sflag:s0] =	ssyncadd.remote.s32 $0x1  }
0xc4: {  	_ =	sfence.sel $0xFFFF  }
0xc5: {  	[dreg:$0x0] =	wrdreg $0xFFFFFFFF;
	(pc) =	sbr.abs _section_cstart, $3  }
0xc6: {  	[dreg:$0x1] =	wrdreg $0xFFFFFFFF  }
0xc7: {  	_ =	task.clear_ibuf [dreg:s7], $0x2FFFF;
	_ =	strace $0x9FFFFFFF  }
0xc8: {  	(tm) =	ssettm $0x7FFFFFFF  }
0xc9: {  	_ =	shalt  }
tec
execute0_lowered:
.L_overlay_start_1:
0x0: {  	(tag) =	ssettag $0x1  }
0x1: {  	s0 =	srdreg.scid  }
0x2: {  	s2 =	stileid.u32;
	s5 =	rddreg [dreg:$0x1];
	s1 =	sand.u32 $0x1, s0  }
0x3: {  	s3 =	smul.u32 $0x780, s2;
	s0 =	rddreg [dreg:$0x0];
	s2 =	simm.s32 $0x0  }
0x4: {  	s17 =	simm.s32 $0x880;
	[smem:$0x7FF] =	sst s2  }
0x5: {  	s18 =	simm.s32 $0x1080;
	_ =	strace $0x80000068;
	[dreg:$0x4] =	wrdreg s17  }
0x6: {  	s19 =	simm.s32 $0x1880;
	[dreg:$0x5] =	wrdreg s18  }
0x7: {  	s20 =	simm.s32 $0x2080;
	[dreg:$0x6] =	wrdreg s19  }
0x8: {  	s21 =	simm.s32 $0x2880;
	[dreg:$0x7] =	wrdreg s20  }
0x9: {  	s22 =	simm.s32 $0x3080;
	[dreg:$0x8] =	wrdreg s21  }
0xa: {  	s23 =	simm.s32 $0x3880;
	[dreg:$0x9] =	wrdreg s22  }
0xb: {  	s24 =	simm.s32 $0x4080;
	[dreg:$0xa] =	wrdreg s23  }
0xc: {  	s25 =	simm.s32 $0x4880;
	[dreg:$0xb] =	wrdreg s24  }
0xd: {  	s26 =	simm.s32 $0x5080;
	[dreg:$0xc] =	wrdreg s25  }
0xe: {  	s6 =	simm.s32 $0x6080;
	[dreg:$0xd] =	wrdreg s26  }
0xf: {  	s7 =	simm.s32 $0x6880;
	[dreg:$0xf] =	wrdreg s6  }
0x10: {  	s8 =	simm.s32 $0x7080;
	[dreg:$0x10] =	wrdreg s7  }
0x11: {  	s9 =	simm.s32 $0x7880;
	[dreg:$0x11] =	wrdreg s8  }
0x12: {  	s10 =	simm.s32 $0x8080;
	[dreg:$0x12] =	wrdreg s9  }
0x13: {  	s11 =	simm.s32 $0x8880;
	s12 =	simm.s32 $0x9080;
	[dreg:$0x13] =	wrdreg s10  }
0x14: {  	s13 =	simm.s32 $0x9880;
	s15 =	simm.s32 $0xA080;
	[dreg:$0x14] =	wrdreg s11  }
0x15: {  	s28 =	simm.s32 $0x18080;
	s29 =	simm.s32 $0x18880;
	[dreg:$0x15] =	wrdreg s12  }
0x16: {  	s30 =	simm.s32 $0x1;
	s31 =	simm.s32 $0x0;
	[dreg:$0x16] =	wrdreg s13  }
0x17: {  	s4 =	smul.u32 $0x3C0, s1;
	[dreg:$0x17] =	wrdreg s15;
	s17 =	simm.s32 $0xB080  }
0x18: {  	s1 =	ssub.s32 $0x2, s1;
	s18 =	simm.s32 $0xB880;
	[dreg:$0x19] =	wrdreg s17  }
0x19: {  	s19 =	sshrl.u32 s1, $0x1;
	s20 =	simm.s32 $0xC080;
	[dreg:$0x1a] =	wrdreg s18  }
0x1a: {  	s21 =	simm.s32 $0xC880;
	s6 =	simm.s32 $0xD080;
	[dreg:$0x1b] =	wrdreg s20  }
0x1b: {  	s7 =	simm.s32 $0xD880;
	s8 =	simm.s32 $0xE080;
	[dreg:$0x1c] =	wrdreg s21  }
0x1c: {  	s22 =	simm.s32 $0xE880;
	s23 =	simm.s32 $0xF080;
	[dreg:$0x1d] =	wrdreg s6  }
0x1d: {  	s25 =	simm.s32 $0xF880;
	s10 =	simm.s32 $0x2;
	[dreg:$0x1e] =	wrdreg s7  }
0x1e: {  	s26 =	simm.s32 $0x10080;
	s11 =	simm.s32 $0x80;
	[dreg:$0x1f] =	wrdreg s8  }
0x1f: {  	s12 =	simm.s32 $0x10880;
	s13 =	simm.s32 $0x11080;
	[smem:$0x7F9] =	sst s22  }
0x20: {  	s3 =	sadd.s32 s4, s3;
	s4 =	sadd.s32 $0x7C9500, s0;
	[smem:$0x7FB] =	sst s23  }
0x21: {  	s15 =	simm.s32 $0x12080;
	s6 =	sadd.s32 $0x7C9700, s0;
	[smem:$0x7FC] =	sst s25  }
0x22: {  	s1 =	ssub.s32 s1, s19;
	s7 =	sadd.s32 $0x7C9800, s0;
	[smem:$0x7FD] =	sst s26  }
0x23: {  	s17 =	simm.s32 $0x13080;
	s18 =	simm.s32 $0x13880;
	s19 =	simm.s32 $0x14080  }
0x24: {  	s20 =	simm.s32 $0x14880;
	s21 =	simm.s32 $0x15080;
	s22 =	simm.s32 $0x15880  }
0x25: {  	s23 =	simm.s32 $0x16080;
	s3 =	sshrl.u32 s3, $0x3;
	s1 =	smax.u32 s1, $0x1  }
0x26: {  	s25 =	simm.s32 $0x17080;
	s16 =	sadd.s32 s3, s5;
	[smem:$0x7F8] =	sst s1  }
0x27: {  	s5 =	simm.s32 $0x5880;
	s14 =	smul.u32 $0x500, s3;
	[dreg:$0x3] =	wrdreg s16  }
0x28: {  	s26 =	simm.s32 $0x17880;
	s3 =	sadd.s32 $0x7C9400, s0;
	[dreg:$0xe] =	wrdreg s5  }
0x29: {  	v2 =	vlaneseq.u32;
	s16 =	simm.s32 $0xA880;
	s5 =	sadd.s32 $0x7C9600, s0;
	s9 =	sadd.s32 s14, s0  }
0x2a: {  	vm0 =	vmmov $0xffff;
	v1 =	vshrl.u32 v2, $0x3;
	[dreg:$0x18] =	wrdreg s16;
	s14 =	simm.s32 $0x11880;
	s24 =	sadd.s32 $0x319400, s9  }
0x2b: {  	v0 =	vand.u32 $0x7, v2;
	v2 =	vor.u32 $0x8, v2;
	v1 =	vmul.u32 $0x8, v1;
	s16 =	simm.s32 $0x12880;
	[smem:$0x7FA] =	sst s24;
	s24 =	simm.s32 $0x16880  }
.LBB2_1:
0x2c: {  	s9 =	sld [smem:$0x7FA];
	s0 =	simm.s32 $0x0  }
.LBB2_2:
0x2d: {  	s8 =	rddreg [dreg:$0x3]  }
0x2e: {  	s8 =	sadd.s32 s0, s8  }
0x2f: {  	[tilespmem:s2], [sflag:$0x2] =	stream.linear.gather [hbm4b:s8+s2], $0x50, $0x38;
	[tilespmem:$0x19080] =	vst v63  }
0x30: {  	_ =	swait.ge [sflag:s10], $0x50  }
0x31: {  	[sflag:s10] =	ssyncset.done $0x0  }
0x32: {  	[sflag:s10] =	ssyncadd.s32 $0xFFFFFFB0  }
0x33: {  	v3 =	vld [tilespmem:$0x0];
	_ =	sdelay $0x4  }
0x34: {  	v4 =	vshrl.u32 v3, $0x3  }
0x35: {  	v4 =	vmul.u32 $0x50, v4  }
0x36: {  	v3 =	vand.u32 $0x7, v3  }
0x37: {  	v3 =	vor.u32 v3, v4  }
0x38: {  	v4 =	vperm.xlane v3, v0;
	_ =	sdelay $0x1  }
0x39: {  	v4 =	vadd.s32 v1, v4;
	_ =	sdelay $0x4  }
0x3a: {  	[tilespmem:s11], [sflag:$0x1] =	stream.indirect_vreg.gather [hbm4b:s3+s2], $0x80, v4, vm0, $0xb8;
	[tilespmem:$0x19080] =	vst v63  }
0x3b: {  	s8 =	rddreg [dreg:$0x4]  }
0x3c: {  	[tilespmem:s8], [sflag:$0x1] =	stream.indirect_vreg.gather [hbm4b:s4+s2], $0x80, v4, vm0, $0xb8;
	[tilespmem:$0x19080] =	vst v63  }
0x3d: {  	s1 =	rddreg [dreg:$0x5];
	v3 =	vperm.xlane v3, v2  }
0x3e: {  	[tilespmem:s1], [sflag:$0x1] =	stream.indirect_vreg.gather [hbm4b:s5+s2], $0x80, v4, vm0, $0xb8;
	[tilespmem:$0x19080] =	vst v63  }
0x3f: {  	v3 =	vadd.s32 v1, v3;
	s8 =	rddreg [dreg:$0x6]  }
0x40: {  	[tilespmem:s8], [sflag:$0x1] =	stream.indirect_vreg.gather [hbm4b:s6+s2], $0x80, v4, vm0, $0xb8;
	[tilespmem:$0x19080] =	vst v63  }
0x41: {  	s1 =	rddreg [dreg:$0x7]  }
0x42: {  	[tilespmem:s1], [sflag:$0x1] =	stream.indirect_vreg.gather [hbm4b:s7+s2], $0x80, v4, vm0, $0xb8;
	[tilespmem:$0x19080] =	vst v63  }
0x43: {  	s8 =	rddreg [dreg:$0x8]  }
0x44: {  	[tilespmem:s8], [sflag:$0x1] =	stream.indirect_vreg.gather [hbm4b:s3+s2], $0x80, v3, vm0, $0xb8;
	[tilespmem:$0x19080] =	vst v63  }
0x45: {  	s1 =	rddreg [dreg:$0x9]  }
0x46: {  	[tilespmem:s1], [sflag:$0x1] =	stream.indirect_vreg.gather [hbm4b:s4+s2], $0x80, v3, vm0, $0xb8;
	[tilespmem:$0x19080] =	vst v63  }
0x47: {  	s8 =	rddreg [dreg:$0xa]  }
0x48: {  	[tilespmem:s8], [sflag:$0x1] =	stream.indirect_vreg.gather [hbm4b:s5+s2], $0x80, v3, vm0, $0xb8;
	[tilespmem:$0x19080] =	vst v63  }
0x49: {  	s1 =	rddreg [dreg:$0xb]  }
0x4a: {  	[tilespmem:s1], [sflag:$0x1] =	stream.indirect_vreg.gather [hbm4b:s6+s2], $0x80, v3, vm0, $0xb8;
	[tilespmem:$0x19080] =	vst v63  }
0x4b: {  	s8 =	rddreg [dreg:$0xc]  }
0x4c: {  	[tilespmem:s8], [sflag:$0x1] =	stream.indirect_vreg.gather [hbm4b:s7+s2], $0x80, v3, vm0, $0xb8;
	[tilespmem:$0x19080] =	vst v63  }
0x4d: {  	v3 =	vld [tilespmem:$0x10];
	_ =	sdelay $0x4  }
0x4e: {  	v60 =	vshrl.u32 v3, $0x3  }
0x4f: {  	v4 =	vmul.u32 $0x50, v60  }
0x50: {  	v3 =	vand.u32 $0x7, v3  }
0x51: {  	v3 =	vor.u32 v3, v4  }
0x52: {  	v4 =	vperm.xlane v3, v0;
	_ =	sdelay $0x1  }
0x53: {  	v4 =	vadd.s32 v1, v4;
	_ =	sdelay $0x3  }
0x54: {  	s1 =	rddreg [dreg:$0xd]  }
0x55: {  	[tilespmem:s1], [sflag:$0x1] =	stream.indirect_vreg.gather [hbm4b:s3+s2], $0x80, v4, vm0, $0xb8;
	[tilespmem:$0x19080] =	vst v63  }
0x56: {  	s8 =	rddreg [dreg:$0xe]  }
0x57: {  	[tilespmem:s8], [sflag:$0x1] =	stream.indirect_vreg.gather [hbm4b:s4+s2], $0x80, v4, vm0, $0xb8;
	[tilespmem:$0x19080] =	vst v63  }
0x58: {  	v3 =	vperm.xlane v3, v2;
	s1 =	rddreg [dreg:$0xf]  }
0x59: {  	[tilespmem:s1], [sflag:$0x1] =	stream.indirect_vreg.gather [hbm4b:s5+s2], $0x80, v4, vm0, $0xb8;
	[tilespmem:$0x19080] =	vst v63  }
0x5a: {  	v3 =	vadd.s32 v1, v3;
	s8 =	rddreg [dreg:$0x10]  }
0x5b: {  	[tilespmem:s8], [sflag:$0x1] =	stream.indirect_vreg.gather [hbm4b:s6+s2], $0x80, v4, vm0, $0xb8;
	[tilespmem:$0x19080] =	vst v63  }
0x5c: {  	s1 =	rddreg [dreg:$0x11]  }
0x5d: {  	[tilespmem:s1], [sflag:$0x1] =	stream.indirect_vreg.gather [hbm4b:s7+s2], $0x80, v4, vm0, $0xb8;
	[tilespmem:$0x19080] =	vst v63  }
0x5e: {  	s8 =	rddreg [dreg:$0x12]  }
0x5f: {  	[tilespmem:s8], [sflag:$0x1] =	stream.indirect_vreg.gather [hbm4b:s3+s2], $0x80, v3, vm0, $0xb8;
	[tilespmem:$0x19080] =	vst v63  }
0x60: {  	s1 =	rddreg [dreg:$0x13]  }
0x61: {  	[tilespmem:s1], [sflag:$0x1] =	stream.indirect_vreg.gather [hbm4b:s4+s2], $0x80, v3, vm0, $0xb8;
	[tilespmem:$0x19080] =	vst v63  }
0x62: {  	s8 =	rddreg [dreg:$0x14]  }
0x63: {  	[tilespmem:s8], [sflag:$0x1] =	stream.indirect_vreg.gather [hbm4b:s5+s2], $0x80, v3, vm0, $0xb8;
	[tilespmem:$0x19080] =	vst v63  }
0x64: {  	s1 =	rddreg [dreg:$0x15]  }
0x65: {  	[tilespmem:s1], [sflag:$0x1] =	stream.indirect_vreg.gather [hbm4b:s6+s2], $0x80, v3, vm0, $0xb8;
	[tilespmem:$0x19080] =	vst v63  }
0x66: {  	s8 =	rddreg [dreg:$0x16]  }
0x67: {  	[tilespmem:s8], [sflag:$0x1] =	stream.indirect_vreg.gather [hbm4b:s7+s2], $0x80, v3, vm0, $0xb8;
	[tilespmem:$0x19080] =	vst v63  }
0x68: {  	v3 =	vld [tilespmem:$0x20];
	_ =	sdelay $0x4  }
0x69: {  	v61 =	vshrl.u32 v3, $0x3  }
0x6a: {  	v4 =	vmul.u32 $0x50, v61  }
0x6b: {  	v3 =	vand.u32 $0x7, v3  }
0x6c: {  	v3 =	vor.u32 v3, v4  }
0x6d: {  	v4 =	vperm.xlane v3, v0;
	_ =	sdelay $0x1  }
0x6e: {  	v4 =	vadd.s32 v1, v4;
	_ =	sdelay $0x2  }
0x6f: {  	s1 =	rddreg [dreg:$0x17]  }
0x70: {  	s8 =	rddreg [dreg:$0x18]  }
0x71: {  	[tilespmem:s1], [sflag:$0x1] =	stream.indirect_vreg.gather [hbm4b:s3+s2], $0x80, v4, vm0, $0xb8;
	[tilespmem:$0x19080] =	vst v63  }
0x72: {  	s1 =	rddreg [dreg:$0x19]  }
0x73: {  	[tilespmem:s8], [sflag:$0x1] =	stream.indirect_vreg.gather [hbm4b:s4+s2], $0x80, v4, vm0, $0xb8;
	[tilespmem:$0x19080] =	vst v63  }
0x74: {  	v3 =	vperm.xlane v3, v2;
	s8 =	rddreg [dreg:$0x1a]  }
0x75: {  	[tilespmem:s1], [sflag:$0x1] =	stream.indirect_vreg.gather [hbm4b:s5+s2], $0x80, v4, vm0, $0xb8;
	[tilespmem:$0x19080] =	vst v63  }
0x76: {  	v3 =	vadd.s32 v1, v3;
	s1 =	rddreg [dreg:$0x1b]  }
0x77: {  	[tilespmem:s8], [sflag:$0x1] =	stream.indirect_vreg.gather [hbm4b:s6+s2], $0x80, v4, vm0, $0xb8;
	[tilespmem:$0x19080] =	vst v63  }
0x78: {  	s8 =	rddreg [dreg:$0x1c]  }
0x79: {  	[tilespmem:s1], [sflag:$0x1] =	stream.indirect_vreg.gather [hbm4b:s7+s2], $0x80, v4, vm0, $0xb8;
	[tilespmem:$0x19080] =	vst v63  }
0x7a: {  	s1 =	rddreg [dreg:$0x1d]  }
0x7b: {  	[tilespmem:s8], [sflag:$0x1] =	stream.indirect_vreg.gather [hbm4b:s3+s2], $0x80, v3, vm0, $0xb8;
	[tilespmem:$0x19080] =	vst v63  }
0x7c: {  	s8 =	rddreg [dreg:$0x1e]  }
0x7d: {  	[tilespmem:s1], [sflag:$0x1] =	stream.indirect_vreg.gather [hbm4b:s4+s2], $0x80, v3, vm0, $0xb8;
	[tilespmem:$0x19080] =	vst v63  }
0x7e: {  	s1 =	rddreg [dreg:$0x1f]  }
0x7f: {  	[tilespmem:s8], [sflag:$0x1] =	stream.indirect_vreg.gather [hbm4b:s5+s2], $0x80, v3, vm0, $0xb8;
	[tilespmem:$0x19080] =	vst v63  }
0x80: {  	s8 =	sld [smem:$0x7F9]  }
0x81: {  	[tilespmem:s1], [sflag:$0x1] =	stream.indirect_vreg.gather [hbm4b:s6+s2], $0x80, v3, vm0, $0xb8;
	[tilespmem:$0x19080] =	vst v63  }
0x82: {  	_ = 	snop  }
0x83: {  	[tilespmem:s8], [sflag:$0x1] =	stream.indirect_vreg.gather [hbm4b:s7+s2], $0x80, v3, vm0, $0xb8;
	[tilespmem:$0x19080] =	vst v63  }
0x84: {  	v3 =	vld [tilespmem:$0x30];
	_ =	sdelay $0x4  }
0x85: {  	v62 =	vshrl.u32 v3, $0x3  }
0x86: {  	v4 =	vmul.u32 $0x50, v62  }
0x87: {  	v3 =	vand.u32 $0x7, v3  }
0x88: {  	v3 =	vor.u32 v3, v4  }
0x89: {  	v4 =	vperm.xlane v3, v0;
	_ =	sdelay $0x1  }
0x8a: {  	v4 =	vadd.s32 v1, v4;
	_ =	sdelay $0x1  }
0x8b: {  	s1 =	sld [smem:$0x7FB];
	_ =	sdelay $0x1  }
0x8c: {  	s8 =	sld [smem:$0x7FC]  }
0x8d: {  	[tilespmem:s1], [sflag:$0x1] =	stream.indirect_vreg.gather [hbm4b:s3+s2], $0x80, v4, vm0, $0xb8;
	[tilespmem:$0x19080] =	vst v63  }
0x8e: {  	s1 =	sld [smem:$0x7FD]  }
0x8f: {  	[tilespmem:s8], [sflag:$0x1] =	stream.indirect_vreg.gather [hbm4b:s4+s2], $0x80, v4, vm0, $0xb8;
	[tilespmem:$0x19080] =	vst v63  }
0x90: {  	v3 =	vperm.xlane v3, v2  }
0x91: {  	[tilespmem:s1], [sflag:$0x1] =	stream.indirect_vreg.gather [hbm4b:s5+s2], $0x80, v4, vm0, $0xb8;
	[tilespmem:$0x19080] =	vst v63  }
0x92: {  	v3 =	vadd.s32 v1, v3  }
0x93: {  	[tilespmem:s12], [sflag:$0x1] =	stream.indirect_vreg.gather [hbm4b:s6+s2], $0x80, v4, vm0, $0xb8;
	[tilespmem:$0x19080] =	vst v63  }
0x94: {  	_ = 	snop  }
0x95: {  	[tilespmem:s13], [sflag:$0x1] =	stream.indirect_vreg.gather [hbm4b:s7+s2], $0x80, v4, vm0, $0xb8;
	[tilespmem:$0x19080] =	vst v63  }
0x96: {  	_ = 	snop  }
0x97: {  	[tilespmem:s14], [sflag:$0x1] =	stream.indirect_vreg.gather [hbm4b:s3+s2], $0x80, v3, vm0, $0xb8;
	[tilespmem:$0x19080] =	vst v63  }
0x98: {  	_ = 	snop  }
0x99: {  	[tilespmem:s15], [sflag:$0x1] =	stream.indirect_vreg.gather [hbm4b:s4+s2], $0x80, v3, vm0, $0xb8;
	[tilespmem:$0x19080] =	vst v63  }
0x9a: {  	_ = 	snop  }
0x9b: {  	[tilespmem:s16], [sflag:$0x1] =	stream.indirect_vreg.gather [hbm4b:s5+s2], $0x80, v3, vm0, $0xb8;
	[tilespmem:$0x19080] =	vst v63  }
0x9c: {  	_ = 	snop  }
0x9d: {  	[tilespmem:s17], [sflag:$0x1] =	stream.indirect_vreg.gather [hbm4b:s6+s2], $0x80, v3, vm0, $0xb8;
	[tilespmem:$0x19080] =	vst v63  }
0x9e: {  	_ = 	snop  }
0x9f: {  	[tilespmem:s18], [sflag:$0x1] =	stream.indirect_vreg.gather [hbm4b:s7+s2], $0x80, v3, vm0, $0xb8;
	[tilespmem:$0x19080] =	vst v63  }
0xa0: {  	v3 =	vld [tilespmem:$0x40];
	_ =	sdelay $0x4  }
0xa1: {  	v63 =	vshrl.u32 v3, $0x3  }
0xa2: {  	v4 =	vmul.u32 $0x50, v63  }
0xa3: {  	v3 =	vand.u32 $0x7, v3  }
0xa4: {  	v3 =	vor.u32 v3, v4  }
0xa5: {  	v4 =	vperm.xlane v3, v0;
	_ =	sdelay $0x1  }
0xa6: {  	v4 =	vadd.s32 v1, v4;
	_ =	sdelay $0x4  }
0xa7: {  	[tilespmem:s19], [sflag:$0x1] =	stream.indirect_vreg.gather [hbm4b:s3+s2], $0x80, v4, vm0, $0xb8;
	[tilespmem:$0x19080] =	vst v63  }
0xa8: {  	_ = 	snop  }
0xa9: {  	[tilespmem:s20], [sflag:$0x1] =	stream.indirect_vreg.gather [hbm4b:s4+s2], $0x80, v4, vm0, $0xb8;
	[tilespmem:$0x19080] =	vst v63  }
0xaa: {  	v3 =	vperm.xlane v3, v2  }
0xab: {  	[tilespmem:s21], [sflag:$0x1] =	stream.indirect_vreg.gather [hbm4b:s5+s2], $0x80, v4, vm0, $0xb8;
	[tilespmem:$0x19080] =	vst v63  }
0xac: {  	v3 =	vadd.s32 v1, v3  }
0xad: {  	[tilespmem:s22], [sflag:$0x1] =	stream.indirect_vreg.gather [hbm4b:s6+s2], $0x80, v4, vm0, $0xb8;
	[tilespmem:$0x19080] =	vst v63  }
0xae: {  	_ = 	snop  }
0xaf: {  	[tilespmem:s23], [sflag:$0x1] =	stream.indirect_vreg.gather [hbm4b:s7+s2], $0x80, v4, vm0, $0xb8;
	[tilespmem:$0x19080] =	vst v63  }
0xb0: {  	_ = 	snop  }
0xb1: {  	[tilespmem:s24], [sflag:$0x1] =	stream.indirect_vreg.gather [hbm4b:s3+s2], $0x80, v3, vm0, $0xb8;
	[tilespmem:$0x19080] =	vst v63  }
0xb2: {  	_ = 	snop  }
0xb3: {  	[tilespmem:s25], [sflag:$0x1] =	stream.indirect_vreg.gather [hbm4b:s4+s2], $0x80, v3, vm0, $0xb8;
	[tilespmem:$0x19080] =	vst v63  }
0xb4: {  	_ = 	snop  }
0xb5: {  	[tilespmem:s26], [sflag:$0x1] =	stream.indirect_vreg.gather [hbm4b:s5+s2], $0x80, v3, vm0, $0xb8;
	[tilespmem:$0x19080] =	vst v63  }
0xb6: {  	_ = 	snop  }
0xb7: {  	[tilespmem:s28], [sflag:$0x1] =	stream.indirect_vreg.gather [hbm4b:s6+s2], $0x80, v3, vm0, $0xb8;
	[tilespmem:$0x19080] =	vst v63  }
0xb8: {  	_ = 	snop  }
0xb9: {  	[tilespmem:s29], [sflag:$0x1] =	stream.indirect_vreg.gather [hbm4b:s7+s2], $0x80, v3, vm0, $0xb8;
	[tilespmem:$0x19080] =	vst v63  }
0xba: {  	_ =	swait.ge [sflag:s30], $0x19000  }
0xbb: {  	p0 =	sne.s32 s0, $0x6E;
	[sflag:s30] =	ssyncset.done $0x0  }
.Ltmp0:
0xbc: {  	[sflag:s30] =	ssyncadd.s32 $0xFFFE7000;
	(pc) =	sbr.rel @p0 .LBB2_2-.Ltmp0, $4  }
0xbd: {  	[hbm4b:s9+s2] =	stream.linear.scatter [tilespmem:s11], [sflag:$0x2], $0x19000, $0x38;
	[tilespmem:$0x19080] =	vst v63  }
0xbe: {  	_ =	swait.ge [sflag:s10], $0x19000  }
0xbf: {  	[sflag:s10] =	ssyncset.done $0x0  }
0xc0: {  	s0 =	sadd.s32 $0xA, s0;
	s9 =	sadd.s32 $0x3200, s9;
	[sflag:s10] =	ssyncadd.s32 $0xFFFE7000  }
0xc1: {  	s0 =	sld [smem:$0x7F8];
	_ =	sdelay $0x1  }
0xc2: {  	s31 =	sadd.s32 $0x1, s31  }
0xc3: {  	p0 =	sne.s32 s31, s0  }
.Ltmp1:
0xc4: {  	_ = 	snop;
	(pc) =	sbr.rel @p0 .LBB2_1-.Ltmp1, $1  }
0xc5: {  	_ =	sdelay $0x3  }
0xc6: {  	_ =	sfence.sel $0x180000  }
0xc7: {  	[bflag:$0x0] =	sbarrier.arrive $0xFFFF  }
0xc8: {  	_ =	strace $0x90000068  }
0xc9: {  	s0 =	stileid.u32;
	[bflag:$0x2] =	sbarrier.arrive $0xFFFF  }
0xca: {  	p0 =	sne.s32 s0, $0x0;
	s0 =	rddreg [dreg:$0x2]  }
0xcb: {  	s0 =	sadd.s32 @!p0 $0x100000, s0  }
0xcc: {  	[sflag:s0] =	ssyncadd.tile.s32 @!p0 $0x1;
	_ =	shalt  }
.Lfunc_end2:
_tile_overlayer_lowered:
.L_overlay_start_2:
0xcd: {  	(tag) =	ssettag $0x2  }
0xce: {  	s0 =	rddreg [dreg:$0x0];
	s2 =	stileid.u32  }
0xcf: {  	s1 =	rddreg [dreg:$0x1];
	p0 =	sne.s32 s2, $0x0  }
0xd0: {  	s3 =	rddreg [dreg:$0x2];
	[bflag:$0x3] =	sbarrier.arrive $0xFFFF;
	s2 =	simm.s32 @!p0 $0x1C02  }
0xd1: {  	[timem:s3], [sflag:s2] =	dma.local @!p0 [hbm:s0], s1  }
0xd2: {  	s0 =	simm.s32 @!p0 $0x2  }
0xd3: {  	_ =	swait.ge @!p0 [sflag:s0], s1  }
0xd4: {  	s1 =	ssub.s32 @!p0 $0x0, s1;
	[sflag:s0] =	ssyncset.done @!p0 $0x0  }
0xd5: {  	[sflag:s0] =	ssyncadd.s32 @!p0 s1  }
0xd6: {  	[bflag:$0x3] =	sbarrier.arrive $0xFFFF  }
0xd7: {  	_ =	shalt  }

// kernel: sparse-core-data-format-call.cloned.1.call-start
scs
called_computation_lowered:
.L_overlay_start_0:
0x0: {  	s2 =	sld [smem:$0x3FD9]  }
0x1: {  	s3 =	sld [smem:$0x3FFE];
	_ =	sdelay $0x1  }
0x2: {  	s1 =	srdreg.scid  }
0x3: {  	s0 =	sand.u32 $0x1, s1  }
0x4: {  	s15 =	sshll.u32 s0, $0xA;
	s2 =	sadd.s32 s3, s2  }
0x5: {  	s2 =	sadd.s32 s2, s15  }
0x6: {  	[smem:$0x3FC4] =	sst s2  }
0x7: {  	_ = 	snop  }
0x8: {  	s2 =	sld [smem:$0x3FD0];
	_ =	sdelay $0x2  }
0x9: {  	s16 =	simm.s32 $0xB;
	s4 =	simm.s32 $0x10  }
0xa: {  	[smem:s4], [sflag:s16] =	dma.local [hbm:s2], $0x1  }
0xb: {  	_ =	swait.eq [sflag:s16], $0x1  }
0xc: {  	[sflag:s16] =	ssyncset.done $0x0  }
0xd: {  	[sflag:s16] =	ssyncadd.s32 $0xFFFFFFFF  }
0xe: {  	s17 =	sld [smem:$0x11];
	(tm) =	ssettm $0x1  }
0xf: {  	s18 =	sld [smem:$0x3FFB];
	_ =	sdelay $0x3  }
0x10: {  	_ =	strace s18  }
0x11: {  	s3 =	sld [smem:$0x3FFC];
	_ =	sdelay $0x3  }
0x12: {  	_ =	strace s3  }
0x13: {  	s3 =	sld [smem:$0x3FFD];
	_ =	sdelay $0x3  }
0x14: {  	_ =	strace s3  }
0x15: {  	_ =	strace $0x8FFFFFFF  }
0x16: {  	s19 =	sld [smem:$0x3FDB];
	_ =	sdelay $0x1  }
0x17: {  	s20 =	simm.s32 $_scs_section_size  }
0x18: {  	s5 =	simm.s32 $_size__tile_overlayer_lowered;
	s6 =	simm.s32 $_tile_overlayer_lowered  }
0x19: {  	s23 =	simm.s32 $0x1BFF;
	s22 =	sshll.u32 s6, $0x1;
	s3 =	sadd.s32 s20, s19  }
0x1a: {  	s7 =	simm.s32 $0x0;
	s21 =	sshll.u32 s5, $0x1;
	s5 =	sadd.s32 s22, s3  }
0x1b: {  	[timem:s7], [sflag:s23] =	dma.local [hbm:s5], s21  }
0x1c: {  	_ =	swait.ge [sflag:s23], s21  }
0x1d: {  	s4 =	ssub.s32 $0x0, s21;
	[sflag:s23] =	ssyncset.done $0x0  }
0x1e: {  	[sflag:s23] =	ssyncadd.s32 s4;
	_ =	sdelay $0x1  }
0x1f: {  	s24 =	simm.s32 $0x1B8B  }
0x20: {  	_ =	swait.ge [sflag:s24], $0x1  }
0x21: {  	[sflag:s24] =	ssyncset.done $0x0  }
0x22: {  	s26 =	simm.s32 $0x1B8E;
	s25 =	sld [smem:$0x3FFE];
	[sflag:s24] =	ssyncadd.s32 $0xFFFFFFFF  }
0x23: {  	s27 =	simm.s32 $execute0_lowered;
	[smem:$0x3FD2] =	sst s26  }
0x24: {  	s5 =	sshll.u32 s27, $0x1;
	_ =	strace $0x8000006A;
	[dreg:$0x1] =	wrdreg $0xFFFFFFFF  }
0x25: {  	s28 =	simm.s32 $_size_execute0_lowered;
	s3 =	sadd.s32 s3, s5;
	[dreg:$0x0] =	wrdreg $0x0  }
0x26: {  	s5 =	sshll.u32 s28, $0x1;
	[dreg:$0x2] =	wrdreg s3  }
0x27: {  	[dreg:$0x3] =	wrdreg s5  }
0x28: {  	[dreg:$0x4] =	wrdreg $0xC0  }
0x29: {  	_ =	task [dreg:s7], $0x5FFFF  }
0x2a: {  	[dreg:$0x1] =	wrdreg $0xFFFFFFFF  }
0x2b: {  	[dreg:$0x0] =	wrdreg $0x60  }
0x2c: {  	[dreg:$0x2] =	wrdreg s25  }
0x2d: {  	[dreg:$0x3] =	wrdreg s17  }
0x2e: {  	[dreg:$0x4] =	wrdreg $0x9  }
0x2f: {  	_ =	task.clear_ibuf [dreg:s7], $0x5FFFF;
	_ =	strace $0x9000006A  }
0x30: {  	s29 =	simm.s32 $0x9;
	_ =	strace $0x8000006C  }
0x31: {  	_ =	swait.ge [sflag:s29], $0x1  }
0x32: {  	[sflag:s29] =	ssyncadd.s32 $0xFFFFFFFF  }
0x33: {  	_ =	strace $0x9000006C  }
0x34: {  	_ =	sfence  }
0x35: {  	s30 =	sld [smem:$0x0];
	_ =	sdelay $0x2  }
0x36: {  	s31 =	sshll.u32 s1, $0xD;
	s1 =	sshrl.u32 s1, $0x2  }
0x37: {  	s3 =	sand.u32 $0x4000, s31;
	s1 =	sadd.s32 s1, s30  }
0x38: {  	s0 =	sor.u32 s3, s0;
	s1 =	sshll.u32 s1, $0x11  }
0x39: {  	s0 =	sor.u32 s1, s0  }
0x3a: {  	s0 =	sadd.s32 $0x8F2B, s0  }
0x3b: {  	[sflag:s0] =	ssyncadd.remote.s32 $0x1  }
0x3c: {  	_ =	sfence.sel $0xFFFF  }
0x3d: {  	[dreg:$0x0] =	wrdreg $0xFFFFFFFF;
	(pc) =	sbr.abs _section_cstart, $3  }
0x3e: {  	[dreg:$0x1] =	wrdreg $0xFFFFFFFF  }
0x3f: {  	_ =	task.clear_ibuf [dreg:s7], $0x2FFFF;
	_ =	strace $0x9FFFFFFF  }
0x40: {  	(tm) =	ssettm $0x7FFFFFFF  }
0x41: {  	_ =	shalt  }
tec
execute0_lowered:
.L_overlay_start_1:
0x0: {  	(tag) =	ssettag $0x1  }
0x1: {  	s0 =	srdreg.scid  }
0x2: {  	s0 =	sshll.u32 s0, $0x4  }
0x3: {  	s2 =	stileid.u32;
	s0 =	sand.u32 $0x10, s0  }
0x4: {  	s0 =	sor.u32 s2, s0  }
0x5: {  	s12 =	sshll.u32 s0, $0x7  }
0x6: {  	s1 =	rddreg [dreg:$0x0];
	s0 =	ssub.s32 $0x2700, s12  }
0x7: {  	_ =	strace $0x8000006B;
	s29 =	simm.s32 $0x1;
	s0 =	sshrl.u32 s0, $0xC  }
0x8: {  	s30 =	simm.s32 $0x2;
	s14 =	simm.s32 $0x0;
	s0 =	smul.u32 $0xA, s0  }
.Ltmp0:
0x9: {  	s9 =	simm.s32 $0x0;
	s1 =	sadd.s32 $0x3200, s1;
	(pc) =	sbr.rel .LBB1_1-.Ltmp0, $4  }
0xa: {  	s8 =	simm.s32 $0x0;
	s11 =	simm.s32 $0x0;
	[dreg:$0x4] =	wrdreg s1  }
0xb: {  	s10 =	simm.s32 $0x0;
	[dreg:$0x3] =	wrdreg s12;
	s31 =	sadd.s32 $0xA, s0  }
0xc: {  	[sflag:s29] =	ssyncpa.u1 $0x0;
	s7 =	sadd.s32 $0xB, s0;
	[dreg:$0x5] =	wrdreg s31  }
0xd: {  	s13 =	simm.s32 $0x0;
	[sflag:s30] =	ssyncpa.u1 $0x0;
	[dreg:$0x6] =	wrdreg s7  }
.LBB1_12:
0xe: {  	s8 =	rddreg [dreg:$0x7]  }
0xf: {  	s1 =	sshll.u32 s11, $0x3;
	s25 =	sand.u32 $0x7F, s11;
	s5 =	rddreg [dreg:$0xb]  }
0x10: {  	p1 =	sgt.s32 s11, $0x2700;
	s26 =	rddreg [dreg:$0xa];
	s0 =	sshrl.u32 s8, $0x3  }
0x11: {  	s4 =	smov.u32 s11;
	s30 =	rddreg [dreg:$0x1];
	s0 =	smul.u32 $0x13C00, s0  }
0x12: {  	s31 =	simm.s32 $0x13C00;
	s1 =	sand.u32 $0xFFFFFC00, s1;
	s2 =	sshll.u32 s8, $0x7  }
0x13: {  	s9 =	rddreg [dreg:$0x8];
	s24 =	sand.u32 $0x380, s2;
	s0 =	sadd.s32 s1, s0  }
0x14: {  	p0 =	sgt.s32 s8, $0x468;
	s3 =	smov.u32 s8;
	s0 =	sor.u32 s24, s0  }
0x15: {  	s4 =	simm.s32 @!p1 $0x2700;
	s1 =	sor.u32 s25, s0;
	s0 =	smulhi.u32 $0xCF6474A9, s0  }
0x16: {  	s3 =	simm.s32 @!p0 $0x468;
	s4 =	sadd.s32 s26, s4;
	s2 =	smulhi.u32 $0xCF6474A9, s1  }
0x17: {  	s3 =	sadd.s32 s5, s3;
	s7 =	sadd.s32 $0xFFFFD900, s4;
	s0 =	sshrl.u32 s0, $0xD  }
0x18: {  	s4 =	ssub.s32 $0x2780, s4;
	s2 =	sshrl.u32 s2, $0xD;
	s27 =	smulhi.u32 $0x342DA8, s0  }
0x19: {  	s6 =	sadd.s32 $0xFFFFFB98, s3;
	p1 =	sgt.s32 s7, $0x7F;
	s2 =	smul.u32 $0x2780, s2  }
0x1a: {  	s3 =	ssub.s32 $0x4E8, s3;
	p0 =	sgt.s32 s6, $0x7F;
	s5 =	smul.u32 $0x4E8, s27  }
0x1b: {  	s14 =	rddreg [dreg:$0x9];
	s4 =	simm.s32 @p1 $0x0;
	s3 =	simm.s32 @p0 $0x0  }
0x1c: {  	s28 =	smul.u32 s4, s3;
	s1 =	ssub.s32 s1, s2;
	s0 =	ssub.s32 s0, s5  }
0x1d: {  	s29 =	sshrl.u32 s1, $0x3;
	s1 =	sand.u32 $0x7, s1;
	s0 =	smul.u32 $0x4F0, s0  }
0x1e: {  	s7 =	rddreg [dreg:$0x6];
	s3 =	sadd.s32 s30, s29;
	s1 =	sshll.u32 s1, $0x12  }
0x1f: {  	s2 =	sand.u32 $0x3FFFFFFF, s28;
	s1 =	sor.u32 $0x400, s1;
	s0 =	sadd.s32 s0, s3  }
0x20: {  	[hbm4b:s0+s1] =	stream.strided.scatter [tilespmem:s18], [sflag:$0x2], s2, s31, s1, $0x20;
	[tilespmem:$0x10100] =	vst v63  }
.LBB1_13:
0x21: {  	p0 =	slt.u32 s13, $0x2  }
0x22: {  	s1 =	smov.u32 s14;
	s2 =	smov.u32 s9;
	p1 =	sgt.s32 @!p0 s14, $0x468  }
0x23: {  	s0 =	sshra.s32 @!p0 s14, $0x1F;
	p2 =	sgt.s32 @!p0 s9, $0x2700;
	s3 =	sshra.s32 @!p0 s9, $0x1F  }
0x24: {  	p1 =	por !p1, p0;
	s0 =	sand.u32 @!p0 s0, s14;
	p2 =	por !p2, p0  }
0x25: {  	s3 =	sand.u32 @!p0 s3, s9;
	s1 =	simm.s32 @p1 $0x468;
	s2 =	simm.s32 @p2 $0x2700  }
0x26: {  	s0 =	ssub.s32 @!p0 s1, s0;
	s1 =	ssub.s32 @!p0 s2, s3  }
0x27: {  	s2 =	sadd.s32 @!p0 $0xFFFFFB98, s0;
	s3 =	sadd.s32 @!p0 $0xFFFFD900, s1  }
0x28: {  	s0 =	ssub.s32 @!p0 $0x4E8, s0;
	p1 =	sgt.s32 @!p0 s2, $0x7F;
	p2 =	sgt.s32 @!p0 s3, $0x7F  }
0x29: {  	s1 =	ssub.s32 @!p0 $0x2780, s1;
	p1 =	por !p1, p0;
	p2 =	por !p2, p0  }
0x2a: {  	s0 =	simm.s32 @!p1 $0x0;
	s1 =	simm.s32 @!p2 $0x0  }
0x2b: {  	s0 =	smul.u32 @!p0 s1, s0  }
0x2c: {  	s4 =	smov.u32 s12;
	s2 =	simm.s32 @!p0 $0x2;
	s1 =	sadd.s32 $0x80, s10  }
0x2d: {  	s3 =	sadd.s32 $0x1000, s12;
	p1 =	sgt.s32 s1, $0x4E1;
	s0 =	sand.u32 @!p0 $0x3FFFFFFF, s0  }
0x2e: {  	s4 =	smov.u32 @p1 s3;
	_ =	swait.ge @!p0 [sflag:s2], s0  }
0x2f: {  	s1 =	simm.s32 @p1 $0x0;
	p1 =	sgt.s32 s4, $0x270F;
	s3 =	rddreg [dreg:$0x3]  }
0x30: {  	s4 =	smov.u32 @p1 s3;
	p1 =	sne.s32 s13, s7  }
.Ltmp1:
0x31: {  	_ = 	snop;
	(pc) =	sbr.rel @!p1 .LBB1_14-.Ltmp1, $4  }
0x32: {  	s14 =	smov.u32 s8  }
0x33: {  	s9 =	smov.u32 s11;
	s8 =	smov.u32 s10;
	s11 =	smov.u32 s12  }
0x34: {  	s0 =	ssub.s32 @!p0 $0x0, s0;
	s10 =	smov.u32 s1;
	[sflag:s2] =	ssyncset.done @!p0 $0x0  }
0x35: {  	s13 =	sadd.s32 $0x1, s13;
	[sflag:s2] =	ssyncadd.s32 @!p0 s0;
	s12 =	smov.u32 s4  }
.LBB1_1:
0x36: {  	s0 =	rddreg [dreg:$0x5]  }
0x37: {  	s3 =	smov.u32 s12;
	p0 =	sge.u32 s13, s0  }
0x38: {  	s5 =	smov.u32 s10;
	s0 =	sshrl.u32 @!p0 s12, $0x3;
	s1 =	sshll.u32 @!p0 s10, $0x3  }
0x39: {  	s2 =	sshll.u32 @!p0 s12, $0x7;
	p1 =	sgt.s32 @!p0 s12, $0x2690;
	s0 =	smul.u32 @!p0 $0x2800, s0  }
0x3a: {  	s4 =	sshra.s32 @!p0 s12, $0x1F;
	s1 =	sand.u32 @!p0 $0xFFFFFC00, s1;
	p1 =	por !p1, p0  }
0x3b: {  	s3 =	simm.s32 @p1 $0x2690;
	s0 =	sadd.s32 @!p0 s0, s1;
	s1 =	sand.u32 @!p0 $0x380, s2  }
0x3c: {  	p1 =	sgt.s32 @!p0 s10, $0x480;
	s2 =	sand.u32 @!p0 $0x7F, s10;
	s0 =	sor.u32 @!p0 s1, s0  }
0x3d: {  	s6 =	sshra.s32 @!p0 s10, $0x1F;
	p1 =	por !p1, p0;
	s1 =	sor.u32 @!p0 s2, s0  }
0x3e: {  	s6 =	sand.u32 @!p0 s6, s10;
	s5 =	simm.s32 @p1 $0x480;
	s2 =	smulhi.u32 @!p0 $0xCCCCCCCD, s1  }
0x3f: {  	s4 =	sand.u32 @!p0 s4, s12;
	s0 =	smulhi.u32 @!p0 $0xCCCCCCCD, s0;
	s5 =	ssub.s32 @!p0 s5, s6  }
0x40: {  	s3 =	ssub.s32 @!p0 s3, s4;
	s6 =	sadd.s32 @!p0 $0xFFFFFB80, s5;
	s2 =	sshrl.u32 @!p0 s2, $0xA  }
0x41: {  	s0 =	sshrl.u32 @!p0 s0, $0xA;
	p2 =	sgt.s32 @!p0 s6, $0x7F;
	s2 =	smul.u32 @!p0 $0x500, s2  }
0x42: {  	s5 =	ssub.s32 @!p0 $0x500, s5;
	s4 =	smulhi.u32 @!p0 $0x1A36E3, s0;
	p2 =	por !p2, p0  }
0x43: {  	s1 =	ssub.s32 @!p0 s1, s2;
	s2 =	sadd.s32 @!p0 $0xFFFFD970, s3;
	s3 =	ssub.s32 @!p0 $0x2710, s3  }
0x44: {  	p1 =	sgt.s32 @!p0 s2, $0x7F;
	s2 =	sshrl.u32 @!p0 s4, $0x2;
	s4 =	sxor.u32 @!p0 $0xFFFFFFFF, s13  }
0x45: {  	s2 =	smul.u32 @!p0 $0x2710, s2;
	p1 =	por !p1, p0;
	s4 =	sshll.u32 @!p0 s4, $0xE  }
0x46: {  	s5 =	simm.s32 @!p2 $0x0;
	s3 =	simm.s32 @!p1 $0x0;
	s4 =	sand.u32 @!p0 $0x4000, s4  }
0x47: {  	s0 =	ssub.s32 @!p0 s0, s2;
	s2 =	smul.u32 @!p0 s3, s5;
	s3 =	sshrl.u32 @!p0 s1, $0x3  }
0x48: {  	s1 =	sand.u32 @!p0 $0x7, s1;
	s5 =	rddreg [dreg:$0x4];
	s0 =	smul.u32 @!p0 $0xA0, s0  }
0x49: {  	s3 =	sadd.s32 @!p0 s5, s3;
	s1 =	sshll.u32 @!p0 s1, $0x12;
	s2 =	sand.u32 @!p0 $0x3FFFFFFF, s2  }
0x4a: {  	s1 =	sor.u32 @!p0 $0x400, s1;
	s0 =	sadd.s32 @!p0 s0, s3;
	s3 =	simm.s32 @!p0 $0x2800  }
0x4b: {  	[tilespmem:s4], [sflag:$0x1] =	stream.strided.gather @!p0 [hbm4b:s0+s1], s2, s3, s1, $0x38;
	[tilespmem:$0x10100] =	vst v63  }
0x4c: {  	p0 =	seq.s32 s13, $0x0  }
0x4d: {  	p1 =	sge.u32 @!p0 s13, s7  }
0x4e: {  	p0 =	por p0, p1  }
.Ltmp2:
0x4f: {  	_ = 	snop;
	(pc) =	sbr.rel @p0 .LBB1_13-.Ltmp2, $1  }
0x50: {  	_ =	sdelay $0x3  }
0x51: {  	s0 =	ssub.s32 $0x0, s11;
	s1 =	sshra.s32 s11, $0x1F;
	p0 =	sgt.s32 s11, $0x2690  }
0x52: {  	s2 =	smov.u32 s11;
	s25 =	ssub.s32 $0x0, s8;
	s26 =	sshra.s32 s8, $0x1F  }
0x53: {  	s3 =	smov.u32 s8;
	s2 =	simm.s32 @!p0 $0x2690;
	p0 =	sgt.s32 s8, $0x480  }
0x54: {  	s4 =	sand.u32 s0, s1;
	s1 =	sand.u32 s25, s26;
	s3 =	simm.s32 @!p0 $0x480  }
0x55: {  	s2 =	sadd.s32 s4, s2;
	[dreg:$0xb] =	wrdreg s1;
	s1 =	sadd.s32 s1, s3  }
0x56: {  	s27 =	sadd.s32 $0xFFFFD970, s2;
	s2 =	ssub.s32 $0x2710, s2;
	s28 =	sadd.s32 $0xFFFFFB80, s1  }
0x57: {  	p0 =	sgt.s32 s27, $0x7F;
	s0 =	ssub.s32 $0x500, s1;
	p1 =	sgt.s32 s28, $0x7F  }
0x58: {  	s2 =	simm.s32 @p0 $0x0;
	s0 =	simm.s32 @p1 $0x0  }
0x59: {  	s29 =	smul.u32 s2, s0;
	s2 =	sadd.s32 $0x80, s11  }
0x5a: {  	p0 =	slt.s32 s2, $0x2710  }
0x5b: {  	s2 =	simm.s32 @!p0 $0x2710  }
0x5c: {  	[dreg:$0x9] =	wrdreg s14;
	s19 =	ssub.s32 s2, s11  }
0x5d: {  	[dreg:$0x8] =	wrdreg s9;
	p0 =	slt.s32 s19, $0x1  }
.Ltmp3:
0x5e: {  	[dreg:$0x7] =	wrdreg s8;
	s30 =	simm.s32 $0x1;
	(pc) =	sbr.rel @p0 .LBB1_12-.Ltmp3, $4  }
0x5f: {  	[dreg:$0xa] =	wrdreg s4;
	s0 =	sand.u32 $0x1, s13;
	s1 =	sand.u32 $0x3FFFFFFF, s29  }
0x60: {  	s31 =	smul.u32 $0x4080, s0;
	_ =	swait.ge [sflag:s30], s1  }
0x61: {  	s1 =	ssub.s32 $0x0, s1;
	[sflag:s30] =	ssyncset.done $0x0  }
0x62: {  	s18 =	sor.u32 $0x8000, s31;
	[sflag:s30] =	ssyncadd.s32 s1  }
0x63: {  	s2 =	rddreg [dreg:$0x7]  }
0x64: {  	s1 =	sadd.s32 $0x80, s2  }
0x65: {  	p0 =	slt.s32 s1, $0x4E2  }
.Ltmp4:
0x66: {  	s1 =	simm.s32 @!p0 $0x4E2;
	(pc) =	sbr.rel .LBB1_4-.Ltmp4, $4  }
0x67: {  	s22 =	sshll.u32 s0, $0xE;
	s1 =	ssub.s32 s1, s2  }
0x68: {  	s24 =	simm.s32 $0x0;
	s25 =	simm.s32 $0x400;
	s1 =	sadd.s32 $0xF, s1  }
0x69: {  	s20 =	sand.u32 $0xFFFFFFF0, s1;
	s21 =	sand.u32 $0xFFFFFF00, s1;
	s31 =	sshll.u32 s1, $0x3  }
0x6a: {  	p0 =	slt.s32 s1, $0x100;
	s23 =	sand.u32 $0xFFFFF800, s31;
	p1 =	sge.s32 s21, s20  }
.LBB1_11:
0x6b: {  	s24 =	sadd.s32 $0x1, s24  }
0x6c: {  	p2 =	sne.s32 s24, s19  }
.Ltmp5:
0x6d: {  	_ = 	snop;
	(pc) =	sbr.rel @!p2 .LBB1_12-.Ltmp5, $2  }
0x6e: {  	_ =	sdelay $0x2  }
0x6f: {  	s25 =	sadd.s32 $0x80, s25  }
.LBB1_4:
.Ltmp6:
0x70: {  	(pc) =	sbr.rel @p0 .LBB1_8-.Ltmp6, $2  }
0x71: {  	_ =	sdelay $0x2  }
0x72: {  	s26 =	sshll.u32 s24, $0x7;
	s27 =	sand.u32 $0x7F, s24  }
0x73: {  	s0 =	sshll.u32 s24, $0x3  }
0x74: {  	s5 =	sand.u32 $0x380, s26;
	s3 =	sshrl.u32 s0, $0x7;
	s2 =	sadd.s32 $0x800, s0  }
0x75: {  	s6 =	sadd.s32 $0x1000, s0;
	s17 =	sadd.s32 s5, s22;
	s16 =	sadd.s32 $0x1800, s0  }
0x76: {  	s9 =	sadd.s32 $0x2800, s0;
	s1 =	sand.u32 $0x78, s3;
	s2 =	sshrl.u32 s2, $0x7  }
0x77: {  	s15 =	sshrl.u32 s6, $0x7;
	s6 =	sshrl.u32 s16, $0x7;
	s14 =	sshrl.u32 s9, $0x7  }
0x78: {  	s16 =	sadd.s32 $0x3000, s0;
	s4 =	smul.u32 $0x204, s1;
	s2 =	sand.u32 $0x78, s2  }
0x79: {  	s0 =	sadd.s32 $0x3800, s0;
	s5 =	sand.u32 $0x78, s15;
	s2 =	smul.u32 $0x204, s2  }
0x7a: {  	v0 =	vmov s17;
	s17 =	sand.u32 $0x3C00, s25;
	s1 =	sxor.u32 $0x40, s1;
	s5 =	smul.u32 $0x204, s5  }
0x7b: {  	s7 =	sand.u32 $0x78, s6;
	s1 =	smul.u32 $0x204, s1;
	s4 =	sshrl.u32 s4, $0x2  }
0x7c: {  	s4 =	sadd.s32 s4, s18;
	s2 =	sshrl.u32 s2, $0x2;
	s8 =	sshrl.u32 s5, $0x2  }
0x7d: {  	s1 =	sshrl.u32 s1, $0x2;
	s2 =	sadd.s32 s2, s18;
	s28 =	sadd.s32 s27, s4  }
0x7e: {  	s4 =	sadd.s32 s8, s18;
	s15 =	sadd.s32 s1, s18;
	s8 =	sshrl.u32 s0, $0x7  }
0x7f: {  	s29 =	sadd.s32 s27, s2;
	s2 =	smul.u32 $0x204, s7;
	s30 =	sadd.s32 s27, s4  }
0x80: {  	s4 =	sand.u32 $0x78, s14;
	s31 =	sadd.s32 s27, s15;
	s7 =	sshrl.u32 s16, $0x7  }
0x81: {  	s9 =	sand.u32 $0x78, s8;
	s14 =	sadd.s32 $0x10, s3;
	s15 =	sadd.s32 $0x20, s3  }
0x82: {  	s4 =	smul.u32 $0x204, s4;
	s5 =	sand.u32 $0x78, s14;
	s6 =	sand.u32 $0x78, s15  }
0x83: {  	s14 =	sadd.s32 $0x60, s3;
	s2 =	sshrl.u32 s2, $0x2;
	s5 =	smul.u32 $0x204, s5  }
0x84: {  	s6 =	smul.u32 $0x204, s6;
	s14 =	sand.u32 $0x78, s14;
	s2 =	sadd.s32 s2, s18  }
0x85: {  	s4 =	sshrl.u32 s4, $0x2;
	s14 =	smul.u32 $0x204, s14;
	s1 =	sadd.s32 s27, s2  }
0x86: {  	s2 =	sand.u32 $0x78, s7;
	s4 =	sadd.s32 s4, s18;
	s5 =	sshrl.u32 s5, $0x2  }
0x87: {  	s7 =	sadd.s32 $0x30, s3;
	s0 =	sadd.s32 s27, s4;
	s4 =	smul.u32 $0x204, s9  }
0x88: {  	s16 =	sadd.s32 s5, s18;
	s5 =	sand.u32 $0x78, s7;
	s7 =	sadd.s32 $0x50, s3  }
0x89: {  	s6 =	sshrl.u32 s6, $0x2;
	s3 =	sadd.s32 $0x70, s3;
	s7 =	sand.u32 $0x78, s7  }
0x8a: {  	v1 =	vld.idx.msk [tilespmem:v0+s17+$0x0 ss:$0x1], $0xffff;
	s3 =	sand.u32 $0x78, s3;
	s4 =	sshrl.u32 s4, $0x2;
	s7 =	smul.u32 $0x204, s7  }
0x8b: {  	s14 =	sshrl.u32 s14, $0x2;
	s3 =	smul.u32 $0x204, s3;
	s4 =	sadd.s32 s4, s18  }
0x8c: {  	s15 =	sadd.s32 s6, s18;
	s14 =	sadd.s32 s14, s18;
	s8 =	sadd.s32 s27, s4  }
0x8d: {  	s4 =	sadd.s32 s27, s15;
	s7 =	sshrl.u32 s7, $0x2;
	s3 =	sshrl.u32 s3, $0x2  }
0x8e: {  	s15 =	sadd.s32 $0xFFFFFC00, s25;
	s7 =	sadd.s32 s7, s18;
	s9 =	sadd.s32 s3, s18  }
0x8f: {  	[tilespmem:s28+$0x0 ss:$0x81] =	vst.msk $0xffff, v1;
	v1 =	vld.idx.msk [tilespmem:v0+s17+$0x20 ss:$0x1], $0xffff;
	s3 =	sadd.s32 s27, s7;
	s7 =	sadd.s32 s27, s14;
	s14 =	sand.u32 $0x3C00, s15  }
0x90: {  	v2 =	vld.idx.msk [tilespmem:v0+s14+$0x70 ss:$0x1], $0xffff  }
0x91: {  	v3 =	vld.idx.msk [tilespmem:v0+s14+$0x0 ss:$0x1], $0xffff  }
0x92: {  	v4 =	vld.idx.msk [tilespmem:v0+s14+$0x10 ss:$0x1], $0xffff  }
0x93: {  	v5 =	vld.idx.msk [tilespmem:v0+s14+$0x20 ss:$0x1], $0xffff  }
0x94: {  	v6 =	vld.idx.msk [tilespmem:v0+s14+$0x30 ss:$0x1], $0xffff  }
0x95: {  	v7 =	vld.idx.msk [tilespmem:v0+s14+$0x40 ss:$0x1], $0xffff;
	[tilespmem:s8+$0x0 ss:$0x81] =	vst.msk $0xffff, v2  }
0x96: {  	s2 =	smul.u32 $0x204, s2;
	v8 =	vld.idx.msk [tilespmem:v0+s14+$0x50 ss:$0x1], $0xffff;
	[tilespmem:s28+$0x0 ss:$0x81] =	vst.msk $0xffff, v3  }
0x97: {  	p2 =	sgt.s32 s21, $0x100;
	s5 =	smul.u32 $0x204, s5;
	v9 =	vld.idx.msk [tilespmem:v0+s14+$0x60 ss:$0x1], $0xffff;
	[tilespmem:s29+$0x0 ss:$0x81] =	vst.msk $0xffff, v4  }
.Ltmp7:
0x98: {  	v4 =	vld.idx.msk [tilespmem:v0+s17+$0x10 ss:$0x1], $0xffff;
	[tilespmem:s30+$0x0 ss:$0x81] =	vst.msk $0xffff, v5;
	(pc) =	sbr.rel @!p2 .LBB1_7-.Ltmp7, $4  }
0x99: {  	s2 =	sshrl.u32 s2, $0x2;
	s5 =	sshrl.u32 s5, $0x2;
	[tilespmem:s1+$0x0 ss:$0x81] =	vst.msk $0xffff, v6;
	v2 =	vld.idx.msk [tilespmem:v0+s17+$0x30 ss:$0x1], $0xffff  }
0x9a: {  	s2 =	sadd.s32 s2, s18;
	s5 =	sadd.s32 s5, s18;
	[tilespmem:s31+$0x0 ss:$0x81] =	vst.msk $0xffff, v7;
	v3 =	vld.idx.msk [tilespmem:v0+s17+$0x40 ss:$0x1], $0xffff  }
0x9b: {  	s6 =	sadd.s32 s27, s16;
	s2 =	sadd.s32 s27, s2;
	s5 =	sadd.s32 s27, s5;
	[tilespmem:s0+$0x0 ss:$0x81] =	vst.msk $0xffff, v8;
	v5 =	vld.idx.msk [tilespmem:v0+s17+$0x50 ss:$0x1], $0xffff  }
0x9c: {  	s16 =	sadd.s32 s27, s9;
	s15 =	sadd.s32 $0x800, s25;
	s14 =	simm.s32 $0x100;
	[tilespmem:s2+$0x0 ss:$0x81] =	vst.msk $0xffff, v9;
	v6 =	vld.idx.msk [tilespmem:v0+s17+$0x60 ss:$0x1], $0xffff  }
.LBB1_6:
0x9d: {  	s9 =	sadd.s32 $0xFFFFFC00, s15;
	s14 =	sadd.s32 $0x100, s14;
	[tilespmem:s6+$0x0 ss:$0x81] =	vst.msk $0xffff, v4;
	v4 =	vld.idx.msk [tilespmem:v0+s17+$0x70 ss:$0x1], $0xffff;
	s17 =	sand.u32 $0x3C00, s15  }
0x9e: {  	s9 =	sand.u32 $0x3C00, s9;
	v7 =	vld.idx.msk [tilespmem:v0+s17+$0x0 ss:$0x1], $0xffff;
	p2 =	slt.s32 s14, s21;
	[tilespmem:s4+$0x0 ss:$0x81] =	vst.msk $0xffff, v1  }
0x9f: {  	v1 =	vld.idx.msk [tilespmem:v0+s9+$0x70 ss:$0x1], $0xffff;
	[tilespmem:s5+$0x0 ss:$0x81] =	vst.msk $0xffff, v2  }
0xa0: {  	v2 =	vld.idx.msk [tilespmem:v0+s9+$0x0 ss:$0x1], $0xffff;
	[tilespmem:s31+$0x0 ss:$0x81] =	vst.msk $0xffff, v3  }
0xa1: {  	v3 =	vld.idx.msk [tilespmem:v0+s9+$0x10 ss:$0x1], $0xffff;
	[tilespmem:s3+$0x0 ss:$0x81] =	vst.msk $0xffff, v5  }
0xa2: {  	v5 =	vld.idx.msk [tilespmem:v0+s9+$0x20 ss:$0x1], $0xffff;
	[tilespmem:s7+$0x0 ss:$0x81] =	vst.msk $0xffff, v6  }
0xa3: {  	v6 =	vld.idx.msk [tilespmem:v0+s9+$0x30 ss:$0x1], $0xffff;
	[tilespmem:s16+$0x0 ss:$0x81] =	vst.msk $0xffff, v4  }
0xa4: {  	v8 =	vld.idx.msk [tilespmem:v0+s9+$0x40 ss:$0x1], $0xffff;
	[tilespmem:s28+$0x0 ss:$0x81] =	vst.msk $0xffff, v7  }
0xa5: {  	v7 =	vld.idx.msk [tilespmem:v0+s9+$0x50 ss:$0x1], $0xffff;
	[tilespmem:s8+$0x0 ss:$0x81] =	vst.msk $0xffff, v1  }
0xa6: {  	[tilespmem:s28+$0x0 ss:$0x81] =	vst.msk $0xffff, v2;
	v9 =	vld.idx.msk [tilespmem:v0+s9+$0x60 ss:$0x1], $0xffff  }
0xa7: {  	[tilespmem:s29+$0x0 ss:$0x81] =	vst.msk $0xffff, v3;
	v4 =	vld.idx.msk [tilespmem:v0+s17+$0x10 ss:$0x1], $0xffff  }
.Ltmp8:
0xa8: {  	[tilespmem:s30+$0x0 ss:$0x81] =	vst.msk $0xffff, v5;
	v1 =	vld.idx.msk [tilespmem:v0+s17+$0x20 ss:$0x1], $0xffff;
	(pc) =	sbr.rel @p2 .LBB1_6-.Ltmp8, $4  }
0xa9: {  	[tilespmem:s1+$0x0 ss:$0x81] =	vst.msk $0xffff, v6;
	v2 =	vld.idx.msk [tilespmem:v0+s17+$0x30 ss:$0x1], $0xffff  }
0xaa: {  	[tilespmem:s31+$0x0 ss:$0x81] =	vst.msk $0xffff, v8;
	v3 =	vld.idx.msk [tilespmem:v0+s17+$0x40 ss:$0x1], $0xffff  }
0xab: {  	[tilespmem:s0+$0x0 ss:$0x81] =	vst.msk $0xffff, v7;
	v5 =	vld.idx.msk [tilespmem:v0+s17+$0x50 ss:$0x1], $0xffff  }
0xac: {  	s15 =	sadd.s32 $0x800, s15;
	[tilespmem:s2+$0x0 ss:$0x81] =	vst.msk $0xffff, v9;
	v6 =	vld.idx.msk [tilespmem:v0+s17+$0x60 ss:$0x1], $0xffff  }
.LBB1_7:
0xad: {  	_ =	sdelay $0x2  }
0xae: {  	[tilespmem:s6+$0x0 ss:$0x81] =	vst.msk $0xffff, v4  }
0xaf: {  	v0 =	vld.idx.msk [tilespmem:v0+s17+$0x70 ss:$0x1], $0xffff;
	[tilespmem:s4+$0x0 ss:$0x81] =	vst.msk $0xffff, v1  }
0xb0: {  	[tilespmem:s5+$0x0 ss:$0x81] =	vst.msk $0xffff, v2  }
0xb1: {  	[tilespmem:s31+$0x0 ss:$0x81] =	vst.msk $0xffff, v3  }
0xb2: {  	[tilespmem:s3+$0x0 ss:$0x81] =	vst.msk $0xffff, v5  }
0xb3: {  	[tilespmem:s7+$0x0 ss:$0x81] =	vst.msk $0xffff, v6  }
0xb4: {  	[tilespmem:s16+$0x0 ss:$0x81] =	vst.msk $0xffff, v0  }
.LBB1_8:
.Ltmp9:
0xb5: {  	(pc) =	sbr.rel @p1 .LBB1_11-.Ltmp9, $1  }
0xb6: {  	_ =	sdelay $0x3  }
0xb7: {  	s1 =	sand.u32 $0x380, s26;
	s0 =	sshrl.u32 s24, $0x4;
	s2 =	sadd.s32 s27, s18  }
0xb8: {  	s3 =	smov.u32 s23;
	s4 =	smov.u32 s21;
	s1 =	sadd.s32 s1, s22  }
.LBB1_10:
0xb9: {  	s5 =	sand.u32 $0x3C00, s3  }
0xba: {  	s5 =	sadd.s32 s26, s5  }
0xbb: {  	s5 =	sand.u32 $0x3C00, s5  }
0xbc: {  	s6 =	sand.u32 $0x70, s4;
	s30 =	sadd.s32 s4, s0;
	s5 =	sadd.s32 s5, s1  }
0xbd: {  	s4 =	sadd.s32 $0x10, s4;
	s31 =	sand.u32 $0x78, s30;
	s5 =	sadd.s32 s6, s5  }
0xbe: {  	p2 =	slt.s32 s4, s20;
	v0 =	vld [tilespmem:s5+$0x0];
	s5 =	smul.u32 $0x204, s31  }
.Ltmp10:
0xbf: {  	_ = 	snop;
	(pc) =	sbr.rel @p2 .LBB1_10-.Ltmp10, $4  }
0xc0: {  	_ = 	snop  }
0xc1: {  	s5 =	sshrl.u32 s5, $0x2  }
0xc2: {  	s5 =	sadd.s32 s5, s2  }
0xc3: {  	s3 =	sadd.s32 $0x80, s3;
	[tilespmem:s5+$0x0 ss:$0x81] =	vst.msk $0xffff, v0  }
.Ltmp11:
0xc4: {  	_ = 	snop;
	(pc) =	sbr.rel .LBB1_11-.Ltmp11, $1  }
0xc5: {  	_ =	sdelay $0x3  }
.LBB1_14:
0xc6: {  	_ =	sfence.sel $0x180000  }
0xc7: {  	s0 =	simm.s32 $0x1;
	[bflag:$0x0] =	sbarrier.arrive $0xFFFF  }
0xc8: {  	s30 =	simm.s32 $0x2;
	[sflag:s0] =	ssyncpa.u1 $0x1  }
0xc9: {  	[sflag:s30] =	ssyncpa.u1 $0x1  }
0xca: {  	_ =	strace $0x9000006B  }
0xcb: {  	s31 =	stileid.u32;
	[bflag:$0x2] =	sbarrier.arrive $0xFFFF  }
0xcc: {  	p0 =	sne.s32 s31, $0x0;
	s0 =	rddreg [dreg:$0x2]  }
0xcd: {  	s0 =	sadd.s32 @!p0 $0x100000, s0  }
0xce: {  	[sflag:s0] =	ssyncadd.tile.s32 @!p0 $0x1;
	_ =	shalt  }
.Lfunc_end1:
_tile_overlayer_lowered:
.L_overlay_start_2:
0xcf: {  	(tag) =	ssettag $0x2  }
0xd0: {  	s0 =	rddreg [dreg:$0x0];
	s2 =	stileid.u32  }
0xd1: {  	s1 =	rddreg [dreg:$0x1];
	p0 =	sne.s32 s2, $0x0  }
0xd2: {  	s3 =	rddreg [dreg:$0x2];
	[bflag:$0x3] =	sbarrier.arrive $0xFFFF;
	s2 =	simm.s32 @!p0 $0x1C01  }
0xd3: {  	[timem:s3], [sflag:s2] =	dma.local @!p0 [hbm:s0], s1  }
0xd4: {  	s0 =	simm.s32 @!p0 $0x1  }
0xd5: {  	_ =	swait.ge @!p0 [sflag:s0], s1  }
0xd6: {  	s1 =	ssub.s32 @!p0 $0x0, s1;
	[sflag:s0] =	ssyncset.done @!p0 $0x0  }
0xd7: {  	[sflag:s0] =	ssyncadd.s32 @!p0 s1  }
0xd8: {  	[bflag:$0x3] =	sbarrier.arrive $0xFFFF  }
0xd9: {  	_ =	shalt  }

</sc_bundles>
